<compile_context>
chip_gen: v7x
topology: tpu7x:2x2x1
jax: 0.10.2.dev20260603
libtpu: 0.0.44.dev20260713+nightly
codegen_flags: <defaults>
</compile_context>

<pallas_src>
import functools

import jax
import jax.numpy as jnp
from jax import lax
from jax.experimental import pallas as pl
from jax.experimental.pallas import tpu as pltpu
from jax.experimental.pallas import tpu_sc as plsc

B = 16384
F = 26
V = 100000
D = 16
H1 = 32
H2 = 32
EPS = 1e-5

NC = 2
NS = 16
NW = NC * NS

BT = 512
NT = B // BT


VC = 12800
NVC = 8
NFG = 4
ROWS16 = NFG * NVC * VC * 8


def _detile_body(w2t_ref, out_ref):
    out_ref[...] = jnp.transpose(w2t_ref[...])


def _detile_call(w2t2):
    return pl.pallas_call(
        _detile_body,
        grid=(NFG, NVC),
        in_specs=[pl.BlockSpec((128, VC), lambda g, c: (g, c))],
        out_specs=pl.BlockSpec((VC, 128), lambda g, c: (g * NVC + c, 0)),
        out_shape=jax.ShapeDtypeStruct((NFG * NVC * VC, 128), jnp.float32),
    )(w2t2)


SAMP_W = B // NW
SCHUNK = 64
NCHUNK2 = SAMP_W // SCHUNK


def _sc_gather_e2_body(idxP_hbm, w2_hbm, e2_hbm, idxc, gbuf, semg):
    wid = lax.axis_index("s") * NC + lax.axis_index("c")

    def chunk(c, carry):
        b0 = pl.multiple_of(wid * SAMP_W + c * SCHUNK, SCHUNK)
        pltpu.sync_copy(idxP_hbm.at[:, pl.ds(b0, SCHUNK)], idxc)
        cops = []
        for f in range(F):
            cops.append(pltpu.async_copy(
                w2_hbm.at[pl.ds((f // 8) * NVC * VC * 8, NVC * VC * 8)]
                .at[idxc.at[f]],
                gbuf.at[pl.ds(f * SCHUNK, SCHUNK)], semg))
        for cop in cops:
            cop.wait()
        for f in range(F):
            pltpu.sync_copy(gbuf.at[pl.ds(f * SCHUNK, SCHUNK)],
                            e2_hbm.at[pl.ds(b0, SCHUNK), pl.ds(f * D, D)])
        return carry

    lax.fori_loop(0, NCHUNK2, chunk, 0)


def _sc_gather_e1_body(idxT_hbm, w1_hbm, e1_hbm, idxr, e1b, sem1):
    wid = lax.axis_index("s") * NC + lax.axis_index("c")

    def chunk(c, carry):
        b0 = pl.multiple_of(wid * SAMP_W + c * SCHUNK, SCHUNK)
        pltpu.sync_copy(idxT_hbm.at[:, pl.ds(b0, SCHUNK)], idxr)
        cops = []
        for f in range(F):
            cops.append(pltpu.async_copy(
                w1_hbm.at[f, 0].at[idxr.at[f]], e1b.at[f], sem1))
        for cop in cops:
            cop.wait()
        pltpu.sync_copy(e1b, e1_hbm.at[:, pl.ds(b0, SCHUNK)])
        return carry

    lax.fori_loop(0, NCHUNK2, chunk, 0)


@functools.cache
def _sc_gather_e2():
    return pl.kernel(
        _sc_gather_e2_body,
        out_type=jax.ShapeDtypeStruct((B, F * D), jnp.float32),
        mesh=plsc.VectorSubcoreMesh(core_axis_name="c", subcore_axis_name="s",
                                    num_cores=NC, num_subcores=NS),
        scratch_types=[
            pltpu.VMEM((F, SCHUNK), jnp.int32),
            pltpu.VMEM((F * SCHUNK, D), jnp.float32),
            pltpu.SemaphoreType.DMA,
        ],
        compiler_params=pltpu.CompilerParams(use_tc_tiling_on_sc=False),
    )


@functools.cache
def _sc_gather_e1():
    return pl.kernel(
        _sc_gather_e1_body,
        out_type=jax.ShapeDtypeStruct((F, B), jnp.float32),
        mesh=plsc.VectorSubcoreMesh(core_axis_name="c", subcore_axis_name="s",
                                    num_cores=NC, num_subcores=NS),
        scratch_types=[
            pltpu.VMEM((F, SCHUNK), jnp.int32),
            pltpu.VMEM((F, SCHUNK), jnp.float32),
            pltpu.SemaphoreType.DMA,
        ],
        compiler_params=pltpu.CompilerParams(use_tc_tiling_on_sc=False),
    )


def _fm_body(e2_ref, xvt_ref, e1t_ref, rmat_ref, swmat_ref,
             part0_ref, hc_ref, s1_ref, cc_ref):
    i = pl.program_id(0)
    e2 = e2_ref[...]
    xvt = xvt_ref[...]
    e1t = e1t_ref[...]
    xe = lax.dot_general(xvt, rmat_ref[...], (((0,), (0,)), ((), ())),
                         preferred_element_type=jnp.float32,
                         precision=lax.Precision.HIGHEST)
    deep = e2 * xe
    m = lax.dot_general(deep, swmat_ref[...], (((1,), (0,)), ((), ())),
                        preferred_element_type=jnp.float32,
                        precision=lax.Precision.HIGHEST)
    s = m[:, :D]
    hc = m[:, D:]
    fm2 = 0.5 * (jnp.sum(s * s, axis=1) - jnp.sum(deep * deep, axis=1))
    fm1 = jnp.sum(e1t * xvt, axis=0)
    part0_ref[...] = fm1 + fm2
    hc_ref[...] = hc

    @pl.when(i == 0)
    def _init():
        s1_ref[...] = jnp.zeros_like(s1_ref)
        cc_ref[...] = jnp.zeros_like(cc_ref)

    s1_ref[...] += jnp.sum(hc, axis=0, keepdims=True)
    cc_ref[...] += lax.dot_general(hc, hc, (((0,), (0,)), ((), ())),
                                   preferred_element_type=jnp.float32,
                                   precision=lax.Precision.HIGHEST)


def _fm_call(e2m, xvt, e1t, rmat, swmat):
    return pl.pallas_call(
        _fm_body,
        grid=(NT,),
        in_specs=[
            pl.BlockSpec((BT, F * D), lambda i: (i, 0)),
            pl.BlockSpec((F, BT), lambda i: (0, i)),
            pl.BlockSpec((F, BT), lambda i: (0, i)),
            pl.BlockSpec((F, F * D), lambda i: (0, 0)),
            pl.BlockSpec((F * D, D + H1), lambda i: (0, 0)),
        ],
        out_specs=[
            pl.BlockSpec((BT,), lambda i: (i,)),
            pl.BlockSpec((BT, H1), lambda i: (i, 0)),
            pl.BlockSpec((1, H1), lambda i: (0, 0)),
            pl.BlockSpec((H1, H1), lambda i: (0, 0)),
        ],
        out_shape=[
            jax.ShapeDtypeStruct((B,), jnp.float32),
            jax.ShapeDtypeStruct((B, H1), jnp.float32),
            jax.ShapeDtypeStruct((1, H1), jnp.float32),
            jax.ShapeDtypeStruct((H1, H1), jnp.float32),
        ],
    )(e2m, xvt, e1t, rmat, swmat)


def _fin_body(part0_ref, hc_ref, s1_ref, cc_ref, bias_ref, bl1_ref, g1_ref,
              b1_ref, wl2_ref, bl2_ref, g2_ref, b2_ref, out_ref):
    mc = s1_ref[...] * (1.0 / B)
    cc = cc_ref[...]
    eye = (lax.broadcasted_iota(jnp.int32, (H1, H1), 0)
           == lax.broadcasted_iota(jnp.int32, (H1, H1), 1)).astype(jnp.float32)
    diag = jnp.sum(cc * eye, axis=0, keepdims=True)
    v1 = diag * (1.0 / B) - mc * mc
    m1 = mc + bl1_ref[...]
    a = g1_ref[...] * lax.rsqrt(v1 + EPS)
    wl2 = wl2_ref[...]

    def rowvec_matT(x):
        return lax.dot_general(x, wl2, (((1,), (1,)), ((), ())),
                               preferred_element_type=jnp.float32,
                         precision=lax.Precision.HIGHEST)

    c = rowvec_matT(b1_ref[...] - m1 * a) + bl2_ref[...]
    m2 = rowvec_matT(m1 * a) + c
    outer_mc = lax.dot_general(mc, mc, (((0,), (0,)), ((), ())),
                               preferred_element_type=jnp.float32,
                         precision=lax.Precision.HIGHEST)
    cov = cc * (1.0 / B) - outer_mc
    outer_a = lax.dot_general(a, a, (((0,), (0,)), ((), ())),
                              preferred_element_type=jnp.float32,
                         precision=lax.Precision.HIGHEST)
    p = cov * outer_a
    q = lax.dot_general(wl2, p, (((1,), (0,)), ((), ())),
                        preferred_element_type=jnp.float32,
                         precision=lax.Precision.HIGHEST)
    v2 = jnp.sum(q * wl2, axis=1).reshape(1, H2)
    w2v = g2_ref[...] * lax.rsqrt(v2 + EPS)
    u = a * lax.dot_general(w2v, wl2, (((1,), (0,)), ((), ())),
                            preferred_element_type=jnp.float32,
                         precision=lax.Precision.HIGHEST)
    const = (bias_ref[0, 0]
             + jnp.sum((c - m2) * w2v)
             + jnp.sum(b2_ref[...])
             + jnp.sum(bl1_ref[...] * u))
    mv = lax.dot_general(hc_ref[...], u, (((1,), (1,)), ((), ())),
                         preferred_element_type=jnp.float32,
                         precision=lax.Precision.HIGHEST)
    out_ref[...] = part0_ref[...] + jnp.sum(mv, axis=1) + const


def _fin_call(part0, hc, s1, cc, bias, bl1, g1, b1, wl2, bl2, g2, b2):
    return pl.pallas_call(
        _fin_body,
        out_shape=jax.ShapeDtypeStruct((B,), jnp.float32),
    )(part0, hc, s1, cc, bias, bl1, g1, b1, wl2, bl2, g2, b2)


def kernel(Xi, Xv, W1, W2, bias, Wl1, bl1, g1, b1, Wl2, bl2, g2, b2):
    idxT = jnp.transpose(Xi[:, :, 0])
    fcol = jnp.arange(F, dtype=jnp.int32)[:, None]
    idxP = ((idxT // VC) * (VC * 8) + (idxT % VC) * 8 + fcol % 8)
    w2t2 = jnp.transpose(W2, (0, 2, 1)).reshape(F * D, V)
    w2l = _detile_call(w2t2).reshape(ROWS16, D)
    w1t = jnp.transpose(W1, (0, 2, 1))
    e2m = _sc_gather_e2()(idxP, w2l)
    e1T = _sc_gather_e1()(idxT, w1t)
    xvT = jnp.transpose(Xv)

    col = jnp.arange(F * D, dtype=jnp.int32)
    rmat = (col[None, :] // D == jnp.arange(F, dtype=jnp.int32)[:, None]
            ).astype(jnp.float32)
    smat = (col[:, None] % D == jnp.arange(D, dtype=jnp.int32)[None, :]
            ).astype(jnp.float32)
    swmat = jnp.concatenate([smat, Wl1.T], axis=1)

    part0, hc, s1, cc = _fm_call(e2m, xvT, e1T, rmat, swmat)
    out = _fin_call(part0, hc, s1, cc,
                    bias.reshape(1, 1), bl1.reshape(1, H1),
                    g1.reshape(1, H1), b1.reshape(1, H1), Wl2,
                    bl2.reshape(1, H2), g2.reshape(1, H2), b2.reshape(1, H2))
    return out

# --- scband reference (transcript-rebuilt; emitter-appended) ---
"""Pipeline reference for scband-deep-fm-90958817394882 (READ-ONLY COPY).

The authoritative reference and input builder live on the scoring server;
editing this copy changes nothing except your own understanding.
"""

import jax, jax.numpy as jnp
import numpy as np

B = 16384
F = 26
V = 100000
D = 16
H1 = 32
H2 = 32
EPS = 1e-5


def setup_inputs(seed: int = 0) -> dict:
    key = jax.random.key(seed)
    ks = jax.random.split(key, 14)
    Xi = jax.random.randint(ks[0], (B, F, 1), 0, V, dtype=jnp.int32)
    Xv = jax.random.uniform(ks[1], (B, F), dtype=jnp.float32)
    W1 = jax.random.normal(ks[2], (F, V, 1), dtype=jnp.float32) * 0.01
    W2 = jax.random.normal(ks[3], (F, V, D), dtype=jnp.float32) * 0.01
    bias = jax.random.normal(ks[4], (1,), dtype=jnp.float32)
    Wl1 = jax.random.normal(ks[5], (H1, F * D), dtype=jnp.float32) * 0.05
    bl1 = jax.random.normal(ks[6], (H1,), dtype=jnp.float32) * 0.05
    g1 = jnp.ones((H1,), dtype=jnp.float32)
    b1 = jnp.zeros((H1,), dtype=jnp.float32)
    Wl2 = jax.random.normal(ks[7], (H2, H1), dtype=jnp.float32) * 0.05
    bl2 = jax.random.normal(ks[8], (H2,), dtype=jnp.float32) * 0.05
    g2 = jnp.ones((H2,), dtype=jnp.float32)
    b2 = jnp.zeros((H2,), dtype=jnp.float32)
    return {"Xi": Xi, "Xv": Xv, "W1": W1, "W2": W2, "bias": bias,
            "Wl1": Wl1, "bl1": bl1, "g1": g1, "b1": b1,
            "Wl2": Wl2, "bl2": bl2, "g2": g2, "b2": b2}


def _batchnorm(x, g, b):
    m = jnp.mean(x, axis=0)
    v = jnp.var(x, axis=0)
    return (x - m) / jnp.sqrt(v + EPS) * g + b


def reference(Xi, Xv, W1, W2, bias, Wl1, bl1, g1, b1, Wl2, bl2, g2, b2):
    idx = Xi[:, :, 0]  # [B, F]
    fidx = jnp.arange(F)[None, :]  # [1, F]
    # fm first order: per-field gather from [V,1] tables, summed over L=1 axis,
    # scaled by Xv -> concat gives [B, F]
    e1 = W1[fidx, idx]  # [B, F, 1]
    fm_first = e1[:, :, 0] * Xv  # [B, F]
    # fm second order: per-field gather from [V,D] tables, scaled by Xv
    e2 = W2[fidx, idx]  # [B, F, D]
    t2 = e2 * Xv[:, :, None]  # [B, F, D]
    s = jnp.sum(t2, axis=1)  # [B, D]
    sq_of_sum = s * s
    sum_of_sq = jnp.sum(t2 * t2, axis=1)
    fm_second = 0.5 * (sq_of_sum - sum_of_sq)  # [B, D]
    # deep part: concat of per-field second-order embeddings -> [B, F*D]
    deep = t2.reshape(B, F * D)
    h = deep @ Wl1.T + bl1
    h = _batchnorm(h, g1, b1)
    h = h @ Wl2.T + bl2
    h = _batchnorm(h, g2, b2)
    total = bias[0] + jnp.sum(fm_first, axis=1) + jnp.sum(fm_second, axis=1) + jnp.sum(h, axis=1)
    return total

if __name__ == "__main__":
    import jax
    _d = setup_inputs()
    print(jax.jit(kernel)(*tuple(_d.values())))

</pallas_src>

<mosaic_0001>
#map = affine_map<(d0, d1) -> (0, 0)>
#map1 = affine_map<(d0, d1) -> (0, 0, 0)>
module attributes {stable_mosaic.version = 14 : i64} {
  func.func @_sc_gather_e1_body(%arg0: i32, %arg1: i32, %arg2: memref<26x16384xi32, #tpu.memory_space<hbm>>, %arg3: memref<26x1x100000xf32, #tpu.memory_space<hbm>>, %arg4: memref<26x16384xf32, #tpu.memory_space<hbm>>, %arg5: memref<26x64xi32, #tpu.memory_space<vmem>>, %arg6: memref<26x64xf32, #tpu.memory_space<vmem>>, %arg7: memref<!tpu.dma_semaphore, #tpu.memory_space<semaphore_mem>>) attributes {dimension_semantics = [#tpu.dimension_semantics<core_parallel>, #tpu.dimension_semantics<subcore_parallel>], iteration_bounds = array<i64: 2, 16>, scalar_prefetch = 0 : i64, scratch_operands = 3 : i64, tpu.core_type = #tpu.core_type<sc_vector_subcore>, window_params = [{transform_indices = #map}, {transform_indices = #map1}, {transform_indices = #map}]} {
    %mul3A = arith.constant 2 : i32
    %mul3A_0 = arith.muli %arg1, %mul3A : i32
    %add3A = arith.addi %mul3A_0, %arg0 : i32
    %scan3A = arith.constant 0 : i32
    %scan3A_1 = arith.constant 0 : i32
    %scan3A_2 = arith.constant 8 : i32
    %scan3A_3 = arith.addi %scan3A_1, %scan3A_2 : i32
    %scan3A_4 = arith.constant 1 : i32
    scf.for %scan3A_6 = %scan3A_1 to %scan3A_3 step %scan3A_4  : i32 {
      %mul3A_7 = arith.constant 512 : i32
      %mul3A_8 = arith.muli %add3A, %mul3A_7 : i32
      %mul3A_9 = arith.constant 64 : i32
      %mul3A_10 = arith.muli %scan3A_6, %mul3A_9 : i32
      %add3A_11 = arith.addi %mul3A_8, %mul3A_10 : i32
      %multiple_of3A = tpu.assume_multiple %add3A_11, 64 : i32
      "tpu.region"() ({
        %run_scoped3A = tpu.sem_alloc : memref<!tpu.dma_semaphore, #tpu.memory_space<semaphore_mem>>
        %dma_start3A_790 = arith.constant 0 : i32
        %dma_start3A_791 = tpu.memref_slice %arg2[%dma_start3A_790, %multiple_of3A] : memref<26x16384xi32, #tpu.memory_space<hbm>> -> memref<26x64xi32, #tpu.memory_space<hbm>>
        %dma_start3A_792 = arith.constant 0 : i32
        %dma_start3A_793 = tpu.memref_slice %arg2[%dma_start3A_792, %multiple_of3A] : memref<26x16384xi32, #tpu.memory_space<hbm>> -> memref<26x64xi32, #tpu.memory_space<hbm>>
        tpu.enqueue_dma source(%dma_start3A_793 : memref<26x64xi32, #tpu.memory_space<hbm>>) target(%arg5 : memref<26x64xi32, #tpu.memory_space<vmem>>) target_semaphore(%run_scoped3A : memref<!tpu.dma_semaphore, #tpu.memory_space<semaphore_mem>>)
        %dma_wait3A_794 = arith.constant 0 : i32
        %dma_wait3A_795 = tpu.memref_slice %arg2[%dma_wait3A_794, %multiple_of3A] : memref<26x16384xi32, #tpu.memory_space<hbm>> -> memref<26x64xi32, #tpu.memory_space<hbm>>
        %dma_wait3A_796 = arith.constant 0 : i32
        %dma_wait3A_797 = tpu.memref_slice %arg2[%dma_wait3A_796, %multiple_of3A] : memref<26x16384xi32, #tpu.memory_space<hbm>> -> memref<26x64xi32, #tpu.memory_space<hbm>>
        tpu.wait_dma2 semaphore(%run_scoped3A : memref<!tpu.dma_semaphore, #tpu.memory_space<semaphore_mem>>) src(%dma_wait3A_797 : memref<26x64xi32, #tpu.memory_space<hbm>>) dst(%arg5 : memref<26x64xi32, #tpu.memory_space<vmem>>)
        tpu.yield
      }) : () -> ()
      %dma_start3A = arith.constant 0 : i32
      %dma_start3A_12 = arith.constant 0 : i32
      %dma_start3A_13 = arith.constant 0 : i32
      %dma_start3A_14 = arith.constant 0 : i32
      %dma_start3A_15 = arith.constant 0 : i32
      %dma_start3A_16 = tpu.memref_slice %arg6[%dma_start3A_14, %dma_start3A_15] : memref<26x64xf32, #tpu.memory_space<vmem>> -> memref<1x64xf32, #tpu.memory_space<vmem>>
      %dma_start3A_17 = tpu.memref_squeeze %dma_start3A_16 : memref<1x64xf32, #tpu.memory_space<vmem>> -> memref<64xf32, #tpu.memory_space<vmem>>
      %dma_start3A_18 = arith.constant 0 : i32
      %dma_start3A_19 = tpu.memref_slice %arg5[%dma_start3A_13, %dma_start3A_18] : memref<26x64xi32, #tpu.memory_space<vmem>> -> memref<1x64xi32, #tpu.memory_space<vmem>>
      %dma_start3A_20 = tpu.memref_squeeze %dma_start3A_19 : memref<1x64xi32, #tpu.memory_space<vmem>> -> memref<64xi32, #tpu.memory_space<vmem>>
      %dma_start3A_21 = arith.constant 0 : i32
      %dma_start3A_22 = tpu.memref_slice %arg3[%dma_start3A, %dma_start3A_12, %dma_start3A_21] : memref<26x1x100000xf32, #tpu.memory_space<hbm>> -> memref<1x1x100000xf32, #tpu.memory_space<hbm>>
      %dma_start3A_23 = tpu.memref_squeeze %dma_start3A_22 : memref<1x1x100000xf32, #tpu.memory_space<hbm>> -> memref<100000xf32, #tpu.memory_space<hbm>>
      %dma_start3A_24 = arith.constant 0 : i32
      %dma_start3A_25 = tpu.memref_slice %dma_start3A_23[%dma_start3A_24] : memref<100000xf32, #tpu.memory_space<hbm>> -> memref<100000xf32, #tpu.memory_space<hbm>>
      tpu.enqueue_indirect_dma source(%dma_start3A_25 : memref<100000xf32, #tpu.memory_space<hbm>>) target(%dma_start3A_17 : memref<64xf32, #tpu.memory_space<vmem>>) offsets(%dma_start3A_20 : memref<64xi32, #tpu.memory_space<vmem>>) semaphore(%arg7 : memref<!tpu.dma_semaphore, #tpu.memory_space<semaphore_mem>>)
      %dma_start3A_26 = arith.constant 1 : i32
      %dma_start3A_27 = arith.constant 0 : i32
      %dma_start3A_28 = arith.constant 1 : i32
      %dma_start3A_29 = arith.constant 1 : i32
      %dma_start3A_30 = arith.constant 0 : i32
      %dma_start3A_31 = tpu.memref_slice %arg6[%dma_start3A_29, %dma_start3A_30] : memref<26x64xf32, #tpu.memory_space<vmem>> -> memref<1x64xf32, #tpu.memory_space<vmem>>
      %dma_start3A_32 = tpu.memref_squeeze %dma_start3A_31 : memref<1x64xf32, #tpu.memory_space<vmem>> -> memref<64xf32, #tpu.memory_space<vmem>>
      %dma_start3A_33 = arith.constant 0 : i32
      %dma_start3A_34 = tpu.memref_slice %arg5[%dma_start3A_28, %dma_start3A_33] : memref<26x64xi32, #tpu.memory_space<vmem>> -> memref<1x64xi32, #tpu.memory_space<vmem>>
      %dma_start3A_35 = tpu.memref_squeeze %dma_start3A_34 : memref<1x64xi32, #tpu.memory_space<vmem>> -> memref<64xi32, #tpu.memory_space<vmem>>
      %dma_start3A_36 = arith.constant 0 : i32
      %dma_start3A_37 = tpu.memref_slice %arg3[%dma_start3A_26, %dma_start3A_27, %dma_start3A_36] : memref<26x1x100000xf32, #tpu.memory_space<hbm>> -> memref<1x1x100000xf32, #tpu.memory_space<hbm>>
      %dma_start3A_38 = tpu.memref_squeeze %dma_start3A_37 : memref<1x1x100000xf32, #tpu.memory_space<hbm>> -> memref<100000xf32, #tpu.memory_space<hbm>>
      %dma_start3A_39 = arith.constant 0 : i32
      %dma_start3A_40 = tpu.memref_slice %dma_start3A_38[%dma_start3A_39] : memref<100000xf32, #tpu.memory_space<hbm>> -> memref<100000xf32, #tpu.memory_space<hbm>>
      tpu.enqueue_indirect_dma source(%dma_start3A_40 : memref<100000xf32, #tpu.memory_space<hbm>>) target(%dma_start3A_32 : memref<64xf32, #tpu.memory_space<vmem>>) offsets(%dma_start3A_35 : memref<64xi32, #tpu.memory_space<vmem>>) semaphore(%arg7 : memref<!tpu.dma_semaphore, #tpu.memory_space<semaphore_mem>>)
      %dma_start3A_41 = arith.constant 2 : i32
      %dma_start3A_42 = arith.constant 0 : i32
      %dma_start3A_43 = arith.constant 2 : i32
      %dma_start3A_44 = arith.constant 2 : i32
      %dma_start3A_45 = arith.constant 0 : i32
      %dma_start3A_46 = tpu.memref_slice %arg6[%dma_start3A_44, %dma_start3A_45] : memref<26x64xf32, #tpu.memory_space<vmem>> -> memref<1x64xf32, #tpu.memory_space<vmem>>
      %dma_start3A_47 = tpu.memref_squeeze %dma_start3A_46 : memref<1x64xf32, #tpu.memory_space<vmem>> -> memref<64xf32, #tpu.memory_space<vmem>>
      %dma_start3A_48 = arith.constant 0 : i32
      %dma_start3A_49 = tpu.memref_slice %arg5[%dma_start3A_43, %dma_start3A_48] : memref<26x64xi32, #tpu.memory_space<vmem>> -> memref<1x64xi32, #tpu.memory_space<vmem>>
      %dma_start3A_50 = tpu.memref_squeeze %dma_start3A_49 : memref<1x64xi32, #tpu.memory_space<vmem>> -> memref<64xi32, #tpu.memory_space<vmem>>
      %dma_start3A_51 = arith.constant 0 : i32
      %dma_start3A_52 = tpu.memref_slice %arg3[%dma_start3A_41, %dma_start3A_42, %dma_start3A_51] : memref<26x1x100000xf32, #tpu.memory_space<hbm>> -> memref<1x1x100000xf32, #tpu.memory_space<hbm>>
      %dma_start3A_53 = tpu.memref_squeeze %dma_start3A_52 : memref<1x1x100000xf32, #tpu.memory_space<hbm>> -> memref<100000xf32, #tpu.memory_space<hbm>>
      %dma_start3A_54 = arith.constant 0 : i32
      %dma_start3A_55 = tpu.memref_slice %dma_start3A_53[%dma_start3A_54] : memref<100000xf32, #tpu.memory_space<hbm>> -> memref<100000xf32, #tpu.memory_space<hbm>>
      tpu.enqueue_indirect_dma source(%dma_start3A_55 : memref<100000xf32, #tpu.memory_space<hbm>>) target(%dma_start3A_47 : memref<64xf32, #tpu.memory_space<vmem>>) offsets(%dma_start3A_50 : memref<64xi32, #tpu.memory_space<vmem>>) semaphore(%arg7 : memref<!tpu.dma_semaphore, #tpu.memory_space<semaphore_mem>>)
      %dma_start3A_56 = arith.constant 3 : i32
      %dma_start3A_57 = arith.constant 0 : i32
      %dma_start3A_58 = arith.constant 3 : i32
      %dma_start3A_59 = arith.constant 3 : i32
      %dma_start3A_60 = arith.constant 0 : i32
      %dma_start3A_61 = tpu.memref_slice %arg6[%dma_start3A_59, %dma_start3A_60] : memref<26x64xf32, #tpu.memory_space<vmem>> -> memref<1x64xf32, #tpu.memory_space<vmem>>
      %dma_start3A_62 = tpu.memref_squeeze %dma_start3A_61 : memref<1x64xf32, #tpu.memory_space<vmem>> -> memref<64xf32, #tpu.memory_space<vmem>>
      %dma_start3A_63 = arith.constant 0 : i32
      %dma_start3A_64 = tpu.memref_slice %arg5[%dma_start3A_58, %dma_start3A_63] : memref<26x64xi32, #tpu.memory_space<vmem>> -> memref<1x64xi32, #tpu.memory_space<vmem>>
      %dma_start3A_65 = tpu.memref_squeeze %dma_start3A_64 : memref<1x64xi32, #tpu.memory_space<vmem>> -> memref<64xi32, #tpu.memory_space<vmem>>
      %dma_start3A_66 = arith.constant 0 : i32
      %dma_start3A_67 = tpu.memref_slice %arg3[%dma_start3A_56, %dma_start3A_57, %dma_start3A_66] : memref<26x1x100000xf32, #tpu.memory_space<hbm>> -> memref<1x1x100000xf32, #tpu.memory_space<hbm>>
      %dma_start3A_68 = tpu.memref_squeeze %dma_start3A_67 : memref<1x1x100000xf32, #tpu.memory_space<hbm>> -> memref<100000xf32, #tpu.memory_space<hbm>>
      %dma_start3A_69 = arith.constant 0 : i32
      %dma_start3A_70 = tpu.memref_slice %dma_start3A_68[%dma_start3A_69] : memref<100000xf32, #tpu.memory_space<hbm>> -> memref<100000xf32, #tpu.memory_space<hbm>>
      tpu.enqueue_indirect_dma source(%dma_start3A_70 : memref<100000xf32, #tpu.memory_space<hbm>>) target(%dma_start3A_62 : memref<64xf32, #tpu.memory_space<vmem>>) offsets(%dma_start3A_65 : memref<64xi32, #tpu.memory_space<vmem>>) semaphore(%arg7 : memref<!tpu.dma_semaphore, #tpu.memory_space<semaphore_mem>>)
      %dma_start3A_71 = arith.constant 4 : i32
      %dma_start3A_72 = arith.constant 0 : i32
      %dma_start3A_73 = arith.constant 4 : i32
      %dma_start3A_74 = arith.constant 4 : i32
      %dma_start3A_75 = arith.constant 0 : i32
      %dma_start3A_76 = tpu.memref_slice %arg6[%dma_start3A_74, %dma_start3A_75] : memref<26x64xf32, #tpu.memory_space<vmem>> -> memref<1x64xf32, #tpu.memory_space<vmem>>
      %dma_start3A_77 = tpu.memref_squeeze %dma_start3A_76 : memref<1x64xf32, #tpu.memory_space<vmem>> -> memref<64xf32, #tpu.memory_space<vmem>>
      %dma_start3A_78 = arith.constant 0 : i32
      %dma_start3A_79 = tpu.memref_slice %arg5[%dma_start3A_73, %dma_start3A_78] : memref<26x64xi32, #tpu.memory_space<vmem>> -> memref<1x64xi32, #tpu.memory_space<vmem>>
      %dma_start3A_80 = tpu.memref_squeeze %dma_start3A_79 : memref<1x64xi32, #tpu.memory_space<vmem>> -> memref<64xi32, #tpu.memory_space<vmem>>
      %dma_start3A_81 = arith.constant 0 : i32
      %dma_start3A_82 = tpu.memref_slice %arg3[%dma_start3A_71, %dma_start3A_72, %dma_start3A_81] : memref<26x1x100000xf32, #tpu.memory_space<hbm>> -> memref<1x1x100000xf32, #tpu.memory_space<hbm>>
      %dma_start3A_83 = tpu.memref_squeeze %dma_start3A_82 : memref<1x1x100000xf32, #tpu.memory_space<hbm>> -> memref<100000xf32, #tpu.memory_space<hbm>>
      %dma_start3A_84 = arith.constant 0 : i32
      %dma_start3A_85 = tpu.memref_slice %dma_start3A_83[%dma_start3A_84] : memref<100000xf32, #tpu.memory_space<hbm>> -> memref<100000xf32, #tpu.memory_space<hbm>>
      tpu.enqueue_indirect_dma source(%dma_start3A_85 : memref<100000xf32, #tpu.memory_space<hbm>>) target(%dma_start3A_77 : memref<64xf32, #tpu.memory_space<vmem>>) offsets(%dma_start3A_80 : memref<64xi32, #tpu.memory_space<vmem>>) semaphore(%arg7 : memref<!tpu.dma_semaphore, #tpu.memory_space<semaphore_mem>>)
      %dma_start3A_86 = arith.constant 5 : i32
      %dma_start3A_87 = arith.constant 0 : i32
      %dma_start3A_88 = arith.constant 5 : i32
      %dma_start3A_89 = arith.constant 5 : i32
      %dma_start3A_90 = arith.constant 0 : i32
      %dma_start3A_91 = tpu.memref_slice %arg6[%dma_start3A_89, %dma_start3A_90] : memref<26x64xf32, #tpu.memory_space<vmem>> -> memref<1x64xf32, #tpu.memory_space<vmem>>
      %dma_start3A_92 = tpu.memref_squeeze %dma_start3A_91 : memref<1x64xf32, #tpu.memory_space<vmem>> -> memref<64xf32, #tpu.memory_space<vmem>>
      %dma_start3A_93 = arith.constant 0 : i32
      %dma_start3A_94 = tpu.memref_slice %arg5[%dma_start3A_88, %dma_start3A_93] : memref<26x64xi32, #tpu.memory_space<vmem>> -> memref<1x64xi32, #tpu.memory_space<vmem>>
      %dma_start3A_95 = tpu.memref_squeeze %dma_start3A_94 : memref<1x64xi32, #tpu.memory_space<vmem>> -> memref<64xi32, #tpu.memory_space<vmem>>
      %dma_start3A_96 = arith.constant 0 : i32
      %dma_start3A_97 = tpu.memref_slice %arg3[%dma_start3A_86, %dma_start3A_87, %dma_start3A_96] : memref<26x1x100000xf32, #tpu.memory_space<hbm>> -> memref<1x1x100000xf32, #tpu.memory_space<hbm>>
      %dma_start3A_98 = tpu.memref_squeeze %dma_start3A_97 : memref<1x1x100000xf32, #tpu.memory_space<hbm>> -> memref<100000xf32, #tpu.memory_space<hbm>>
      %dma_start3A_99 = arith.constant 0 : i32
      %dma_start3A_100 = tpu.memref_slice %dma_start3A_98[%dma_start3A_99] : memref<100000xf32, #tpu.memory_space<hbm>> -> memref<100000xf32, #tpu.memory_space<hbm>>
      tpu.enqueue_indirect_dma source(%dma_start3A_100 : memref<100000xf32, #tpu.memory_space<hbm>>) target(%dma_start3A_92 : memref<64xf32, #tpu.memory_space<vmem>>) offsets(%dma_start3A_95 : memref<64xi32, #tpu.memory_space<vmem>>) semaphore(%arg7 : memref<!tpu.dma_semaphore, #tpu.memory_space<semaphore_mem>>)
      %dma_start3A_101 = arith.constant 6 : i32
      %dma_start3A_102 = arith.constant 0 : i32
      %dma_start3A_103 = arith.constant 6 : i32
      %dma_start3A_104 = arith.constant 6 : i32
      %dma_start3A_105 = arith.constant 0 : i32
      %dma_start3A_106 = tpu.memref_slice %arg6[%dma_start3A_104, %dma_start3A_105] : memref<26x64xf32, #tpu.memory_space<vmem>> -> memref<1x64xf32, #tpu.memory_space<vmem>>
      %dma_start3A_107 = tpu.memref_squeeze %dma_start3A_106 : memref<1x64xf32, #tpu.memory_space<vmem>> -> memref<64xf32, #tpu.memory_space<vmem>>
      %dma_start3A_108 = arith.constant 0 : i32
      %dma_start3A_109 = tpu.memref_slice %arg5[%dma_start3A_103, %dma_start3A_108] : memref<26x64xi32, #tpu.memory_space<vmem>> -> memref<1x64xi32, #tpu.memory_space<vmem>>
      %dma_start3A_110 = tpu.memref_squeeze %dma_start3A_109 : memref<1x64xi32, #tpu.memory_space<vmem>> -> memref<64xi32, #tpu.memory_space<vmem>>
      %dma_start3A_111 = arith.constant 0 : i32
      %dma_start3A_112 = tpu.memref_slice %arg3[%dma_start3A_101, %dma_start3A_102, %dma_start3A_111] : memref<26x1x100000xf32, #tpu.memory_space<hbm>> -> memref<1x1x100000xf32, #tpu.memory_space<hbm>>
      %dma_start3A_113 = tpu.memref_squeeze %dma_start3A_112 : memref<1x1x100000xf32, #tpu.memory_space<hbm>> -> memref<100000xf32, #tpu.memory_space<hbm>>
      %dma_start3A_114 = arith.constant 0 : i32
      %dma_start3A_115 = tpu.memref_slice %dma_start3A_113[%dma_start3A_114] : memref<100000xf32, #tpu.memory_space<hbm>> -> memref<100000xf32, #tpu.memory_space<hbm>>
      tpu.enqueue_indirect_dma source(%dma_start3A_115 : memref<100000xf32, #tpu.memory_space<hbm>>) target(%dma_start3A_107 : memref<64xf32, #tpu.memory_space<vmem>>) offsets(%dma_start3A_110 : memref<64xi32, #tpu.memory_space<vmem>>) semaphore(%arg7 : memref<!tpu.dma_semaphore, #tpu.memory_space<semaphore_mem>>)
      %dma_start3A_116 = arith.constant 7 : i32
      %dma_start3A_117 = arith.constant 0 : i32
      %dma_start3A_118 = arith.constant 7 : i32
      %dma_start3A_119 = arith.constant 7 : i32
      %dma_start3A_120 = arith.constant 0 : i32
      %dma_start3A_121 = tpu.memref_slice %arg6[%dma_start3A_119, %dma_start3A_120] : memref<26x64xf32, #tpu.memory_space<vmem>> -> memref<1x64xf32, #tpu.memory_space<vmem>>
      %dma_start3A_122 = tpu.memref_squeeze %dma_start3A_121 : memref<1x64xf32, #tpu.memory_space<vmem>> -> memref<64xf32, #tpu.memory_space<vmem>>
      %dma_start3A_123 = arith.constant 0 : i32
      %dma_start3A_124 = tpu.memref_slice %arg5[%dma_start3A_118, %dma_start3A_123] : memref<26x64xi32, #tpu.memory_space<vmem>> -> memref<1x64xi32, #tpu.memory_space<vmem>>
      %dma_start3A_125 = tpu.memref_squeeze %dma_start3A_124 : memref<1x64xi32, #tpu.memory_space<vmem>> -> memref<64xi32, #tpu.memory_space<vmem>>
      %dma_start3A_126 = arith.constant 0 : i32
      %dma_start3A_127 = tpu.memref_slice %arg3[%dma_start3A_116, %dma_start3A_117, %dma_start3A_126] : memref<26x1x100000xf32, #tpu.memory_space<hbm>> -> memref<1x1x100000xf32, #tpu.memory_space<hbm>>
      %dma_start3A_128 = tpu.memref_squeeze %dma_start3A_127 : memref<1x1x100000xf32, #tpu.memory_space<hbm>> -> memref<100000xf32, #tpu.memory_space<hbm>>
      %dma_start3A_129 = arith.constant 0 : i32
      %dma_start3A_130 = tpu.memref_slice %dma_start3A_128[%dma_start3A_129] : memref<100000xf32, #tpu.memory_space<hbm>> -> memref<100000xf32, #tpu.memory_space<hbm>>
      tpu.enqueue_indirect_dma source(%dma_start3A_130 : memref<100000xf32, #tpu.memory_space<hbm>>) target(%dma_start3A_122 : memref<64xf32, #tpu.memory_space<vmem>>) offsets(%dma_start3A_125 : memref<64xi32, #tpu.memory_space<vmem>>) semaphore(%arg7 : memref<!tpu.dma_semaphore, #tpu.memory_space<semaphore_mem>>)
      %dma_start3A_131 = arith.constant 8 : i32
      %dma_start3A_132 = arith.constant 0 : i32
      %dma_start3A_133 = arith.constant 8 : i32
      %dma_start3A_134 = arith.constant 8 : i32
      %dma_start3A_135 = arith.constant 0 : i32
      %dma_start3A_136 = tpu.memref_slice %arg6[%dma_start3A_134, %dma_start3A_135] : memref<26x64xf32, #tpu.memory_space<vmem>> -> memref<1x64xf32, #tpu.memory_space<vmem>>
      %dma_start3A_137 = tpu.memref_squeeze %dma_start3A_136 : memref<1x64xf32, #tpu.memory_space<vmem>> -> memref<64xf32, #tpu.memory_space<vmem>>
      %dma_start3A_138 = arith.constant 0 : i32
      %dma_start3A_139 = tpu.memref_slice %arg5[%dma_start3A_133, %dma_start3A_138] : memref<26x64xi32, #tpu.memory_space<vmem>> -> memref<1x64xi32, #tpu.memory_space<vmem>>
      %dma_start3A_140 = tpu.memref_squeeze %dma_start3A_139 : memref<1x64xi32, #tpu.memory_space<vmem>> -> memref<64xi32, #tpu.memory_space<vmem>>
      %dma_start3A_141 = arith.constant 0 : i32
      %dma_start3A_142 = tpu.memref_slice %arg3[%dma_start3A_131, %dma_start3A_132, %dma_start3A_141] : memref<26x1x100000xf32, #tpu.memory_space<hbm>> -> memref<1x1x100000xf32, #tpu.memory_space<hbm>>
      %dma_start3A_143 = tpu.memref_squeeze %dma_start3A_142 : memref<1x1x100000xf32, #tpu.memory_space<hbm>> -> memref<100000xf32, #tpu.memory_space<hbm>>
      %dma_start3A_144 = arith.constant 0 : i32
      %dma_start3A_145 = tpu.memref_slice %dma_start3A_143[%dma_start3A_144] : memref<100000xf32, #tpu.memory_space<hbm>> -> memref<100000xf32, #tpu.memory_space<hbm>>
      tpu.enqueue_indirect_dma source(%dma_start3A_145 : memref<100000xf32, #tpu.memory_space<hbm>>) target(%dma_start3A_137 : memref<64xf32, #tpu.memory_space<vmem>>) offsets(%dma_start3A_140 : memref<64xi32, #tpu.memory_space<vmem>>) semaphore(%arg7 : memref<!tpu.dma_semaphore, #tpu.memory_space<semaphore_mem>>)
      %dma_start3A_146 = arith.constant 9 : i32
      %dma_start3A_147 = arith.constant 0 : i32
      %dma_start3A_148 = arith.constant 9 : i32
      %dma_start3A_149 = arith.constant 9 : i32
      %dma_start3A_150 = arith.constant 0 : i32
      %dma_start3A_151 = tpu.memref_slice %arg6[%dma_start3A_149, %dma_start3A_150] : memref<26x64xf32, #tpu.memory_space<vmem>> -> memref<1x64xf32, #tpu.memory_space<vmem>>
      %dma_start3A_152 = tpu.memref_squeeze %dma_start3A_151 : memref<1x64xf32, #tpu.memory_space<vmem>> -> memref<64xf32, #tpu.memory_space<vmem>>
      %dma_start3A_153 = arith.constant 0 : i32
      %dma_start3A_154 = tpu.memref_slice %arg5[%dma_start3A_148, %dma_start3A_153] : memref<26x64xi32, #tpu.memory_space<vmem>> -> memref<1x64xi32, #tpu.memory_space<vmem>>
      %dma_start3A_155 = tpu.memref_squeeze %dma_start3A_154 : memref<1x64xi32, #tpu.memory_space<vmem>> -> memref<64xi32, #tpu.memory_space<vmem>>
      %dma_start3A_156 = arith.constant 0 : i32
      %dma_start3A_157 = tpu.memref_slice %arg3[%dma_start3A_146, %dma_start3A_147, %dma_start3A_156] : memref<26x1x100000xf32, #tpu.memory_space<hbm>> -> memref<1x1x100000xf32, #tpu.memory_space<hbm>>
      %dma_start3A_158 = tpu.memref_squeeze %dma_start3A_157 : memref<1x1x100000xf32, #tpu.memory_space<hbm>> -> memref<100000xf32, #tpu.memory_space<hbm>>
      %dma_start3A_159 = arith.constant 0 : i32
      %dma_start3A_160 = tpu.memref_slice %dma_start3A_158[%dma_start3A_159] : memref<100000xf32, #tpu.memory_space<hbm>> -> memref<100000xf32, #tpu.memory_space<hbm>>
      tpu.enqueue_indirect_dma source(%dma_start3A_160 : memref<100000xf32, #tpu.memory_space<hbm>>) target(%dma_start3A_152 : memref<64xf32, #tpu.memory_space<vmem>>) offsets(%dma_start3A_155 : memref<64xi32, #tpu.memory_space<vmem>>) semaphore(%arg7 : memref<!tpu.dma_semaphore, #tpu.memory_space<semaphore_mem>>)
      %dma_start3A_161 = arith.constant 10 : i32
      %dma_start3A_162 = arith.constant 0 : i32
      %dma_start3A_163 = arith.constant 10 : i32
      %dma_start3A_164 = arith.constant 10 : i32
      %dma_start3A_165 = arith.constant 0 : i32
      %dma_start3A_166 = tpu.memref_slice %arg6[%dma_start3A_164, %dma_start3A_165] : memref<26x64xf32, #tpu.memory_space<vmem>> -> memref<1x64xf32, #tpu.memory_space<vmem>>
      %dma_start3A_167 = tpu.memref_squeeze %dma_start3A_166 : memref<1x64xf32, #tpu.memory_space<vmem>> -> memref<64xf32, #tpu.memory_space<vmem>>
      %dma_start3A_168 = arith.constant 0 : i32
      %dma_start3A_169 = tpu.memref_slice %arg5[%dma_start3A_163, %dma_start3A_168] : memref<26x64xi32, #tpu.memory_space<vmem>> -> memref<1x64xi32, #tpu.memory_space<vmem>>
      %dma_start3A_170 = tpu.memref_squeeze %dma_start3A_169 : memref<1x64xi32, #tpu.memory_space<vmem>> -> memref<64xi32, #tpu.memory_space<vmem>>
      %dma_start3A_171 = arith.constant 0 : i32
      %dma_start3A_172 = tpu.memref_slice %arg3[%dma_start3A_161, %dma_start3A_162, %dma_start3A_171] : memref<26x1x100000xf32, #tpu.memory_space<hbm>> -> memref<1x1x100000xf32, #tpu.memory_space<hbm>>
      %dma_start3A_173 = tpu.memref_squeeze %dma_start3A_172 : memref<1x1x100000xf32, #tpu.memory_space<hbm>> -> memref<100000xf32, #tpu.memory_space<hbm>>
      %dma_start3A_174 = arith.constant 0 : i32
      %dma_start3A_175 = tpu.memref_slice %dma_start3A_173[%dma_start3A_174] : memref<100000xf32, #tpu.memory_space<hbm>> -> memref<100000xf32, #tpu.memory_space<hbm>>
      tpu.enqueue_indirect_dma source(%dma_start3A_175 : memref<100000xf32, #tpu.memory_space<hbm>>) target(%dma_start3A_167 : memref<64xf32, #tpu.memory_space<vmem>>) offsets(%dma_start3A_170 : memref<64xi32, #tpu.memory_space<vmem>>) semaphore(%arg7 : memref<!tpu.dma_semaphore, #tpu.memory_space<semaphore_mem>>)
      %dma_start3A_176 = arith.constant 11 : i32
      %dma_start3A_177 = arith.constant 0 : i32
      %dma_start3A_178 = arith.constant 11 : i32
      %dma_start3A_179 = arith.constant 11 : i32
      %dma_start3A_180 = arith.constant 0 : i32
      %dma_start3A_181 = tpu.memref_slice %arg6[%dma_start3A_179, %dma_start3A_180] : memref<26x64xf32, #tpu.memory_space<vmem>> -> memref<1x64xf32, #tpu.memory_space<vmem>>
      %dma_start3A_182 = tpu.memref_squeeze %dma_start3A_181 : memref<1x64xf32, #tpu.memory_space<vmem>> -> memref<64xf32, #tpu.memory_space<vmem>>
      %dma_start3A_183 = arith.constant 0 : i32
      %dma_start3A_184 = tpu.memref_slice %arg5[%dma_start3A_178, %dma_start3A_183] : memref<26x64xi32, #tpu.memory_space<vmem>> -> memref<1x64xi32, #tpu.memory_space<vmem>>
      %dma_start3A_185 = tpu.memref_squeeze %dma_start3A_184 : memref<1x64xi32, #tpu.memory_space<vmem>> -> memref<64xi32, #tpu.memory_space<vmem>>
      %dma_start3A_186 = arith.constant 0 : i32
      %dma_start3A_187 = tpu.memref_slice %arg3[%dma_start3A_176, %dma_start3A_177, %dma_start3A_186] : memref<26x1x100000xf32, #tpu.memory_space<hbm>> -> memref<1x1x100000xf32, #tpu.memory_space<hbm>>
      %dma_start3A_188 = tpu.memref_squeeze %dma_start3A_187 : memref<1x1x100000xf32, #tpu.memory_space<hbm>> -> memref<100000xf32, #tpu.memory_space<hbm>>
      %dma_start3A_189 = arith.constant 0 : i32
      %dma_start3A_190 = tpu.memref_slice %dma_start3A_188[%dma_start3A_189] : memref<100000xf32, #tpu.memory_space<hbm>> -> memref<100000xf32, #tpu.memory_space<hbm>>
      tpu.enqueue_indirect_dma source(%dma_start3A_190 : memref<100000xf32, #tpu.memory_space<hbm>>) target(%dma_start3A_182 : memref<64xf32, #tpu.memory_space<vmem>>) offsets(%dma_start3A_185 : memref<64xi32, #tpu.memory_space<vmem>>) semaphore(%arg7 : memref<!tpu.dma_semaphore, #tpu.memory_space<semaphore_mem>>)
      %dma_start3A_191 = arith.constant 12 : i32
      %dma_start3A_192 = arith.constant 0 : i32
      %dma_start3A_193 = arith.constant 12 : i32
      %dma_start3A_194 = arith.constant 12 : i32
      %dma_start3A_195 = arith.constant 0 : i32
      %dma_start3A_196 = tpu.memref_slice %arg6[%dma_start3A_194, %dma_start3A_195] : memref<26x64xf32, #tpu.memory_space<vmem>> -> memref<1x64xf32, #tpu.memory_space<vmem>>
      %dma_start3A_197 = tpu.memref_squeeze %dma_start3A_196 : memref<1x64xf32, #tpu.memory_space<vmem>> -> memref<64xf32, #tpu.memory_space<vmem>>
      %dma_start3A_198 = arith.constant 0 : i32
      %dma_start3A_199 = tpu.memref_slice %arg5[%dma_start3A_193, %dma_start3A_198] : memref<26x64xi32, #tpu.memory_space<vmem>> -> memref<1x64xi32, #tpu.memory_space<vmem>>
      %dma_start3A_200 = tpu.memref_squeeze %dma_start3A_199 : memref<1x64xi32, #tpu.memory_space<vmem>> -> memref<64xi32, #tpu.memory_space<vmem>>
      %dma_start3A_201 = arith.constant 0 : i32
      %dma_start3A_202 = tpu.memref_slice %arg3[%dma_start3A_191, %dma_start3A_192, %dma_start3A_201] : memref<26x1x100000xf32, #tpu.memory_space<hbm>> -> memref<1x1x100000xf32, #tpu.memory_space<hbm>>
      %dma_start3A_203 = tpu.memref_squeeze %dma_start3A_202 : memref<1x1x100000xf32, #tpu.memory_space<hbm>> -> memref<100000xf32, #tpu.memory_space<hbm>>
      %dma_start3A_204 = arith.constant 0 : i32
      %dma_start3A_205 = tpu.memref_slice %dma_start3A_203[%dma_start3A_204] : memref<100000xf32, #tpu.memory_space<hbm>> -> memref<100000xf32, #tpu.memory_space<hbm>>
      tpu.enqueue_indirect_dma source(%dma_start3A_205 : memref<100000xf32, #tpu.memory_space<hbm>>) target(%dma_start3A_197 : memref<64xf32, #tpu.memory_space<vmem>>) offsets(%dma_start3A_200 : memref<64xi32, #tpu.memory_space<vmem>>) semaphore(%arg7 : memref<!tpu.dma_semaphore, #tpu.memory_space<semaphore_mem>>)
      %dma_start3A_206 = arith.constant 13 : i32
      %dma_start3A_207 = arith.constant 0 : i32
      %dma_start3A_208 = arith.constant 13 : i32
      %dma_start3A_209 = arith.constant 13 : i32
      %dma_start3A_210 = arith.constant 0 : i32
      %dma_start3A_211 = tpu.memref_slice %arg6[%dma_start3A_209, %dma_start3A_210] : memref<26x64xf32, #tpu.memory_space<vmem>> -> memref<1x64xf32, #tpu.memory_space<vmem>>
      %dma_start3A_212 = tpu.memref_squeeze %dma_start3A_211 : memref<1x64xf32, #tpu.memory_space<vmem>> -> memref<64xf32, #tpu.memory_space<vmem>>
      %dma_start3A_213 = arith.constant 0 : i32
      %dma_start3A_214 = tpu.memref_slice %arg5[%dma_start3A_208, %dma_start3A_213] : memref<26x64xi32, #tpu.memory_space<vmem>> -> memref<1x64xi32, #tpu.memory_space<vmem>>
      %dma_start3A_215 = tpu.memref_squeeze %dma_start3A_214 : memref<1x64xi32, #tpu.memory_space<vmem>> -> memref<64xi32, #tpu.memory_space<vmem>>
      %dma_start3A_216 = arith.constant 0 : i32
      %dma_start3A_217 = tpu.memref_slice %arg3[%dma_start3A_206, %dma_start3A_207, %dma_start3A_216] : memref<26x1x100000xf32, #tpu.memory_space<hbm>> -> memref<1x1x100000xf32, #tpu.memory_space<hbm>>
      %dma_start3A_218 = tpu.memref_squeeze %dma_start3A_217 : memref<1x1x100000xf32, #tpu.memory_space<hbm>> -> memref<100000xf32, #tpu.memory_space<hbm>>
      %dma_start3A_219 = arith.constant 0 : i32
      %dma_start3A_220 = tpu.memref_slice %dma_start3A_218[%dma_start3A_219] : memref<100000xf32, #tpu.memory_space<hbm>> -> memref<100000xf32, #tpu.memory_space<hbm>>
      tpu.enqueue_indirect_dma source(%dma_start3A_220 : memref<100000xf32, #tpu.memory_space<hbm>>) target(%dma_start3A_212 : memref<64xf32, #tpu.memory_space<vmem>>) offsets(%dma_start3A_215 : memref<64xi32, #tpu.memory_space<vmem>>) semaphore(%arg7 : memref<!tpu.dma_semaphore, #tpu.memory_space<semaphore_mem>>)
      %dma_start3A_221 = arith.constant 14 : i32
      %dma_start3A_222 = arith.constant 0 : i32
      %dma_start3A_223 = arith.constant 14 : i32
      %dma_start3A_224 = arith.constant 14 : i32
      %dma_start3A_225 = arith.constant 0 : i32
      %dma_start3A_226 = tpu.memref_slice %arg6[%dma_start3A_224, %dma_start3A_225] : memref<26x64xf32, #tpu.memory_space<vmem>> -> memref<1x64xf32, #tpu.memory_space<vmem>>
      %dma_start3A_227 = tpu.memref_squeeze %dma_start3A_226 : memref<1x64xf32, #tpu.memory_space<vmem>> -> memref<64xf32, #tpu.memory_space<vmem>>
      %dma_start3A_228 = arith.constant 0 : i32
      %dma_start3A_229 = tpu.memref_slice %arg5[%dma_start3A_223, %dma_start3A_228] : memref<26x64xi32, #tpu.memory_space<vmem>> -> memref<1x64xi32, #tpu.memory_space<vmem>>
      %dma_start3A_230 = tpu.memref_squeeze %dma_start3A_229 : memref<1x64xi32, #tpu.memory_space<vmem>> -> memref<64xi32, #tpu.memory_space<vmem>>
      %dma_start3A_231 = arith.constant 0 : i32
      %dma_start3A_232 = tpu.memref_slice %arg3[%dma_start3A_221, %dma_start3A_222, %dma_start3A_231] : memref<26x1x100000xf32, #tpu.memory_space<hbm>> -> memref<1x1x100000xf32, #tpu.memory_space<hbm>>
      %dma_start3A_233 = tpu.memref_squeeze %dma_start3A_232 : memref<1x1x100000xf32, #tpu.memory_space<hbm>> -> memref<100000xf32, #tpu.memory_space<hbm>>
      %dma_start3A_234 = arith.constant 0 : i32
      %dma_start3A_235 = tpu.memref_slice %dma_start3A_233[%dma_start3A_234] : memref<100000xf32, #tpu.memory_space<hbm>> -> memref<100000xf32, #tpu.memory_space<hbm>>
      tpu.enqueue_indirect_dma source(%dma_start3A_235 : memref<100000xf32, #tpu.memory_space<hbm>>) target(%dma_start3A_227 : memref<64xf32, #tpu.memory_space<vmem>>) offsets(%dma_start3A_230 : memref<64xi32, #tpu.memory_space<vmem>>) semaphore(%arg7 : memref<!tpu.dma_semaphore, #tpu.memory_space<semaphore_mem>>)
      %dma_start3A_236 = arith.constant 15 : i32
      %dma_start3A_237 = arith.constant 0 : i32
      %dma_start3A_238 = arith.constant 15 : i32
      %dma_start3A_239 = arith.constant 15 : i32
      %dma_start3A_240 = arith.constant 0 : i32
      %dma_start3A_241 = tpu.memref_slice %arg6[%dma_start3A_239, %dma_start3A_240] : memref<26x64xf32, #tpu.memory_space<vmem>> -> memref<1x64xf32, #tpu.memory_space<vmem>>
      %dma_start3A_242 = tpu.memref_squeeze %dma_start3A_241 : memref<1x64xf32, #tpu.memory_space<vmem>> -> memref<64xf32, #tpu.memory_space<vmem>>
      %dma_start3A_243 = arith.constant 0 : i32
      %dma_start3A_244 = tpu.memref_slice %arg5[%dma_start3A_238, %dma_start3A_243] : memref<26x64xi32, #tpu.memory_space<vmem>> -> memref<1x64xi32, #tpu.memory_space<vmem>>
      %dma_start3A_245 = tpu.memref_squeeze %dma_start3A_244 : memref<1x64xi32, #tpu.memory_space<vmem>> -> memref<64xi32, #tpu.memory_space<vmem>>
      %dma_start3A_246 = arith.constant 0 : i32
      %dma_start3A_247 = tpu.memref_slice %arg3[%dma_start3A_236, %dma_start3A_237, %dma_start3A_246] : memref<26x1x100000xf32, #tpu.memory_space<hbm>> -> memref<1x1x100000xf32, #tpu.memory_space<hbm>>
      %dma_start3A_248 = tpu.memref_squeeze %dma_start3A_247 : memref<1x1x100000xf32, #tpu.memory_space<hbm>> -> memref<100000xf32, #tpu.memory_space<hbm>>
      %dma_start3A_249 = arith.constant 0 : i32
      %dma_start3A_250 = tpu.memref_slice %dma_start3A_248[%dma_start3A_249] : memref<100000xf32, #tpu.memory_space<hbm>> -> memref<100000xf32, #tpu.memory_space<hbm>>
      tpu.enqueue_indirect_dma source(%dma_start3A_250 : memref<100000xf32, #tpu.memory_space<hbm>>) target(%dma_start3A_242 : memref<64xf32, #tpu.memory_space<vmem>>) offsets(%dma_start3A_245 : memref<64xi32, #tpu.memory_space<vmem>>) semaphore(%arg7 : memref<!tpu.dma_semaphore, #tpu.memory_space<semaphore_mem>>)
      %dma_start3A_251 = arith.constant 16 : i32
      %dma_start3A_252 = arith.constant 0 : i32
      %dma_start3A_253 = arith.constant 16 : i32
      %dma_start3A_254 = arith.constant 16 : i32
      %dma_start3A_255 = arith.constant 0 : i32
      %dma_start3A_256 = tpu.memref_slice %arg6[%dma_start3A_254, %dma_start3A_255] : memref<26x64xf32, #tpu.memory_space<vmem>> -> memref<1x64xf32, #tpu.memory_space<vmem>>
      %dma_start3A_257 = tpu.memref_squeeze %dma_start3A_256 : memref<1x64xf32, #tpu.memory_space<vmem>> -> memref<64xf32, #tpu.memory_space<vmem>>
      %dma_start3A_258 = arith.constant 0 : i32
      %dma_start3A_259 = tpu.memref_slice %arg5[%dma_start3A_253, %dma_start3A_258] : memref<26x64xi32, #tpu.memory_space<vmem>> -> memref<1x64xi32, #tpu.memory_space<vmem>>
      %dma_start3A_260 = tpu.memref_squeeze %dma_start3A_259 : memref<1x64xi32, #tpu.memory_space<vmem>> -> memref<64xi32, #tpu.memory_space<vmem>>
      %dma_start3A_261 = arith.constant 0 : i32
      %dma_start3A_262 = tpu.memref_slice %arg3[%dma_start3A_251, %dma_start3A_252, %dma_start3A_261] : memref<26x1x100000xf32, #tpu.memory_space<hbm>> -> memref<1x1x100000xf32, #tpu.memory_space<hbm>>
      %dma_start3A_263 = tpu.memref_squeeze %dma_start3A_262 : memref<1x1x100000xf32, #tpu.memory_space<hbm>> -> memref<100000xf32, #tpu.memory_space<hbm>>
      %dma_start3A_264 = arith.constant 0 : i32
      %dma_start3A_265 = tpu.memref_slice %dma_start3A_263[%dma_start3A_264] : memref<100000xf32, #tpu.memory_space<hbm>> -> memref<100000xf32, #tpu.memory_space<hbm>>
      tpu.enqueue_indirect_dma source(%dma_start3A_265 : memref<100000xf32, #tpu.memory_space<hbm>>) target(%dma_start3A_257 : memref<64xf32, #tpu.memory_space<vmem>>) offsets(%dma_start3A_260 : memref<64xi32, #tpu.memory_space<vmem>>) semaphore(%arg7 : memref<!tpu.dma_semaphore, #tpu.memory_space<semaphore_mem>>)
      %dma_start3A_266 = arith.constant 17 : i32
      %dma_start3A_267 = arith.constant 0 : i32
      %dma_start3A_268 = arith.constant 17 : i32
      %dma_start3A_269 = arith.constant 17 : i32
      %dma_start3A_270 = arith.constant 0 : i32
      %dma_start3A_271 = tpu.memref_slice %arg6[%dma_start3A_269, %dma_start3A_270] : memref<26x64xf32, #tpu.memory_space<vmem>> -> memref<1x64xf32, #tpu.memory_space<vmem>>
      %dma_start3A_272 = tpu.memref_squeeze %dma_start3A_271 : memref<1x64xf32, #tpu.memory_space<vmem>> -> memref<64xf32, #tpu.memory_space<vmem>>
      %dma_start3A_273 = arith.constant 0 : i32
      %dma_start3A_274 = tpu.memref_slice %arg5[%dma_start3A_268, %dma_start3A_273] : memref<26x64xi32, #tpu.memory_space<vmem>> -> memref<1x64xi32, #tpu.memory_space<vmem>>
      %dma_start3A_275 = tpu.memref_squeeze %dma_start3A_274 : memref<1x64xi32, #tpu.memory_space<vmem>> -> memref<64xi32, #tpu.memory_space<vmem>>
      %dma_start3A_276 = arith.constant 0 : i32
      %dma_start3A_277 = tpu.memref_slice %arg3[%dma_start3A_266, %dma_start3A_267, %dma_start3A_276] : memref<26x1x100000xf32, #tpu.memory_space<hbm>> -> memref<1x1x100000xf32, #tpu.memory_space<hbm>>
      %dma_start3A_278 = tpu.memref_squeeze %dma_start3A_277 : memref<1x1x100000xf32, #tpu.memory_space<hbm>> -> memref<100000xf32, #tpu.memory_space<hbm>>
      %dma_start3A_279 = arith.constant 0 : i32
      %dma_start3A_280 = tpu.memref_slice %dma_start3A_278[%dma_start3A_279] : memref<100000xf32, #tpu.memory_space<hbm>> -> memref<100000xf32, #tpu.memory_space<hbm>>
      tpu.enqueue_indirect_dma source(%dma_start3A_280 : memref<100000xf32, #tpu.memory_space<hbm>>) target(%dma_start3A_272 : memref<64xf32, #tpu.memory_space<vmem>>) offsets(%dma_start3A_275 : memref<64xi32, #tpu.memory_space<vmem>>) semaphore(%arg7 : memref<!tpu.dma_semaphore, #tpu.memory_space<semaphore_mem>>)
      %dma_start3A_281 = arith.constant 18 : i32
      %dma_start3A_282 = arith.constant 0 : i32
      %dma_start3A_283 = arith.constant 18 : i32
      %dma_start3A_284 = arith.constant 18 : i32
      %dma_start3A_285 = arith.constant 0 : i32
      %dma_start3A_286 = tpu.memref_slice %arg6[%dma_start3A_284, %dma_start3A_285] : memref<26x64xf32, #tpu.memory_space<vmem>> -> memref<1x64xf32, #tpu.memory_space<vmem>>
      %dma_start3A_287 = tpu.memref_squeeze %dma_start3A_286 : memref<1x64xf32, #tpu.memory_space<vmem>> -> memref<64xf32, #tpu.memory_space<vmem>>
      %dma_start3A_288 = arith.constant 0 : i32
      %dma_start3A_289 = tpu.memref_slice %arg5[%dma_start3A_283, %dma_start3A_288] : memref<26x64xi32, #tpu.memory_space<vmem>> -> memref<1x64xi32, #tpu.memory_space<vmem>>
      %dma_start3A_290 = tpu.memref_squeeze %dma_start3A_289 : memref<1x64xi32, #tpu.memory_space<vmem>> -> memref<64xi32, #tpu.memory_space<vmem>>
      %dma_start3A_291 = arith.constant 0 : i32
      %dma_start3A_292 = tpu.memref_slice %arg3[%dma_start3A_281, %dma_start3A_282, %dma_start3A_291] : memref<26x1x100000xf32, #tpu.memory_space<hbm>> -> memref<1x1x100000xf32, #tpu.memory_space<hbm>>
      %dma_start3A_293 = tpu.memref_squeeze %dma_start3A_292 : memref<1x1x100000xf32, #tpu.memory_space<hbm>> -> memref<100000xf32, #tpu.memory_space<hbm>>
      %dma_start3A_294 = arith.constant 0 : i32
      %dma_start3A_295 = tpu.memref_slice %dma_start3A_293[%dma_start3A_294] : memref<100000xf32, #tpu.memory_space<hbm>> -> memref<100000xf32, #tpu.memory_space<hbm>>
      tpu.enqueue_indirect_dma source(%dma_start3A_295 : memref<100000xf32, #tpu.memory_space<hbm>>) target(%dma_start3A_287 : memref<64xf32, #tpu.memory_space<vmem>>) offsets(%dma_start3A_290 : memref<64xi32, #tpu.memory_space<vmem>>) semaphore(%arg7 : memref<!tpu.dma_semaphore, #tpu.memory_space<semaphore_mem>>)
      %dma_start3A_296 = arith.constant 19 : i32
      %dma_start3A_297 = arith.constant 0 : i32
      %dma_start3A_298 = arith.constant 19 : i32
      %dma_start3A_299 = arith.constant 19 : i32
      %dma_start3A_300 = arith.constant 0 : i32
      %dma_start3A_301 = tpu.memref_slice %arg6[%dma_start3A_299, %dma_start3A_300] : memref<26x64xf32, #tpu.memory_space<vmem>> -> memref<1x64xf32, #tpu.memory_space<vmem>>
      %dma_start3A_302 = tpu.memref_squeeze %dma_start3A_301 : memref<1x64xf32, #tpu.memory_space<vmem>> -> memref<64xf32, #tpu.memory_space<vmem>>
      %dma_start3A_303 = arith.constant 0 : i32
      %dma_start3A_304 = tpu.memref_slice %arg5[%dma_start3A_298, %dma_start3A_303] : memref<26x64xi32, #tpu.memory_space<vmem>> -> memref<1x64xi32, #tpu.memory_space<vmem>>
      %dma_start3A_305 = tpu.memref_squeeze %dma_start3A_304 : memref<1x64xi32, #tpu.memory_space<vmem>> -> memref<64xi32, #tpu.memory_space<vmem>>
      %dma_start3A_306 = arith.constant 0 : i32
      %dma_start3A_307 = tpu.memref_slice %arg3[%dma_start3A_296, %dma_start3A_297, %dma_start3A_306] : memref<26x1x100000xf32, #tpu.memory_space<hbm>> -> memref<1x1x100000xf32, #tpu.memory_space<hbm>>
      %dma_start3A_308 = tpu.memref_squeeze %dma_start3A_307 : memref<1x1x100000xf32, #tpu.memory_space<hbm>> -> memref<100000xf32, #tpu.memory_space<hbm>>
      %dma_start3A_309 = arith.constant 0 : i32
      %dma_start3A_310 = tpu.memref_slice %dma_start3A_308[%dma_start3A_309] : memref<100000xf32, #tpu.memory_space<hbm>> -> memref<100000xf32, #tpu.memory_space<hbm>>
      tpu.enqueue_indirect_dma source(%dma_start3A_310 : memref<100000xf32, #tpu.memory_space<hbm>>) target(%dma_start3A_302 : memref<64xf32, #tpu.memory_space<vmem>>) offsets(%dma_start3A_305 : memref<64xi32, #tpu.memory_space<vmem>>) semaphore(%arg7 : memref<!tpu.dma_semaphore, #tpu.memory_space<semaphore_mem>>)
      %dma_start3A_311 = arith.constant 20 : i32
      %dma_start3A_312 = arith.constant 0 : i32
      %dma_start3A_313 = arith.constant 20 : i32
      %dma_start3A_314 = arith.constant 20 : i32
      %dma_start3A_315 = arith.constant 0 : i32
      %dma_start3A_316 = tpu.memref_slice %arg6[%dma_start3A_314, %dma_start3A_315] : memref<26x64xf32, #tpu.memory_space<vmem>> -> memref<1x64xf32, #tpu.memory_space<vmem>>
      %dma_start3A_317 = tpu.memref_squeeze %dma_start3A_316 : memref<1x64xf32, #tpu.memory_space<vmem>> -> memref<64xf32, #tpu.memory_space<vmem>>
      %dma_start3A_318 = arith.constant 0 : i32
      %dma_start3A_319 = tpu.memref_slice %arg5[%dma_start3A_313, %dma_start3A_318] : memref<26x64xi32, #tpu.memory_space<vmem>> -> memref<1x64xi32, #tpu.memory_space<vmem>>
      %dma_start3A_320 = tpu.memref_squeeze %dma_start3A_319 : memref<1x64xi32, #tpu.memory_space<vmem>> -> memref<64xi32, #tpu.memory_space<vmem>>
      %dma_start3A_321 = arith.constant 0 : i32
      %dma_start3A_322 = tpu.memref_slice %arg3[%dma_start3A_311, %dma_start3A_312, %dma_start3A_321] : memref<26x1x100000xf32, #tpu.memory_space<hbm>> -> memref<1x1x100000xf32, #tpu.memory_space<hbm>>
      %dma_start3A_323 = tpu.memref_squeeze %dma_start3A_322 : memref<1x1x100000xf32, #tpu.memory_space<hbm>> -> memref<100000xf32, #tpu.memory_space<hbm>>
      %dma_start3A_324 = arith.constant 0 : i32
      %dma_start3A_325 = tpu.memref_slice %dma_start3A_323[%dma_start3A_324] : memref<100000xf32, #tpu.memory_space<hbm>> -> memref<100000xf32, #tpu.memory_space<hbm>>
      tpu.enqueue_indirect_dma source(%dma_start3A_325 : memref<100000xf32, #tpu.memory_space<hbm>>) target(%dma_start3A_317 : memref<64xf32, #tpu.memory_space<vmem>>) offsets(%dma_start3A_320 : memref<64xi32, #tpu.memory_space<vmem>>) semaphore(%arg7 : memref<!tpu.dma_semaphore, #tpu.memory_space<semaphore_mem>>)
      %dma_start3A_326 = arith.constant 21 : i32
      %dma_start3A_327 = arith.constant 0 : i32
      %dma_start3A_328 = arith.constant 21 : i32
      %dma_start3A_329 = arith.constant 21 : i32
      %dma_start3A_330 = arith.constant 0 : i32
      %dma_start3A_331 = tpu.memref_slice %arg6[%dma_start3A_329, %dma_start3A_330] : memref<26x64xf32, #tpu.memory_space<vmem>> -> memref<1x64xf32, #tpu.memory_space<vmem>>
      %dma_start3A_332 = tpu.memref_squeeze %dma_start3A_331 : memref<1x64xf32, #tpu.memory_space<vmem>> -> memref<64xf32, #tpu.memory_space<vmem>>
      %dma_start3A_333 = arith.constant 0 : i32
      %dma_start3A_334 = tpu.memref_slice %arg5[%dma_start3A_328, %dma_start3A_333] : memref<26x64xi32, #tpu.memory_space<vmem>> -> memref<1x64xi32, #tpu.memory_space<vmem>>
      %dma_start3A_335 = tpu.memref_squeeze %dma_start3A_334 : memref<1x64xi32, #tpu.memory_space<vmem>> -> memref<64xi32, #tpu.memory_space<vmem>>
      %dma_start3A_336 = arith.constant 0 : i32
      %dma_start3A_337 = tpu.memref_slice %arg3[%dma_start3A_326, %dma_start3A_327, %dma_start3A_336] : memref<26x1x100000xf32, #tpu.memory_space<hbm>> -> memref<1x1x100000xf32, #tpu.memory_space<hbm>>
      %dma_start3A_338 = tpu.memref_squeeze %dma_start3A_337 : memref<1x1x100000xf32, #tpu.memory_space<hbm>> -> memref<100000xf32, #tpu.memory_space<hbm>>
      %dma_start3A_339 = arith.constant 0 : i32
      %dma_start3A_340 = tpu.memref_slice %dma_start3A_338[%dma_start3A_339] : memref<100000xf32, #tpu.memory_space<hbm>> -> memref<100000xf32, #tpu.memory_space<hbm>>
      tpu.enqueue_indirect_dma source(%dma_start3A_340 : memref<100000xf32, #tpu.memory_space<hbm>>) target(%dma_start3A_332 : memref<64xf32, #tpu.memory_space<vmem>>) offsets(%dma_start3A_335 : memref<64xi32, #tpu.memory_space<vmem>>) semaphore(%arg7 : memref<!tpu.dma_semaphore, #tpu.memory_space<semaphore_mem>>)
      %dma_start3A_341 = arith.constant 22 : i32
      %dma_start3A_342 = arith.constant 0 : i32
      %dma_start3A_343 = arith.constant 22 : i32
      %dma_start3A_344 = arith.constant 22 : i32
      %dma_start3A_345 = arith.constant 0 : i32
      %dma_start3A_346 = tpu.memref_slice %arg6[%dma_start3A_344, %dma_start3A_345] : memref<26x64xf32, #tpu.memory_space<vmem>> -> memref<1x64xf32, #tpu.memory_space<vmem>>
      %dma_start3A_347 = tpu.memref_squeeze %dma_start3A_346 : memref<1x64xf32, #tpu.memory_space<vmem>> -> memref<64xf32, #tpu.memory_space<vmem>>
      %dma_start3A_348 = arith.constant 0 : i32
      %dma_start3A_349 = tpu.memref_slice %arg5[%dma_start3A_343, %dma_start3A_348] : memref<26x64xi32, #tpu.memory_space<vmem>> -> memref<1x64xi32, #tpu.memory_space<vmem>>
      %dma_start3A_350 = tpu.memref_squeeze %dma_start3A_349 : memref<1x64xi32, #tpu.memory_space<vmem>> -> memref<64xi32, #tpu.memory_space<vmem>>
      %dma_start3A_351 = arith.constant 0 : i32
      %dma_start3A_352 = tpu.memref_slice %arg3[%dma_start3A_341, %dma_start3A_342, %dma_start3A_351] : memref<26x1x100000xf32, #tpu.memory_space<hbm>> -> memref<1x1x100000xf32, #tpu.memory_space<hbm>>
      %dma_start3A_353 = tpu.memref_squeeze %dma_start3A_352 : memref<1x1x100000xf32, #tpu.memory_space<hbm>> -> memref<100000xf32, #tpu.memory_space<hbm>>
      %dma_start3A_354 = arith.constant 0 : i32
      %dma_start3A_355 = tpu.memref_slice %dma_start3A_353[%dma_start3A_354] : memref<100000xf32, #tpu.memory_space<hbm>> -> memref<100000xf32, #tpu.memory_space<hbm>>
      tpu.enqueue_indirect_dma source(%dma_start3A_355 : memref<100000xf32, #tpu.memory_space<hbm>>) target(%dma_start3A_347 : memref<64xf32, #tpu.memory_space<vmem>>) offsets(%dma_start3A_350 : memref<64xi32, #tpu.memory_space<vmem>>) semaphore(%arg7 : memref<!tpu.dma_semaphore, #tpu.memory_space<semaphore_mem>>)
      %dma_start3A_356 = arith.constant 23 : i32
      %dma_start3A_357 = arith.constant 0 : i32
      %dma_start3A_358 = arith.constant 23 : i32
      %dma_start3A_359 = arith.constant 23 : i32
      %dma_start3A_360 = arith.constant 0 : i32
      %dma_start3A_361 = tpu.memref_slice %arg6[%dma_start3A_359, %dma_start3A_360] : memref<26x64xf32, #tpu.memory_space<vmem>> -> memref<1x64xf32, #tpu.memory_space<vmem>>
      %dma_start3A_362 = tpu.memref_squeeze %dma_start3A_361 : memref<1x64xf32, #tpu.memory_space<vmem>> -> memref<64xf32, #tpu.memory_space<vmem>>
      %dma_start3A_363 = arith.constant 0 : i32
      %dma_start3A_364 = tpu.memref_slice %arg5[%dma_start3A_358, %dma_start3A_363] : memref<26x64xi32, #tpu.memory_space<vmem>> -> memref<1x64xi32, #tpu.memory_space<vmem>>
      %dma_start3A_365 = tpu.memref_squeeze %dma_start3A_364 : memref<1x64xi32, #tpu.memory_space<vmem>> -> memref<64xi32, #tpu.memory_space<vmem>>
      %dma_start3A_366 = arith.constant 0 : i32
      %dma_start3A_367 = tpu.memref_slice %arg3[%dma_start3A_356, %dma_start3A_357, %dma_start3A_366] : memref<26x1x100000xf32, #tpu.memory_space<hbm>> -> memref<1x1x100000xf32, #tpu.memory_space<hbm>>
      %dma_start3A_368 = tpu.memref_squeeze %dma_start3A_367 : memref<1x1x100000xf32, #tpu.memory_space<hbm>> -> memref<100000xf32, #tpu.memory_space<hbm>>
      %dma_start3A_369 = arith.constant 0 : i32
      %dma_start3A_370 = tpu.memref_slice %dma_start3A_368[%dma_start3A_369] : memref<100000xf32, #tpu.memory_space<hbm>> -> memref<100000xf32, #tpu.memory_space<hbm>>
      tpu.enqueue_indirect_dma source(%dma_start3A_370 : memref<100000xf32, #tpu.memory_space<hbm>>) target(%dma_start3A_362 : memref<64xf32, #tpu.memory_space<vmem>>) offsets(%dma_start3A_365 : memref<64xi32, #tpu.memory_space<vmem>>) semaphore(%arg7 : memref<!tpu.dma_semaphore, #tpu.memory_space<semaphore_mem>>)
      %dma_start3A_371 = arith.constant 24 : i32
      %dma_start3A_372 = arith.constant 0 : i32
      %dma_start3A_373 = arith.constant 24 : i32
      %dma_start3A_374 = arith.constant 24 : i32
      %dma_start3A_375 = arith.constant 0 : i32
      %dma_start3A_376 = tpu.memref_slice %arg6[%dma_start3A_374, %dma_start3A_375] : memref<26x64xf32, #tpu.memory_space<vmem>> -> memref<1x64xf32, #tpu.memory_space<vmem>>
      %dma_start3A_377 = tpu.memref_squeeze %dma_start3A_376 : memref<1x64xf32, #tpu.memory_space<vmem>> -> memref<64xf32, #tpu.memory_space<vmem>>
      %dma_start3A_378 = arith.constant 0 : i32
      %dma_start3A_379 = tpu.memref_slice %arg5[%dma_start3A_373, %dma_start3A_378] : memref<26x64xi32, #tpu.memory_space<vmem>> -> memref<1x64xi32, #tpu.memory_space<vmem>>
      %dma_start3A_380 = tpu.memref_squeeze %dma_start3A_379 : memref<1x64xi32, #tpu.memory_space<vmem>> -> memref<64xi32, #tpu.memory_space<vmem>>
      %dma_start3A_381 = arith.constant 0 : i32
      %dma_start3A_382 = tpu.memref_slice %arg3[%dma_start3A_371, %dma_start3A_372, %dma_start3A_381] : memref<26x1x100000xf32, #tpu.memory_space<hbm>> -> memref<1x1x100000xf32, #tpu.memory_space<hbm>>
      %dma_start3A_383 = tpu.memref_squeeze %dma_start3A_382 : memref<1x1x100000xf32, #tpu.memory_space<hbm>> -> memref<100000xf32, #tpu.memory_space<hbm>>
      %dma_start3A_384 = arith.constant 0 : i32
      %dma_start3A_385 = tpu.memref_slice %dma_start3A_383[%dma_start3A_384] : memref<100000xf32, #tpu.memory_space<hbm>> -> memref<100000xf32, #tpu.memory_space<hbm>>
      tpu.enqueue_indirect_dma source(%dma_start3A_385 : memref<100000xf32, #tpu.memory_space<hbm>>) target(%dma_start3A_377 : memref<64xf32, #tpu.memory_space<vmem>>) offsets(%dma_start3A_380 : memref<64xi32, #tpu.memory_space<vmem>>) semaphore(%arg7 : memref<!tpu.dma_semaphore, #tpu.memory_space<semaphore_mem>>)
      %dma_start3A_386 = arith.constant 25 : i32
      %dma_start3A_387 = arith.constant 0 : i32
      %dma_start3A_388 = arith.constant 25 : i32
      %dma_start3A_389 = arith.constant 25 : i32
      %dma_start3A_390 = arith.constant 0 : i32
      %dma_start3A_391 = tpu.memref_slice %arg6[%dma_start3A_389, %dma_start3A_390] : memref<26x64xf32, #tpu.memory_space<vmem>> -> memref<1x64xf32, #tpu.memory_space<vmem>>
      %dma_start3A_392 = tpu.memref_squeeze %dma_start3A_391 : memref<1x64xf32, #tpu.memory_space<vmem>> -> memref<64xf32, #tpu.memory_space<vmem>>
      %dma_start3A_393 = arith.constant 0 : i32
      %dma_start3A_394 = tpu.memref_slice %arg5[%dma_start3A_388, %dma_start3A_393] : memref<26x64xi32, #tpu.memory_space<vmem>> -> memref<1x64xi32, #tpu.memory_space<vmem>>
      %dma_start3A_395 = tpu.memref_squeeze %dma_start3A_394 : memref<1x64xi32, #tpu.memory_space<vmem>> -> memref<64xi32, #tpu.memory_space<vmem>>
      %dma_start3A_396 = arith.constant 0 : i32
      %dma_start3A_397 = tpu.memref_slice %arg3[%dma_start3A_386, %dma_start3A_387, %dma_start3A_396] : memref<26x1x100000xf32, #tpu.memory_space<hbm>> -> memref<1x1x100000xf32, #tpu.memory_space<hbm>>
      %dma_start3A_398 = tpu.memref_squeeze %dma_start3A_397 : memref<1x1x100000xf32, #tpu.memory_space<hbm>> -> memref<100000xf32, #tpu.memory_space<hbm>>
      %dma_start3A_399 = arith.constant 0 : i32
      %dma_start3A_400 = tpu.memref_slice %dma_start3A_398[%dma_start3A_399] : memref<100000xf32, #tpu.memory_space<hbm>> -> memref<100000xf32, #tpu.memory_space<hbm>>
      tpu.enqueue_indirect_dma source(%dma_start3A_400 : memref<100000xf32, #tpu.memory_space<hbm>>) target(%dma_start3A_392 : memref<64xf32, #tpu.memory_space<vmem>>) offsets(%dma_start3A_395 : memref<64xi32, #tpu.memory_space<vmem>>) semaphore(%arg7 : memref<!tpu.dma_semaphore, #tpu.memory_space<semaphore_mem>>)
      %dma_wait3A = arith.constant 0 : i32
      %dma_wait3A_401 = arith.constant 0 : i32
      %dma_wait3A_402 = arith.constant 0 : i32
      %dma_wait3A_403 = arith.constant 0 : i32
      %dma_wait3A_404 = arith.constant 0 : i32
      %dma_wait3A_405 = tpu.memref_slice %arg6[%dma_wait3A_403, %dma_wait3A_404] : memref<26x64xf32, #tpu.memory_space<vmem>> -> memref<1x64xf32, #tpu.memory_space<vmem>>
      %dma_wait3A_406 = tpu.memref_squeeze %dma_wait3A_405 : memref<1x64xf32, #tpu.memory_space<vmem>> -> memref<64xf32, #tpu.memory_space<vmem>>
      %dma_wait3A_407 = arith.constant 0 : i32
      %dma_wait3A_408 = tpu.memref_slice %arg5[%dma_wait3A_402, %dma_wait3A_407] : memref<26x64xi32, #tpu.memory_space<vmem>> -> memref<1x64xi32, #tpu.memory_space<vmem>>
      %dma_wait3A_409 = tpu.memref_squeeze %dma_wait3A_408 : memref<1x64xi32, #tpu.memory_space<vmem>> -> memref<64xi32, #tpu.memory_space<vmem>>
      %dma_wait3A_410 = arith.constant 0 : i32
      %dma_wait3A_411 = tpu.memref_slice %arg3[%dma_wait3A, %dma_wait3A_401, %dma_wait3A_410] : memref<26x1x100000xf32, #tpu.memory_space<hbm>> -> memref<1x1x100000xf32, #tpu.memory_space<hbm>>
      %dma_wait3A_412 = tpu.memref_squeeze %dma_wait3A_411 : memref<1x1x100000xf32, #tpu.memory_space<hbm>> -> memref<100000xf32, #tpu.memory_space<hbm>>
      %dma_wait3A_413 = arith.constant 0 : i32
      %dma_wait3A_414 = tpu.memref_slice %dma_wait3A_412[%dma_wait3A_413] : memref<100000xf32, #tpu.memory_space<hbm>> -> memref<100000xf32, #tpu.memory_space<hbm>>
      tpu.wait_indirect_dma semaphore(%arg7 : memref<!tpu.dma_semaphore, #tpu.memory_space<semaphore_mem>>) src(%dma_wait3A_414 : memref<100000xf32, #tpu.memory_space<hbm>>) dst(%dma_wait3A_406 : memref<64xf32, #tpu.memory_space<vmem>>)
      %dma_wait3A_415 = arith.constant 1 : i32
      %dma_wait3A_416 = arith.constant 0 : i32
      %dma_wait3A_417 = arith.constant 1 : i32
      %dma_wait3A_418 = arith.constant 1 : i32
      %dma_wait3A_419 = arith.constant 0 : i32
      %dma_wait3A_420 = tpu.memref_slice %arg6[%dma_wait3A_418, %dma_wait3A_419] : memref<26x64xf32, #tpu.memory_space<vmem>> -> memref<1x64xf32, #tpu.memory_space<vmem>>
      %dma_wait3A_421 = tpu.memref_squeeze %dma_wait3A_420 : memref<1x64xf32, #tpu.memory_space<vmem>> -> memref<64xf32, #tpu.memory_space<vmem>>
      %dma_wait3A_422 = arith.constant 0 : i32
      %dma_wait3A_423 = tpu.memref_slice %arg5[%dma_wait3A_417, %dma_wait3A_422] : memref<26x64xi32, #tpu.memory_space<vmem>> -> memref<1x64xi32, #tpu.memory_space<vmem>>
      %dma_wait3A_424 = tpu.memref_squeeze %dma_wait3A_423 : memref<1x64xi32, #tpu.memory_space<vmem>> -> memref<64xi32, #tpu.memory_space<vmem>>
      %dma_wait3A_425 = arith.constant 0 : i32
      %dma_wait3A_426 = tpu.memref_slice %arg3[%dma_wait3A_415, %dma_wait3A_416, %dma_wait3A_425] : memref<26x1x100000xf32, #tpu.memory_space<hbm>> -> memref<1x1x100000xf32, #tpu.memory_space<hbm>>
      %dma_wait3A_427 = tpu.memref_squeeze %dma_wait3A_426 : memref<1x1x100000xf32, #tpu.memory_space<hbm>> -> memref<100000xf32, #tpu.memory_space<hbm>>
      %dma_wait3A_428 = arith.constant 0 : i32
      %dma_wait3A_429 = tpu.memref_slice %dma_wait3A_427[%dma_wait3A_428] : memref<100000xf32, #tpu.memory_space<hbm>> -> memref<100000xf32, #tpu.memory_space<hbm>>
      tpu.wait_indirect_dma semaphore(%arg7 : memref<!tpu.dma_semaphore, #tpu.memory_space<semaphore_mem>>) src(%dma_wait3A_429 : memref<100000xf32, #tpu.memory_space<hbm>>) dst(%dma_wait3A_421 : memref<64xf32, #tpu.memory_space<vmem>>)
      %dma_wait3A_430 = arith.constant 2 : i32
      %dma_wait3A_431 = arith.constant 0 : i32
      %dma_wait3A_432 = arith.constant 2 : i32
      %dma_wait3A_433 = arith.constant 2 : i32
      %dma_wait3A_434 = arith.constant 0 : i32
      %dma_wait3A_435 = tpu.memref_slice %arg6[%dma_wait3A_433, %dma_wait3A_434] : memref<26x64xf32, #tpu.memory_space<vmem>> -> memref<1x64xf32, #tpu.memory_space<vmem>>
      %dma_wait3A_436 = tpu.memref_squeeze %dma_wait3A_435 : memref<1x64xf32, #tpu.memory_space<vmem>> -> memref<64xf32, #tpu.memory_space<vmem>>
      %dma_wait3A_437 = arith.constant 0 : i32
      %dma_wait3A_438 = tpu.memref_slice %arg5[%dma_wait3A_432, %dma_wait3A_437] : memref<26x64xi32, #tpu.memory_space<vmem>> -> memref<1x64xi32, #tpu.memory_space<vmem>>
      %dma_wait3A_439 = tpu.memref_squeeze %dma_wait3A_438 : memref<1x64xi32, #tpu.memory_space<vmem>> -> memref<64xi32, #tpu.memory_space<vmem>>
      %dma_wait3A_440 = arith.constant 0 : i32
      %dma_wait3A_441 = tpu.memref_slice %arg3[%dma_wait3A_430, %dma_wait3A_431, %dma_wait3A_440] : memref<26x1x100000xf32, #tpu.memory_space<hbm>> -> memref<1x1x100000xf32, #tpu.memory_space<hbm>>
      %dma_wait3A_442 = tpu.memref_squeeze %dma_wait3A_441 : memref<1x1x100000xf32, #tpu.memory_space<hbm>> -> memref<100000xf32, #tpu.memory_space<hbm>>
      %dma_wait3A_443 = arith.constant 0 : i32
      %dma_wait3A_444 = tpu.memref_slice %dma_wait3A_442[%dma_wait3A_443] : memref<100000xf32, #tpu.memory_space<hbm>> -> memref<100000xf32, #tpu.memory_space<hbm>>
      tpu.wait_indirect_dma semaphore(%arg7 : memref<!tpu.dma_semaphore, #tpu.memory_space<semaphore_mem>>) src(%dma_wait3A_444 : memref<100000xf32, #tpu.memory_space<hbm>>) dst(%dma_wait3A_436 : memref<64xf32, #tpu.memory_space<vmem>>)
      %dma_wait3A_445 = arith.constant 3 : i32
      %dma_wait3A_446 = arith.constant 0 : i32
      %dma_wait3A_447 = arith.constant 3 : i32
      %dma_wait3A_448 = arith.constant 3 : i32
      %dma_wait3A_449 = arith.constant 0 : i32
      %dma_wait3A_450 = tpu.memref_slice %arg6[%dma_wait3A_448, %dma_wait3A_449] : memref<26x64xf32, #tpu.memory_space<vmem>> -> memref<1x64xf32, #tpu.memory_space<vmem>>
      %dma_wait3A_451 = tpu.memref_squeeze %dma_wait3A_450 : memref<1x64xf32, #tpu.memory_space<vmem>> -> memref<64xf32, #tpu.memory_space<vmem>>
      %dma_wait3A_452 = arith.constant 0 : i32
      %dma_wait3A_453 = tpu.memref_slice %arg5[%dma_wait3A_447, %dma_wait3A_452] : memref<26x64xi32, #tpu.memory_space<vmem>> -> memref<1x64xi32, #tpu.memory_space<vmem>>
      %dma_wait3A_454 = tpu.memref_squeeze %dma_wait3A_453 : memref<1x64xi32, #tpu.memory_space<vmem>> -> memref<64xi32, #tpu.memory_space<vmem>>
      %dma_wait3A_455 = arith.constant 0 : i32
      %dma_wait3A_456 = tpu.memref_slice %arg3[%dma_wait3A_445, %dma_wait3A_446, %dma_wait3A_455] : memref<26x1x100000xf32, #tpu.memory_space<hbm>> -> memref<1x1x100000xf32, #tpu.memory_space<hbm>>
      %dma_wait3A_457 = tpu.memref_squeeze %dma_wait3A_456 : memref<1x1x100000xf32, #tpu.memory_space<hbm>> -> memref<100000xf32, #tpu.memory_space<hbm>>
      %dma_wait3A_458 = arith.constant 0 : i32
      %dma_wait3A_459 = tpu.memref_slice %dma_wait3A_457[%dma_wait3A_458] : memref<100000xf32, #tpu.memory_space<hbm>> -> memref<100000xf32, #tpu.memory_space<hbm>>
      tpu.wait_indirect_dma semaphore(%arg7 : memref<!tpu.dma_semaphore, #tpu.memory_space<semaphore_mem>>) src(%dma_wait3A_459 : memref<100000xf32, #tpu.memory_space<hbm>>) dst(%dma_wait3A_451 : memref<64xf32, #tpu.memory_space<vmem>>)
      %dma_wait3A_460 = arith.constant 4 : i32
      %dma_wait3A_461 = arith.constant 0 : i32
      %dma_wait3A_462 = arith.constant 4 : i32
      %dma_wait3A_463 = arith.constant 4 : i32
      %dma_wait3A_464 = arith.constant 0 : i32
      %dma_wait3A_465 = tpu.memref_slice %arg6[%dma_wait3A_463, %dma_wait3A_464] : memref<26x64xf32, #tpu.memory_space<vmem>> -> memref<1x64xf32, #tpu.memory_space<vmem>>
      %dma_wait3A_466 = tpu.memref_squeeze %dma_wait3A_465 : memref<1x64xf32, #tpu.memory_space<vmem>> -> memref<64xf32, #tpu.memory_space<vmem>>
      %dma_wait3A_467 = arith.constant 0 : i32
      %dma_wait3A_468 = tpu.memref_slice %arg5[%dma_wait3A_462, %dma_wait3A_467] : memref<26x64xi32, #tpu.memory_space<vmem>> -> memref<1x64xi32, #tpu.memory_space<vmem>>
      %dma_wait3A_469 = tpu.memref_squeeze %dma_wait3A_468 : memref<1x64xi32, #tpu.memory_space<vmem>> -> memref<64xi32, #tpu.memory_space<vmem>>
      %dma_wait3A_470 = arith.constant 0 : i32
      %dma_wait3A_471 = tpu.memref_slice %arg3[%dma_wait3A_460, %dma_wait3A_461, %dma_wait3A_470] : memref<26x1x100000xf32, #tpu.memory_space<hbm>> -> memref<1x1x100000xf32, #tpu.memory_space<hbm>>
      %dma_wait3A_472 = tpu.memref_squeeze %dma_wait3A_471 : memref<1x1x100000xf32, #tpu.memory_space<hbm>> -> memref<100000xf32, #tpu.memory_space<hbm>>
      %dma_wait3A_473 = arith.constant 0 : i32
      %dma_wait3A_474 = tpu.memref_slice %dma_wait3A_472[%dma_wait3A_473] : memref<100000xf32, #tpu.memory_space<hbm>> -> memref<100000xf32, #tpu.memory_space<hbm>>
      tpu.wait_indirect_dma semaphore(%arg7 : memref<!tpu.dma_semaphore, #tpu.memory_space<semaphore_mem>>) src(%dma_wait3A_474 : memref<100000xf32, #tpu.memory_space<hbm>>) dst(%dma_wait3A_466 : memref<64xf32, #tpu.memory_space<vmem>>)
      %dma_wait3A_475 = arith.constant 5 : i32
      %dma_wait3A_476 = arith.constant 0 : i32
      %dma_wait3A_477 = arith.constant 5 : i32
      %dma_wait3A_478 = arith.constant 5 : i32
      %dma_wait3A_479 = arith.constant 0 : i32
      %dma_wait3A_480 = tpu.memref_slice %arg6[%dma_wait3A_478, %dma_wait3A_479] : memref<26x64xf32, #tpu.memory_space<vmem>> -> memref<1x64xf32, #tpu.memory_space<vmem>>
      %dma_wait3A_481 = tpu.memref_squeeze %dma_wait3A_480 : memref<1x64xf32, #tpu.memory_space<vmem>> -> memref<64xf32, #tpu.memory_space<vmem>>
      %dma_wait3A_482 = arith.constant 0 : i32
      %dma_wait3A_483 = tpu.memref_slice %arg5[%dma_wait3A_477, %dma_wait3A_482] : memref<26x64xi32, #tpu.memory_space<vmem>> -> memref<1x64xi32, #tpu.memory_space<vmem>>
      %dma_wait3A_484 = tpu.memref_squeeze %dma_wait3A_483 : memref<1x64xi32, #tpu.memory_space<vmem>> -> memref<64xi32, #tpu.memory_space<vmem>>
      %dma_wait3A_485 = arith.constant 0 : i32
      %dma_wait3A_486 = tpu.memref_slice %arg3[%dma_wait3A_475, %dma_wait3A_476, %dma_wait3A_485] : memref<26x1x100000xf32, #tpu.memory_space<hbm>> -> memref<1x1x100000xf32, #tpu.memory_space<hbm>>
      %dma_wait3A_487 = tpu.memref_squeeze %dma_wait3A_486 : memref<1x1x100000xf32, #tpu.memory_space<hbm>> -> memref<100000xf32, #tpu.memory_space<hbm>>
      %dma_wait3A_488 = arith.constant 0 : i32
      %dma_wait3A_489 = tpu.memref_slice %dma_wait3A_487[%dma_wait3A_488] : memref<100000xf32, #tpu.memory_space<hbm>> -> memref<100000xf32, #tpu.memory_space<hbm>>
      tpu.wait_indirect_dma semaphore(%arg7 : memref<!tpu.dma_semaphore, #tpu.memory_space<semaphore_mem>>) src(%dma_wait3A_489 : memref<100000xf32, #tpu.memory_space<hbm>>) dst(%dma_wait3A_481 : memref<64xf32, #tpu.memory_space<vmem>>)
      %dma_wait3A_490 = arith.constant 6 : i32
      %dma_wait3A_491 = arith.constant 0 : i32
      %dma_wait3A_492 = arith.constant 6 : i32
      %dma_wait3A_493 = arith.constant 6 : i32
      %dma_wait3A_494 = arith.constant 0 : i32
      %dma_wait3A_495 = tpu.memref_slice %arg6[%dma_wait3A_493, %dma_wait3A_494] : memref<26x64xf32, #tpu.memory_space<vmem>> -> memref<1x64xf32, #tpu.memory_space<vmem>>
      %dma_wait3A_496 = tpu.memref_squeeze %dma_wait3A_495 : memref<1x64xf32, #tpu.memory_space<vmem>> -> memref<64xf32, #tpu.memory_space<vmem>>
      %dma_wait3A_497 = arith.constant 0 : i32
      %dma_wait3A_498 = tpu.memref_slice %arg5[%dma_wait3A_492, %dma_wait3A_497] : memref<26x64xi32, #tpu.memory_space<vmem>> -> memref<1x64xi32, #tpu.memory_space<vmem>>
      %dma_wait3A_499 = tpu.memref_squeeze %dma_wait3A_498 : memref<1x64xi32, #tpu.memory_space<vmem>> -> memref<64xi32, #tpu.memory_space<vmem>>
      %dma_wait3A_500 = arith.constant 0 : i32
      %dma_wait3A_501 = tpu.memref_slice %arg3[%dma_wait3A_490, %dma_wait3A_491, %dma_wait3A_500] : memref<26x1x100000xf32, #tpu.memory_space<hbm>> -> memref<1x1x100000xf32, #tpu.memory_space<hbm>>
      %dma_wait3A_502 = tpu.memref_squeeze %dma_wait3A_501 : memref<1x1x100000xf32, #tpu.memory_space<hbm>> -> memref<100000xf32, #tpu.memory_space<hbm>>
      %dma_wait3A_503 = arith.constant 0 : i32
      %dma_wait3A_504 = tpu.memref_slice %dma_wait3A_502[%dma_wait3A_503] : memref<100000xf32, #tpu.memory_space<hbm>> -> memref<100000xf32, #tpu.memory_space<hbm>>
      tpu.wait_indirect_dma semaphore(%arg7 : memref<!tpu.dma_semaphore, #tpu.memory_space<semaphore_mem>>) src(%dma_wait3A_504 : memref<100000xf32, #tpu.memory_space<hbm>>) dst(%dma_wait3A_496 : memref<64xf32, #tpu.memory_space<vmem>>)
      %dma_wait3A_505 = arith.constant 7 : i32
      %dma_wait3A_506 = arith.constant 0 : i32
      %dma_wait3A_507 = arith.constant 7 : i32
      %dma_wait3A_508 = arith.constant 7 : i32
      %dma_wait3A_509 = arith.constant 0 : i32
      %dma_wait3A_510 = tpu.memref_slice %arg6[%dma_wait3A_508, %dma_wait3A_509] : memref<26x64xf32, #tpu.memory_space<vmem>> -> memref<1x64xf32, #tpu.memory_space<vmem>>
      %dma_wait3A_511 = tpu.memref_squeeze %dma_wait3A_510 : memref<1x64xf32, #tpu.memory_space<vmem>> -> memref<64xf32, #tpu.memory_space<vmem>>
      %dma_wait3A_512 = arith.constant 0 : i32
      %dma_wait3A_513 = tpu.memref_slice %arg5[%dma_wait3A_507, %dma_wait3A_512] : memref<26x64xi32, #tpu.memory_space<vmem>> -> memref<1x64xi32, #tpu.memory_space<vmem>>
      %dma_wait3A_514 = tpu.memref_squeeze %dma_wait3A_513 : memref<1x64xi32, #tpu.memory_space<vmem>> -> memref<64xi32, #tpu.memory_space<vmem>>
      %dma_wait3A_515 = arith.constant 0 : i32
      %dma_wait3A_516 = tpu.memref_slice %arg3[%dma_wait3A_505, %dma_wait3A_506, %dma_wait3A_515] : memref<26x1x100000xf32, #tpu.memory_space<hbm>> -> memref<1x1x100000xf32, #tpu.memory_space<hbm>>
      %dma_wait3A_517 = tpu.memref_squeeze %dma_wait3A_516 : memref<1x1x100000xf32, #tpu.memory_space<hbm>> -> memref<100000xf32, #tpu.memory_space<hbm>>
      %dma_wait3A_518 = arith.constant 0 : i32
      %dma_wait3A_519 = tpu.memref_slice %dma_wait3A_517[%dma_wait3A_518] : memref<100000xf32, #tpu.memory_space<hbm>> -> memref<100000xf32, #tpu.memory_space<hbm>>
      tpu.wait_indirect_dma semaphore(%arg7 : memref<!tpu.dma_semaphore, #tpu.memory_space<semaphore_mem>>) src(%dma_wait3A_519 : memref<100000xf32, #tpu.memory_space<hbm>>) dst(%dma_wait3A_511 : memref<64xf32, #tpu.memory_space<vmem>>)
      %dma_wait3A_520 = arith.constant 8 : i32
      %dma_wait3A_521 = arith.constant 0 : i32
      %dma_wait3A_522 = arith.constant 8 : i32
      %dma_wait3A_523 = arith.constant 8 : i32
      %dma_wait3A_524 = arith.constant 0 : i32
      %dma_wait3A_525 = tpu.memref_slice %arg6[%dma_wait3A_523, %dma_wait3A_524] : memref<26x64xf32, #tpu.memory_space<vmem>> -> memref<1x64xf32, #tpu.memory_space<vmem>>
      %dma_wait3A_526 = tpu.memref_squeeze %dma_wait3A_525 : memref<1x64xf32, #tpu.memory_space<vmem>> -> memref<64xf32, #tpu.memory_space<vmem>>
      %dma_wait3A_527 = arith.constant 0 : i32
      %dma_wait3A_528 = tpu.memref_slice %arg5[%dma_wait3A_522, %dma_wait3A_527] : memref<26x64xi32, #tpu.memory_space<vmem>> -> memref<1x64xi32, #tpu.memory_space<vmem>>
      %dma_wait3A_529 = tpu.memref_squeeze %dma_wait3A_528 : memref<1x64xi32, #tpu.memory_space<vmem>> -> memref<64xi32, #tpu.memory_space<vmem>>
      %dma_wait3A_530 = arith.constant 0 : i32
      %dma_wait3A_531 = tpu.memref_slice %arg3[%dma_wait3A_520, %dma_wait3A_521, %dma_wait3A_530] : memref<26x1x100000xf32, #tpu.memory_space<hbm>> -> memref<1x1x100000xf32, #tpu.memory_space<hbm>>
      %dma_wait3A_532 = tpu.memref_squeeze %dma_wait3A_531 : memref<1x1x100000xf32, #tpu.memory_space<hbm>> -> memref<100000xf32, #tpu.memory_space<hbm>>
      %dma_wait3A_533 = arith.constant 0 : i32
      %dma_wait3A_534 = tpu.memref_slice %dma_wait3A_532[%dma_wait3A_533] : memref<100000xf32, #tpu.memory_space<hbm>> -> memref<100000xf32, #tpu.memory_space<hbm>>
      tpu.wait_indirect_dma semaphore(%arg7 : memref<!tpu.dma_semaphore, #tpu.memory_space<semaphore_mem>>) src(%dma_wait3A_534 : memref<100000xf32, #tpu.memory_space<hbm>>) dst(%dma_wait3A_526 : memref<64xf32, #tpu.memory_space<vmem>>)
      %dma_wait3A_535 = arith.constant 9 : i32
      %dma_wait3A_536 = arith.constant 0 : i32
      %dma_wait3A_537 = arith.constant 9 : i32
      %dma_wait3A_538 = arith.constant 9 : i32
      %dma_wait3A_539 = arith.constant 0 : i32
      %dma_wait3A_540 = tpu.memref_slice %arg6[%dma_wait3A_538, %dma_wait3A_539] : memref<26x64xf32, #tpu.memory_space<vmem>> -> memref<1x64xf32, #tpu.memory_space<vmem>>
      %dma_wait3A_541 = tpu.memref_squeeze %dma_wait3A_540 : memref<1x64xf32, #tpu.memory_space<vmem>> -> memref<64xf32, #tpu.memory_space<vmem>>
      %dma_wait3A_542 = arith.constant 0 : i32
      %dma_wait3A_543 = tpu.memref_slice %arg5[%dma_wait3A_537, %dma_wait3A_542] : memref<26x64xi32, #tpu.memory_space<vmem>> -> memref<1x64xi32, #tpu.memory_space<vmem>>
      %dma_wait3A_544 = tpu.memref_squeeze %dma_wait3A_543 : memref<1x64xi32, #tpu.memory_space<vmem>> -> memref<64xi32, #tpu.memory_space<vmem>>
      %dma_wait3A_545 = arith.constant 0 : i32
      %dma_wait3A_546 = tpu.memref_slice %arg3[%dma_wait3A_535, %dma_wait3A_536, %dma_wait3A_545] : memref<26x1x100000xf32, #tpu.memory_space<hbm>> -> memref<1x1x100000xf32, #tpu.memory_space<hbm>>
      %dma_wait3A_547 = tpu.memref_squeeze %dma_wait3A_546 : memref<1x1x100000xf32, #tpu.memory_space<hbm>> -> memref<100000xf32, #tpu.memory_space<hbm>>
      %dma_wait3A_548 = arith.constant 0 : i32
      %dma_wait3A_549 = tpu.memref_slice %dma_wait3A_547[%dma_wait3A_548] : memref<100000xf32, #tpu.memory_space<hbm>> -> memref<100000xf32, #tpu.memory_space<hbm>>
      tpu.wait_indirect_dma semaphore(%arg7 : memref<!tpu.dma_semaphore, #tpu.memory_space<semaphore_mem>>) src(%dma_wait3A_549 : memref<100000xf32, #tpu.memory_space<hbm>>) dst(%dma_wait3A_541 : memref<64xf32, #tpu.memory_space<vmem>>)
      %dma_wait3A_550 = arith.constant 10 : i32
      %dma_wait3A_551 = arith.constant 0 : i32
      %dma_wait3A_552 = arith.constant 10 : i32
      %dma_wait3A_553 = arith.constant 10 : i32
      %dma_wait3A_554 = arith.constant 0 : i32
      %dma_wait3A_555 = tpu.memref_slice %arg6[%dma_wait3A_553, %dma_wait3A_554] : memref<26x64xf32, #tpu.memory_space<vmem>> -> memref<1x64xf32, #tpu.memory_space<vmem>>
      %dma_wait3A_556 = tpu.memref_squeeze %dma_wait3A_555 : memref<1x64xf32, #tpu.memory_space<vmem>> -> memref<64xf32, #tpu.memory_space<vmem>>
      %dma_wait3A_557 = arith.constant 0 : i32
      %dma_wait3A_558 = tpu.memref_slice %arg5[%dma_wait3A_552, %dma_wait3A_557] : memref<26x64xi32, #tpu.memory_space<vmem>> -> memref<1x64xi32, #tpu.memory_space<vmem>>
      %dma_wait3A_559 = tpu.memref_squeeze %dma_wait3A_558 : memref<1x64xi32, #tpu.memory_space<vmem>> -> memref<64xi32, #tpu.memory_space<vmem>>
      %dma_wait3A_560 = arith.constant 0 : i32
      %dma_wait3A_561 = tpu.memref_slice %arg3[%dma_wait3A_550, %dma_wait3A_551, %dma_wait3A_560] : memref<26x1x100000xf32, #tpu.memory_space<hbm>> -> memref<1x1x100000xf32, #tpu.memory_space<hbm>>
      %dma_wait3A_562 = tpu.memref_squeeze %dma_wait3A_561 : memref<1x1x100000xf32, #tpu.memory_space<hbm>> -> memref<100000xf32, #tpu.memory_space<hbm>>
      %dma_wait3A_563 = arith.constant 0 : i32
      %dma_wait3A_564 = tpu.memref_slice %dma_wait3A_562[%dma_wait3A_563] : memref<100000xf32, #tpu.memory_space<hbm>> -> memref<100000xf32, #tpu.memory_space<hbm>>
      tpu.wait_indirect_dma semaphore(%arg7 : memref<!tpu.dma_semaphore, #tpu.memory_space<semaphore_mem>>) src(%dma_wait3A_564 : memref<100000xf32, #tpu.memory_space<hbm>>) dst(%dma_wait3A_556 : memref<64xf32, #tpu.memory_space<vmem>>)
      %dma_wait3A_565 = arith.constant 11 : i32
      %dma_wait3A_566 = arith.constant 0 : i32
      %dma_wait3A_567 = arith.constant 11 : i32
      %dma_wait3A_568 = arith.constant 11 : i32
      %dma_wait3A_569 = arith.constant 0 : i32
      %dma_wait3A_570 = tpu.memref_slice %arg6[%dma_wait3A_568, %dma_wait3A_569] : memref<26x64xf32, #tpu.memory_space<vmem>> -> memref<1x64xf32, #tpu.memory_space<vmem>>
      %dma_wait3A_571 = tpu.memref_squeeze %dma_wait3A_570 : memref<1x64xf32, #tpu.memory_space<vmem>> -> memref<64xf32, #tpu.memory_space<vmem>>
      %dma_wait3A_572 = arith.constant 0 : i32
      %dma_wait3A_573 = tpu.memref_slice %arg5[%dma_wait3A_567, %dma_wait3A_572] : memref<26x64xi32, #tpu.memory_space<vmem>> -> memref<1x64xi32, #tpu.memory_space<vmem>>
      %dma_wait3A_574 = tpu.memref_squeeze %dma_wait3A_573 : memref<1x64xi32, #tpu.memory_space<vmem>> -> memref<64xi32, #tpu.memory_space<vmem>>
      %dma_wait3A_575 = arith.constant 0 : i32
      %dma_wait3A_576 = tpu.memref_slice %arg3[%dma_wait3A_565, %dma_wait3A_566, %dma_wait3A_575] : memref<26x1x100000xf32, #tpu.memory_space<hbm>> -> memref<1x1x100000xf32, #tpu.memory_space<hbm>>
      %dma_wait3A_577 = tpu.memref_squeeze %dma_wait3A_576 : memref<1x1x100000xf32, #tpu.memory_space<hbm>> -> memref<100000xf32, #tpu.memory_space<hbm>>
      %dma_wait3A_578 = arith.constant 0 : i32
      %dma_wait3A_579 = tpu.memref_slice %dma_wait3A_577[%dma_wait3A_578] : memref<100000xf32, #tpu.memory_space<hbm>> -> memref<100000xf32, #tpu.memory_space<hbm>>
      tpu.wait_indirect_dma semaphore(%arg7 : memref<!tpu.dma_semaphore, #tpu.memory_space<semaphore_mem>>) src(%dma_wait3A_579 : memref<100000xf32, #tpu.memory_space<hbm>>) dst(%dma_wait3A_571 : memref<64xf32, #tpu.memory_space<vmem>>)
      %dma_wait3A_580 = arith.constant 12 : i32
      %dma_wait3A_581 = arith.constant 0 : i32
      %dma_wait3A_582 = arith.constant 12 : i32
      %dma_wait3A_583 = arith.constant 12 : i32
      %dma_wait3A_584 = arith.constant 0 : i32
      %dma_wait3A_585 = tpu.memref_slice %arg6[%dma_wait3A_583, %dma_wait3A_584] : memref<26x64xf32, #tpu.memory_space<vmem>> -> memref<1x64xf32, #tpu.memory_space<vmem>>
      %dma_wait3A_586 = tpu.memref_squeeze %dma_wait3A_585 : memref<1x64xf32, #tpu.memory_space<vmem>> -> memref<64xf32, #tpu.memory_space<vmem>>
      %dma_wait3A_587 = arith.constant 0 : i32
      %dma_wait3A_588 = tpu.memref_slice %arg5[%dma_wait3A_582, %dma_wait3A_587] : memref<26x64xi32, #tpu.memory_space<vmem>> -> memref<1x64xi32, #tpu.memory_space<vmem>>
      %dma_wait3A_589 = tpu.memref_squeeze %dma_wait3A_588 : memref<1x64xi32, #tpu.memory_space<vmem>> -> memref<64xi32, #tpu.memory_space<vmem>>
      %dma_wait3A_590 = arith.constant 0 : i32
      %dma_wait3A_591 = tpu.memref_slice %arg3[%dma_wait3A_580, %dma_wait3A_581, %dma_wait3A_590] : memref<26x1x100000xf32, #tpu.memory_space<hbm>> -> memref<1x1x100000xf32, #tpu.memory_space<hbm>>
      %dma_wait3A_592 = tpu.memref_squeeze %dma_wait3A_591 : memref<1x1x100000xf32, #tpu.memory_space<hbm>> -> memref<100000xf32, #tpu.memory_space<hbm>>
      %dma_wait3A_593 = arith.constant 0 : i32
      %dma_wait3A_594 = tpu.memref_slice %dma_wait3A_592[%dma_wait3A_593] : memref<100000xf32, #tpu.memory_space<hbm>> -> memref<100000xf32, #tpu.memory_space<hbm>>
      tpu.wait_indirect_dma semaphore(%arg7 : memref<!tpu.dma_semaphore, #tpu.memory_space<semaphore_mem>>) src(%dma_wait3A_594 : memref<100000xf32, #tpu.memory_space<hbm>>) dst(%dma_wait3A_586 : memref<64xf32, #tpu.memory_space<vmem>>)
      %dma_wait3A_595 = arith.constant 13 : i32
      %dma_wait3A_596 = arith.constant 0 : i32
      %dma_wait3A_597 = arith.constant 13 : i32
      %dma_wait3A_598 = arith.constant 13 : i32
      %dma_wait3A_599 = arith.constant 0 : i32
      %dma_wait3A_600 = tpu.memref_slice %arg6[%dma_wait3A_598, %dma_wait3A_599] : memref<26x64xf32, #tpu.memory_space<vmem>> -> memref<1x64xf32, #tpu.memory_space<vmem>>
      %dma_wait3A_601 = tpu.memref_squeeze %dma_wait3A_600 : memref<1x64xf32, #tpu.memory_space<vmem>> -> memref<64xf32, #tpu.memory_space<vmem>>
      %dma_wait3A_602 = arith.constant 0 : i32
      %dma_wait3A_603 = tpu.memref_slice %arg5[%dma_wait3A_597, %dma_wait3A_602] : memref<26x64xi32, #tpu.memory_space<vmem>> -> memref<1x64xi32, #tpu.memory_space<vmem>>
      %dma_wait3A_604 = tpu.memref_squeeze %dma_wait3A_603 : memref<1x64xi32, #tpu.memory_space<vmem>> -> memref<64xi32, #tpu.memory_space<vmem>>
      %dma_wait3A_605 = arith.constant 0 : i32
      %dma_wait3A_606 = tpu.memref_slice %arg3[%dma_wait3A_595, %dma_wait3A_596, %dma_wait3A_605] : memref<26x1x100000xf32, #tpu.memory_space<hbm>> -> memref<1x1x100000xf32, #tpu.memory_space<hbm>>
      %dma_wait3A_607 = tpu.memref_squeeze %dma_wait3A_606 : memref<1x1x100000xf32, #tpu.memory_space<hbm>> -> memref<100000xf32, #tpu.memory_space<hbm>>
      %dma_wait3A_608 = arith.constant 0 : i32
      %dma_wait3A_609 = tpu.memref_slice %dma_wait3A_607[%dma_wait3A_608] : memref<100000xf32, #tpu.memory_space<hbm>> -> memref<100000xf32, #tpu.memory_space<hbm>>
      tpu.wait_indirect_dma semaphore(%arg7 : memref<!tpu.dma_semaphore, #tpu.memory_space<semaphore_mem>>) src(%dma_wait3A_609 : memref<100000xf32, #tpu.memory_space<hbm>>) dst(%dma_wait3A_601 : memref<64xf32, #tpu.memory_space<vmem>>)
      %dma_wait3A_610 = arith.constant 14 : i32
      %dma_wait3A_611 = arith.constant 0 : i32
      %dma_wait3A_612 = arith.constant 14 : i32
      %dma_wait3A_613 = arith.constant 14 : i32
      %dma_wait3A_614 = arith.constant 0 : i32
      %dma_wait3A_615 = tpu.memref_slice %arg6[%dma_wait3A_613, %dma_wait3A_614] : memref<26x64xf32, #tpu.memory_space<vmem>> -> memref<1x64xf32, #tpu.memory_space<vmem>>
      %dma_wait3A_616 = tpu.memref_squeeze %dma_wait3A_615 : memref<1x64xf32, #tpu.memory_space<vmem>> -> memref<64xf32, #tpu.memory_space<vmem>>
      %dma_wait3A_617 = arith.constant 0 : i32
      %dma_wait3A_618 = tpu.memref_slice %arg5[%dma_wait3A_612, %dma_wait3A_617] : memref<26x64xi32, #tpu.memory_space<vmem>> -> memref<1x64xi32, #tpu.memory_space<vmem>>
      %dma_wait3A_619 = tpu.memref_squeeze %dma_wait3A_618 : memref<1x64xi32, #tpu.memory_space<vmem>> -> memref<64xi32, #tpu.memory_space<vmem>>
      %dma_wait3A_620 = arith.constant 0 : i32
      %dma_wait3A_621 = tpu.memref_slice %arg3[%dma_wait3A_610, %dma_wait3A_611, %dma_wait3A_620] : memref<26x1x100000xf32, #tpu.memory_space<hbm>> -> memref<1x1x100000xf32, #tpu.memory_space<hbm>>
      %dma_wait3A_622 = tpu.memref_squeeze %dma_wait3A_621 : memref<1x1x100000xf32, #tpu.memory_space<hbm>> -> memref<100000xf32, #tpu.memory_space<hbm>>
      %dma_wait3A_623 = arith.constant 0 : i32
      %dma_wait3A_624 = tpu.memref_slice %dma_wait3A_622[%dma_wait3A_623] : memref<100000xf32, #tpu.memory_space<hbm>> -> memref<100000xf32, #tpu.memory_space<hbm>>
      tpu.wait_indirect_dma semaphore(%arg7 : memref<!tpu.dma_semaphore, #tpu.memory_space<semaphore_mem>>) src(%dma_wait3A_624 : memref<100000xf32, #tpu.memory_space<hbm>>) dst(%dma_wait3A_616 : memref<64xf32, #tpu.memory_space<vmem>>)
      %dma_wait3A_625 = arith.constant 15 : i32
      %dma_wait3A_626 = arith.constant 0 : i32
      %dma_wait3A_627 = arith.constant 15 : i32
      %dma_wait3A_628 = arith.constant 15 : i32
      %dma_wait3A_629 = arith.constant 0 : i32
      %dma_wait3A_630 = tpu.memref_slice %arg6[%dma_wait3A_628, %dma_wait3A_629] : memref<26x64xf32, #tpu.memory_space<vmem>> -> memref<1x64xf32, #tpu.memory_space<vmem>>
      %dma_wait3A_631 = tpu.memref_squeeze %dma_wait3A_630 : memref<1x64xf32, #tpu.memory_space<vmem>> -> memref<64xf32, #tpu.memory_space<vmem>>
      %dma_wait3A_632 = arith.constant 0 : i32
      %dma_wait3A_633 = tpu.memref_slice %arg5[%dma_wait3A_627, %dma_wait3A_632] : memref<26x64xi32, #tpu.memory_space<vmem>> -> memref<1x64xi32, #tpu.memory_space<vmem>>
      %dma_wait3A_634 = tpu.memref_squeeze %dma_wait3A_633 : memref<1x64xi32, #tpu.memory_space<vmem>> -> memref<64xi32, #tpu.memory_space<vmem>>
      %dma_wait3A_635 = arith.constant 0 : i32
      %dma_wait3A_636 = tpu.memref_slice %arg3[%dma_wait3A_625, %dma_wait3A_626, %dma_wait3A_635] : memref<26x1x100000xf32, #tpu.memory_space<hbm>> -> memref<1x1x100000xf32, #tpu.memory_space<hbm>>
      %dma_wait3A_637 = tpu.memref_squeeze %dma_wait3A_636 : memref<1x1x100000xf32, #tpu.memory_space<hbm>> -> memref<100000xf32, #tpu.memory_space<hbm>>
      %dma_wait3A_638 = arith.constant 0 : i32
      %dma_wait3A_639 = tpu.memref_slice %dma_wait3A_637[%dma_wait3A_638] : memref<100000xf32, #tpu.memory_space<hbm>> -> memref<100000xf32, #tpu.memory_space<hbm>>
      tpu.wait_indirect_dma semaphore(%arg7 : memref<!tpu.dma_semaphore, #tpu.memory_space<semaphore_mem>>) src(%dma_wait3A_639 : memref<100000xf32, #tpu.memory_space<hbm>>) dst(%dma_wait3A_631 : memref<64xf32, #tpu.memory_space<vmem>>)
      %dma_wait3A_640 = arith.constant 16 : i32
      %dma_wait3A_641 = arith.constant 0 : i32
      %dma_wait3A_642 = arith.constant 16 : i32
      %dma_wait3A_643 = arith.constant 16 : i32
      %dma_wait3A_644 = arith.constant 0 : i32
      %dma_wait3A_645 = tpu.memref_slice %arg6[%dma_wait3A_643, %dma_wait3A_644] : memref<26x64xf32, #tpu.memory_space<vmem>> -> memref<1x64xf32, #tpu.memory_space<vmem>>
      %dma_wait3A_646 = tpu.memref_squeeze %dma_wait3A_645 : memref<1x64xf32, #tpu.memory_space<vmem>> -> memref<64xf32, #tpu.memory_space<vmem>>
      %dma_wait3A_647 = arith.constant 0 : i32
      %dma_wait3A_648 = tpu.memref_slice %arg5[%dma_wait3A_642, %dma_wait3A_647] : memref<26x64xi32, #tpu.memory_space<vmem>> -> memref<1x64xi32, #tpu.memory_space<vmem>>
      %dma_wait3A_649 = tpu.memref_squeeze %dma_wait3A_648 : memref<1x64xi32, #tpu.memory_space<vmem>> -> memref<64xi32, #tpu.memory_space<vmem>>
      %dma_wait3A_650 = arith.constant 0 : i32
      %dma_wait3A_651 = tpu.memref_slice %arg3[%dma_wait3A_640, %dma_wait3A_641, %dma_wait3A_650] : memref<26x1x100000xf32, #tpu.memory_space<hbm>> -> memref<1x1x100000xf32, #tpu.memory_space<hbm>>
      %dma_wait3A_652 = tpu.memref_squeeze %dma_wait3A_651 : memref<1x1x100000xf32, #tpu.memory_space<hbm>> -> memref<100000xf32, #tpu.memory_space<hbm>>
      %dma_wait3A_653 = arith.constant 0 : i32
      %dma_wait3A_654 = tpu.memref_slice %dma_wait3A_652[%dma_wait3A_653] : memref<100000xf32, #tpu.memory_space<hbm>> -> memref<100000xf32, #tpu.memory_space<hbm>>
      tpu.wait_indirect_dma semaphore(%arg7 : memref<!tpu.dma_semaphore, #tpu.memory_space<semaphore_mem>>) src(%dma_wait3A_654 : memref<100000xf32, #tpu.memory_space<hbm>>) dst(%dma_wait3A_646 : memref<64xf32, #tpu.memory_space<vmem>>)
      %dma_wait3A_655 = arith.constant 17 : i32
      %dma_wait3A_656 = arith.constant 0 : i32
      %dma_wait3A_657 = arith.constant 17 : i32
      %dma_wait3A_658 = arith.constant 17 : i32
      %dma_wait3A_659 = arith.constant 0 : i32
      %dma_wait3A_660 = tpu.memref_slice %arg6[%dma_wait3A_658, %dma_wait3A_659] : memref<26x64xf32, #tpu.memory_space<vmem>> -> memref<1x64xf32, #tpu.memory_space<vmem>>
      %dma_wait3A_661 = tpu.memref_squeeze %dma_wait3A_660 : memref<1x64xf32, #tpu.memory_space<vmem>> -> memref<64xf32, #tpu.memory_space<vmem>>
      %dma_wait3A_662 = arith.constant 0 : i32
      %dma_wait3A_663 = tpu.memref_slice %arg5[%dma_wait3A_657, %dma_wait3A_662] : memref<26x64xi32, #tpu.memory_space<vmem>> -> memref<1x64xi32, #tpu.memory_space<vmem>>
      %dma_wait3A_664 = tpu.memref_squeeze %dma_wait3A_663 : memref<1x64xi32, #tpu.memory_space<vmem>> -> memref<64xi32, #tpu.memory_space<vmem>>
      %dma_wait3A_665 = arith.constant 0 : i32
      %dma_wait3A_666 = tpu.memref_slice %arg3[%dma_wait3A_655, %dma_wait3A_656, %dma_wait3A_665] : memref<26x1x100000xf32, #tpu.memory_space<hbm>> -> memref<1x1x100000xf32, #tpu.memory_space<hbm>>
      %dma_wait3A_667 = tpu.memref_squeeze %dma_wait3A_666 : memref<1x1x100000xf32, #tpu.memory_space<hbm>> -> memref<100000xf32, #tpu.memory_space<hbm>>
      %dma_wait3A_668 = arith.constant 0 : i32
      %dma_wait3A_669 = tpu.memref_slice %dma_wait3A_667[%dma_wait3A_668] : memref<100000xf32, #tpu.memory_space<hbm>> -> memref<100000xf32, #tpu.memory_space<hbm>>
      tpu.wait_indirect_dma semaphore(%arg7 : memref<!tpu.dma_semaphore, #tpu.memory_space<semaphore_mem>>) src(%dma_wait3A_669 : memref<100000xf32, #tpu.memory_space<hbm>>) dst(%dma_wait3A_661 : memref<64xf32, #tpu.memory_space<vmem>>)
      %dma_wait3A_670 = arith.constant 18 : i32
      %dma_wait3A_671 = arith.constant 0 : i32
      %dma_wait3A_672 = arith.constant 18 : i32
      %dma_wait3A_673 = arith.constant 18 : i32
      %dma_wait3A_674 = arith.constant 0 : i32
      %dma_wait3A_675 = tpu.memref_slice %arg6[%dma_wait3A_673, %dma_wait3A_674] : memref<26x64xf32, #tpu.memory_space<vmem>> -> memref<1x64xf32, #tpu.memory_space<vmem>>
      %dma_wait3A_676 = tpu.memref_squeeze %dma_wait3A_675 : memref<1x64xf32, #tpu.memory_space<vmem>> -> memref<64xf32, #tpu.memory_space<vmem>>
      %dma_wait3A_677 = arith.constant 0 : i32
      %dma_wait3A_678 = tpu.memref_slice %arg5[%dma_wait3A_672, %dma_wait3A_677] : memref<26x64xi32, #tpu.memory_space<vmem>> -> memref<1x64xi32, #tpu.memory_space<vmem>>
      %dma_wait3A_679 = tpu.memref_squeeze %dma_wait3A_678 : memref<1x64xi32, #tpu.memory_space<vmem>> -> memref<64xi32, #tpu.memory_space<vmem>>
      %dma_wait3A_680 = arith.constant 0 : i32
      %dma_wait3A_681 = tpu.memref_slice %arg3[%dma_wait3A_670, %dma_wait3A_671, %dma_wait3A_680] : memref<26x1x100000xf32, #tpu.memory_space<hbm>> -> memref<1x1x100000xf32, #tpu.memory_space<hbm>>
      %dma_wait3A_682 = tpu.memref_squeeze %dma_wait3A_681 : memref<1x1x100000xf32, #tpu.memory_space<hbm>> -> memref<100000xf32, #tpu.memory_space<hbm>>
      %dma_wait3A_683 = arith.constant 0 : i32
      %dma_wait3A_684 = tpu.memref_slice %dma_wait3A_682[%dma_wait3A_683] : memref<100000xf32, #tpu.memory_space<hbm>> -> memref<100000xf32, #tpu.memory_space<hbm>>
      tpu.wait_indirect_dma semaphore(%arg7 : memref<!tpu.dma_semaphore, #tpu.memory_space<semaphore_mem>>) src(%dma_wait3A_684 : memref<100000xf32, #tpu.memory_space<hbm>>) dst(%dma_wait3A_676 : memref<64xf32, #tpu.memory_space<vmem>>)
      %dma_wait3A_685 = arith.constant 19 : i32
      %dma_wait3A_686 = arith.constant 0 : i32
      %dma_wait3A_687 = arith.constant 19 : i32
      %dma_wait3A_688 = arith.constant 19 : i32
      %dma_wait3A_689 = arith.constant 0 : i32
      %dma_wait3A_690 = tpu.memref_slice %arg6[%dma_wait3A_688, %dma_wait3A_689] : memref<26x64xf32, #tpu.memory_space<vmem>> -> memref<1x64xf32, #tpu.memory_space<vmem>>
      %dma_wait3A_691 = tpu.memref_squeeze %dma_wait3A_690 : memref<1x64xf32, #tpu.memory_space<vmem>> -> memref<64xf32, #tpu.memory_space<vmem>>
      %dma_wait3A_692 = arith.constant 0 : i32
      %dma_wait3A_693 = tpu.memref_slice %arg5[%dma_wait3A_687, %dma_wait3A_692] : memref<26x64xi32, #tpu.memory_space<vmem>> -> memref<1x64xi32, #tpu.memory_space<vmem>>
      %dma_wait3A_694 = tpu.memref_squeeze %dma_wait3A_693 : memref<1x64xi32, #tpu.memory_space<vmem>> -> memref<64xi32, #tpu.memory_space<vmem>>
      %dma_wait3A_695 = arith.constant 0 : i32
      %dma_wait3A_696 = tpu.memref_slice %arg3[%dma_wait3A_685, %dma_wait3A_686, %dma_wait3A_695] : memref<26x1x100000xf32, #tpu.memory_space<hbm>> -> memref<1x1x100000xf32, #tpu.memory_space<hbm>>
      %dma_wait3A_697 = tpu.memref_squeeze %dma_wait3A_696 : memref<1x1x100000xf32, #tpu.memory_space<hbm>> -> memref<100000xf32, #tpu.memory_space<hbm>>
      %dma_wait3A_698 = arith.constant 0 : i32
      %dma_wait3A_699 = tpu.memref_slice %dma_wait3A_697[%dma_wait3A_698] : memref<100000xf32, #tpu.memory_space<hbm>> -> memref<100000xf32, #tpu.memory_space<hbm>>
      tpu.wait_indirect_dma semaphore(%arg7 : memref<!tpu.dma_semaphore, #tpu.memory_space<semaphore_mem>>) src(%dma_wait3A_699 : memref<100000xf32, #tpu.memory_space<hbm>>) dst(%dma_wait3A_691 : memref<64xf32, #tpu.memory_space<vmem>>)
      %dma_wait3A_700 = arith.constant 20 : i32
      %dma_wait3A_701 = arith.constant 0 : i32
      %dma_wait3A_702 = arith.constant 20 : i32
      %dma_wait3A_703 = arith.constant 20 : i32
      %dma_wait3A_704 = arith.constant 0 : i32
      %dma_wait3A_705 = tpu.memref_slice %arg6[%dma_wait3A_703, %dma_wait3A_704] : memref<26x64xf32, #tpu.memory_space<vmem>> -> memref<1x64xf32, #tpu.memory_space<vmem>>
      %dma_wait3A_706 = tpu.memref_squeeze %dma_wait3A_705 : memref<1x64xf32, #tpu.memory_space<vmem>> -> memref<64xf32, #tpu.memory_space<vmem>>
      %dma_wait3A_707 = arith.constant 0 : i32
      %dma_wait3A_708 = tpu.memref_slice %arg5[%dma_wait3A_702, %dma_wait3A_707] : memref<26x64xi32, #tpu.memory_space<vmem>> -> memref<1x64xi32, #tpu.memory_space<vmem>>
      %dma_wait3A_709 = tpu.memref_squeeze %dma_wait3A_708 : memref<1x64xi32, #tpu.memory_space<vmem>> -> memref<64xi32, #tpu.memory_space<vmem>>
      %dma_wait3A_710 = arith.constant 0 : i32
      %dma_wait3A_711 = tpu.memref_slice %arg3[%dma_wait3A_700, %dma_wait3A_701, %dma_wait3A_710] : memref<26x1x100000xf32, #tpu.memory_space<hbm>> -> memref<1x1x100000xf32, #tpu.memory_space<hbm>>
      %dma_wait3A_712 = tpu.memref_squeeze %dma_wait3A_711 : memref<1x1x100000xf32, #tpu.memory_space<hbm>> -> memref<100000xf32, #tpu.memory_space<hbm>>
      %dma_wait3A_713 = arith.constant 0 : i32
      %dma_wait3A_714 = tpu.memref_slice %dma_wait3A_712[%dma_wait3A_713] : memref<100000xf32, #tpu.memory_space<hbm>> -> memref<100000xf32, #tpu.memory_space<hbm>>
      tpu.wait_indirect_dma semaphore(%arg7 : memref<!tpu.dma_semaphore, #tpu.memory_space<semaphore_mem>>) src(%dma_wait3A_714 : memref<100000xf32, #tpu.memory_space<hbm>>) dst(%dma_wait3A_706 : memref<64xf32, #tpu.memory_space<vmem>>)
      %dma_wait3A_715 = arith.constant 21 : i32
      %dma_wait3A_716 = arith.constant 0 : i32
      %dma_wait3A_717 = arith.constant 21 : i32
      %dma_wait3A_718 = arith.constant 21 : i32
      %dma_wait3A_719 = arith.constant 0 : i32
      %dma_wait3A_720 = tpu.memref_slice %arg6[%dma_wait3A_718, %dma_wait3A_719] : memref<26x64xf32, #tpu.memory_space<vmem>> -> memref<1x64xf32, #tpu.memory_space<vmem>>
      %dma_wait3A_721 = tpu.memref_squeeze %dma_wait3A_720 : memref<1x64xf32, #tpu.memory_space<vmem>> -> memref<64xf32, #tpu.memory_space<vmem>>
      %dma_wait3A_722 = arith.constant 0 : i32
      %dma_wait3A_723 = tpu.memref_slice %arg5[%dma_wait3A_717, %dma_wait3A_722] : memref<26x64xi32, #tpu.memory_space<vmem>> -> memref<1x64xi32, #tpu.memory_space<vmem>>
      %dma_wait3A_724 = tpu.memref_squeeze %dma_wait3A_723 : memref<1x64xi32, #tpu.memory_space<vmem>> -> memref<64xi32, #tpu.memory_space<vmem>>
      %dma_wait3A_725 = arith.constant 0 : i32
      %dma_wait3A_726 = tpu.memref_slice %arg3[%dma_wait3A_715, %dma_wait3A_716, %dma_wait3A_725] : memref<26x1x100000xf32, #tpu.memory_space<hbm>> -> memref<1x1x100000xf32, #tpu.memory_space<hbm>>
      %dma_wait3A_727 = tpu.memref_squeeze %dma_wait3A_726 : memref<1x1x100000xf32, #tpu.memory_space<hbm>> -> memref<100000xf32, #tpu.memory_space<hbm>>
      %dma_wait3A_728 = arith.constant 0 : i32
      %dma_wait3A_729 = tpu.memref_slice %dma_wait3A_727[%dma_wait3A_728] : memref<100000xf32, #tpu.memory_space<hbm>> -> memref<100000xf32, #tpu.memory_space<hbm>>
      tpu.wait_indirect_dma semaphore(%arg7 : memref<!tpu.dma_semaphore, #tpu.memory_space<semaphore_mem>>) src(%dma_wait3A_729 : memref<100000xf32, #tpu.memory_space<hbm>>) dst(%dma_wait3A_721 : memref<64xf32, #tpu.memory_space<vmem>>)
      %dma_wait3A_730 = arith.constant 22 : i32
      %dma_wait3A_731 = arith.constant 0 : i32
      %dma_wait3A_732 = arith.constant 22 : i32
      %dma_wait3A_733 = arith.constant 22 : i32
      %dma_wait3A_734 = arith.constant 0 : i32
      %dma_wait3A_735 = tpu.memref_slice %arg6[%dma_wait3A_733, %dma_wait3A_734] : memref<26x64xf32, #tpu.memory_space<vmem>> -> memref<1x64xf32, #tpu.memory_space<vmem>>
      %dma_wait3A_736 = tpu.memref_squeeze %dma_wait3A_735 : memref<1x64xf32, #tpu.memory_space<vmem>> -> memref<64xf32, #tpu.memory_space<vmem>>
      %dma_wait3A_737 = arith.constant 0 : i32
      %dma_wait3A_738 = tpu.memref_slice %arg5[%dma_wait3A_732, %dma_wait3A_737] : memref<26x64xi32, #tpu.memory_space<vmem>> -> memref<1x64xi32, #tpu.memory_space<vmem>>
      %dma_wait3A_739 = tpu.memref_squeeze %dma_wait3A_738 : memref<1x64xi32, #tpu.memory_space<vmem>> -> memref<64xi32, #tpu.memory_space<vmem>>
      %dma_wait3A_740 = arith.constant 0 : i32
      %dma_wait3A_741 = tpu.memref_slice %arg3[%dma_wait3A_730, %dma_wait3A_731, %dma_wait3A_740] : memref<26x1x100000xf32, #tpu.memory_space<hbm>> -> memref<1x1x100000xf32, #tpu.memory_space<hbm>>
      %dma_wait3A_742 = tpu.memref_squeeze %dma_wait3A_741 : memref<1x1x100000xf32, #tpu.memory_space<hbm>> -> memref<100000xf32, #tpu.memory_space<hbm>>
      %dma_wait3A_743 = arith.constant 0 : i32
      %dma_wait3A_744 = tpu.memref_slice %dma_wait3A_742[%dma_wait3A_743] : memref<100000xf32, #tpu.memory_space<hbm>> -> memref<100000xf32, #tpu.memory_space<hbm>>
      tpu.wait_indirect_dma semaphore(%arg7 : memref<!tpu.dma_semaphore, #tpu.memory_space<semaphore_mem>>) src(%dma_wait3A_744 : memref<100000xf32, #tpu.memory_space<hbm>>) dst(%dma_wait3A_736 : memref<64xf32, #tpu.memory_space<vmem>>)
      %dma_wait3A_745 = arith.constant 23 : i32
      %dma_wait3A_746 = arith.constant 0 : i32
      %dma_wait3A_747 = arith.constant 23 : i32
      %dma_wait3A_748 = arith.constant 23 : i32
      %dma_wait3A_749 = arith.constant 0 : i32
      %dma_wait3A_750 = tpu.memref_slice %arg6[%dma_wait3A_748, %dma_wait3A_749] : memref<26x64xf32, #tpu.memory_space<vmem>> -> memref<1x64xf32, #tpu.memory_space<vmem>>
      %dma_wait3A_751 = tpu.memref_squeeze %dma_wait3A_750 : memref<1x64xf32, #tpu.memory_space<vmem>> -> memref<64xf32, #tpu.memory_space<vmem>>
      %dma_wait3A_752 = arith.constant 0 : i32
      %dma_wait3A_753 = tpu.memref_slice %arg5[%dma_wait3A_747, %dma_wait3A_752] : memref<26x64xi32, #tpu.memory_space<vmem>> -> memref<1x64xi32, #tpu.memory_space<vmem>>
      %dma_wait3A_754 = tpu.memref_squeeze %dma_wait3A_753 : memref<1x64xi32, #tpu.memory_space<vmem>> -> memref<64xi32, #tpu.memory_space<vmem>>
      %dma_wait3A_755 = arith.constant 0 : i32
      %dma_wait3A_756 = tpu.memref_slice %arg3[%dma_wait3A_745, %dma_wait3A_746, %dma_wait3A_755] : memref<26x1x100000xf32, #tpu.memory_space<hbm>> -> memref<1x1x100000xf32, #tpu.memory_space<hbm>>
      %dma_wait3A_757 = tpu.memref_squeeze %dma_wait3A_756 : memref<1x1x100000xf32, #tpu.memory_space<hbm>> -> memref<100000xf32, #tpu.memory_space<hbm>>
      %dma_wait3A_758 = arith.constant 0 : i32
      %dma_wait3A_759 = tpu.memref_slice %dma_wait3A_757[%dma_wait3A_758] : memref<100000xf32, #tpu.memory_space<hbm>> -> memref<100000xf32, #tpu.memory_space<hbm>>
      tpu.wait_indirect_dma semaphore(%arg7 : memref<!tpu.dma_semaphore, #tpu.memory_space<semaphore_mem>>) src(%dma_wait3A_759 : memref<100000xf32, #tpu.memory_space<hbm>>) dst(%dma_wait3A_751 : memref<64xf32, #tpu.memory_space<vmem>>)
      %dma_wait3A_760 = arith.constant 24 : i32
      %dma_wait3A_761 = arith.constant 0 : i32
      %dma_wait3A_762 = arith.constant 24 : i32
      %dma_wait3A_763 = arith.constant 24 : i32
      %dma_wait3A_764 = arith.constant 0 : i32
      %dma_wait3A_765 = tpu.memref_slice %arg6[%dma_wait3A_763, %dma_wait3A_764] : memref<26x64xf32, #tpu.memory_space<vmem>> -> memref<1x64xf32, #tpu.memory_space<vmem>>
      %dma_wait3A_766 = tpu.memref_squeeze %dma_wait3A_765 : memref<1x64xf32, #tpu.memory_space<vmem>> -> memref<64xf32, #tpu.memory_space<vmem>>
      %dma_wait3A_767 = arith.constant 0 : i32
      %dma_wait3A_768 = tpu.memref_slice %arg5[%dma_wait3A_762, %dma_wait3A_767] : memref<26x64xi32, #tpu.memory_space<vmem>> -> memref<1x64xi32, #tpu.memory_space<vmem>>
      %dma_wait3A_769 = tpu.memref_squeeze %dma_wait3A_768 : memref<1x64xi32, #tpu.memory_space<vmem>> -> memref<64xi32, #tpu.memory_space<vmem>>
      %dma_wait3A_770 = arith.constant 0 : i32
      %dma_wait3A_771 = tpu.memref_slice %arg3[%dma_wait3A_760, %dma_wait3A_761, %dma_wait3A_770] : memref<26x1x100000xf32, #tpu.memory_space<hbm>> -> memref<1x1x100000xf32, #tpu.memory_space<hbm>>
      %dma_wait3A_772 = tpu.memref_squeeze %dma_wait3A_771 : memref<1x1x100000xf32, #tpu.memory_space<hbm>> -> memref<100000xf32, #tpu.memory_space<hbm>>
      %dma_wait3A_773 = arith.constant 0 : i32
      %dma_wait3A_774 = tpu.memref_slice %dma_wait3A_772[%dma_wait3A_773] : memref<100000xf32, #tpu.memory_space<hbm>> -> memref<100000xf32, #tpu.memory_space<hbm>>
      tpu.wait_indirect_dma semaphore(%arg7 : memref<!tpu.dma_semaphore, #tpu.memory_space<semaphore_mem>>) src(%dma_wait3A_774 : memref<100000xf32, #tpu.memory_space<hbm>>) dst(%dma_wait3A_766 : memref<64xf32, #tpu.memory_space<vmem>>)
      %dma_wait3A_775 = arith.constant 25 : i32
      %dma_wait3A_776 = arith.constant 0 : i32
      %dma_wait3A_777 = arith.constant 25 : i32
      %dma_wait3A_778 = arith.constant 25 : i32
      %dma_wait3A_779 = arith.constant 0 : i32
      %dma_wait3A_780 = tpu.memref_slice %arg6[%dma_wait3A_778, %dma_wait3A_779] : memref<26x64xf32, #tpu.memory_space<vmem>> -> memref<1x64xf32, #tpu.memory_space<vmem>>
      %dma_wait3A_781 = tpu.memref_squeeze %dma_wait3A_780 : memref<1x64xf32, #tpu.memory_space<vmem>> -> memref<64xf32, #tpu.memory_space<vmem>>
      %dma_wait3A_782 = arith.constant 0 : i32
      %dma_wait3A_783 = tpu.memref_slice %arg5[%dma_wait3A_777, %dma_wait3A_782] : memref<26x64xi32, #tpu.memory_space<vmem>> -> memref<1x64xi32, #tpu.memory_space<vmem>>
      %dma_wait3A_784 = tpu.memref_squeeze %dma_wait3A_783 : memref<1x64xi32, #tpu.memory_space<vmem>> -> memref<64xi32, #tpu.memory_space<vmem>>
      %dma_wait3A_785 = arith.constant 0 : i32
      %dma_wait3A_786 = tpu.memref_slice %arg3[%dma_wait3A_775, %dma_wait3A_776, %dma_wait3A_785] : memref<26x1x100000xf32, #tpu.memory_space<hbm>> -> memref<1x1x100000xf32, #tpu.memory_space<hbm>>
      %dma_wait3A_787 = tpu.memref_squeeze %dma_wait3A_786 : memref<1x1x100000xf32, #tpu.memory_space<hbm>> -> memref<100000xf32, #tpu.memory_space<hbm>>
      %dma_wait3A_788 = arith.constant 0 : i32
      %dma_wait3A_789 = tpu.memref_slice %dma_wait3A_787[%dma_wait3A_788] : memref<100000xf32, #tpu.memory_space<hbm>> -> memref<100000xf32, #tpu.memory_space<hbm>>
      tpu.wait_indirect_dma semaphore(%arg7 : memref<!tpu.dma_semaphore, #tpu.memory_space<semaphore_mem>>) src(%dma_wait3A_789 : memref<100000xf32, #tpu.memory_space<hbm>>) dst(%dma_wait3A_781 : memref<64xf32, #tpu.memory_space<vmem>>)
      "tpu.region"() ({
        %run_scoped3A = tpu.sem_alloc : memref<!tpu.dma_semaphore, #tpu.memory_space<semaphore_mem>>
        %dma_start3A_790 = arith.constant 0 : i32
        %dma_start3A_791 = tpu.memref_slice %arg4[%dma_start3A_790, %multiple_of3A] : memref<26x16384xf32, #tpu.memory_space<hbm>> -> memref<26x64xf32, #tpu.memory_space<hbm>>
        %dma_start3A_792 = arith.constant 0 : i32
        %dma_start3A_793 = tpu.memref_slice %arg4[%dma_start3A_792, %multiple_of3A] : memref<26x16384xf32, #tpu.memory_space<hbm>> -> memref<26x64xf32, #tpu.memory_space<hbm>>
        tpu.enqueue_dma source(%arg6 : memref<26x64xf32, #tpu.memory_space<vmem>>) target(%dma_start3A_793 : memref<26x64xf32, #tpu.memory_space<hbm>>) target_semaphore(%run_scoped3A : memref<!tpu.dma_semaphore, #tpu.memory_space<semaphore_mem>>)
        %dma_wait3A_794 = arith.constant 0 : i32
        %dma_wait3A_795 = tpu.memref_slice %arg4[%dma_wait3A_794, %multiple_of3A] : memref<26x16384xf32, #tpu.memory_space<hbm>> -> memref<26x64xf32, #tpu.memory_space<hbm>>
        %dma_wait3A_796 = arith.constant 0 : i32
        %dma_wait3A_797 = tpu.memref_slice %arg4[%dma_wait3A_796, %multiple_of3A] : memref<26x16384xf32, #tpu.memory_space<hbm>> -> memref<26x64xf32, #tpu.memory_space<hbm>>
        tpu.wait_dma2 semaphore(%run_scoped3A : memref<!tpu.dma_semaphore, #tpu.memory_space<semaphore_mem>>) src(%arg6 : memref<26x64xf32, #tpu.memory_space<vmem>>) dst(%dma_wait3A_797 : memref<26x64xf32, #tpu.memory_space<hbm>>)
        tpu.yield
      }) : () -> ()
    }
    %scan3A_5 = arith.constant 8 : i32
    return
  }
}

#map = affine_map<(d0, d1) -> (0, 0)>
module attributes {stable_mosaic.version = 14 : i64} {
  func.func @_sc_gather_e2_body(%arg0: i32, %arg1: i32, %arg2: memref<26x16384xi32, #tpu.memory_space<hbm>>, %arg3: memref<3276800x16xf32, #tpu.memory_space<hbm>>, %arg4: memref<16384x416xf32, #tpu.memory_space<hbm>>, %arg5: memref<26x64xi32, #tpu.memory_space<vmem>>, %arg6: memref<1664x16xf32, #tpu.memory_space<vmem>>, %arg7: memref<!tpu.dma_semaphore, #tpu.memory_space<semaphore_mem>>) attributes {dimension_semantics = [#tpu.dimension_semantics<core_parallel>, #tpu.dimension_semantics<subcore_parallel>], iteration_bounds = array<i64: 2, 16>, scalar_prefetch = 0 : i64, scratch_operands = 3 : i64, tpu.core_type = #tpu.core_type<sc_vector_subcore>, window_params = [{transform_indices = #map}, {transform_indices = #map}, {transform_indices = #map}]} {
    %mul3A = arith.constant 2 : i32
    %mul3A_0 = arith.muli %arg1, %mul3A : i32
    %add3A = arith.addi %mul3A_0, %arg0 : i32
    %scan3A = arith.constant 0 : i32
    %scan3A_1 = arith.constant 0 : i32
    %scan3A_2 = arith.constant 8 : i32
    %scan3A_3 = arith.addi %scan3A_1, %scan3A_2 : i32
    %scan3A_4 = arith.constant 1 : i32
    scf.for %scan3A_6 = %scan3A_1 to %scan3A_3 step %scan3A_4  : i32 {
      %mul3A_7 = arith.constant 512 : i32
      %mul3A_8 = arith.muli %add3A, %mul3A_7 : i32
      %mul3A_9 = arith.constant 64 : i32
      %mul3A_10 = arith.muli %scan3A_6, %mul3A_9 : i32
      %add3A_11 = arith.addi %mul3A_8, %mul3A_10 : i32
      %multiple_of3A = tpu.assume_multiple %add3A_11, 64 : i32
      "tpu.region"() ({
        %run_scoped3A = tpu.sem_alloc : memref<!tpu.dma_semaphore, #tpu.memory_space<semaphore_mem>>
        %dma_start3A_686 = arith.constant 0 : i32
        %dma_start3A_687 = tpu.memref_slice %arg2[%dma_start3A_686, %multiple_of3A] : memref<26x16384xi32, #tpu.memory_space<hbm>> -> memref<26x64xi32, #tpu.memory_space<hbm>>
        %dma_start3A_688 = arith.constant 0 : i32
        %dma_start3A_689 = tpu.memref_slice %arg2[%dma_start3A_688, %multiple_of3A] : memref<26x16384xi32, #tpu.memory_space<hbm>> -> memref<26x64xi32, #tpu.memory_space<hbm>>
        tpu.enqueue_dma source(%dma_start3A_689 : memref<26x64xi32, #tpu.memory_space<hbm>>) target(%arg5 : memref<26x64xi32, #tpu.memory_space<vmem>>) target_semaphore(%run_scoped3A : memref<!tpu.dma_semaphore, #tpu.memory_space<semaphore_mem>>)
        %dma_wait3A_690 = arith.constant 0 : i32
        %dma_wait3A_691 = tpu.memref_slice %arg2[%dma_wait3A_690, %multiple_of3A] : memref<26x16384xi32, #tpu.memory_space<hbm>> -> memref<26x64xi32, #tpu.memory_space<hbm>>
        %dma_wait3A_692 = arith.constant 0 : i32
        %dma_wait3A_693 = tpu.memref_slice %arg2[%dma_wait3A_692, %multiple_of3A] : memref<26x16384xi32, #tpu.memory_space<hbm>> -> memref<26x64xi32, #tpu.memory_space<hbm>>
        tpu.wait_dma2 semaphore(%run_scoped3A : memref<!tpu.dma_semaphore, #tpu.memory_space<semaphore_mem>>) src(%dma_wait3A_693 : memref<26x64xi32, #tpu.memory_space<hbm>>) dst(%arg5 : memref<26x64xi32, #tpu.memory_space<vmem>>)
        tpu.yield
      }) : () -> ()
      %dma_start3A = arith.constant 0 : i32
      %dma_start3A_12 = arith.constant 0 : i32
      %dma_start3A_13 = arith.constant 0 : i32
      %dma_start3A_14 = tpu.memref_slice %arg6[%dma_start3A_12, %dma_start3A_13] : memref<1664x16xf32, #tpu.memory_space<vmem>> -> memref<64x16xf32, #tpu.memory_space<vmem>>
      %dma_start3A_15 = arith.constant 0 : i32
      %dma_start3A_16 = tpu.memref_slice %arg5[%dma_start3A, %dma_start3A_15] : memref<26x64xi32, #tpu.memory_space<vmem>> -> memref<1x64xi32, #tpu.memory_space<vmem>>
      %dma_start3A_17 = tpu.memref_squeeze %dma_start3A_16 : memref<1x64xi32, #tpu.memory_space<vmem>> -> memref<64xi32, #tpu.memory_space<vmem>>
      %dma_start3A_18 = arith.constant 0 : i32
      %dma_start3A_19 = arith.constant 0 : i32
      %dma_start3A_20 = tpu.memref_slice %arg3[%dma_start3A_18, %dma_start3A_19] : memref<3276800x16xf32, #tpu.memory_space<hbm>> -> memref<819200x16xf32, #tpu.memory_space<hbm>>
      %dma_start3A_21 = arith.constant 0 : i32
      %dma_start3A_22 = arith.constant 0 : i32
      %dma_start3A_23 = tpu.memref_slice %dma_start3A_20[%dma_start3A_21, %dma_start3A_22] : memref<819200x16xf32, #tpu.memory_space<hbm>> -> memref<819200x16xf32, #tpu.memory_space<hbm>>
      tpu.enqueue_indirect_dma source(%dma_start3A_23 : memref<819200x16xf32, #tpu.memory_space<hbm>>) target(%dma_start3A_14 : memref<64x16xf32, #tpu.memory_space<vmem>>) offsets(%dma_start3A_17 : memref<64xi32, #tpu.memory_space<vmem>>) semaphore(%arg7 : memref<!tpu.dma_semaphore, #tpu.memory_space<semaphore_mem>>)
      %dma_start3A_24 = arith.constant 1 : i32
      %dma_start3A_25 = arith.constant 64 : i32
      %dma_start3A_26 = arith.constant 0 : i32
      %dma_start3A_27 = tpu.memref_slice %arg6[%dma_start3A_25, %dma_start3A_26] : memref<1664x16xf32, #tpu.memory_space<vmem>> -> memref<64x16xf32, #tpu.memory_space<vmem>>
      %dma_start3A_28 = arith.constant 0 : i32
      %dma_start3A_29 = tpu.memref_slice %arg5[%dma_start3A_24, %dma_start3A_28] : memref<26x64xi32, #tpu.memory_space<vmem>> -> memref<1x64xi32, #tpu.memory_space<vmem>>
      %dma_start3A_30 = tpu.memref_squeeze %dma_start3A_29 : memref<1x64xi32, #tpu.memory_space<vmem>> -> memref<64xi32, #tpu.memory_space<vmem>>
      %dma_start3A_31 = arith.constant 0 : i32
      %dma_start3A_32 = arith.constant 0 : i32
      %dma_start3A_33 = tpu.memref_slice %arg3[%dma_start3A_31, %dma_start3A_32] : memref<3276800x16xf32, #tpu.memory_space<hbm>> -> memref<819200x16xf32, #tpu.memory_space<hbm>>
      %dma_start3A_34 = arith.constant 0 : i32
      %dma_start3A_35 = arith.constant 0 : i32
      %dma_start3A_36 = tpu.memref_slice %dma_start3A_33[%dma_start3A_34, %dma_start3A_35] : memref<819200x16xf32, #tpu.memory_space<hbm>> -> memref<819200x16xf32, #tpu.memory_space<hbm>>
      tpu.enqueue_indirect_dma source(%dma_start3A_36 : memref<819200x16xf32, #tpu.memory_space<hbm>>) target(%dma_start3A_27 : memref<64x16xf32, #tpu.memory_space<vmem>>) offsets(%dma_start3A_30 : memref<64xi32, #tpu.memory_space<vmem>>) semaphore(%arg7 : memref<!tpu.dma_semaphore, #tpu.memory_space<semaphore_mem>>)
      %dma_start3A_37 = arith.constant 2 : i32
      %dma_start3A_38 = arith.constant 128 : i32
      %dma_start3A_39 = arith.constant 0 : i32
      %dma_start3A_40 = tpu.memref_slice %arg6[%dma_start3A_38, %dma_start3A_39] : memref<1664x16xf32, #tpu.memory_space<vmem>> -> memref<64x16xf32, #tpu.memory_space<vmem>>
      %dma_start3A_41 = arith.constant 0 : i32
      %dma_start3A_42 = tpu.memref_slice %arg5[%dma_start3A_37, %dma_start3A_41] : memref<26x64xi32, #tpu.memory_space<vmem>> -> memref<1x64xi32, #tpu.memory_space<vmem>>
      %dma_start3A_43 = tpu.memref_squeeze %dma_start3A_42 : memref<1x64xi32, #tpu.memory_space<vmem>> -> memref<64xi32, #tpu.memory_space<vmem>>
      %dma_start3A_44 = arith.constant 0 : i32
      %dma_start3A_45 = arith.constant 0 : i32
      %dma_start3A_46 = tpu.memref_slice %arg3[%dma_start3A_44, %dma_start3A_45] : memref<3276800x16xf32, #tpu.memory_space<hbm>> -> memref<819200x16xf32, #tpu.memory_space<hbm>>
      %dma_start3A_47 = arith.constant 0 : i32
      %dma_start3A_48 = arith.constant 0 : i32
      %dma_start3A_49 = tpu.memref_slice %dma_start3A_46[%dma_start3A_47, %dma_start3A_48] : memref<819200x16xf32, #tpu.memory_space<hbm>> -> memref<819200x16xf32, #tpu.memory_space<hbm>>
      tpu.enqueue_indirect_dma source(%dma_start3A_49 : memref<819200x16xf32, #tpu.memory_space<hbm>>) target(%dma_start3A_40 : memref<64x16xf32, #tpu.memory_space<vmem>>) offsets(%dma_start3A_43 : memref<64xi32, #tpu.memory_space<vmem>>) semaphore(%arg7 : memref<!tpu.dma_semaphore, #tpu.memory_space<semaphore_mem>>)
      %dma_start3A_50 = arith.constant 3 : i32
      %dma_start3A_51 = arith.constant 192 : i32
      %dma_start3A_52 = arith.constant 0 : i32
      %dma_start3A_53 = tpu.memref_slice %arg6[%dma_start3A_51, %dma_start3A_52] : memref<1664x16xf32, #tpu.memory_space<vmem>> -> memref<64x16xf32, #tpu.memory_space<vmem>>
      %dma_start3A_54 = arith.constant 0 : i32
      %dma_start3A_55 = tpu.memref_slice %arg5[%dma_start3A_50, %dma_start3A_54] : memref<26x64xi32, #tpu.memory_space<vmem>> -> memref<1x64xi32, #tpu.memory_space<vmem>>
      %dma_start3A_56 = tpu.memref_squeeze %dma_start3A_55 : memref<1x64xi32, #tpu.memory_space<vmem>> -> memref<64xi32, #tpu.memory_space<vmem>>
      %dma_start3A_57 = arith.constant 0 : i32
      %dma_start3A_58 = arith.constant 0 : i32
      %dma_start3A_59 = tpu.memref_slice %arg3[%dma_start3A_57, %dma_start3A_58] : memref<3276800x16xf32, #tpu.memory_space<hbm>> -> memref<819200x16xf32, #tpu.memory_space<hbm>>
      %dma_start3A_60 = arith.constant 0 : i32
      %dma_start3A_61 = arith.constant 0 : i32
      %dma_start3A_62 = tpu.memref_slice %dma_start3A_59[%dma_start3A_60, %dma_start3A_61] : memref<819200x16xf32, #tpu.memory_space<hbm>> -> memref<819200x16xf32, #tpu.memory_space<hbm>>
      tpu.enqueue_indirect_dma source(%dma_start3A_62 : memref<819200x16xf32, #tpu.memory_space<hbm>>) target(%dma_start3A_53 : memref<64x16xf32, #tpu.memory_space<vmem>>) offsets(%dma_start3A_56 : memref<64xi32, #tpu.memory_space<vmem>>) semaphore(%arg7 : memref<!tpu.dma_semaphore, #tpu.memory_space<semaphore_mem>>)
      %dma_start3A_63 = arith.constant 4 : i32
      %dma_start3A_64 = arith.constant 256 : i32
      %dma_start3A_65 = arith.constant 0 : i32
      %dma_start3A_66 = tpu.memref_slice %arg6[%dma_start3A_64, %dma_start3A_65] : memref<1664x16xf32, #tpu.memory_space<vmem>> -> memref<64x16xf32, #tpu.memory_space<vmem>>
      %dma_start3A_67 = arith.constant 0 : i32
      %dma_start3A_68 = tpu.memref_slice %arg5[%dma_start3A_63, %dma_start3A_67] : memref<26x64xi32, #tpu.memory_space<vmem>> -> memref<1x64xi32, #tpu.memory_space<vmem>>
      %dma_start3A_69 = tpu.memref_squeeze %dma_start3A_68 : memref<1x64xi32, #tpu.memory_space<vmem>> -> memref<64xi32, #tpu.memory_space<vmem>>
      %dma_start3A_70 = arith.constant 0 : i32
      %dma_start3A_71 = arith.constant 0 : i32
      %dma_start3A_72 = tpu.memref_slice %arg3[%dma_start3A_70, %dma_start3A_71] : memref<3276800x16xf32, #tpu.memory_space<hbm>> -> memref<819200x16xf32, #tpu.memory_space<hbm>>
      %dma_start3A_73 = arith.constant 0 : i32
      %dma_start3A_74 = arith.constant 0 : i32
      %dma_start3A_75 = tpu.memref_slice %dma_start3A_72[%dma_start3A_73, %dma_start3A_74] : memref<819200x16xf32, #tpu.memory_space<hbm>> -> memref<819200x16xf32, #tpu.memory_space<hbm>>
      tpu.enqueue_indirect_dma source(%dma_start3A_75 : memref<819200x16xf32, #tpu.memory_space<hbm>>) target(%dma_start3A_66 : memref<64x16xf32, #tpu.memory_space<vmem>>) offsets(%dma_start3A_69 : memref<64xi32, #tpu.memory_space<vmem>>) semaphore(%arg7 : memref<!tpu.dma_semaphore, #tpu.memory_space<semaphore_mem>>)
      %dma_start3A_76 = arith.constant 5 : i32
      %dma_start3A_77 = arith.constant 320 : i32
      %dma_start3A_78 = arith.constant 0 : i32
      %dma_start3A_79 = tpu.memref_slice %arg6[%dma_start3A_77, %dma_start3A_78] : memref<1664x16xf32, #tpu.memory_space<vmem>> -> memref<64x16xf32, #tpu.memory_space<vmem>>
      %dma_start3A_80 = arith.constant 0 : i32
      %dma_start3A_81 = tpu.memref_slice %arg5[%dma_start3A_76, %dma_start3A_80] : memref<26x64xi32, #tpu.memory_space<vmem>> -> memref<1x64xi32, #tpu.memory_space<vmem>>
      %dma_start3A_82 = tpu.memref_squeeze %dma_start3A_81 : memref<1x64xi32, #tpu.memory_space<vmem>> -> memref<64xi32, #tpu.memory_space<vmem>>
      %dma_start3A_83 = arith.constant 0 : i32
      %dma_start3A_84 = arith.constant 0 : i32
      %dma_start3A_85 = tpu.memref_slice %arg3[%dma_start3A_83, %dma_start3A_84] : memref<3276800x16xf32, #tpu.memory_space<hbm>> -> memref<819200x16xf32, #tpu.memory_space<hbm>>
      %dma_start3A_86 = arith.constant 0 : i32
      %dma_start3A_87 = arith.constant 0 : i32
      %dma_start3A_88 = tpu.memref_slice %dma_start3A_85[%dma_start3A_86, %dma_start3A_87] : memref<819200x16xf32, #tpu.memory_space<hbm>> -> memref<819200x16xf32, #tpu.memory_space<hbm>>
      tpu.enqueue_indirect_dma source(%dma_start3A_88 : memref<819200x16xf32, #tpu.memory_space<hbm>>) target(%dma_start3A_79 : memref<64x16xf32, #tpu.memory_space<vmem>>) offsets(%dma_start3A_82 : memref<64xi32, #tpu.memory_space<vmem>>) semaphore(%arg7 : memref<!tpu.dma_semaphore, #tpu.memory_space<semaphore_mem>>)
      %dma_start3A_89 = arith.constant 6 : i32
      %dma_start3A_90 = arith.constant 384 : i32
      %dma_start3A_91 = arith.constant 0 : i32
      %dma_start3A_92 = tpu.memref_slice %arg6[%dma_start3A_90, %dma_start3A_91] : memref<1664x16xf32, #tpu.memory_space<vmem>> -> memref<64x16xf32, #tpu.memory_space<vmem>>
      %dma_start3A_93 = arith.constant 0 : i32
      %dma_start3A_94 = tpu.memref_slice %arg5[%dma_start3A_89, %dma_start3A_93] : memref<26x64xi32, #tpu.memory_space<vmem>> -> memref<1x64xi32, #tpu.memory_space<vmem>>
      %dma_start3A_95 = tpu.memref_squeeze %dma_start3A_94 : memref<1x64xi32, #tpu.memory_space<vmem>> -> memref<64xi32, #tpu.memory_space<vmem>>
      %dma_start3A_96 = arith.constant 0 : i32
      %dma_start3A_97 = arith.constant 0 : i32
      %dma_start3A_98 = tpu.memref_slice %arg3[%dma_start3A_96, %dma_start3A_97] : memref<3276800x16xf32, #tpu.memory_space<hbm>> -> memref<819200x16xf32, #tpu.memory_space<hbm>>
      %dma_start3A_99 = arith.constant 0 : i32
      %dma_start3A_100 = arith.constant 0 : i32
      %dma_start3A_101 = tpu.memref_slice %dma_start3A_98[%dma_start3A_99, %dma_start3A_100] : memref<819200x16xf32, #tpu.memory_space<hbm>> -> memref<819200x16xf32, #tpu.memory_space<hbm>>
      tpu.enqueue_indirect_dma source(%dma_start3A_101 : memref<819200x16xf32, #tpu.memory_space<hbm>>) target(%dma_start3A_92 : memref<64x16xf32, #tpu.memory_space<vmem>>) offsets(%dma_start3A_95 : memref<64xi32, #tpu.memory_space<vmem>>) semaphore(%arg7 : memref<!tpu.dma_semaphore, #tpu.memory_space<semaphore_mem>>)
      %dma_start3A_102 = arith.constant 7 : i32
      %dma_start3A_103 = arith.constant 448 : i32
      %dma_start3A_104 = arith.constant 0 : i32
      %dma_start3A_105 = tpu.memref_slice %arg6[%dma_start3A_103, %dma_start3A_104] : memref<1664x16xf32, #tpu.memory_space<vmem>> -> memref<64x16xf32, #tpu.memory_space<vmem>>
      %dma_start3A_106 = arith.constant 0 : i32
      %dma_start3A_107 = tpu.memref_slice %arg5[%dma_start3A_102, %dma_start3A_106] : memref<26x64xi32, #tpu.memory_space<vmem>> -> memref<1x64xi32, #tpu.memory_space<vmem>>
      %dma_start3A_108 = tpu.memref_squeeze %dma_start3A_107 : memref<1x64xi32, #tpu.memory_space<vmem>> -> memref<64xi32, #tpu.memory_space<vmem>>
      %dma_start3A_109 = arith.constant 0 : i32
      %dma_start3A_110 = arith.constant 0 : i32
      %dma_start3A_111 = tpu.memref_slice %arg3[%dma_start3A_109, %dma_start3A_110] : memref<3276800x16xf32, #tpu.memory_space<hbm>> -> memref<819200x16xf32, #tpu.memory_space<hbm>>
      %dma_start3A_112 = arith.constant 0 : i32
      %dma_start3A_113 = arith.constant 0 : i32
      %dma_start3A_114 = tpu.memref_slice %dma_start3A_111[%dma_start3A_112, %dma_start3A_113] : memref<819200x16xf32, #tpu.memory_space<hbm>> -> memref<819200x16xf32, #tpu.memory_space<hbm>>
      tpu.enqueue_indirect_dma source(%dma_start3A_114 : memref<819200x16xf32, #tpu.memory_space<hbm>>) target(%dma_start3A_105 : memref<64x16xf32, #tpu.memory_space<vmem>>) offsets(%dma_start3A_108 : memref<64xi32, #tpu.memory_space<vmem>>) semaphore(%arg7 : memref<!tpu.dma_semaphore, #tpu.memory_space<semaphore_mem>>)
      %dma_start3A_115 = arith.constant 8 : i32
      %dma_start3A_116 = arith.constant 512 : i32
      %dma_start3A_117 = arith.constant 0 : i32
      %dma_start3A_118 = tpu.memref_slice %arg6[%dma_start3A_116, %dma_start3A_117] : memref<1664x16xf32, #tpu.memory_space<vmem>> -> memref<64x16xf32, #tpu.memory_space<vmem>>
      %dma_start3A_119 = arith.constant 0 : i32
      %dma_start3A_120 = tpu.memref_slice %arg5[%dma_start3A_115, %dma_start3A_119] : memref<26x64xi32, #tpu.memory_space<vmem>> -> memref<1x64xi32, #tpu.memory_space<vmem>>
      %dma_start3A_121 = tpu.memref_squeeze %dma_start3A_120 : memref<1x64xi32, #tpu.memory_space<vmem>> -> memref<64xi32, #tpu.memory_space<vmem>>
      %dma_start3A_122 = arith.constant 819200 : i32
      %dma_start3A_123 = arith.constant 0 : i32
      %dma_start3A_124 = tpu.memref_slice %arg3[%dma_start3A_122, %dma_start3A_123] : memref<3276800x16xf32, #tpu.memory_space<hbm>> -> memref<819200x16xf32, #tpu.memory_space<hbm>>
      %dma_start3A_125 = arith.constant 0 : i32
      %dma_start3A_126 = arith.constant 0 : i32
      %dma_start3A_127 = tpu.memref_slice %dma_start3A_124[%dma_start3A_125, %dma_start3A_126] : memref<819200x16xf32, #tpu.memory_space<hbm>> -> memref<819200x16xf32, #tpu.memory_space<hbm>>
      tpu.enqueue_indirect_dma source(%dma_start3A_127 : memref<819200x16xf32, #tpu.memory_space<hbm>>) target(%dma_start3A_118 : memref<64x16xf32, #tpu.memory_space<vmem>>) offsets(%dma_start3A_121 : memref<64xi32, #tpu.memory_space<vmem>>) semaphore(%arg7 : memref<!tpu.dma_semaphore, #tpu.memory_space<semaphore_mem>>)
      %dma_start3A_128 = arith.constant 9 : i32
      %dma_start3A_129 = arith.constant 576 : i32
      %dma_start3A_130 = arith.constant 0 : i32
      %dma_start3A_131 = tpu.memref_slice %arg6[%dma_start3A_129, %dma_start3A_130] : memref<1664x16xf32, #tpu.memory_space<vmem>> -> memref<64x16xf32, #tpu.memory_space<vmem>>
      %dma_start3A_132 = arith.constant 0 : i32
      %dma_start3A_133 = tpu.memref_slice %arg5[%dma_start3A_128, %dma_start3A_132] : memref<26x64xi32, #tpu.memory_space<vmem>> -> memref<1x64xi32, #tpu.memory_space<vmem>>
      %dma_start3A_134 = tpu.memref_squeeze %dma_start3A_133 : memref<1x64xi32, #tpu.memory_space<vmem>> -> memref<64xi32, #tpu.memory_space<vmem>>
      %dma_start3A_135 = arith.constant 819200 : i32
      %dma_start3A_136 = arith.constant 0 : i32
      %dma_start3A_137 = tpu.memref_slice %arg3[%dma_start3A_135, %dma_start3A_136] : memref<3276800x16xf32, #tpu.memory_space<hbm>> -> memref<819200x16xf32, #tpu.memory_space<hbm>>
      %dma_start3A_138 = arith.constant 0 : i32
      %dma_start3A_139 = arith.constant 0 : i32
      %dma_start3A_140 = tpu.memref_slice %dma_start3A_137[%dma_start3A_138, %dma_start3A_139] : memref<819200x16xf32, #tpu.memory_space<hbm>> -> memref<819200x16xf32, #tpu.memory_space<hbm>>
      tpu.enqueue_indirect_dma source(%dma_start3A_140 : memref<819200x16xf32, #tpu.memory_space<hbm>>) target(%dma_start3A_131 : memref<64x16xf32, #tpu.memory_space<vmem>>) offsets(%dma_start3A_134 : memref<64xi32, #tpu.memory_space<vmem>>) semaphore(%arg7 : memref<!tpu.dma_semaphore, #tpu.memory_space<semaphore_mem>>)
      %dma_start3A_141 = arith.constant 10 : i32
      %dma_start3A_142 = arith.constant 640 : i32
      %dma_start3A_143 = arith.constant 0 : i32
      %dma_start3A_144 = tpu.memref_slice %arg6[%dma_start3A_142, %dma_start3A_143] : memref<1664x16xf32, #tpu.memory_space<vmem>> -> memref<64x16xf32, #tpu.memory_space<vmem>>
      %dma_start3A_145 = arith.constant 0 : i32
      %dma_start3A_146 = tpu.memref_slice %arg5[%dma_start3A_141, %dma_start3A_145] : memref<26x64xi32, #tpu.memory_space<vmem>> -> memref<1x64xi32, #tpu.memory_space<vmem>>
      %dma_start3A_147 = tpu.memref_squeeze %dma_start3A_146 : memref<1x64xi32, #tpu.memory_space<vmem>> -> memref<64xi32, #tpu.memory_space<vmem>>
      %dma_start3A_148 = arith.constant 819200 : i32
      %dma_start3A_149 = arith.constant 0 : i32
      %dma_start3A_150 = tpu.memref_slice %arg3[%dma_start3A_148, %dma_start3A_149] : memref<3276800x16xf32, #tpu.memory_space<hbm>> -> memref<819200x16xf32, #tpu.memory_space<hbm>>
      %dma_start3A_151 = arith.constant 0 : i32
      %dma_start3A_152 = arith.constant 0 : i32
      %dma_start3A_153 = tpu.memref_slice %dma_start3A_150[%dma_start3A_151, %dma_start3A_152] : memref<819200x16xf32, #tpu.memory_space<hbm>> -> memref<819200x16xf32, #tpu.memory_space<hbm>>
      tpu.enqueue_indirect_dma source(%dma_start3A_153 : memref<819200x16xf32, #tpu.memory_space<hbm>>) target(%dma_start3A_144 : memref<64x16xf32, #tpu.memory_space<vmem>>) offsets(%dma_start3A_147 : memref<64xi32, #tpu.memory_space<vmem>>) semaphore(%arg7 : memref<!tpu.dma_semaphore, #tpu.memory_space<semaphore_mem>>)
      %dma_start3A_154 = arith.constant 11 : i32
      %dma_start3A_155 = arith.constant 704 : i32
      %dma_start3A_156 = arith.constant 0 : i32
      %dma_start3A_157 = tpu.memref_slice %arg6[%dma_start3A_155, %dma_start3A_156] : memref<1664x16xf32, #tpu.memory_space<vmem>> -> memref<64x16xf32, #tpu.memory_space<vmem>>
      %dma_start3A_158 = arith.constant 0 : i32
      %dma_start3A_159 = tpu.memref_slice %arg5[%dma_start3A_154, %dma_start3A_158] : memref<26x64xi32, #tpu.memory_space<vmem>> -> memref<1x64xi32, #tpu.memory_space<vmem>>
      %dma_start3A_160 = tpu.memref_squeeze %dma_start3A_159 : memref<1x64xi32, #tpu.memory_space<vmem>> -> memref<64xi32, #tpu.memory_space<vmem>>
      %dma_start3A_161 = arith.constant 819200 : i32
      %dma_start3A_162 = arith.constant 0 : i32
      %dma_start3A_163 = tpu.memref_slice %arg3[%dma_start3A_161, %dma_start3A_162] : memref<3276800x16xf32, #tpu.memory_space<hbm>> -> memref<819200x16xf32, #tpu.memory_space<hbm>>
      %dma_start3A_164 = arith.constant 0 : i32
      %dma_start3A_165 = arith.constant 0 : i32
      %dma_start3A_166 = tpu.memref_slice %dma_start3A_163[%dma_start3A_164, %dma_start3A_165] : memref<819200x16xf32, #tpu.memory_space<hbm>> -> memref<819200x16xf32, #tpu.memory_space<hbm>>
      tpu.enqueue_indirect_dma source(%dma_start3A_166 : memref<819200x16xf32, #tpu.memory_space<hbm>>) target(%dma_start3A_157 : memref<64x16xf32, #tpu.memory_space<vmem>>) offsets(%dma_start3A_160 : memref<64xi32, #tpu.memory_space<vmem>>) semaphore(%arg7 : memref<!tpu.dma_semaphore, #tpu.memory_space<semaphore_mem>>)
      %dma_start3A_167 = arith.constant 12 : i32
      %dma_start3A_168 = arith.constant 768 : i32
      %dma_start3A_169 = arith.constant 0 : i32
      %dma_start3A_170 = tpu.memref_slice %arg6[%dma_start3A_168, %dma_start3A_169] : memref<1664x16xf32, #tpu.memory_space<vmem>> -> memref<64x16xf32, #tpu.memory_space<vmem>>
      %dma_start3A_171 = arith.constant 0 : i32
      %dma_start3A_172 = tpu.memref_slice %arg5[%dma_start3A_167, %dma_start3A_171] : memref<26x64xi32, #tpu.memory_space<vmem>> -> memref<1x64xi32, #tpu.memory_space<vmem>>
      %dma_start3A_173 = tpu.memref_squeeze %dma_start3A_172 : memref<1x64xi32, #tpu.memory_space<vmem>> -> memref<64xi32, #tpu.memory_space<vmem>>
      %dma_start3A_174 = arith.constant 819200 : i32
      %dma_start3A_175 = arith.constant 0 : i32
      %dma_start3A_176 = tpu.memref_slice %arg3[%dma_start3A_174, %dma_start3A_175] : memref<3276800x16xf32, #tpu.memory_space<hbm>> -> memref<819200x16xf32, #tpu.memory_space<hbm>>
      %dma_start3A_177 = arith.constant 0 : i32
      %dma_start3A_178 = arith.constant 0 : i32
      %dma_start3A_179 = tpu.memref_slice %dma_start3A_176[%dma_start3A_177, %dma_start3A_178] : memref<819200x16xf32, #tpu.memory_space<hbm>> -> memref<819200x16xf32, #tpu.memory_space<hbm>>
      tpu.enqueue_indirect_dma source(%dma_start3A_179 : memref<819200x16xf32, #tpu.memory_space<hbm>>) target(%dma_start3A_170 : memref<64x16xf32, #tpu.memory_space<vmem>>) offsets(%dma_start3A_173 : memref<64xi32, #tpu.memory_space<vmem>>) semaphore(%arg7 : memref<!tpu.dma_semaphore, #tpu.memory_space<semaphore_mem>>)
      %dma_start3A_180 = arith.constant 13 : i32
      %dma_start3A_181 = arith.constant 832 : i32
      %dma_start3A_182 = arith.constant 0 : i32
      %dma_start3A_183 = tpu.memref_slice %arg6[%dma_start3A_181, %dma_start3A_182] : memref<1664x16xf32, #tpu.memory_space<vmem>> -> memref<64x16xf32, #tpu.memory_space<vmem>>
      %dma_start3A_184 = arith.constant 0 : i32
      %dma_start3A_185 = tpu.memref_slice %arg5[%dma_start3A_180, %dma_start3A_184] : memref<26x64xi32, #tpu.memory_space<vmem>> -> memref<1x64xi32, #tpu.memory_space<vmem>>
      %dma_start3A_186 = tpu.memref_squeeze %dma_start3A_185 : memref<1x64xi32, #tpu.memory_space<vmem>> -> memref<64xi32, #tpu.memory_space<vmem>>
      %dma_start3A_187 = arith.constant 819200 : i32
      %dma_start3A_188 = arith.constant 0 : i32
      %dma_start3A_189 = tpu.memref_slice %arg3[%dma_start3A_187, %dma_start3A_188] : memref<3276800x16xf32, #tpu.memory_space<hbm>> -> memref<819200x16xf32, #tpu.memory_space<hbm>>
      %dma_start3A_190 = arith.constant 0 : i32
      %dma_start3A_191 = arith.constant 0 : i32
      %dma_start3A_192 = tpu.memref_slice %dma_start3A_189[%dma_start3A_190, %dma_start3A_191] : memref<819200x16xf32, #tpu.memory_space<hbm>> -> memref<819200x16xf32, #tpu.memory_space<hbm>>
      tpu.enqueue_indirect_dma source(%dma_start3A_192 : memref<819200x16xf32, #tpu.memory_space<hbm>>) target(%dma_start3A_183 : memref<64x16xf32, #tpu.memory_space<vmem>>) offsets(%dma_start3A_186 : memref<64xi32, #tpu.memory_space<vmem>>) semaphore(%arg7 : memref<!tpu.dma_semaphore, #tpu.memory_space<semaphore_mem>>)
      %dma_start3A_193 = arith.constant 14 : i32
      %dma_start3A_194 = arith.constant 896 : i32
      %dma_start3A_195 = arith.constant 0 : i32
      %dma_start3A_196 = tpu.memref_slice %arg6[%dma_start3A_194, %dma_start3A_195] : memref<1664x16xf32, #tpu.memory_space<vmem>> -> memref<64x16xf32, #tpu.memory_space<vmem>>
      %dma_start3A_197 = arith.constant 0 : i32
      %dma_start3A_198 = tpu.memref_slice %arg5[%dma_start3A_193, %dma_start3A_197] : memref<26x64xi32, #tpu.memory_space<vmem>> -> memref<1x64xi32, #tpu.memory_space<vmem>>
      %dma_start3A_199 = tpu.memref_squeeze %dma_start3A_198 : memref<1x64xi32, #tpu.memory_space<vmem>> -> memref<64xi32, #tpu.memory_space<vmem>>
      %dma_start3A_200 = arith.constant 819200 : i32
      %dma_start3A_201 = arith.constant 0 : i32
      %dma_start3A_202 = tpu.memref_slice %arg3[%dma_start3A_200, %dma_start3A_201] : memref<3276800x16xf32, #tpu.memory_space<hbm>> -> memref<819200x16xf32, #tpu.memory_space<hbm>>
      %dma_start3A_203 = arith.constant 0 : i32
      %dma_start3A_204 = arith.constant 0 : i32
      %dma_start3A_205 = tpu.memref_slice %dma_start3A_202[%dma_start3A_203, %dma_start3A_204] : memref<819200x16xf32, #tpu.memory_space<hbm>> -> memref<819200x16xf32, #tpu.memory_space<hbm>>
      tpu.enqueue_indirect_dma source(%dma_start3A_205 : memref<819200x16xf32, #tpu.memory_space<hbm>>) target(%dma_start3A_196 : memref<64x16xf32, #tpu.memory_space<vmem>>) offsets(%dma_start3A_199 : memref<64xi32, #tpu.memory_space<vmem>>) semaphore(%arg7 : memref<!tpu.dma_semaphore, #tpu.memory_space<semaphore_mem>>)
      %dma_start3A_206 = arith.constant 15 : i32
      %dma_start3A_207 = arith.constant 960 : i32
      %dma_start3A_208 = arith.constant 0 : i32
      %dma_start3A_209 = tpu.memref_slice %arg6[%dma_start3A_207, %dma_start3A_208] : memref<1664x16xf32, #tpu.memory_space<vmem>> -> memref<64x16xf32, #tpu.memory_space<vmem>>
      %dma_start3A_210 = arith.constant 0 : i32
      %dma_start3A_211 = tpu.memref_slice %arg5[%dma_start3A_206, %dma_start3A_210] : memref<26x64xi32, #tpu.memory_space<vmem>> -> memref<1x64xi32, #tpu.memory_space<vmem>>
      %dma_start3A_212 = tpu.memref_squeeze %dma_start3A_211 : memref<1x64xi32, #tpu.memory_space<vmem>> -> memref<64xi32, #tpu.memory_space<vmem>>
      %dma_start3A_213 = arith.constant 819200 : i32
      %dma_start3A_214 = arith.constant 0 : i32
      %dma_start3A_215 = tpu.memref_slice %arg3[%dma_start3A_213, %dma_start3A_214] : memref<3276800x16xf32, #tpu.memory_space<hbm>> -> memref<819200x16xf32, #tpu.memory_space<hbm>>
      %dma_start3A_216 = arith.constant 0 : i32
      %dma_start3A_217 = arith.constant 0 : i32
      %dma_start3A_218 = tpu.memref_slice %dma_start3A_215[%dma_start3A_216, %dma_start3A_217] : memref<819200x16xf32, #tpu.memory_space<hbm>> -> memref<819200x16xf32, #tpu.memory_space<hbm>>
      tpu.enqueue_indirect_dma source(%dma_start3A_218 : memref<819200x16xf32, #tpu.memory_space<hbm>>) target(%dma_start3A_209 : memref<64x16xf32, #tpu.memory_space<vmem>>) offsets(%dma_start3A_212 : memref<64xi32, #tpu.memory_space<vmem>>) semaphore(%arg7 : memref<!tpu.dma_semaphore, #tpu.memory_space<semaphore_mem>>)
      %dma_start3A_219 = arith.constant 16 : i32
      %dma_start3A_220 = arith.constant 1024 : i32
      %dma_start3A_221 = arith.constant 0 : i32
      %dma_start3A_222 = tpu.memref_slice %arg6[%dma_start3A_220, %dma_start3A_221] : memref<1664x16xf32, #tpu.memory_space<vmem>> -> memref<64x16xf32, #tpu.memory_space<vmem>>
      %dma_start3A_223 = arith.constant 0 : i32
      %dma_start3A_224 = tpu.memref_slice %arg5[%dma_start3A_219, %dma_start3A_223] : memref<26x64xi32, #tpu.memory_space<vmem>> -> memref<1x64xi32, #tpu.memory_space<vmem>>
      %dma_start3A_225 = tpu.memref_squeeze %dma_start3A_224 : memref<1x64xi32, #tpu.memory_space<vmem>> -> memref<64xi32, #tpu.memory_space<vmem>>
      %dma_start3A_226 = arith.constant 1638400 : i32
      %dma_start3A_227 = arith.constant 0 : i32
      %dma_start3A_228 = tpu.memref_slice %arg3[%dma_start3A_226, %dma_start3A_227] : memref<3276800x16xf32, #tpu.memory_space<hbm>> -> memref<819200x16xf32, #tpu.memory_space<hbm>>
      %dma_start3A_229 = arith.constant 0 : i32
      %dma_start3A_230 = arith.constant 0 : i32
      %dma_start3A_231 = tpu.memref_slice %dma_start3A_228[%dma_start3A_229, %dma_start3A_230] : memref<819200x16xf32, #tpu.memory_space<hbm>> -> memref<819200x16xf32, #tpu.memory_space<hbm>>
      tpu.enqueue_indirect_dma source(%dma_start3A_231 : memref<819200x16xf32, #tpu.memory_space<hbm>>) target(%dma_start3A_222 : memref<64x16xf32, #tpu.memory_space<vmem>>) offsets(%dma_start3A_225 : memref<64xi32, #tpu.memory_space<vmem>>) semaphore(%arg7 : memref<!tpu.dma_semaphore, #tpu.memory_space<semaphore_mem>>)
      %dma_start3A_232 = arith.constant 17 : i32
      %dma_start3A_233 = arith.constant 1088 : i32
      %dma_start3A_234 = arith.constant 0 : i32
      %dma_start3A_235 = tpu.memref_slice %arg6[%dma_start3A_233, %dma_start3A_234] : memref<1664x16xf32, #tpu.memory_space<vmem>> -> memref<64x16xf32, #tpu.memory_space<vmem>>
      %dma_start3A_236 = arith.constant 0 : i32
      %dma_start3A_237 = tpu.memref_slice %arg5[%dma_start3A_232, %dma_start3A_236] : memref<26x64xi32, #tpu.memory_space<vmem>> -> memref<1x64xi32, #tpu.memory_space<vmem>>
      %dma_start3A_238 = tpu.memref_squeeze %dma_start3A_237 : memref<1x64xi32, #tpu.memory_space<vmem>> -> memref<64xi32, #tpu.memory_space<vmem>>
      %dma_start3A_239 = arith.constant 1638400 : i32
      %dma_start3A_240 = arith.constant 0 : i32
      %dma_start3A_241 = tpu.memref_slice %arg3[%dma_start3A_239, %dma_start3A_240] : memref<3276800x16xf32, #tpu.memory_space<hbm>> -> memref<819200x16xf32, #tpu.memory_space<hbm>>
      %dma_start3A_242 = arith.constant 0 : i32
      %dma_start3A_243 = arith.constant 0 : i32
      %dma_start3A_244 = tpu.memref_slice %dma_start3A_241[%dma_start3A_242, %dma_start3A_243] : memref<819200x16xf32, #tpu.memory_space<hbm>> -> memref<819200x16xf32, #tpu.memory_space<hbm>>
      tpu.enqueue_indirect_dma source(%dma_start3A_244 : memref<819200x16xf32, #tpu.memory_space<hbm>>) target(%dma_start3A_235 : memref<64x16xf32, #tpu.memory_space<vmem>>) offsets(%dma_start3A_238 : memref<64xi32, #tpu.memory_space<vmem>>) semaphore(%arg7 : memref<!tpu.dma_semaphore, #tpu.memory_space<semaphore_mem>>)
      %dma_start3A_245 = arith.constant 18 : i32
      %dma_start3A_246 = arith.constant 1152 : i32
      %dma_start3A_247 = arith.constant 0 : i32
      %dma_start3A_248 = tpu.memref_slice %arg6[%dma_start3A_246, %dma_start3A_247] : memref<1664x16xf32, #tpu.memory_space<vmem>> -> memref<64x16xf32, #tpu.memory_space<vmem>>
      %dma_start3A_249 = arith.constant 0 : i32
      %dma_start3A_250 = tpu.memref_slice %arg5[%dma_start3A_245, %dma_start3A_249] : memref<26x64xi32, #tpu.memory_space<vmem>> -> memref<1x64xi32, #tpu.memory_space<vmem>>
      %dma_start3A_251 = tpu.memref_squeeze %dma_start3A_250 : memref<1x64xi32, #tpu.memory_space<vmem>> -> memref<64xi32, #tpu.memory_space<vmem>>
      %dma_start3A_252 = arith.constant 1638400 : i32
      %dma_start3A_253 = arith.constant 0 : i32
      %dma_start3A_254 = tpu.memref_slice %arg3[%dma_start3A_252, %dma_start3A_253] : memref<3276800x16xf32, #tpu.memory_space<hbm>> -> memref<819200x16xf32, #tpu.memory_space<hbm>>
      %dma_start3A_255 = arith.constant 0 : i32
      %dma_start3A_256 = arith.constant 0 : i32
      %dma_start3A_257 = tpu.memref_slice %dma_start3A_254[%dma_start3A_255, %dma_start3A_256] : memref<819200x16xf32, #tpu.memory_space<hbm>> -> memref<819200x16xf32, #tpu.memory_space<hbm>>
      tpu.enqueue_indirect_dma source(%dma_start3A_257 : memref<819200x16xf32, #tpu.memory_space<hbm>>) target(%dma_start3A_248 : memref<64x16xf32, #tpu.memory_space<vmem>>) offsets(%dma_start3A_251 : memref<64xi32, #tpu.memory_space<vmem>>) semaphore(%arg7 : memref<!tpu.dma_semaphore, #tpu.memory_space<semaphore_mem>>)
      %dma_start3A_258 = arith.constant 19 : i32
      %dma_start3A_259 = arith.constant 1216 : i32
      %dma_start3A_260 = arith.constant 0 : i32
      %dma_start3A_261 = tpu.memref_slice %arg6[%dma_start3A_259, %dma_start3A_260] : memref<1664x16xf32, #tpu.memory_space<vmem>> -> memref<64x16xf32, #tpu.memory_space<vmem>>
      %dma_start3A_262 = arith.constant 0 : i32
      %dma_start3A_263 = tpu.memref_slice %arg5[%dma_start3A_258, %dma_start3A_262] : memref<26x64xi32, #tpu.memory_space<vmem>> -> memref<1x64xi32, #tpu.memory_space<vmem>>
      %dma_start3A_264 = tpu.memref_squeeze %dma_start3A_263 : memref<1x64xi32, #tpu.memory_space<vmem>> -> memref<64xi32, #tpu.memory_space<vmem>>
      %dma_start3A_265 = arith.constant 1638400 : i32
      %dma_start3A_266 = arith.constant 0 : i32
      %dma_start3A_267 = tpu.memref_slice %arg3[%dma_start3A_265, %dma_start3A_266] : memref<3276800x16xf32, #tpu.memory_space<hbm>> -> memref<819200x16xf32, #tpu.memory_space<hbm>>
      %dma_start3A_268 = arith.constant 0 : i32
      %dma_start3A_269 = arith.constant 0 : i32
      %dma_start3A_270 = tpu.memref_slice %dma_start3A_267[%dma_start3A_268, %dma_start3A_269] : memref<819200x16xf32, #tpu.memory_space<hbm>> -> memref<819200x16xf32, #tpu.memory_space<hbm>>
      tpu.enqueue_indirect_dma source(%dma_start3A_270 : memref<819200x16xf32, #tpu.memory_space<hbm>>) target(%dma_start3A_261 : memref<64x16xf32, #tpu.memory_space<vmem>>) offsets(%dma_start3A_264 : memref<64xi32, #tpu.memory_space<vmem>>) semaphore(%arg7 : memref<!tpu.dma_semaphore, #tpu.memory_space<semaphore_mem>>)
      %dma_start3A_271 = arith.constant 20 : i32
      %dma_start3A_272 = arith.constant 1280 : i32
      %dma_start3A_273 = arith.constant 0 : i32
      %dma_start3A_274 = tpu.memref_slice %arg6[%dma_start3A_272, %dma_start3A_273] : memref<1664x16xf32, #tpu.memory_space<vmem>> -> memref<64x16xf32, #tpu.memory_space<vmem>>
      %dma_start3A_275 = arith.constant 0 : i32
      %dma_start3A_276 = tpu.memref_slice %arg5[%dma_start3A_271, %dma_start3A_275] : memref<26x64xi32, #tpu.memory_space<vmem>> -> memref<1x64xi32, #tpu.memory_space<vmem>>
      %dma_start3A_277 = tpu.memref_squeeze %dma_start3A_276 : memref<1x64xi32, #tpu.memory_space<vmem>> -> memref<64xi32, #tpu.memory_space<vmem>>
      %dma_start3A_278 = arith.constant 1638400 : i32
      %dma_start3A_279 = arith.constant 0 : i32
      %dma_start3A_280 = tpu.memref_slice %arg3[%dma_start3A_278, %dma_start3A_279] : memref<3276800x16xf32, #tpu.memory_space<hbm>> -> memref<819200x16xf32, #tpu.memory_space<hbm>>
      %dma_start3A_281 = arith.constant 0 : i32
      %dma_start3A_282 = arith.constant 0 : i32
      %dma_start3A_283 = tpu.memref_slice %dma_start3A_280[%dma_start3A_281, %dma_start3A_282] : memref<819200x16xf32, #tpu.memory_space<hbm>> -> memref<819200x16xf32, #tpu.memory_space<hbm>>
      tpu.enqueue_indirect_dma source(%dma_start3A_283 : memref<819200x16xf32, #tpu.memory_space<hbm>>) target(%dma_start3A_274 : memref<64x16xf32, #tpu.memory_space<vmem>>) offsets(%dma_start3A_277 : memref<64xi32, #tpu.memory_space<vmem>>) semaphore(%arg7 : memref<!tpu.dma_semaphore, #tpu.memory_space<semaphore_mem>>)
      %dma_start3A_284 = arith.constant 21 : i32
      %dma_start3A_285 = arith.constant 1344 : i32
      %dma_start3A_286 = arith.constant 0 : i32
      %dma_start3A_287 = tpu.memref_slice %arg6[%dma_start3A_285, %dma_start3A_286] : memref<1664x16xf32, #tpu.memory_space<vmem>> -> memref<64x16xf32, #tpu.memory_space<vmem>>
      %dma_start3A_288 = arith.constant 0 : i32
      %dma_start3A_289 = tpu.memref_slice %arg5[%dma_start3A_284, %dma_start3A_288] : memref<26x64xi32, #tpu.memory_space<vmem>> -> memref<1x64xi32, #tpu.memory_space<vmem>>
      %dma_start3A_290 = tpu.memref_squeeze %dma_start3A_289 : memref<1x64xi32, #tpu.memory_space<vmem>> -> memref<64xi32, #tpu.memory_space<vmem>>
      %dma_start3A_291 = arith.constant 1638400 : i32
      %dma_start3A_292 = arith.constant 0 : i32
      %dma_start3A_293 = tpu.memref_slice %arg3[%dma_start3A_291, %dma_start3A_292] : memref<3276800x16xf32, #tpu.memory_space<hbm>> -> memref<819200x16xf32, #tpu.memory_space<hbm>>
      %dma_start3A_294 = arith.constant 0 : i32
      %dma_start3A_295 = arith.constant 0 : i32
      %dma_start3A_296 = tpu.memref_slice %dma_start3A_293[%dma_start3A_294, %dma_start3A_295] : memref<819200x16xf32, #tpu.memory_space<hbm>> -> memref<819200x16xf32, #tpu.memory_space<hbm>>
      tpu.enqueue_indirect_dma source(%dma_start3A_296 : memref<819200x16xf32, #tpu.memory_space<hbm>>) target(%dma_start3A_287 : memref<64x16xf32, #tpu.memory_space<vmem>>) offsets(%dma_start3A_290 : memref<64xi32, #tpu.memory_space<vmem>>) semaphore(%arg7 : memref<!tpu.dma_semaphore, #tpu.memory_space<semaphore_mem>>)
      %dma_start3A_297 = arith.constant 22 : i32
      %dma_start3A_298 = arith.constant 1408 : i32
      %dma_start3A_299 = arith.constant 0 : i32
      %dma_start3A_300 = tpu.memref_slice %arg6[%dma_start3A_298, %dma_start3A_299] : memref<1664x16xf32, #tpu.memory_space<vmem>> -> memref<64x16xf32, #tpu.memory_space<vmem>>
      %dma_start3A_301 = arith.constant 0 : i32
      %dma_start3A_302 = tpu.memref_slice %arg5[%dma_start3A_297, %dma_start3A_301] : memref<26x64xi32, #tpu.memory_space<vmem>> -> memref<1x64xi32, #tpu.memory_space<vmem>>
      %dma_start3A_303 = tpu.memref_squeeze %dma_start3A_302 : memref<1x64xi32, #tpu.memory_space<vmem>> -> memref<64xi32, #tpu.memory_space<vmem>>
      %dma_start3A_304 = arith.constant 1638400 : i32
      %dma_start3A_305 = arith.constant 0 : i32
      %dma_start3A_306 = tpu.memref_slice %arg3[%dma_start3A_304, %dma_start3A_305] : memref<3276800x16xf32, #tpu.memory_space<hbm>> -> memref<819200x16xf32, #tpu.memory_space<hbm>>
      %dma_start3A_307 = arith.constant 0 : i32
      %dma_start3A_308 = arith.constant 0 : i32
      %dma_start3A_309 = tpu.memref_slice %dma_start3A_306[%dma_start3A_307, %dma_start3A_308] : memref<819200x16xf32, #tpu.memory_space<hbm>> -> memref<819200x16xf32, #tpu.memory_space<hbm>>
      tpu.enqueue_indirect_dma source(%dma_start3A_309 : memref<819200x16xf32, #tpu.memory_space<hbm>>) target(%dma_start3A_300 : memref<64x16xf32, #tpu.memory_space<vmem>>) offsets(%dma_start3A_303 : memref<64xi32, #tpu.memory_space<vmem>>) semaphore(%arg7 : memref<!tpu.dma_semaphore, #tpu.memory_space<semaphore_mem>>)
      %dma_start3A_310 = arith.constant 23 : i32
      %dma_start3A_311 = arith.constant 1472 : i32
      %dma_start3A_312 = arith.constant 0 : i32
      %dma_start3A_313 = tpu.memref_slice %arg6[%dma_start3A_311, %dma_start3A_312] : memref<1664x16xf32, #tpu.memory_space<vmem>> -> memref<64x16xf32, #tpu.memory_space<vmem>>
      %dma_start3A_314 = arith.constant 0 : i32
      %dma_start3A_315 = tpu.memref_slice %arg5[%dma_start3A_310, %dma_start3A_314] : memref<26x64xi32, #tpu.memory_space<vmem>> -> memref<1x64xi32, #tpu.memory_space<vmem>>
      %dma_start3A_316 = tpu.memref_squeeze %dma_start3A_315 : memref<1x64xi32, #tpu.memory_space<vmem>> -> memref<64xi32, #tpu.memory_space<vmem>>
      %dma_start3A_317 = arith.constant 1638400 : i32
      %dma_start3A_318 = arith.constant 0 : i32
      %dma_start3A_319 = tpu.memref_slice %arg3[%dma_start3A_317, %dma_start3A_318] : memref<3276800x16xf32, #tpu.memory_space<hbm>> -> memref<819200x16xf32, #tpu.memory_space<hbm>>
      %dma_start3A_320 = arith.constant 0 : i32
      %dma_start3A_321 = arith.constant 0 : i32
      %dma_start3A_322 = tpu.memref_slice %dma_start3A_319[%dma_start3A_320, %dma_start3A_321] : memref<819200x16xf32, #tpu.memory_space<hbm>> -> memref<819200x16xf32, #tpu.memory_space<hbm>>
      tpu.enqueue_indirect_dma source(%dma_start3A_322 : memref<819200x16xf32, #tpu.memory_space<hbm>>) target(%dma_start3A_313 : memref<64x16xf32, #tpu.memory_space<vmem>>) offsets(%dma_start3A_316 : memref<64xi32, #tpu.memory_space<vmem>>) semaphore(%arg7 : memref<!tpu.dma_semaphore, #tpu.memory_space<semaphore_mem>>)
      %dma_start3A_323 = arith.constant 24 : i32
      %dma_start3A_324 = arith.constant 1536 : i32
      %dma_start3A_325 = arith.constant 0 : i32
      %dma_start3A_326 = tpu.memref_slice %arg6[%dma_start3A_324, %dma_start3A_325] : memref<1664x16xf32, #tpu.memory_space<vmem>> -> memref<64x16xf32, #tpu.memory_space<vmem>>
      %dma_start3A_327 = arith.constant 0 : i32
      %dma_start3A_328 = tpu.memref_slice %arg5[%dma_start3A_323, %dma_start3A_327] : memref<26x64xi32, #tpu.memory_space<vmem>> -> memref<1x64xi32, #tpu.memory_space<vmem>>
      %dma_start3A_329 = tpu.memref_squeeze %dma_start3A_328 : memref<1x64xi32, #tpu.memory_space<vmem>> -> memref<64xi32, #tpu.memory_space<vmem>>
      %dma_start3A_330 = arith.constant 2457600 : i32
      %dma_start3A_331 = arith.constant 0 : i32
      %dma_start3A_332 = tpu.memref_slice %arg3[%dma_start3A_330, %dma_start3A_331] : memref<3276800x16xf32, #tpu.memory_space<hbm>> -> memref<819200x16xf32, #tpu.memory_space<hbm>>
      %dma_start3A_333 = arith.constant 0 : i32
      %dma_start3A_334 = arith.constant 0 : i32
      %dma_start3A_335 = tpu.memref_slice %dma_start3A_332[%dma_start3A_333, %dma_start3A_334] : memref<819200x16xf32, #tpu.memory_space<hbm>> -> memref<819200x16xf32, #tpu.memory_space<hbm>>
      tpu.enqueue_indirect_dma source(%dma_start3A_335 : memref<819200x16xf32, #tpu.memory_space<hbm>>) target(%dma_start3A_326 : memref<64x16xf32, #tpu.memory_space<vmem>>) offsets(%dma_start3A_329 : memref<64xi32, #tpu.memory_space<vmem>>) semaphore(%arg7 : memref<!tpu.dma_semaphore, #tpu.memory_space<semaphore_mem>>)
      %dma_start3A_336 = arith.constant 25 : i32
      %dma_start3A_337 = arith.constant 1600 : i32
      %dma_start3A_338 = arith.constant 0 : i32
      %dma_start3A_339 = tpu.memref_slice %arg6[%dma_start3A_337, %dma_start3A_338] : memref<1664x16xf32, #tpu.memory_space<vmem>> -> memref<64x16xf32, #tpu.memory_space<vmem>>
      %dma_start3A_340 = arith.constant 0 : i32
      %dma_start3A_341 = tpu.memref_slice %arg5[%dma_start3A_336, %dma_start3A_340] : memref<26x64xi32, #tpu.memory_space<vmem>> -> memref<1x64xi32, #tpu.memory_space<vmem>>
      %dma_start3A_342 = tpu.memref_squeeze %dma_start3A_341 : memref<1x64xi32, #tpu.memory_space<vmem>> -> memref<64xi32, #tpu.memory_space<vmem>>
      %dma_start3A_343 = arith.constant 2457600 : i32
      %dma_start3A_344 = arith.constant 0 : i32
      %dma_start3A_345 = tpu.memref_slice %arg3[%dma_start3A_343, %dma_start3A_344] : memref<3276800x16xf32, #tpu.memory_space<hbm>> -> memref<819200x16xf32, #tpu.memory_space<hbm>>
      %dma_start3A_346 = arith.constant 0 : i32
      %dma_start3A_347 = arith.constant 0 : i32
      %dma_start3A_348 = tpu.memref_slice %dma_start3A_345[%dma_start3A_346, %dma_start3A_347] : memref<819200x16xf32, #tpu.memory_space<hbm>> -> memref<819200x16xf32, #tpu.memory_space<hbm>>
      tpu.enqueue_indirect_dma source(%dma_start3A_348 : memref<819200x16xf32, #tpu.memory_space<hbm>>) target(%dma_start3A_339 : memref<64x16xf32, #tpu.memory_space<vmem>>) offsets(%dma_start3A_342 : memref<64xi32, #tpu.memory_space<vmem>>) semaphore(%arg7 : memref<!tpu.dma_semaphore, #tpu.memory_space<semaphore_mem>>)
      %dma_wait3A = arith.constant 0 : i32
      %dma_wait3A_349 = arith.constant 0 : i32
      %dma_wait3A_350 = arith.constant 0 : i32
      %dma_wait3A_351 = tpu.memref_slice %arg6[%dma_wait3A_349, %dma_wait3A_350] : memref<1664x16xf32, #tpu.memory_space<vmem>> -> memref<64x16xf32, #tpu.memory_space<vmem>>
      %dma_wait3A_352 = arith.constant 0 : i32
      %dma_wait3A_353 = tpu.memref_slice %arg5[%dma_wait3A, %dma_wait3A_352] : memref<26x64xi32, #tpu.memory_space<vmem>> -> memref<1x64xi32, #tpu.memory_space<vmem>>
      %dma_wait3A_354 = tpu.memref_squeeze %dma_wait3A_353 : memref<1x64xi32, #tpu.memory_space<vmem>> -> memref<64xi32, #tpu.memory_space<vmem>>
      %dma_wait3A_355 = arith.constant 0 : i32
      %dma_wait3A_356 = arith.constant 0 : i32
      %dma_wait3A_357 = tpu.memref_slice %arg3[%dma_wait3A_355, %dma_wait3A_356] : memref<3276800x16xf32, #tpu.memory_space<hbm>> -> memref<819200x16xf32, #tpu.memory_space<hbm>>
      %dma_wait3A_358 = arith.constant 0 : i32
      %dma_wait3A_359 = arith.constant 0 : i32
      %dma_wait3A_360 = tpu.memref_slice %dma_wait3A_357[%dma_wait3A_358, %dma_wait3A_359] : memref<819200x16xf32, #tpu.memory_space<hbm>> -> memref<819200x16xf32, #tpu.memory_space<hbm>>
      tpu.wait_indirect_dma semaphore(%arg7 : memref<!tpu.dma_semaphore, #tpu.memory_space<semaphore_mem>>) src(%dma_wait3A_360 : memref<819200x16xf32, #tpu.memory_space<hbm>>) dst(%dma_wait3A_351 : memref<64x16xf32, #tpu.memory_space<vmem>>)
      %dma_wait3A_361 = arith.constant 1 : i32
      %dma_wait3A_362 = arith.constant 64 : i32
      %dma_wait3A_363 = arith.constant 0 : i32
      %dma_wait3A_364 = tpu.memref_slice %arg6[%dma_wait3A_362, %dma_wait3A_363] : memref<1664x16xf32, #tpu.memory_space<vmem>> -> memref<64x16xf32, #tpu.memory_space<vmem>>
      %dma_wait3A_365 = arith.constant 0 : i32
      %dma_wait3A_366 = tpu.memref_slice %arg5[%dma_wait3A_361, %dma_wait3A_365] : memref<26x64xi32, #tpu.memory_space<vmem>> -> memref<1x64xi32, #tpu.memory_space<vmem>>
      %dma_wait3A_367 = tpu.memref_squeeze %dma_wait3A_366 : memref<1x64xi32, #tpu.memory_space<vmem>> -> memref<64xi32, #tpu.memory_space<vmem>>
      %dma_wait3A_368 = arith.constant 0 : i32
      %dma_wait3A_369 = arith.constant 0 : i32
      %dma_wait3A_370 = tpu.memref_slice %arg3[%dma_wait3A_368, %dma_wait3A_369] : memref<3276800x16xf32, #tpu.memory_space<hbm>> -> memref<819200x16xf32, #tpu.memory_space<hbm>>
      %dma_wait3A_371 = arith.constant 0 : i32
      %dma_wait3A_372 = arith.constant 0 : i32
      %dma_wait3A_373 = tpu.memref_slice %dma_wait3A_370[%dma_wait3A_371, %dma_wait3A_372] : memref<819200x16xf32, #tpu.memory_space<hbm>> -> memref<819200x16xf32, #tpu.memory_space<hbm>>
      tpu.wait_indirect_dma semaphore(%arg7 : memref<!tpu.dma_semaphore, #tpu.memory_space<semaphore_mem>>) src(%dma_wait3A_373 : memref<819200x16xf32, #tpu.memory_space<hbm>>) dst(%dma_wait3A_364 : memref<64x16xf32, #tpu.memory_space<vmem>>)
      %dma_wait3A_374 = arith.constant 2 : i32
      %dma_wait3A_375 = arith.constant 128 : i32
      %dma_wait3A_376 = arith.constant 0 : i32
      %dma_wait3A_377 = tpu.memref_slice %arg6[%dma_wait3A_375, %dma_wait3A_376] : memref<1664x16xf32, #tpu.memory_space<vmem>> -> memref<64x16xf32, #tpu.memory_space<vmem>>
      %dma_wait3A_378 = arith.constant 0 : i32
      %dma_wait3A_379 = tpu.memref_slice %arg5[%dma_wait3A_374, %dma_wait3A_378] : memref<26x64xi32, #tpu.memory_space<vmem>> -> memref<1x64xi32, #tpu.memory_space<vmem>>
      %dma_wait3A_380 = tpu.memref_squeeze %dma_wait3A_379 : memref<1x64xi32, #tpu.memory_space<vmem>> -> memref<64xi32, #tpu.memory_space<vmem>>
      %dma_wait3A_381 = arith.constant 0 : i32
      %dma_wait3A_382 = arith.constant 0 : i32
      %dma_wait3A_383 = tpu.memref_slice %arg3[%dma_wait3A_381, %dma_wait3A_382] : memref<3276800x16xf32, #tpu.memory_space<hbm>> -> memref<819200x16xf32, #tpu.memory_space<hbm>>
      %dma_wait3A_384 = arith.constant 0 : i32
      %dma_wait3A_385 = arith.constant 0 : i32
      %dma_wait3A_386 = tpu.memref_slice %dma_wait3A_383[%dma_wait3A_384, %dma_wait3A_385] : memref<819200x16xf32, #tpu.memory_space<hbm>> -> memref<819200x16xf32, #tpu.memory_space<hbm>>
      tpu.wait_indirect_dma semaphore(%arg7 : memref<!tpu.dma_semaphore, #tpu.memory_space<semaphore_mem>>) src(%dma_wait3A_386 : memref<819200x16xf32, #tpu.memory_space<hbm>>) dst(%dma_wait3A_377 : memref<64x16xf32, #tpu.memory_space<vmem>>)
      %dma_wait3A_387 = arith.constant 3 : i32
      %dma_wait3A_388 = arith.constant 192 : i32
      %dma_wait3A_389 = arith.constant 0 : i32
      %dma_wait3A_390 = tpu.memref_slice %arg6[%dma_wait3A_388, %dma_wait3A_389] : memref<1664x16xf32, #tpu.memory_space<vmem>> -> memref<64x16xf32, #tpu.memory_space<vmem>>
      %dma_wait3A_391 = arith.constant 0 : i32
      %dma_wait3A_392 = tpu.memref_slice %arg5[%dma_wait3A_387, %dma_wait3A_391] : memref<26x64xi32, #tpu.memory_space<vmem>> -> memref<1x64xi32, #tpu.memory_space<vmem>>
      %dma_wait3A_393 = tpu.memref_squeeze %dma_wait3A_392 : memref<1x64xi32, #tpu.memory_space<vmem>> -> memref<64xi32, #tpu.memory_space<vmem>>
      %dma_wait3A_394 = arith.constant 0 : i32
      %dma_wait3A_395 = arith.constant 0 : i32
      %dma_wait3A_396 = tpu.memref_slice %arg3[%dma_wait3A_394, %dma_wait3A_395] : memref<3276800x16xf32, #tpu.memory_space<hbm>> -> memref<819200x16xf32, #tpu.memory_space<hbm>>
      %dma_wait3A_397 = arith.constant 0 : i32
      %dma_wait3A_398 = arith.constant 0 : i32
      %dma_wait3A_399 = tpu.memref_slice %dma_wait3A_396[%dma_wait3A_397, %dma_wait3A_398] : memref<819200x16xf32, #tpu.memory_space<hbm>> -> memref<819200x16xf32, #tpu.memory_space<hbm>>
      tpu.wait_indirect_dma semaphore(%arg7 : memref<!tpu.dma_semaphore, #tpu.memory_space<semaphore_mem>>) src(%dma_wait3A_399 : memref<819200x16xf32, #tpu.memory_space<hbm>>) dst(%dma_wait3A_390 : memref<64x16xf32, #tpu.memory_space<vmem>>)
      %dma_wait3A_400 = arith.constant 4 : i32
      %dma_wait3A_401 = arith.constant 256 : i32
      %dma_wait3A_402 = arith.constant 0 : i32
      %dma_wait3A_403 = tpu.memref_slice %arg6[%dma_wait3A_401, %dma_wait3A_402] : memref<1664x16xf32, #tpu.memory_space<vmem>> -> memref<64x16xf32, #tpu.memory_space<vmem>>
      %dma_wait3A_404 = arith.constant 0 : i32
      %dma_wait3A_405 = tpu.memref_slice %arg5[%dma_wait3A_400, %dma_wait3A_404] : memref<26x64xi32, #tpu.memory_space<vmem>> -> memref<1x64xi32, #tpu.memory_space<vmem>>
      %dma_wait3A_406 = tpu.memref_squeeze %dma_wait3A_405 : memref<1x64xi32, #tpu.memory_space<vmem>> -> memref<64xi32, #tpu.memory_space<vmem>>
      %dma_wait3A_407 = arith.constant 0 : i32
      %dma_wait3A_408 = arith.constant 0 : i32
      %dma_wait3A_409 = tpu.memref_slice %arg3[%dma_wait3A_407, %dma_wait3A_408] : memref<3276800x16xf32, #tpu.memory_space<hbm>> -> memref<819200x16xf32, #tpu.memory_space<hbm>>
      %dma_wait3A_410 = arith.constant 0 : i32
      %dma_wait3A_411 = arith.constant 0 : i32
      %dma_wait3A_412 = tpu.memref_slice %dma_wait3A_409[%dma_wait3A_410, %dma_wait3A_411] : memref<819200x16xf32, #tpu.memory_space<hbm>> -> memref<819200x16xf32, #tpu.memory_space<hbm>>
      tpu.wait_indirect_dma semaphore(%arg7 : memref<!tpu.dma_semaphore, #tpu.memory_space<semaphore_mem>>) src(%dma_wait3A_412 : memref<819200x16xf32, #tpu.memory_space<hbm>>) dst(%dma_wait3A_403 : memref<64x16xf32, #tpu.memory_space<vmem>>)
      %dma_wait3A_413 = arith.constant 5 : i32
      %dma_wait3A_414 = arith.constant 320 : i32
      %dma_wait3A_415 = arith.constant 0 : i32
      %dma_wait3A_416 = tpu.memref_slice %arg6[%dma_wait3A_414, %dma_wait3A_415] : memref<1664x16xf32, #tpu.memory_space<vmem>> -> memref<64x16xf32, #tpu.memory_space<vmem>>
      %dma_wait3A_417 = arith.constant 0 : i32
      %dma_wait3A_418 = tpu.memref_slice %arg5[%dma_wait3A_413, %dma_wait3A_417] : memref<26x64xi32, #tpu.memory_space<vmem>> -> memref<1x64xi32, #tpu.memory_space<vmem>>
      %dma_wait3A_419 = tpu.memref_squeeze %dma_wait3A_418 : memref<1x64xi32, #tpu.memory_space<vmem>> -> memref<64xi32, #tpu.memory_space<vmem>>
      %dma_wait3A_420 = arith.constant 0 : i32
      %dma_wait3A_421 = arith.constant 0 : i32
      %dma_wait3A_422 = tpu.memref_slice %arg3[%dma_wait3A_420, %dma_wait3A_421] : memref<3276800x16xf32, #tpu.memory_space<hbm>> -> memref<819200x16xf32, #tpu.memory_space<hbm>>
      %dma_wait3A_423 = arith.constant 0 : i32
      %dma_wait3A_424 = arith.constant 0 : i32
      %dma_wait3A_425 = tpu.memref_slice %dma_wait3A_422[%dma_wait3A_423, %dma_wait3A_424] : memref<819200x16xf32, #tpu.memory_space<hbm>> -> memref<819200x16xf32, #tpu.memory_space<hbm>>
      tpu.wait_indirect_dma semaphore(%arg7 : memref<!tpu.dma_semaphore, #tpu.memory_space<semaphore_mem>>) src(%dma_wait3A_425 : memref<819200x16xf32, #tpu.memory_space<hbm>>) dst(%dma_wait3A_416 : memref<64x16xf32, #tpu.memory_space<vmem>>)
      %dma_wait3A_426 = arith.constant 6 : i32
      %dma_wait3A_427 = arith.constant 384 : i32
      %dma_wait3A_428 = arith.constant 0 : i32
      %dma_wait3A_429 = tpu.memref_slice %arg6[%dma_wait3A_427, %dma_wait3A_428] : memref<1664x16xf32, #tpu.memory_space<vmem>> -> memref<64x16xf32, #tpu.memory_space<vmem>>
      %dma_wait3A_430 = arith.constant 0 : i32
      %dma_wait3A_431 = tpu.memref_slice %arg5[%dma_wait3A_426, %dma_wait3A_430] : memref<26x64xi32, #tpu.memory_space<vmem>> -> memref<1x64xi32, #tpu.memory_space<vmem>>
      %dma_wait3A_432 = tpu.memref_squeeze %dma_wait3A_431 : memref<1x64xi32, #tpu.memory_space<vmem>> -> memref<64xi32, #tpu.memory_space<vmem>>
      %dma_wait3A_433 = arith.constant 0 : i32
      %dma_wait3A_434 = arith.constant 0 : i32
      %dma_wait3A_435 = tpu.memref_slice %arg3[%dma_wait3A_433, %dma_wait3A_434] : memref<3276800x16xf32, #tpu.memory_space<hbm>> -> memref<819200x16xf32, #tpu.memory_space<hbm>>
      %dma_wait3A_436 = arith.constant 0 : i32
      %dma_wait3A_437 = arith.constant 0 : i32
      %dma_wait3A_438 = tpu.memref_slice %dma_wait3A_435[%dma_wait3A_436, %dma_wait3A_437] : memref<819200x16xf32, #tpu.memory_space<hbm>> -> memref<819200x16xf32, #tpu.memory_space<hbm>>
      tpu.wait_indirect_dma semaphore(%arg7 : memref<!tpu.dma_semaphore, #tpu.memory_space<semaphore_mem>>) src(%dma_wait3A_438 : memref<819200x16xf32, #tpu.memory_space<hbm>>) dst(%dma_wait3A_429 : memref<64x16xf32, #tpu.memory_space<vmem>>)
      %dma_wait3A_439 = arith.constant 7 : i32
      %dma_wait3A_440 = arith.constant 448 : i32
      %dma_wait3A_441 = arith.constant 0 : i32
      %dma_wait3A_442 = tpu.memref_slice %arg6[%dma_wait3A_440, %dma_wait3A_441] : memref<1664x16xf32, #tpu.memory_space<vmem>> -> memref<64x16xf32, #tpu.memory_space<vmem>>
      %dma_wait3A_443 = arith.constant 0 : i32
      %dma_wait3A_444 = tpu.memref_slice %arg5[%dma_wait3A_439, %dma_wait3A_443] : memref<26x64xi32, #tpu.memory_space<vmem>> -> memref<1x64xi32, #tpu.memory_space<vmem>>
      %dma_wait3A_445 = tpu.memref_squeeze %dma_wait3A_444 : memref<1x64xi32, #tpu.memory_space<vmem>> -> memref<64xi32, #tpu.memory_space<vmem>>
      %dma_wait3A_446 = arith.constant 0 : i32
      %dma_wait3A_447 = arith.constant 0 : i32
      %dma_wait3A_448 = tpu.memref_slice %arg3[%dma_wait3A_446, %dma_wait3A_447] : memref<3276800x16xf32, #tpu.memory_space<hbm>> -> memref<819200x16xf32, #tpu.memory_space<hbm>>
      %dma_wait3A_449 = arith.constant 0 : i32
      %dma_wait3A_450 = arith.constant 0 : i32
      %dma_wait3A_451 = tpu.memref_slice %dma_wait3A_448[%dma_wait3A_449, %dma_wait3A_450] : memref<819200x16xf32, #tpu.memory_space<hbm>> -> memref<819200x16xf32, #tpu.memory_space<hbm>>
      tpu.wait_indirect_dma semaphore(%arg7 : memref<!tpu.dma_semaphore, #tpu.memory_space<semaphore_mem>>) src(%dma_wait3A_451 : memref<819200x16xf32, #tpu.memory_space<hbm>>) dst(%dma_wait3A_442 : memref<64x16xf32, #tpu.memory_space<vmem>>)
      %dma_wait3A_452 = arith.constant 8 : i32
      %dma_wait3A_453 = arith.constant 512 : i32
      %dma_wait3A_454 = arith.constant 0 : i32
      %dma_wait3A_455 = tpu.memref_slice %arg6[%dma_wait3A_453, %dma_wait3A_454] : memref<1664x16xf32, #tpu.memory_space<vmem>> -> memref<64x16xf32, #tpu.memory_space<vmem>>
      %dma_wait3A_456 = arith.constant 0 : i32
      %dma_wait3A_457 = tpu.memref_slice %arg5[%dma_wait3A_452, %dma_wait3A_456] : memref<26x64xi32, #tpu.memory_space<vmem>> -> memref<1x64xi32, #tpu.memory_space<vmem>>
      %dma_wait3A_458 = tpu.memref_squeeze %dma_wait3A_457 : memref<1x64xi32, #tpu.memory_space<vmem>> -> memref<64xi32, #tpu.memory_space<vmem>>
      %dma_wait3A_459 = arith.constant 819200 : i32
      %dma_wait3A_460 = arith.constant 0 : i32
      %dma_wait3A_461 = tpu.memref_slice %arg3[%dma_wait3A_459, %dma_wait3A_460] : memref<3276800x16xf32, #tpu.memory_space<hbm>> -> memref<819200x16xf32, #tpu.memory_space<hbm>>
      %dma_wait3A_462 = arith.constant 0 : i32
      %dma_wait3A_463 = arith.constant 0 : i32
      %dma_wait3A_464 = tpu.memref_slice %dma_wait3A_461[%dma_wait3A_462, %dma_wait3A_463] : memref<819200x16xf32, #tpu.memory_space<hbm>> -> memref<819200x16xf32, #tpu.memory_space<hbm>>
      tpu.wait_indirect_dma semaphore(%arg7 : memref<!tpu.dma_semaphore, #tpu.memory_space<semaphore_mem>>) src(%dma_wait3A_464 : memref<819200x16xf32, #tpu.memory_space<hbm>>) dst(%dma_wait3A_455 : memref<64x16xf32, #tpu.memory_space<vmem>>)
      %dma_wait3A_465 = arith.constant 9 : i32
      %dma_wait3A_466 = arith.constant 576 : i32
      %dma_wait3A_467 = arith.constant 0 : i32
      %dma_wait3A_468 = tpu.memref_slice %arg6[%dma_wait3A_466, %dma_wait3A_467] : memref<1664x16xf32, #tpu.memory_space<vmem>> -> memref<64x16xf32, #tpu.memory_space<vmem>>
      %dma_wait3A_469 = arith.constant 0 : i32
      %dma_wait3A_470 = tpu.memref_slice %arg5[%dma_wait3A_465, %dma_wait3A_469] : memref<26x64xi32, #tpu.memory_space<vmem>> -> memref<1x64xi32, #tpu.memory_space<vmem>>
      %dma_wait3A_471 = tpu.memref_squeeze %dma_wait3A_470 : memref<1x64xi32, #tpu.memory_space<vmem>> -> memref<64xi32, #tpu.memory_space<vmem>>
      %dma_wait3A_472 = arith.constant 819200 : i32
      %dma_wait3A_473 = arith.constant 0 : i32
      %dma_wait3A_474 = tpu.memref_slice %arg3[%dma_wait3A_472, %dma_wait3A_473] : memref<3276800x16xf32, #tpu.memory_space<hbm>> -> memref<819200x16xf32, #tpu.memory_space<hbm>>
      %dma_wait3A_475 = arith.constant 0 : i32
      %dma_wait3A_476 = arith.constant 0 : i32
      %dma_wait3A_477 = tpu.memref_slice %dma_wait3A_474[%dma_wait3A_475, %dma_wait3A_476] : memref<819200x16xf32, #tpu.memory_space<hbm>> -> memref<819200x16xf32, #tpu.memory_space<hbm>>
      tpu.wait_indirect_dma semaphore(%arg7 : memref<!tpu.dma_semaphore, #tpu.memory_space<semaphore_mem>>) src(%dma_wait3A_477 : memref<819200x16xf32, #tpu.memory_space<hbm>>) dst(%dma_wait3A_468 : memref<64x16xf32, #tpu.memory_space<vmem>>)
      %dma_wait3A_478 = arith.constant 10 : i32
      %dma_wait3A_479 = arith.constant 640 : i32
      %dma_wait3A_480 = arith.constant 0 : i32
      %dma_wait3A_481 = tpu.memref_slice %arg6[%dma_wait3A_479, %dma_wait3A_480] : memref<1664x16xf32, #tpu.memory_space<vmem>> -> memref<64x16xf32, #tpu.memory_space<vmem>>
      %dma_wait3A_482 = arith.constant 0 : i32
      %dma_wait3A_483 = tpu.memref_slice %arg5[%dma_wait3A_478, %dma_wait3A_482] : memref<26x64xi32, #tpu.memory_space<vmem>> -> memref<1x64xi32, #tpu.memory_space<vmem>>
      %dma_wait3A_484 = tpu.memref_squeeze %dma_wait3A_483 : memref<1x64xi32, #tpu.memory_space<vmem>> -> memref<64xi32, #tpu.memory_space<vmem>>
      %dma_wait3A_485 = arith.constant 819200 : i32
      %dma_wait3A_486 = arith.constant 0 : i32
      %dma_wait3A_487 = tpu.memref_slice %arg3[%dma_wait3A_485, %dma_wait3A_486] : memref<3276800x16xf32, #tpu.memory_space<hbm>> -> memref<819200x16xf32, #tpu.memory_space<hbm>>
      %dma_wait3A_488 = arith.constant 0 : i32
      %dma_wait3A_489 = arith.constant 0 : i32
      %dma_wait3A_490 = tpu.memref_slice %dma_wait3A_487[%dma_wait3A_488, %dma_wait3A_489] : memref<819200x16xf32, #tpu.memory_space<hbm>> -> memref<819200x16xf32, #tpu.memory_space<hbm>>
      tpu.wait_indirect_dma semaphore(%arg7 : memref<!tpu.dma_semaphore, #tpu.memory_space<semaphore_mem>>) src(%dma_wait3A_490 : memref<819200x16xf32, #tpu.memory_space<hbm>>) dst(%dma_wait3A_481 : memref<64x16xf32, #tpu.memory_space<vmem>>)
      %dma_wait3A_491 = arith.constant 11 : i32
      %dma_wait3A_492 = arith.constant 704 : i32
      %dma_wait3A_493 = arith.constant 0 : i32
      %dma_wait3A_494 = tpu.memref_slice %arg6[%dma_wait3A_492, %dma_wait3A_493] : memref<1664x16xf32, #tpu.memory_space<vmem>> -> memref<64x16xf32, #tpu.memory_space<vmem>>
      %dma_wait3A_495 = arith.constant 0 : i32
      %dma_wait3A_496 = tpu.memref_slice %arg5[%dma_wait3A_491, %dma_wait3A_495] : memref<26x64xi32, #tpu.memory_space<vmem>> -> memref<1x64xi32, #tpu.memory_space<vmem>>
      %dma_wait3A_497 = tpu.memref_squeeze %dma_wait3A_496 : memref<1x64xi32, #tpu.memory_space<vmem>> -> memref<64xi32, #tpu.memory_space<vmem>>
      %dma_wait3A_498 = arith.constant 819200 : i32
      %dma_wait3A_499 = arith.constant 0 : i32
      %dma_wait3A_500 = tpu.memref_slice %arg3[%dma_wait3A_498, %dma_wait3A_499] : memref<3276800x16xf32, #tpu.memory_space<hbm>> -> memref<819200x16xf32, #tpu.memory_space<hbm>>
      %dma_wait3A_501 = arith.constant 0 : i32
      %dma_wait3A_502 = arith.constant 0 : i32
      %dma_wait3A_503 = tpu.memref_slice %dma_wait3A_500[%dma_wait3A_501, %dma_wait3A_502] : memref<819200x16xf32, #tpu.memory_space<hbm>> -> memref<819200x16xf32, #tpu.memory_space<hbm>>
      tpu.wait_indirect_dma semaphore(%arg7 : memref<!tpu.dma_semaphore, #tpu.memory_space<semaphore_mem>>) src(%dma_wait3A_503 : memref<819200x16xf32, #tpu.memory_space<hbm>>) dst(%dma_wait3A_494 : memref<64x16xf32, #tpu.memory_space<vmem>>)
      %dma_wait3A_504 = arith.constant 12 : i32
      %dma_wait3A_505 = arith.constant 768 : i32
      %dma_wait3A_506 = arith.constant 0 : i32
      %dma_wait3A_507 = tpu.memref_slice %arg6[%dma_wait3A_505, %dma_wait3A_506] : memref<1664x16xf32, #tpu.memory_space<vmem>> -> memref<64x16xf32, #tpu.memory_space<vmem>>
      %dma_wait3A_508 = arith.constant 0 : i32
      %dma_wait3A_509 = tpu.memref_slice %arg5[%dma_wait3A_504, %dma_wait3A_508] : memref<26x64xi32, #tpu.memory_space<vmem>> -> memref<1x64xi32, #tpu.memory_space<vmem>>
      %dma_wait3A_510 = tpu.memref_squeeze %dma_wait3A_509 : memref<1x64xi32, #tpu.memory_space<vmem>> -> memref<64xi32, #tpu.memory_space<vmem>>
      %dma_wait3A_511 = arith.constant 819200 : i32
      %dma_wait3A_512 = arith.constant 0 : i32
      %dma_wait3A_513 = tpu.memref_slice %arg3[%dma_wait3A_511, %dma_wait3A_512] : memref<3276800x16xf32, #tpu.memory_space<hbm>> -> memref<819200x16xf32, #tpu.memory_space<hbm>>
      %dma_wait3A_514 = arith.constant 0 : i32
      %dma_wait3A_515 = arith.constant 0 : i32
      %dma_wait3A_516 = tpu.memref_slice %dma_wait3A_513[%dma_wait3A_514, %dma_wait3A_515] : memref<819200x16xf32, #tpu.memory_space<hbm>> -> memref<819200x16xf32, #tpu.memory_space<hbm>>
      tpu.wait_indirect_dma semaphore(%arg7 : memref<!tpu.dma_semaphore, #tpu.memory_space<semaphore_mem>>) src(%dma_wait3A_516 : memref<819200x16xf32, #tpu.memory_space<hbm>>) dst(%dma_wait3A_507 : memref<64x16xf32, #tpu.memory_space<vmem>>)
      %dma_wait3A_517 = arith.constant 13 : i32
      %dma_wait3A_518 = arith.constant 832 : i32
      %dma_wait3A_519 = arith.constant 0 : i32
      %dma_wait3A_520 = tpu.memref_slice %arg6[%dma_wait3A_518, %dma_wait3A_519] : memref<1664x16xf32, #tpu.memory_space<vmem>> -> memref<64x16xf32, #tpu.memory_space<vmem>>
      %dma_wait3A_521 = arith.constant 0 : i32
      %dma_wait3A_522 = tpu.memref_slice %arg5[%dma_wait3A_517, %dma_wait3A_521] : memref<26x64xi32, #tpu.memory_space<vmem>> -> memref<1x64xi32, #tpu.memory_space<vmem>>
      %dma_wait3A_523 = tpu.memref_squeeze %dma_wait3A_522 : memref<1x64xi32, #tpu.memory_space<vmem>> -> memref<64xi32, #tpu.memory_space<vmem>>
      %dma_wait3A_524 = arith.constant 819200 : i32
      %dma_wait3A_525 = arith.constant 0 : i32
      %dma_wait3A_526 = tpu.memref_slice %arg3[%dma_wait3A_524, %dma_wait3A_525] : memref<3276800x16xf32, #tpu.memory_space<hbm>> -> memref<819200x16xf32, #tpu.memory_space<hbm>>
      %dma_wait3A_527 = arith.constant 0 : i32
      %dma_wait3A_528 = arith.constant 0 : i32
      %dma_wait3A_529 = tpu.memref_slice %dma_wait3A_526[%dma_wait3A_527, %dma_wait3A_528] : memref<819200x16xf32, #tpu.memory_space<hbm>> -> memref<819200x16xf32, #tpu.memory_space<hbm>>
      tpu.wait_indirect_dma semaphore(%arg7 : memref<!tpu.dma_semaphore, #tpu.memory_space<semaphore_mem>>) src(%dma_wait3A_529 : memref<819200x16xf32, #tpu.memory_space<hbm>>) dst(%dma_wait3A_520 : memref<64x16xf32, #tpu.memory_space<vmem>>)
      %dma_wait3A_530 = arith.constant 14 : i32
      %dma_wait3A_531 = arith.constant 896 : i32
      %dma_wait3A_532 = arith.constant 0 : i32
      %dma_wait3A_533 = tpu.memref_slice %arg6[%dma_wait3A_531, %dma_wait3A_532] : memref<1664x16xf32, #tpu.memory_space<vmem>> -> memref<64x16xf32, #tpu.memory_space<vmem>>
      %dma_wait3A_534 = arith.constant 0 : i32
      %dma_wait3A_535 = tpu.memref_slice %arg5[%dma_wait3A_530, %dma_wait3A_534] : memref<26x64xi32, #tpu.memory_space<vmem>> -> memref<1x64xi32, #tpu.memory_space<vmem>>
      %dma_wait3A_536 = tpu.memref_squeeze %dma_wait3A_535 : memref<1x64xi32, #tpu.memory_space<vmem>> -> memref<64xi32, #tpu.memory_space<vmem>>
      %dma_wait3A_537 = arith.constant 819200 : i32
      %dma_wait3A_538 = arith.constant 0 : i32
      %dma_wait3A_539 = tpu.memref_slice %arg3[%dma_wait3A_537, %dma_wait3A_538] : memref<3276800x16xf32, #tpu.memory_space<hbm>> -> memref<819200x16xf32, #tpu.memory_space<hbm>>
      %dma_wait3A_540 = arith.constant 0 : i32
      %dma_wait3A_541 = arith.constant 0 : i32
      %dma_wait3A_542 = tpu.memref_slice %dma_wait3A_539[%dma_wait3A_540, %dma_wait3A_541] : memref<819200x16xf32, #tpu.memory_space<hbm>> -> memref<819200x16xf32, #tpu.memory_space<hbm>>
      tpu.wait_indirect_dma semaphore(%arg7 : memref<!tpu.dma_semaphore, #tpu.memory_space<semaphore_mem>>) src(%dma_wait3A_542 : memref<819200x16xf32, #tpu.memory_space<hbm>>) dst(%dma_wait3A_533 : memref<64x16xf32, #tpu.memory_space<vmem>>)
      %dma_wait3A_543 = arith.constant 15 : i32
      %dma_wait3A_544 = arith.constant 960 : i32
      %dma_wait3A_545 = arith.constant 0 : i32
      %dma_wait3A_546 = tpu.memref_slice %arg6[%dma_wait3A_544, %dma_wait3A_545] : memref<1664x16xf32, #tpu.memory_space<vmem>> -> memref<64x16xf32, #tpu.memory_space<vmem>>
      %dma_wait3A_547 = arith.constant 0 : i32
      %dma_wait3A_548 = tpu.memref_slice %arg5[%dma_wait3A_543, %dma_wait3A_547] : memref<26x64xi32, #tpu.memory_space<vmem>> -> memref<1x64xi32, #tpu.memory_space<vmem>>
      %dma_wait3A_549 = tpu.memref_squeeze %dma_wait3A_548 : memref<1x64xi32, #tpu.memory_space<vmem>> -> memref<64xi32, #tpu.memory_space<vmem>>
      %dma_wait3A_550 = arith.constant 819200 : i32
      %dma_wait3A_551 = arith.constant 0 : i32
      %dma_wait3A_552 = tpu.memref_slice %arg3[%dma_wait3A_550, %dma_wait3A_551] : memref<3276800x16xf32, #tpu.memory_space<hbm>> -> memref<819200x16xf32, #tpu.memory_space<hbm>>
      %dma_wait3A_553 = arith.constant 0 : i32
      %dma_wait3A_554 = arith.constant 0 : i32
      %dma_wait3A_555 = tpu.memref_slice %dma_wait3A_552[%dma_wait3A_553, %dma_wait3A_554] : memref<819200x16xf32, #tpu.memory_space<hbm>> -> memref<819200x16xf32, #tpu.memory_space<hbm>>
      tpu.wait_indirect_dma semaphore(%arg7 : memref<!tpu.dma_semaphore, #tpu.memory_space<semaphore_mem>>) src(%dma_wait3A_555 : memref<819200x16xf32, #tpu.memory_space<hbm>>) dst(%dma_wait3A_546 : memref<64x16xf32, #tpu.memory_space<vmem>>)
      %dma_wait3A_556 = arith.constant 16 : i32
      %dma_wait3A_557 = arith.constant 1024 : i32
      %dma_wait3A_558 = arith.constant 0 : i32
      %dma_wait3A_559 = tpu.memref_slice %arg6[%dma_wait3A_557, %dma_wait3A_558] : memref<1664x16xf32, #tpu.memory_space<vmem>> -> memref<64x16xf32, #tpu.memory_space<vmem>>
      %dma_wait3A_560 = arith.constant 0 : i32
      %dma_wait3A_561 = tpu.memref_slice %arg5[%dma_wait3A_556, %dma_wait3A_560] : memref<26x64xi32, #tpu.memory_space<vmem>> -> memref<1x64xi32, #tpu.memory_space<vmem>>
      %dma_wait3A_562 = tpu.memref_squeeze %dma_wait3A_561 : memref<1x64xi32, #tpu.memory_space<vmem>> -> memref<64xi32, #tpu.memory_space<vmem>>
      %dma_wait3A_563 = arith.constant 1638400 : i32
      %dma_wait3A_564 = arith.constant 0 : i32
      %dma_wait3A_565 = tpu.memref_slice %arg3[%dma_wait3A_563, %dma_wait3A_564] : memref<3276800x16xf32, #tpu.memory_space<hbm>> -> memref<819200x16xf32, #tpu.memory_space<hbm>>
      %dma_wait3A_566 = arith.constant 0 : i32
      %dma_wait3A_567 = arith.constant 0 : i32
      %dma_wait3A_568 = tpu.memref_slice %dma_wait3A_565[%dma_wait3A_566, %dma_wait3A_567] : memref<819200x16xf32, #tpu.memory_space<hbm>> -> memref<819200x16xf32, #tpu.memory_space<hbm>>
      tpu.wait_indirect_dma semaphore(%arg7 : memref<!tpu.dma_semaphore, #tpu.memory_space<semaphore_mem>>) src(%dma_wait3A_568 : memref<819200x16xf32, #tpu.memory_space<hbm>>) dst(%dma_wait3A_559 : memref<64x16xf32, #tpu.memory_space<vmem>>)
      %dma_wait3A_569 = arith.constant 17 : i32
      %dma_wait3A_570 = arith.constant 1088 : i32
      %dma_wait3A_571 = arith.constant 0 : i32
      %dma_wait3A_572 = tpu.memref_slice %arg6[%dma_wait3A_570, %dma_wait3A_571] : memref<1664x16xf32, #tpu.memory_space<vmem>> -> memref<64x16xf32, #tpu.memory_space<vmem>>
      %dma_wait3A_573 = arith.constant 0 : i32
      %dma_wait3A_574 = tpu.memref_slice %arg5[%dma_wait3A_569, %dma_wait3A_573] : memref<26x64xi32, #tpu.memory_space<vmem>> -> memref<1x64xi32, #tpu.memory_space<vmem>>
      %dma_wait3A_575 = tpu.memref_squeeze %dma_wait3A_574 : memref<1x64xi32, #tpu.memory_space<vmem>> -> memref<64xi32, #tpu.memory_space<vmem>>
      %dma_wait3A_576 = arith.constant 1638400 : i32
      %dma_wait3A_577 = arith.constant 0 : i32
      %dma_wait3A_578 = tpu.memref_slice %arg3[%dma_wait3A_576, %dma_wait3A_577] : memref<3276800x16xf32, #tpu.memory_space<hbm>> -> memref<819200x16xf32, #tpu.memory_space<hbm>>
      %dma_wait3A_579 = arith.constant 0 : i32
      %dma_wait3A_580 = arith.constant 0 : i32
      %dma_wait3A_581 = tpu.memref_slice %dma_wait3A_578[%dma_wait3A_579, %dma_wait3A_580] : memref<819200x16xf32, #tpu.memory_space<hbm>> -> memref<819200x16xf32, #tpu.memory_space<hbm>>
      tpu.wait_indirect_dma semaphore(%arg7 : memref<!tpu.dma_semaphore, #tpu.memory_space<semaphore_mem>>) src(%dma_wait3A_581 : memref<819200x16xf32, #tpu.memory_space<hbm>>) dst(%dma_wait3A_572 : memref<64x16xf32, #tpu.memory_space<vmem>>)
      %dma_wait3A_582 = arith.constant 18 : i32
      %dma_wait3A_583 = arith.constant 1152 : i32
      %dma_wait3A_584 = arith.constant 0 : i32
      %dma_wait3A_585 = tpu.memref_slice %arg6[%dma_wait3A_583, %dma_wait3A_584] : memref<1664x16xf32, #tpu.memory_space<vmem>> -> memref<64x16xf32, #tpu.memory_space<vmem>>
      %dma_wait3A_586 = arith.constant 0 : i32
      %dma_wait3A_587 = tpu.memref_slice %arg5[%dma_wait3A_582, %dma_wait3A_586] : memref<26x64xi32, #tpu.memory_space<vmem>> -> memref<1x64xi32, #tpu.memory_space<vmem>>
      %dma_wait3A_588 = tpu.memref_squeeze %dma_wait3A_587 : memref<1x64xi32, #tpu.memory_space<vmem>> -> memref<64xi32, #tpu.memory_space<vmem>>
      %dma_wait3A_589 = arith.constant 1638400 : i32
      %dma_wait3A_590 = arith.constant 0 : i32
      %dma_wait3A_591 = tpu.memref_slice %arg3[%dma_wait3A_589, %dma_wait3A_590] : memref<3276800x16xf32, #tpu.memory_space<hbm>> -> memref<819200x16xf32, #tpu.memory_space<hbm>>
      %dma_wait3A_592 = arith.constant 0 : i32
      %dma_wait3A_593 = arith.constant 0 : i32
      %dma_wait3A_594 = tpu.memref_slice %dma_wait3A_591[%dma_wait3A_592, %dma_wait3A_593] : memref<819200x16xf32, #tpu.memory_space<hbm>> -> memref<819200x16xf32, #tpu.memory_space<hbm>>
      tpu.wait_indirect_dma semaphore(%arg7 : memref<!tpu.dma_semaphore, #tpu.memory_space<semaphore_mem>>) src(%dma_wait3A_594 : memref<819200x16xf32, #tpu.memory_space<hbm>>) dst(%dma_wait3A_585 : memref<64x16xf32, #tpu.memory_space<vmem>>)
      %dma_wait3A_595 = arith.constant 19 : i32
      %dma_wait3A_596 = arith.constant 1216 : i32
      %dma_wait3A_597 = arith.constant 0 : i32
      %dma_wait3A_598 = tpu.memref_slice %arg6[%dma_wait3A_596, %dma_wait3A_597] : memref<1664x16xf32, #tpu.memory_space<vmem>> -> memref<64x16xf32, #tpu.memory_space<vmem>>
      %dma_wait3A_599 = arith.constant 0 : i32
      %dma_wait3A_600 = tpu.memref_slice %arg5[%dma_wait3A_595, %dma_wait3A_599] : memref<26x64xi32, #tpu.memory_space<vmem>> -> memref<1x64xi32, #tpu.memory_space<vmem>>
      %dma_wait3A_601 = tpu.memref_squeeze %dma_wait3A_600 : memref<1x64xi32, #tpu.memory_space<vmem>> -> memref<64xi32, #tpu.memory_space<vmem>>
      %dma_wait3A_602 = arith.constant 1638400 : i32
      %dma_wait3A_603 = arith.constant 0 : i32
      %dma_wait3A_604 = tpu.memref_slice %arg3[%dma_wait3A_602, %dma_wait3A_603] : memref<3276800x16xf32, #tpu.memory_space<hbm>> -> memref<819200x16xf32, #tpu.memory_space<hbm>>
      %dma_wait3A_605 = arith.constant 0 : i32
      %dma_wait3A_606 = arith.constant 0 : i32
      %dma_wait3A_607 = tpu.memref_slice %dma_wait3A_604[%dma_wait3A_605, %dma_wait3A_606] : memref<819200x16xf32, #tpu.memory_space<hbm>> -> memref<819200x16xf32, #tpu.memory_space<hbm>>
      tpu.wait_indirect_dma semaphore(%arg7 : memref<!tpu.dma_semaphore, #tpu.memory_space<semaphore_mem>>) src(%dma_wait3A_607 : memref<819200x16xf32, #tpu.memory_space<hbm>>) dst(%dma_wait3A_598 : memref<64x16xf32, #tpu.memory_space<vmem>>)
      %dma_wait3A_608 = arith.constant 20 : i32
      %dma_wait3A_609 = arith.constant 1280 : i32
      %dma_wait3A_610 = arith.constant 0 : i32
      %dma_wait3A_611 = tpu.memref_slice %arg6[%dma_wait3A_609, %dma_wait3A_610] : memref<1664x16xf32, #tpu.memory_space<vmem>> -> memref<64x16xf32, #tpu.memory_space<vmem>>
      %dma_wait3A_612 = arith.constant 0 : i32
      %dma_wait3A_613 = tpu.memref_slice %arg5[%dma_wait3A_608, %dma_wait3A_612] : memref<26x64xi32, #tpu.memory_space<vmem>> -> memref<1x64xi32, #tpu.memory_space<vmem>>
      %dma_wait3A_614 = tpu.memref_squeeze %dma_wait3A_613 : memref<1x64xi32, #tpu.memory_space<vmem>> -> memref<64xi32, #tpu.memory_space<vmem>>
      %dma_wait3A_615 = arith.constant 1638400 : i32
      %dma_wait3A_616 = arith.constant 0 : i32
      %dma_wait3A_617 = tpu.memref_slice %arg3[%dma_wait3A_615, %dma_wait3A_616] : memref<3276800x16xf32, #tpu.memory_space<hbm>> -> memref<819200x16xf32, #tpu.memory_space<hbm>>
      %dma_wait3A_618 = arith.constant 0 : i32
      %dma_wait3A_619 = arith.constant 0 : i32
      %dma_wait3A_620 = tpu.memref_slice %dma_wait3A_617[%dma_wait3A_618, %dma_wait3A_619] : memref<819200x16xf32, #tpu.memory_space<hbm>> -> memref<819200x16xf32, #tpu.memory_space<hbm>>
      tpu.wait_indirect_dma semaphore(%arg7 : memref<!tpu.dma_semaphore, #tpu.memory_space<semaphore_mem>>) src(%dma_wait3A_620 : memref<819200x16xf32, #tpu.memory_space<hbm>>) dst(%dma_wait3A_611 : memref<64x16xf32, #tpu.memory_space<vmem>>)
      %dma_wait3A_621 = arith.constant 21 : i32
      %dma_wait3A_622 = arith.constant 1344 : i32
      %dma_wait3A_623 = arith.constant 0 : i32
      %dma_wait3A_624 = tpu.memref_slice %arg6[%dma_wait3A_622, %dma_wait3A_623] : memref<1664x16xf32, #tpu.memory_space<vmem>> -> memref<64x16xf32, #tpu.memory_space<vmem>>
      %dma_wait3A_625 = arith.constant 0 : i32
      %dma_wait3A_626 = tpu.memref_slice %arg5[%dma_wait3A_621, %dma_wait3A_625] : memref<26x64xi32, #tpu.memory_space<vmem>> -> memref<1x64xi32, #tpu.memory_space<vmem>>
      %dma_wait3A_627 = tpu.memref_squeeze %dma_wait3A_626 : memref<1x64xi32, #tpu.memory_space<vmem>> -> memref<64xi32, #tpu.memory_space<vmem>>
      %dma_wait3A_628 = arith.constant 1638400 : i32
      %dma_wait3A_629 = arith.constant 0 : i32
      %dma_wait3A_630 = tpu.memref_slice %arg3[%dma_wait3A_628, %dma_wait3A_629] : memref<3276800x16xf32, #tpu.memory_space<hbm>> -> memref<819200x16xf32, #tpu.memory_space<hbm>>
      %dma_wait3A_631 = arith.constant 0 : i32
      %dma_wait3A_632 = arith.constant 0 : i32
      %dma_wait3A_633 = tpu.memref_slice %dma_wait3A_630[%dma_wait3A_631, %dma_wait3A_632] : memref<819200x16xf32, #tpu.memory_space<hbm>> -> memref<819200x16xf32, #tpu.memory_space<hbm>>
      tpu.wait_indirect_dma semaphore(%arg7 : memref<!tpu.dma_semaphore, #tpu.memory_space<semaphore_mem>>) src(%dma_wait3A_633 : memref<819200x16xf32, #tpu.memory_space<hbm>>) dst(%dma_wait3A_624 : memref<64x16xf32, #tpu.memory_space<vmem>>)
      %dma_wait3A_634 = arith.constant 22 : i32
      %dma_wait3A_635 = arith.constant 1408 : i32
      %dma_wait3A_636 = arith.constant 0 : i32
      %dma_wait3A_637 = tpu.memref_slice %arg6[%dma_wait3A_635, %dma_wait3A_636] : memref<1664x16xf32, #tpu.memory_space<vmem>> -> memref<64x16xf32, #tpu.memory_space<vmem>>
      %dma_wait3A_638 = arith.constant 0 : i32
      %dma_wait3A_639 = tpu.memref_slice %arg5[%dma_wait3A_634, %dma_wait3A_638] : memref<26x64xi32, #tpu.memory_space<vmem>> -> memref<1x64xi32, #tpu.memory_space<vmem>>
      %dma_wait3A_640 = tpu.memref_squeeze %dma_wait3A_639 : memref<1x64xi32, #tpu.memory_space<vmem>> -> memref<64xi32, #tpu.memory_space<vmem>>
      %dma_wait3A_641 = arith.constant 1638400 : i32
      %dma_wait3A_642 = arith.constant 0 : i32
      %dma_wait3A_643 = tpu.memref_slice %arg3[%dma_wait3A_641, %dma_wait3A_642] : memref<3276800x16xf32, #tpu.memory_space<hbm>> -> memref<819200x16xf32, #tpu.memory_space<hbm>>
      %dma_wait3A_644 = arith.constant 0 : i32
      %dma_wait3A_645 = arith.constant 0 : i32
      %dma_wait3A_646 = tpu.memref_slice %dma_wait3A_643[%dma_wait3A_644, %dma_wait3A_645] : memref<819200x16xf32, #tpu.memory_space<hbm>> -> memref<819200x16xf32, #tpu.memory_space<hbm>>
      tpu.wait_indirect_dma semaphore(%arg7 : memref<!tpu.dma_semaphore, #tpu.memory_space<semaphore_mem>>) src(%dma_wait3A_646 : memref<819200x16xf32, #tpu.memory_space<hbm>>) dst(%dma_wait3A_637 : memref<64x16xf32, #tpu.memory_space<vmem>>)
      %dma_wait3A_647 = arith.constant 23 : i32
      %dma_wait3A_648 = arith.constant 1472 : i32
      %dma_wait3A_649 = arith.constant 0 : i32
      %dma_wait3A_650 = tpu.memref_slice %arg6[%dma_wait3A_648, %dma_wait3A_649] : memref<1664x16xf32, #tpu.memory_space<vmem>> -> memref<64x16xf32, #tpu.memory_space<vmem>>
      %dma_wait3A_651 = arith.constant 0 : i32
      %dma_wait3A_652 = tpu.memref_slice %arg5[%dma_wait3A_647, %dma_wait3A_651] : memref<26x64xi32, #tpu.memory_space<vmem>> -> memref<1x64xi32, #tpu.memory_space<vmem>>
      %dma_wait3A_653 = tpu.memref_squeeze %dma_wait3A_652 : memref<1x64xi32, #tpu.memory_space<vmem>> -> memref<64xi32, #tpu.memory_space<vmem>>
      %dma_wait3A_654 = arith.constant 1638400 : i32
      %dma_wait3A_655 = arith.constant 0 : i32
      %dma_wait3A_656 = tpu.memref_slice %arg3[%dma_wait3A_654, %dma_wait3A_655] : memref<3276800x16xf32, #tpu.memory_space<hbm>> -> memref<819200x16xf32, #tpu.memory_space<hbm>>
      %dma_wait3A_657 = arith.constant 0 : i32
      %dma_wait3A_658 = arith.constant 0 : i32
      %dma_wait3A_659 = tpu.memref_slice %dma_wait3A_656[%dma_wait3A_657, %dma_wait3A_658] : memref<819200x16xf32, #tpu.memory_space<hbm>> -> memref<819200x16xf32, #tpu.memory_space<hbm>>
      tpu.wait_indirect_dma semaphore(%arg7 : memref<!tpu.dma_semaphore, #tpu.memory_space<semaphore_mem>>) src(%dma_wait3A_659 : memref<819200x16xf32, #tpu.memory_space<hbm>>) dst(%dma_wait3A_650 : memref<64x16xf32, #tpu.memory_space<vmem>>)
      %dma_wait3A_660 = arith.constant 24 : i32
      %dma_wait3A_661 = arith.constant 1536 : i32
      %dma_wait3A_662 = arith.constant 0 : i32
      %dma_wait3A_663 = tpu.memref_slice %arg6[%dma_wait3A_661, %dma_wait3A_662] : memref<1664x16xf32, #tpu.memory_space<vmem>> -> memref<64x16xf32, #tpu.memory_space<vmem>>
      %dma_wait3A_664 = arith.constant 0 : i32
      %dma_wait3A_665 = tpu.memref_slice %arg5[%dma_wait3A_660, %dma_wait3A_664] : memref<26x64xi32, #tpu.memory_space<vmem>> -> memref<1x64xi32, #tpu.memory_space<vmem>>
      %dma_wait3A_666 = tpu.memref_squeeze %dma_wait3A_665 : memref<1x64xi32, #tpu.memory_space<vmem>> -> memref<64xi32, #tpu.memory_space<vmem>>
      %dma_wait3A_667 = arith.constant 2457600 : i32
      %dma_wait3A_668 = arith.constant 0 : i32
      %dma_wait3A_669 = tpu.memref_slice %arg3[%dma_wait3A_667, %dma_wait3A_668] : memref<3276800x16xf32, #tpu.memory_space<hbm>> -> memref<819200x16xf32, #tpu.memory_space<hbm>>
      %dma_wait3A_670 = arith.constant 0 : i32
      %dma_wait3A_671 = arith.constant 0 : i32
      %dma_wait3A_672 = tpu.memref_slice %dma_wait3A_669[%dma_wait3A_670, %dma_wait3A_671] : memref<819200x16xf32, #tpu.memory_space<hbm>> -> memref<819200x16xf32, #tpu.memory_space<hbm>>
      tpu.wait_indirect_dma semaphore(%arg7 : memref<!tpu.dma_semaphore, #tpu.memory_space<semaphore_mem>>) src(%dma_wait3A_672 : memref<819200x16xf32, #tpu.memory_space<hbm>>) dst(%dma_wait3A_663 : memref<64x16xf32, #tpu.memory_space<vmem>>)
      %dma_wait3A_673 = arith.constant 25 : i32
      %dma_wait3A_674 = arith.constant 1600 : i32
      %dma_wait3A_675 = arith.constant 0 : i32
      %dma_wait3A_676 = tpu.memref_slice %arg6[%dma_wait3A_674, %dma_wait3A_675] : memref<1664x16xf32, #tpu.memory_space<vmem>> -> memref<64x16xf32, #tpu.memory_space<vmem>>
      %dma_wait3A_677 = arith.constant 0 : i32
      %dma_wait3A_678 = tpu.memref_slice %arg5[%dma_wait3A_673, %dma_wait3A_677] : memref<26x64xi32, #tpu.memory_space<vmem>> -> memref<1x64xi32, #tpu.memory_space<vmem>>
      %dma_wait3A_679 = tpu.memref_squeeze %dma_wait3A_678 : memref<1x64xi32, #tpu.memory_space<vmem>> -> memref<64xi32, #tpu.memory_space<vmem>>
      %dma_wait3A_680 = arith.constant 2457600 : i32
      %dma_wait3A_681 = arith.constant 0 : i32
      %dma_wait3A_682 = tpu.memref_slice %arg3[%dma_wait3A_680, %dma_wait3A_681] : memref<3276800x16xf32, #tpu.memory_space<hbm>> -> memref<819200x16xf32, #tpu.memory_space<hbm>>
      %dma_wait3A_683 = arith.constant 0 : i32
      %dma_wait3A_684 = arith.constant 0 : i32
      %dma_wait3A_685 = tpu.memref_slice %dma_wait3A_682[%dma_wait3A_683, %dma_wait3A_684] : memref<819200x16xf32, #tpu.memory_space<hbm>> -> memref<819200x16xf32, #tpu.memory_space<hbm>>
      tpu.wait_indirect_dma semaphore(%arg7 : memref<!tpu.dma_semaphore, #tpu.memory_space<semaphore_mem>>) src(%dma_wait3A_685 : memref<819200x16xf32, #tpu.memory_space<hbm>>) dst(%dma_wait3A_676 : memref<64x16xf32, #tpu.memory_space<vmem>>)
      "tpu.region"() ({
        %run_scoped3A = tpu.sem_alloc : memref<!tpu.dma_semaphore, #tpu.memory_space<semaphore_mem>>
        %dma_start3A_686 = arith.constant 0 : i32
        %dma_start3A_687 = arith.constant 0 : i32
        %dma_start3A_688 = tpu.memref_slice %arg6[%dma_start3A_686, %dma_start3A_687] : memref<1664x16xf32, #tpu.memory_space<vmem>> -> memref<64x16xf32, #tpu.memory_space<vmem>>
        %dma_start3A_689 = arith.constant 0 : i32
        %dma_start3A_690 = tpu.memref_slice %arg4[%multiple_of3A, %dma_start3A_689] : memref<16384x416xf32, #tpu.memory_space<hbm>> -> memref<64x16xf32, #tpu.memory_space<hbm>>
        %dma_start3A_691 = arith.constant 0 : i32
        %dma_start3A_692 = tpu.memref_slice %arg4[%multiple_of3A, %dma_start3A_691] : memref<16384x416xf32, #tpu.memory_space<hbm>> -> memref<64x16xf32, #tpu.memory_space<hbm>>
        %dma_start3A_693 = arith.constant 0 : i32
        %dma_start3A_694 = arith.constant 0 : i32
        %dma_start3A_695 = tpu.memref_slice %arg6[%dma_start3A_693, %dma_start3A_694] : memref<1664x16xf32, #tpu.memory_space<vmem>> -> memref<64x16xf32, #tpu.memory_space<vmem>>
        tpu.enqueue_dma source(%dma_start3A_695 : memref<64x16xf32, #tpu.memory_space<vmem>>) target(%dma_start3A_692 : memref<64x16xf32, #tpu.memory_space<hbm>>) target_semaphore(%run_scoped3A : memref<!tpu.dma_semaphore, #tpu.memory_space<semaphore_mem>>)
        %dma_wait3A_696 = arith.constant 0 : i32
        %dma_wait3A_697 = arith.constant 0 : i32
        %dma_wait3A_698 = tpu.memref_slice %arg6[%dma_wait3A_696, %dma_wait3A_697] : memref<1664x16xf32, #tpu.memory_space<vmem>> -> memref<64x16xf32, #tpu.memory_space<vmem>>
        %dma_wait3A_699 = arith.constant 0 : i32
        %dma_wait3A_700 = tpu.memref_slice %arg4[%multiple_of3A, %dma_wait3A_699] : memref<16384x416xf32, #tpu.memory_space<hbm>> -> memref<64x16xf32, #tpu.memory_space<hbm>>
        %dma_wait3A_701 = arith.constant 0 : i32
        %dma_wait3A_702 = tpu.memref_slice %arg4[%multiple_of3A, %dma_wait3A_701] : memref<16384x416xf32, #tpu.memory_space<hbm>> -> memref<64x16xf32, #tpu.memory_space<hbm>>
        %dma_wait3A_703 = arith.constant 0 : i32
        %dma_wait3A_704 = arith.constant 0 : i32
        %dma_wait3A_705 = tpu.memref_slice %arg6[%dma_wait3A_703, %dma_wait3A_704] : memref<1664x16xf32, #tpu.memory_space<vmem>> -> memref<64x16xf32, #tpu.memory_space<vmem>>
        tpu.wait_dma2 semaphore(%run_scoped3A : memref<!tpu.dma_semaphore, #tpu.memory_space<semaphore_mem>>) src(%dma_wait3A_705 : memref<64x16xf32, #tpu.memory_space<vmem>>) dst(%dma_wait3A_702 : memref<64x16xf32, #tpu.memory_space<hbm>>)
        tpu.yield
      }) : () -> ()
      "tpu.region"() ({
        %run_scoped3A = tpu.sem_alloc : memref<!tpu.dma_semaphore, #tpu.memory_space<semaphore_mem>>
        %dma_start3A_686 = arith.constant 64 : i32
        %dma_start3A_687 = arith.constant 0 : i32
        %dma_start3A_688 = tpu.memref_slice %arg6[%dma_start3A_686, %dma_start3A_687] : memref<1664x16xf32, #tpu.memory_space<vmem>> -> memref<64x16xf32, #tpu.memory_space<vmem>>
        %dma_start3A_689 = arith.constant 16 : i32
        %dma_start3A_690 = tpu.memref_slice %arg4[%multiple_of3A, %dma_start3A_689] : memref<16384x416xf32, #tpu.memory_space<hbm>> -> memref<64x16xf32, #tpu.memory_space<hbm>>
        %dma_start3A_691 = arith.constant 16 : i32
        %dma_start3A_692 = tpu.memref_slice %arg4[%multiple_of3A, %dma_start3A_691] : memref<16384x416xf32, #tpu.memory_space<hbm>> -> memref<64x16xf32, #tpu.memory_space<hbm>>
        %dma_start3A_693 = arith.constant 64 : i32
        %dma_start3A_694 = arith.constant 0 : i32
        %dma_start3A_695 = tpu.memref_slice %arg6[%dma_start3A_693, %dma_start3A_694] : memref<1664x16xf32, #tpu.memory_space<vmem>> -> memref<64x16xf32, #tpu.memory_space<vmem>>
        tpu.enqueue_dma source(%dma_start3A_695 : memref<64x16xf32, #tpu.memory_space<vmem>>) target(%dma_start3A_692 : memref<64x16xf32, #tpu.memory_space<hbm>>) target_semaphore(%run_scoped3A : memref<!tpu.dma_semaphore, #tpu.memory_space<semaphore_mem>>)
        %dma_wait3A_696 = arith.constant 64 : i32
        %dma_wait3A_697 = arith.constant 0 : i32
        %dma_wait3A_698 = tpu.memref_slice %arg6[%dma_wait3A_696, %dma_wait3A_697] : memref<1664x16xf32, #tpu.memory_space<vmem>> -> memref<64x16xf32, #tpu.memory_space<vmem>>
        %dma_wait3A_699 = arith.constant 16 : i32
        %dma_wait3A_700 = tpu.memref_slice %arg4[%multiple_of3A, %dma_wait3A_699] : memref<16384x416xf32, #tpu.memory_space<hbm>> -> memref<64x16xf32, #tpu.memory_space<hbm>>
        %dma_wait3A_701 = arith.constant 16 : i32
        %dma_wait3A_702 = tpu.memref_slice %arg4[%multiple_of3A, %dma_wait3A_701] : memref<16384x416xf32, #tpu.memory_space<hbm>> -> memref<64x16xf32, #tpu.memory_space<hbm>>
        %dma_wait3A_703 = arith.constant 64 : i32
        %dma_wait3A_704 = arith.constant 0 : i32
        %dma_wait3A_705 = tpu.memref_slice %arg6[%dma_wait3A_703, %dma_wait3A_704] : memref<1664x16xf32, #tpu.memory_space<vmem>> -> memref<64x16xf32, #tpu.memory_space<vmem>>
        tpu.wait_dma2 semaphore(%run_scoped3A : memref<!tpu.dma_semaphore, #tpu.memory_space<semaphore_mem>>) src(%dma_wait3A_705 : memref<64x16xf32, #tpu.memory_space<vmem>>) dst(%dma_wait3A_702 : memref<64x16xf32, #tpu.memory_space<hbm>>)
        tpu.yield
      }) : () -> ()
      "tpu.region"() ({
        %run_scoped3A = tpu.sem_alloc : memref<!tpu.dma_semaphore, #tpu.memory_space<semaphore_mem>>
        %dma_start3A_686 = arith.constant 128 : i32
        %dma_start3A_687 = arith.constant 0 : i32
        %dma_start3A_688 = tpu.memref_slice %arg6[%dma_start3A_686, %dma_start3A_687] : memref<1664x16xf32, #tpu.memory_space<vmem>> -> memref<64x16xf32, #tpu.memory_space<vmem>>
        %dma_start3A_689 = arith.constant 32 : i32
        %dma_start3A_690 = tpu.memref_slice %arg4[%multiple_of3A, %dma_start3A_689] : memref<16384x416xf32, #tpu.memory_space<hbm>> -> memref<64x16xf32, #tpu.memory_space<hbm>>
        %dma_start3A_691 = arith.constant 32 : i32
        %dma_start3A_692 = tpu.memref_slice %arg4[%multiple_of3A, %dma_start3A_691] : memref<16384x416xf32, #tpu.memory_space<hbm>> -> memref<64x16xf32, #tpu.memory_space<hbm>>
        %dma_start3A_693 = arith.constant 128 : i32
        %dma_start3A_694 = arith.constant 0 : i32
        %dma_start3A_695 = tpu.memref_slice %arg6[%dma_start3A_693, %dma_start3A_694] : memref<1664x16xf32, #tpu.memory_space<vmem>> -> memref<64x16xf32, #tpu.memory_space<vmem>>
        tpu.enqueue_dma source(%dma_start3A_695 : memref<64x16xf32, #tpu.memory_space<vmem>>) target(%dma_start3A_692 : memref<64x16xf32, #tpu.memory_space<hbm>>) target_semaphore(%run_scoped3A : memref<!tpu.dma_semaphore, #tpu.memory_space<semaphore_mem>>)
        %dma_wait3A_696 = arith.constant 128 : i32
        %dma_wait3A_697 = arith.constant 0 : i32
        %dma_wait3A_698 = tpu.memref_slice %arg6[%dma_wait3A_696, %dma_wait3A_697] : memref<1664x16xf32, #tpu.memory_space<vmem>> -> memref<64x16xf32, #tpu.memory_space<vmem>>
        %dma_wait3A_699 = arith.constant 32 : i32
        %dma_wait3A_700 = tpu.memref_slice %arg4[%multiple_of3A, %dma_wait3A_699] : memref<16384x416xf32, #tpu.memory_space<hbm>> -> memref<64x16xf32, #tpu.memory_space<hbm>>
        %dma_wait3A_701 = arith.constant 32 : i32
        %dma_wait3A_702 = tpu.memref_slice %arg4[%multiple_of3A, %dma_wait3A_701] : memref<16384x416xf32, #tpu.memory_space<hbm>> -> memref<64x16xf32, #tpu.memory_space<hbm>>
        %dma_wait3A_703 = arith.constant 128 : i32
        %dma_wait3A_704 = arith.constant 0 : i32
        %dma_wait3A_705 = tpu.memref_slice %arg6[%dma_wait3A_703, %dma_wait3A_704] : memref<1664x16xf32, #tpu.memory_space<vmem>> -> memref<64x16xf32, #tpu.memory_space<vmem>>
        tpu.wait_dma2 semaphore(%run_scoped3A : memref<!tpu.dma_semaphore, #tpu.memory_space<semaphore_mem>>) src(%dma_wait3A_705 : memref<64x16xf32, #tpu.memory_space<vmem>>) dst(%dma_wait3A_702 : memref<64x16xf32, #tpu.memory_space<hbm>>)
        tpu.yield
      }) : () -> ()
      "tpu.region"() ({
        %run_scoped3A = tpu.sem_alloc : memref<!tpu.dma_semaphore, #tpu.memory_space<semaphore_mem>>
        %dma_start3A_686 = arith.constant 192 : i32
        %dma_start3A_687 = arith.constant 0 : i32
        %dma_start3A_688 = tpu.memref_slice %arg6[%dma_start3A_686, %dma_start3A_687] : memref<1664x16xf32, #tpu.memory_space<vmem>> -> memref<64x16xf32, #tpu.memory_space<vmem>>
        %dma_start3A_689 = arith.constant 48 : i32
        %dma_start3A_690 = tpu.memref_slice %arg4[%multiple_of3A, %dma_start3A_689] : memref<16384x416xf32, #tpu.memory_space<hbm>> -> memref<64x16xf32, #tpu.memory_space<hbm>>
        %dma_start3A_691 = arith.constant 48 : i32
        %dma_start3A_692 = tpu.memref_slice %arg4[%multiple_of3A, %dma_start3A_691] : memref<16384x416xf32, #tpu.memory_space<hbm>> -> memref<64x16xf32, #tpu.memory_space<hbm>>
        %dma_start3A_693 = arith.constant 192 : i32
        %dma_start3A_694 = arith.constant 0 : i32
        %dma_start3A_695 = tpu.memref_slice %arg6[%dma_start3A_693, %dma_start3A_694] : memref<1664x16xf32, #tpu.memory_space<vmem>> -> memref<64x16xf32, #tpu.memory_space<vmem>>
        tpu.enqueue_dma source(%dma_start3A_695 : memref<64x16xf32, #tpu.memory_space<vmem>>) target(%dma_start3A_692 : memref<64x16xf32, #tpu.memory_space<hbm>>) target_semaphore(%run_scoped3A : memref<!tpu.dma_semaphore, #tpu.memory_space<semaphore_mem>>)
        %dma_wait3A_696 = arith.constant 192 : i32
        %dma_wait3A_697 = arith.constant 0 : i32
        %dma_wait3A_698 = tpu.memref_slice %arg6[%dma_wait3A_696, %dma_wait3A_697] : memref<1664x16xf32, #tpu.memory_space<vmem>> -> memref<64x16xf32, #tpu.memory_space<vmem>>
        %dma_wait3A_699 = arith.constant 48 : i32
        %dma_wait3A_700 = tpu.memref_slice %arg4[%multiple_of3A, %dma_wait3A_699] : memref<16384x416xf32, #tpu.memory_space<hbm>> -> memref<64x16xf32, #tpu.memory_space<hbm>>
        %dma_wait3A_701 = arith.constant 48 : i32
        %dma_wait3A_702 = tpu.memref_slice %arg4[%multiple_of3A, %dma_wait3A_701] : memref<16384x416xf32, #tpu.memory_space<hbm>> -> memref<64x16xf32, #tpu.memory_space<hbm>>
        %dma_wait3A_703 = arith.constant 192 : i32
        %dma_wait3A_704 = arith.constant 0 : i32
        %dma_wait3A_705 = tpu.memref_slice %arg6[%dma_wait3A_703, %dma_wait3A_704] : memref<1664x16xf32, #tpu.memory_space<vmem>> -> memref<64x16xf32, #tpu.memory_space<vmem>>
        tpu.wait_dma2 semaphore(%run_scoped3A : memref<!tpu.dma_semaphore, #tpu.memory_space<semaphore_mem>>) src(%dma_wait3A_705 : memref<64x16xf32, #tpu.memory_space<vmem>>) dst(%dma_wait3A_702 : memref<64x16xf32, #tpu.memory_space<hbm>>)
        tpu.yield
      }) : () -> ()
      "tpu.region"() ({
        %run_scoped3A = tpu.sem_alloc : memref<!tpu.dma_semaphore, #tpu.memory_space<semaphore_mem>>
        %dma_start3A_686 = arith.constant 256 : i32
        %dma_start3A_687 = arith.constant 0 : i32
        %dma_start3A_688 = tpu.memref_slice %arg6[%dma_start3A_686, %dma_start3A_687] : memref<1664x16xf32, #tpu.memory_space<vmem>> -> memref<64x16xf32, #tpu.memory_space<vmem>>
        %dma_start3A_689 = arith.constant 64 : i32
        %dma_start3A_690 = tpu.memref_slice %arg4[%multiple_of3A, %dma_start3A_689] : memref<16384x416xf32, #tpu.memory_space<hbm>> -> memref<64x16xf32, #tpu.memory_space<hbm>>
        %dma_start3A_691 = arith.constant 64 : i32
        %dma_start3A_692 = tpu.memref_slice %arg4[%multiple_of3A, %dma_start3A_691] : memref<16384x416xf32, #tpu.memory_space<hbm>> -> memref<64x16xf32, #tpu.memory_space<hbm>>
        %dma_start3A_693 = arith.constant 256 : i32
        %dma_start3A_694 = arith.constant 0 : i32
        %dma_start3A_695 = tpu.memref_slice %arg6[%dma_start3A_693, %dma_start3A_694] : memref<1664x16xf32, #tpu.memory_space<vmem>> -> memref<64x16xf32, #tpu.memory_space<vmem>>
        tpu.enqueue_dma source(%dma_start3A_695 : memref<64x16xf32, #tpu.memory_space<vmem>>) target(%dma_start3A_692 : memref<64x16xf32, #tpu.memory_space<hbm>>) target_semaphore(%run_scoped3A : memref<!tpu.dma_semaphore, #tpu.memory_space<semaphore_mem>>)
        %dma_wait3A_696 = arith.constant 256 : i32
        %dma_wait3A_697 = arith.constant 0 : i32
        %dma_wait3A_698 = tpu.memref_slice %arg6[%dma_wait3A_696, %dma_wait3A_697] : memref<1664x16xf32, #tpu.memory_space<vmem>> -> memref<64x16xf32, #tpu.memory_space<vmem>>
        %dma_wait3A_699 = arith.constant 64 : i32
        %dma_wait3A_700 = tpu.memref_slice %arg4[%multiple_of3A, %dma_wait3A_699] : memref<16384x416xf32, #tpu.memory_space<hbm>> -> memref<64x16xf32, #tpu.memory_space<hbm>>
        %dma_wait3A_701 = arith.constant 64 : i32
        %dma_wait3A_702 = tpu.memref_slice %arg4[%multiple_of3A, %dma_wait3A_701] : memref<16384x416xf32, #tpu.memory_space<hbm>> -> memref<64x16xf32, #tpu.memory_space<hbm>>
        %dma_wait3A_703 = arith.constant 256 : i32
        %dma_wait3A_704 = arith.constant 0 : i32
        %dma_wait3A_705 = tpu.memref_slice %arg6[%dma_wait3A_703, %dma_wait3A_704] : memref<1664x16xf32, #tpu.memory_space<vmem>> -> memref<64x16xf32, #tpu.memory_space<vmem>>
        tpu.wait_dma2 semaphore(%run_scoped3A : memref<!tpu.dma_semaphore, #tpu.memory_space<semaphore_mem>>) src(%dma_wait3A_705 : memref<64x16xf32, #tpu.memory_space<vmem>>) dst(%dma_wait3A_702 : memref<64x16xf32, #tpu.memory_space<hbm>>)
        tpu.yield
      }) : () -> ()
      "tpu.region"() ({
        %run_scoped3A = tpu.sem_alloc : memref<!tpu.dma_semaphore, #tpu.memory_space<semaphore_mem>>
        %dma_start3A_686 = arith.constant 320 : i32
        %dma_start3A_687 = arith.constant 0 : i32
        %dma_start3A_688 = tpu.memref_slice %arg6[%dma_start3A_686, %dma_start3A_687] : memref<1664x16xf32, #tpu.memory_space<vmem>> -> memref<64x16xf32, #tpu.memory_space<vmem>>
        %dma_start3A_689 = arith.constant 80 : i32
        %dma_start3A_690 = tpu.memref_slice %arg4[%multiple_of3A, %dma_start3A_689] : memref<16384x416xf32, #tpu.memory_space<hbm>> -> memref<64x16xf32, #tpu.memory_space<hbm>>
        %dma_start3A_691 = arith.constant 80 : i32
        %dma_start3A_692 = tpu.memref_slice %arg4[%multiple_of3A, %dma_start3A_691] : memref<16384x416xf32, #tpu.memory_space<hbm>> -> memref<64x16xf32, #tpu.memory_space<hbm>>
        %dma_start3A_693 = arith.constant 320 : i32
        %dma_start3A_694 = arith.constant 0 : i32
        %dma_start3A_695 = tpu.memref_slice %arg6[%dma_start3A_693, %dma_start3A_694] : memref<1664x16xf32, #tpu.memory_space<vmem>> -> memref<64x16xf32, #tpu.memory_space<vmem>>
        tpu.enqueue_dma source(%dma_start3A_695 : memref<64x16xf32, #tpu.memory_space<vmem>>) target(%dma_start3A_692 : memref<64x16xf32, #tpu.memory_space<hbm>>) target_semaphore(%run_scoped3A : memref<!tpu.dma_semaphore, #tpu.memory_space<semaphore_mem>>)
        %dma_wait3A_696 = arith.constant 320 : i32
        %dma_wait3A_697 = arith.constant 0 : i32
        %dma_wait3A_698 = tpu.memref_slice %arg6[%dma_wait3A_696, %dma_wait3A_697] : memref<1664x16xf32, #tpu.memory_space<vmem>> -> memref<64x16xf32, #tpu.memory_space<vmem>>
        %dma_wait3A_699 = arith.constant 80 : i32
        %dma_wait3A_700 = tpu.memref_slice %arg4[%multiple_of3A, %dma_wait3A_699] : memref<16384x416xf32, #tpu.memory_space<hbm>> -> memref<64x16xf32, #tpu.memory_space<hbm>>
        %dma_wait3A_701 = arith.constant 80 : i32
        %dma_wait3A_702 = tpu.memref_slice %arg4[%multiple_of3A, %dma_wait3A_701] : memref<16384x416xf32, #tpu.memory_space<hbm>> -> memref<64x16xf32, #tpu.memory_space<hbm>>
        %dma_wait3A_703 = arith.constant 320 : i32
        %dma_wait3A_704 = arith.constant 0 : i32
        %dma_wait3A_705 = tpu.memref_slice %arg6[%dma_wait3A_703, %dma_wait3A_704] : memref<1664x16xf32, #tpu.memory_space<vmem>> -> memref<64x16xf32, #tpu.memory_space<vmem>>
        tpu.wait_dma2 semaphore(%run_scoped3A : memref<!tpu.dma_semaphore, #tpu.memory_space<semaphore_mem>>) src(%dma_wait3A_705 : memref<64x16xf32, #tpu.memory_space<vmem>>) dst(%dma_wait3A_702 : memref<64x16xf32, #tpu.memory_space<hbm>>)
        tpu.yield
      }) : () -> ()
      "tpu.region"() ({
        %run_scoped3A = tpu.sem_alloc : memref<!tpu.dma_semaphore, #tpu.memory_space<semaphore_mem>>
        %dma_start3A_686 = arith.constant 384 : i32
        %dma_start3A_687 = arith.constant 0 : i32
        %dma_start3A_688 = tpu.memref_slice %arg6[%dma_start3A_686, %dma_start3A_687] : memref<1664x16xf32, #tpu.memory_space<vmem>> -> memref<64x16xf32, #tpu.memory_space<vmem>>
        %dma_start3A_689 = arith.constant 96 : i32
        %dma_start3A_690 = tpu.memref_slice %arg4[%multiple_of3A, %dma_start3A_689] : memref<16384x416xf32, #tpu.memory_space<hbm>> -> memref<64x16xf32, #tpu.memory_space<hbm>>
        %dma_start3A_691 = arith.constant 96 : i32
        %dma_start3A_692 = tpu.memref_slice %arg4[%multiple_of3A, %dma_start3A_691] : memref<16384x416xf32, #tpu.memory_space<hbm>> -> memref<64x16xf32, #tpu.memory_space<hbm>>
        %dma_start3A_693 = arith.constant 384 : i32
        %dma_start3A_694 = arith.constant 0 : i32
        %dma_start3A_695 = tpu.memref_slice %arg6[%dma_start3A_693, %dma_start3A_694] : memref<1664x16xf32, #tpu.memory_space<vmem>> -> memref<64x16xf32, #tpu.memory_space<vmem>>
        tpu.enqueue_dma source(%dma_start3A_695 : memref<64x16xf32, #tpu.memory_space<vmem>>) target(%dma_start3A_692 : memref<64x16xf32, #tpu.memory_space<hbm>>) target_semaphore(%run_scoped3A : memref<!tpu.dma_semaphore, #tpu.memory_space<semaphore_mem>>)
        %dma_wait3A_696 = arith.constant 384 : i32
        %dma_wait3A_697 = arith.constant 0 : i32
        %dma_wait3A_698 = tpu.memref_slice %arg6[%dma_wait3A_696, %dma_wait3A_697] : memref<1664x16xf32, #tpu.memory_space<vmem>> -> memref<64x16xf32, #tpu.memory_space<vmem>>
        %dma_wait3A_699 = arith.constant 96 : i32
        %dma_wait3A_700 = tpu.memref_slice %arg4[%multiple_of3A, %dma_wait3A_699] : memref<16384x416xf32, #tpu.memory_space<hbm>> -> memref<64x16xf32, #tpu.memory_space<hbm>>
        %dma_wait3A_701 = arith.constant 96 : i32
        %dma_wait3A_702 = tpu.memref_slice %arg4[%multiple_of3A, %dma_wait3A_701] : memref<16384x416xf32, #tpu.memory_space<hbm>> -> memref<64x16xf32, #tpu.memory_space<hbm>>
        %dma_wait3A_703 = arith.constant 384 : i32
        %dma_wait3A_704 = arith.constant 0 : i32
        %dma_wait3A_705 = tpu.memref_slice %arg6[%dma_wait3A_703, %dma_wait3A_704] : memref<1664x16xf32, #tpu.memory_space<vmem>> -> memref<64x16xf32, #tpu.memory_space<vmem>>
        tpu.wait_dma2 semaphore(%run_scoped3A : memref<!tpu.dma_semaphore, #tpu.memory_space<semaphore_mem>>) src(%dma_wait3A_705 : memref<64x16xf32, #tpu.memory_space<vmem>>) dst(%dma_wait3A_702 : memref<64x16xf32, #tpu.memory_space<hbm>>)
        tpu.yield
      }) : () -> ()
      "tpu.region"() ({
        %run_scoped3A = tpu.sem_alloc : memref<!tpu.dma_semaphore, #tpu.memory_space<semaphore_mem>>
        %dma_start3A_686 = arith.constant 448 : i32
        %dma_start3A_687 = arith.constant 0 : i32
        %dma_start3A_688 = tpu.memref_slice %arg6[%dma_start3A_686, %dma_start3A_687] : memref<1664x16xf32, #tpu.memory_space<vmem>> -> memref<64x16xf32, #tpu.memory_space<vmem>>
        %dma_start3A_689 = arith.constant 112 : i32
        %dma_start3A_690 = tpu.memref_slice %arg4[%multiple_of3A, %dma_start3A_689] : memref<16384x416xf32, #tpu.memory_space<hbm>> -> memref<64x16xf32, #tpu.memory_space<hbm>>
        %dma_start3A_691 = arith.constant 112 : i32
        %dma_start3A_692 = tpu.memref_slice %arg4[%multiple_of3A, %dma_start3A_691] : memref<16384x416xf32, #tpu.memory_space<hbm>> -> memref<64x16xf32, #tpu.memory_space<hbm>>
        %dma_start3A_693 = arith.constant 448 : i32
        %dma_start3A_694 = arith.constant 0 : i32
        %dma_start3A_695 = tpu.memref_slice %arg6[%dma_start3A_693, %dma_start3A_694] : memref<1664x16xf32, #tpu.memory_space<vmem>> -> memref<64x16xf32, #tpu.memory_space<vmem>>
        tpu.enqueue_dma source(%dma_start3A_695 : memref<64x16xf32, #tpu.memory_space<vmem>>) target(%dma_start3A_692 : memref<64x16xf32, #tpu.memory_space<hbm>>) target_semaphore(%run_scoped3A : memref<!tpu.dma_semaphore, #tpu.memory_space<semaphore_mem>>)
        %dma_wait3A_696 = arith.constant 448 : i32
        %dma_wait3A_697 = arith.constant 0 : i32
        %dma_wait3A_698 = tpu.memref_slice %arg6[%dma_wait3A_696, %dma_wait3A_697] : memref<1664x16xf32, #tpu.memory_space<vmem>> -> memref<64x16xf32, #tpu.memory_space<vmem>>
        %dma_wait3A_699 = arith.constant 112 : i32
        %dma_wait3A_700 = tpu.memref_slice %arg4[%multiple_of3A, %dma_wait3A_699] : memref<16384x416xf32, #tpu.memory_space<hbm>> -> memref<64x16xf32, #tpu.memory_space<hbm>>
        %dma_wait3A_701 = arith.constant 112 : i32
        %dma_wait3A_702 = tpu.memref_slice %arg4[%multiple_of3A, %dma_wait3A_701] : memref<16384x416xf32, #tpu.memory_space<hbm>> -> memref<64x16xf32, #tpu.memory_space<hbm>>
        %dma_wait3A_703 = arith.constant 448 : i32
        %dma_wait3A_704 = arith.constant 0 : i32
        %dma_wait3A_705 = tpu.memref_slice %arg6[%dma_wait3A_703, %dma_wait3A_704] : memref<1664x16xf32, #tpu.memory_space<vmem>> -> memref<64x16xf32, #tpu.memory_space<vmem>>
        tpu.wait_dma2 semaphore(%run_scoped3A : memref<!tpu.dma_semaphore, #tpu.memory_space<semaphore_mem>>) src(%dma_wait3A_705 : memref<64x16xf32, #tpu.memory_space<vmem>>) dst(%dma_wait3A_702 : memref<64x16xf32, #tpu.memory_space<hbm>>)
        tpu.yield
      }) : () -> ()
      "tpu.region"() ({
        %run_scoped3A = tpu.sem_alloc : memref<!tpu.dma_semaphore, #tpu.memory_space<semaphore_mem>>
        %dma_start3A_686 = arith.constant 512 : i32
        %dma_start3A_687 = arith.constant 0 : i32
        %dma_start3A_688 = tpu.memref_slice %arg6[%dma_start3A_686, %dma_start3A_687] : memref<1664x16xf32, #tpu.memory_space<vmem>> -> memref<64x16xf32, #tpu.memory_space<vmem>>
        %dma_start3A_689 = arith.constant 128 : i32
        %dma_start3A_690 = tpu.memref_slice %arg4[%multiple_of3A, %dma_start3A_689] : memref<16384x416xf32, #tpu.memory_space<hbm>> -> memref<64x16xf32, #tpu.memory_space<hbm>>
        %dma_start3A_691 = arith.constant 128 : i32
        %dma_start3A_692 = tpu.memref_slice %arg4[%multiple_of3A, %dma_start3A_691] : memref<16384x416xf32, #tpu.memory_space<hbm>> -> memref<64x16xf32, #tpu.memory_space<hbm>>
        %dma_start3A_693 = arith.constant 512 : i32
        %dma_start3A_694 = arith.constant 0 : i32
        %dma_start3A_695 = tpu.memref_slice %arg6[%dma_start3A_693, %dma_start3A_694] : memref<1664x16xf32, #tpu.memory_space<vmem>> -> memref<64x16xf32, #tpu.memory_space<vmem>>
        tpu.enqueue_dma source(%dma_start3A_695 : memref<64x16xf32, #tpu.memory_space<vmem>>) target(%dma_start3A_692 : memref<64x16xf32, #tpu.memory_space<hbm>>) target_semaphore(%run_scoped3A : memref<!tpu.dma_semaphore, #tpu.memory_space<semaphore_mem>>)
        %dma_wait3A_696 = arith.constant 512 : i32
        %dma_wait3A_697 = arith.constant 0 : i32
        %dma_wait3A_698 = tpu.memref_slice %arg6[%dma_wait3A_696, %dma_wait3A_697] : memref<1664x16xf32, #tpu.memory_space<vmem>> -> memref<64x16xf32, #tpu.memory_space<vmem>>
        %dma_wait3A_699 = arith.constant 128 : i32
        %dma_wait3A_700 = tpu.memref_slice %arg4[%multiple_of3A, %dma_wait3A_699] : memref<16384x416xf32, #tpu.memory_space<hbm>> -> memref<64x16xf32, #tpu.memory_space<hbm>>
        %dma_wait3A_701 = arith.constant 128 : i32
        %dma_wait3A_702 = tpu.memref_slice %arg4[%multiple_of3A, %dma_wait3A_701] : memref<16384x416xf32, #tpu.memory_space<hbm>> -> memref<64x16xf32, #tpu.memory_space<hbm>>
        %dma_wait3A_703 = arith.constant 512 : i32
        %dma_wait3A_704 = arith.constant 0 : i32
        %dma_wait3A_705 = tpu.memref_slice %arg6[%dma_wait3A_703, %dma_wait3A_704] : memref<1664x16xf32, #tpu.memory_space<vmem>> -> memref<64x16xf32, #tpu.memory_space<vmem>>
        tpu.wait_dma2 semaphore(%run_scoped3A : memref<!tpu.dma_semaphore, #tpu.memory_space<semaphore_mem>>) src(%dma_wait3A_705 : memref<64x16xf32, #tpu.memory_space<vmem>>) dst(%dma_wait3A_702 : memref<64x16xf32, #tpu.memory_space<hbm>>)
        tpu.yield
      }) : () -> ()
      "tpu.region"() ({
        %run_scoped3A = tpu.sem_alloc : memref<!tpu.dma_semaphore, #tpu.memory_space<semaphore_mem>>
        %dma_start3A_686 = arith.constant 576 : i32
        %dma_start3A_687 = arith.constant 0 : i32
        %dma_start3A_688 = tpu.memref_slice %arg6[%dma_start3A_686, %dma_start3A_687] : memref<1664x16xf32, #tpu.memory_space<vmem>> -> memref<64x16xf32, #tpu.memory_space<vmem>>
        %dma_start3A_689 = arith.constant 144 : i32
        %dma_start3A_690 = tpu.memref_slice %arg4[%multiple_of3A, %dma_start3A_689] : memref<16384x416xf32, #tpu.memory_space<hbm>> -> memref<64x16xf32, #tpu.memory_space<hbm>>
        %dma_start3A_691 = arith.constant 144 : i32
        %dma_start3A_692 = tpu.memref_slice %arg4[%multiple_of3A, %dma_start3A_691] : memref<16384x416xf32, #tpu.memory_space<hbm>> -> memref<64x16xf32, #tpu.memory_space<hbm>>
        %dma_start3A_693 = arith.constant 576 : i32
        %dma_start3A_694 = arith.constant 0 : i32
        %dma_start3A_695 = tpu.memref_slice %arg6[%dma_start3A_693, %dma_start3A_694] : memref<1664x16xf32, #tpu.memory_space<vmem>> -> memref<64x16xf32, #tpu.memory_space<vmem>>
        tpu.enqueue_dma source(%dma_start3A_695 : memref<64x16xf32, #tpu.memory_space<vmem>>) target(%dma_start3A_692 : memref<64x16xf32, #tpu.memory_space<hbm>>) target_semaphore(%run_scoped3A : memref<!tpu.dma_semaphore, #tpu.memory_space<semaphore_mem>>)
        %dma_wait3A_696 = arith.constant 576 : i32
        %dma_wait3A_697 = arith.constant 0 : i32
        %dma_wait3A_698 = tpu.memref_slice %arg6[%dma_wait3A_696, %dma_wait3A_697] : memref<1664x16xf32, #tpu.memory_space<vmem>> -> memref<64x16xf32, #tpu.memory_space<vmem>>
        %dma_wait3A_699 = arith.constant 144 : i32
        %dma_wait3A_700 = tpu.memref_slice %arg4[%multiple_of3A, %dma_wait3A_699] : memref<16384x416xf32, #tpu.memory_space<hbm>> -> memref<64x16xf32, #tpu.memory_space<hbm>>
        %dma_wait3A_701 = arith.constant 144 : i32
        %dma_wait3A_702 = tpu.memref_slice %arg4[%multiple_of3A, %dma_wait3A_701] : memref<16384x416xf32, #tpu.memory_space<hbm>> -> memref<64x16xf32, #tpu.memory_space<hbm>>
        %dma_wait3A_703 = arith.constant 576 : i32
        %dma_wait3A_704 = arith.constant 0 : i32
        %dma_wait3A_705 = tpu.memref_slice %arg6[%dma_wait3A_703, %dma_wait3A_704] : memref<1664x16xf32, #tpu.memory_space<vmem>> -> memref<64x16xf32, #tpu.memory_space<vmem>>
        tpu.wait_dma2 semaphore(%run_scoped3A : memref<!tpu.dma_semaphore, #tpu.memory_space<semaphore_mem>>) src(%dma_wait3A_705 : memref<64x16xf32, #tpu.memory_space<vmem>>) dst(%dma_wait3A_702 : memref<64x16xf32, #tpu.memory_space<hbm>>)
        tpu.yield
      }) : () -> ()
      "tpu.region"() ({
        %run_scoped3A = tpu.sem_alloc : memref<!tpu.dma_semaphore, #tpu.memory_space<semaphore_mem>>
        %dma_start3A_686 = arith.constant 640 : i32
        %dma_start3A_687 = arith.constant 0 : i32
        %dma_start3A_688 = tpu.memref_slice %arg6[%dma_start3A_686, %dma_start3A_687] : memref<1664x16xf32, #tpu.memory_space<vmem>> -> memref<64x16xf32, #tpu.memory_space<vmem>>
        %dma_start3A_689 = arith.constant 160 : i32
        %dma_start3A_690 = tpu.memref_slice %arg4[%multiple_of3A, %dma_start3A_689] : memref<16384x416xf32, #tpu.memory_space<hbm>> -> memref<64x16xf32, #tpu.memory_space<hbm>>
        %dma_start3A_691 = arith.constant 160 : i32
        %dma_start3A_692 = tpu.memref_slice %arg4[%multiple_of3A, %dma_start3A_691] : memref<16384x416xf32, #tpu.memory_space<hbm>> -> memref<64x16xf32, #tpu.memory_space<hbm>>
        %dma_start3A_693 = arith.constant 640 : i32
        %dma_start3A_694 = arith.constant 0 : i32
        %dma_start3A_695 = tpu.memref_slice %arg6[%dma_start3A_693, %dma_start3A_694] : memref<1664x16xf32, #tpu.memory_space<vmem>> -> memref<64x16xf32, #tpu.memory_space<vmem>>
        tpu.enqueue_dma source(%dma_start3A_695 : memref<64x16xf32, #tpu.memory_space<vmem>>) target(%dma_start3A_692 : memref<64x16xf32, #tpu.memory_space<hbm>>) target_semaphore(%run_scoped3A : memref<!tpu.dma_semaphore, #tpu.memory_space<semaphore_mem>>)
        %dma_wait3A_696 = arith.constant 640 : i32
        %dma_wait3A_697 = arith.constant 0 : i32
        %dma_wait3A_698 = tpu.memref_slice %arg6[%dma_wait3A_696, %dma_wait3A_697] : memref<1664x16xf32, #tpu.memory_space<vmem>> -> memref<64x16xf32, #tpu.memory_space<vmem>>
        %dma_wait3A_699 = arith.constant 160 : i32
        %dma_wait3A_700 = tpu.memref_slice %arg4[%multiple_of3A, %dma_wait3A_699] : memref<16384x416xf32, #tpu.memory_space<hbm>> -> memref<64x16xf32, #tpu.memory_space<hbm>>
        %dma_wait3A_701 = arith.constant 160 : i32
        %dma_wait3A_702 = tpu.memref_slice %arg4[%multiple_of3A, %dma_wait3A_701] : memref<16384x416xf32, #tpu.memory_space<hbm>> -> memref<64x16xf32, #tpu.memory_space<hbm>>
        %dma_wait3A_703 = arith.constant 640 : i32
        %dma_wait3A_704 = arith.constant 0 : i32
        %dma_wait3A_705 = tpu.memref_slice %arg6[%dma_wait3A_703, %dma_wait3A_704] : memref<1664x16xf32, #tpu.memory_space<vmem>> -> memref<64x16xf32, #tpu.memory_space<vmem>>
        tpu.wait_dma2 semaphore(%run_scoped3A : memref<!tpu.dma_semaphore, #tpu.memory_space<semaphore_mem>>) src(%dma_wait3A_705 : memref<64x16xf32, #tpu.memory_space<vmem>>) dst(%dma_wait3A_702 : memref<64x16xf32, #tpu.memory_space<hbm>>)
        tpu.yield
      }) : () -> ()
      "tpu.region"() ({
        %run_scoped3A = tpu.sem_alloc : memref<!tpu.dma_semaphore, #tpu.memory_space<semaphore_mem>>
        %dma_start3A_686 = arith.constant 704 : i32
        %dma_start3A_687 = arith.constant 0 : i32
        %dma_start3A_688 = tpu.memref_slice %arg6[%dma_start3A_686, %dma_start3A_687] : memref<1664x16xf32, #tpu.memory_space<vmem>> -> memref<64x16xf32, #tpu.memory_space<vmem>>
        %dma_start3A_689 = arith.constant 176 : i32
        %dma_start3A_690 = tpu.memref_slice %arg4[%multiple_of3A, %dma_start3A_689] : memref<16384x416xf32, #tpu.memory_space<hbm>> -> memref<64x16xf32, #tpu.memory_space<hbm>>
        %dma_start3A_691 = arith.constant 176 : i32
        %dma_start3A_692 = tpu.memref_slice %arg4[%multiple_of3A, %dma_start3A_691] : memref<16384x416xf32, #tpu.memory_space<hbm>> -> memref<64x16xf32, #tpu.memory_space<hbm>>
        %dma_start3A_693 = arith.constant 704 : i32
        %dma_start3A_694 = arith.constant 0 : i32
        %dma_start3A_695 = tpu.memref_slice %arg6[%dma_start3A_693, %dma_start3A_694] : memref<1664x16xf32, #tpu.memory_space<vmem>> -> memref<64x16xf32, #tpu.memory_space<vmem>>
        tpu.enqueue_dma source(%dma_start3A_695 : memref<64x16xf32, #tpu.memory_space<vmem>>) target(%dma_start3A_692 : memref<64x16xf32, #tpu.memory_space<hbm>>) target_semaphore(%run_scoped3A : memref<!tpu.dma_semaphore, #tpu.memory_space<semaphore_mem>>)
        %dma_wait3A_696 = arith.constant 704 : i32
        %dma_wait3A_697 = arith.constant 0 : i32
        %dma_wait3A_698 = tpu.memref_slice %arg6[%dma_wait3A_696, %dma_wait3A_697] : memref<1664x16xf32, #tpu.memory_space<vmem>> -> memref<64x16xf32, #tpu.memory_space<vmem>>
        %dma_wait3A_699 = arith.constant 176 : i32
        %dma_wait3A_700 = tpu.memref_slice %arg4[%multiple_of3A, %dma_wait3A_699] : memref<16384x416xf32, #tpu.memory_space<hbm>> -> memref<64x16xf32, #tpu.memory_space<hbm>>
        %dma_wait3A_701 = arith.constant 176 : i32
        %dma_wait3A_702 = tpu.memref_slice %arg4[%multiple_of3A, %dma_wait3A_701] : memref<16384x416xf32, #tpu.memory_space<hbm>> -> memref<64x16xf32, #tpu.memory_space<hbm>>
        %dma_wait3A_703 = arith.constant 704 : i32
        %dma_wait3A_704 = arith.constant 0 : i32
        %dma_wait3A_705 = tpu.memref_slice %arg6[%dma_wait3A_703, %dma_wait3A_704] : memref<1664x16xf32, #tpu.memory_space<vmem>> -> memref<64x16xf32, #tpu.memory_space<vmem>>
        tpu.wait_dma2 semaphore(%run_scoped3A : memref<!tpu.dma_semaphore, #tpu.memory_space<semaphore_mem>>) src(%dma_wait3A_705 : memref<64x16xf32, #tpu.memory_space<vmem>>) dst(%dma_wait3A_702 : memref<64x16xf32, #tpu.memory_space<hbm>>)
        tpu.yield
      }) : () -> ()
      "tpu.region"() ({
        %run_scoped3A = tpu.sem_alloc : memref<!tpu.dma_semaphore, #tpu.memory_space<semaphore_mem>>
        %dma_start3A_686 = arith.constant 768 : i32
        %dma_start3A_687 = arith.constant 0 : i32
        %dma_start3A_688 = tpu.memref_slice %arg6[%dma_start3A_686, %dma_start3A_687] : memref<1664x16xf32, #tpu.memory_space<vmem>> -> memref<64x16xf32, #tpu.memory_space<vmem>>
        %dma_start3A_689 = arith.constant 192 : i32
        %dma_start3A_690 = tpu.memref_slice %arg4[%multiple_of3A, %dma_start3A_689] : memref<16384x416xf32, #tpu.memory_space<hbm>> -> memref<64x16xf32, #tpu.memory_space<hbm>>
        %dma_start3A_691 = arith.constant 192 : i32
        %dma_start3A_692 = tpu.memref_slice %arg4[%multiple_of3A, %dma_start3A_691] : memref<16384x416xf32, #tpu.memory_space<hbm>> -> memref<64x16xf32, #tpu.memory_space<hbm>>
        %dma_start3A_693 = arith.constant 768 : i32
        %dma_start3A_694 = arith.constant 0 : i32
        %dma_start3A_695 = tpu.memref_slice %arg6[%dma_start3A_693, %dma_start3A_694] : memref<1664x16xf32, #tpu.memory_space<vmem>> -> memref<64x16xf32, #tpu.memory_space<vmem>>
        tpu.enqueue_dma source(%dma_start3A_695 : memref<64x16xf32, #tpu.memory_space<vmem>>) target(%dma_start3A_692 : memref<64x16xf32, #tpu.memory_space<hbm>>) target_semaphore(%run_scoped3A : memref<!tpu.dma_semaphore, #tpu.memory_space<semaphore_mem>>)
        %dma_wait3A_696 = arith.constant 768 : i32
        %dma_wait3A_697 = arith.constant 0 : i32
        %dma_wait3A_698 = tpu.memref_slice %arg6[%dma_wait3A_696, %dma_wait3A_697] : memref<1664x16xf32, #tpu.memory_space<vmem>> -> memref<64x16xf32, #tpu.memory_space<vmem>>
        %dma_wait3A_699 = arith.constant 192 : i32
        %dma_wait3A_700 = tpu.memref_slice %arg4[%multiple_of3A, %dma_wait3A_699] : memref<16384x416xf32, #tpu.memory_space<hbm>> -> memref<64x16xf32, #tpu.memory_space<hbm>>
        %dma_wait3A_701 = arith.constant 192 : i32
        %dma_wait3A_702 = tpu.memref_slice %arg4[%multiple_of3A, %dma_wait3A_701] : memref<16384x416xf32, #tpu.memory_space<hbm>> -> memref<64x16xf32, #tpu.memory_space<hbm>>
        %dma_wait3A_703 = arith.constant 768 : i32
        %dma_wait3A_704 = arith.constant 0 : i32
        %dma_wait3A_705 = tpu.memref_slice %arg6[%dma_wait3A_703, %dma_wait3A_704] : memref<1664x16xf32, #tpu.memory_space<vmem>> -> memref<64x16xf32, #tpu.memory_space<vmem>>
        tpu.wait_dma2 semaphore(%run_scoped3A : memref<!tpu.dma_semaphore, #tpu.memory_space<semaphore_mem>>) src(%dma_wait3A_705 : memref<64x16xf32, #tpu.memory_space<vmem>>) dst(%dma_wait3A_702 : memref<64x16xf32, #tpu.memory_space<hbm>>)
        tpu.yield
      }) : () -> ()
      "tpu.region"() ({
        %run_scoped3A = tpu.sem_alloc : memref<!tpu.dma_semaphore, #tpu.memory_space<semaphore_mem>>
        %dma_start3A_686 = arith.constant 832 : i32
        %dma_start3A_687 = arith.constant 0 : i32
        %dma_start3A_688 = tpu.memref_slice %arg6[%dma_start3A_686, %dma_start3A_687] : memref<1664x16xf32, #tpu.memory_space<vmem>> -> memref<64x16xf32, #tpu.memory_space<vmem>>
        %dma_start3A_689 = arith.constant 208 : i32
        %dma_start3A_690 = tpu.memref_slice %arg4[%multiple_of3A, %dma_start3A_689] : memref<16384x416xf32, #tpu.memory_space<hbm>> -> memref<64x16xf32, #tpu.memory_space<hbm>>
        %dma_start3A_691 = arith.constant 208 : i32
        %dma_start3A_692 = tpu.memref_slice %arg4[%multiple_of3A, %dma_start3A_691] : memref<16384x416xf32, #tpu.memory_space<hbm>> -> memref<64x16xf32, #tpu.memory_space<hbm>>
        %dma_start3A_693 = arith.constant 832 : i32
        %dma_start3A_694 = arith.constant 0 : i32
        %dma_start3A_695 = tpu.memref_slice %arg6[%dma_start3A_693, %dma_start3A_694] : memref<1664x16xf32, #tpu.memory_space<vmem>> -> memref<64x16xf32, #tpu.memory_space<vmem>>
        tpu.enqueue_dma source(%dma_start3A_695 : memref<64x16xf32, #tpu.memory_space<vmem>>) target(%dma_start3A_692 : memref<64x16xf32, #tpu.memory_space<hbm>>) target_semaphore(%run_scoped3A : memref<!tpu.dma_semaphore, #tpu.memory_space<semaphore_mem>>)
        %dma_wait3A_696 = arith.constant 832 : i32
        %dma_wait3A_697 = arith.constant 0 : i32
        %dma_wait3A_698 = tpu.memref_slice %arg6[%dma_wait3A_696, %dma_wait3A_697] : memref<1664x16xf32, #tpu.memory_space<vmem>> -> memref<64x16xf32, #tpu.memory_space<vmem>>
        %dma_wait3A_699 = arith.constant 208 : i32
        %dma_wait3A_700 = tpu.memref_slice %arg4[%multiple_of3A, %dma_wait3A_699] : memref<16384x416xf32, #tpu.memory_space<hbm>> -> memref<64x16xf32, #tpu.memory_space<hbm>>
        %dma_wait3A_701 = arith.constant 208 : i32
        %dma_wait3A_702 = tpu.memref_slice %arg4[%multiple_of3A, %dma_wait3A_701] : memref<16384x416xf32, #tpu.memory_space<hbm>> -> memref<64x16xf32, #tpu.memory_space<hbm>>
        %dma_wait3A_703 = arith.constant 832 : i32
        %dma_wait3A_704 = arith.constant 0 : i32
        %dma_wait3A_705 = tpu.memref_slice %arg6[%dma_wait3A_703, %dma_wait3A_704] : memref<1664x16xf32, #tpu.memory_space<vmem>> -> memref<64x16xf32, #tpu.memory_space<vmem>>
        tpu.wait_dma2 semaphore(%run_scoped3A : memref<!tpu.dma_semaphore, #tpu.memory_space<semaphore_mem>>) src(%dma_wait3A_705 : memref<64x16xf32, #tpu.memory_space<vmem>>) dst(%dma_wait3A_702 : memref<64x16xf32, #tpu.memory_space<hbm>>)
        tpu.yield
      }) : () -> ()
      "tpu.region"() ({
        %run_scoped3A = tpu.sem_alloc : memref<!tpu.dma_semaphore, #tpu.memory_space<semaphore_mem>>
        %dma_start3A_686 = arith.constant 896 : i32
        %dma_start3A_687 = arith.constant 0 : i32
        %dma_start3A_688 = tpu.memref_slice %arg6[%dma_start3A_686, %dma_start3A_687] : memref<1664x16xf32, #tpu.memory_space<vmem>> -> memref<64x16xf32, #tpu.memory_space<vmem>>
        %dma_start3A_689 = arith.constant 224 : i32
        %dma_start3A_690 = tpu.memref_slice %arg4[%multiple_of3A, %dma_start3A_689] : memref<16384x416xf32, #tpu.memory_space<hbm>> -> memref<64x16xf32, #tpu.memory_space<hbm>>
        %dma_start3A_691 = arith.constant 224 : i32
        %dma_start3A_692 = tpu.memref_slice %arg4[%multiple_of3A, %dma_start3A_691] : memref<16384x416xf32, #tpu.memory_space<hbm>> -> memref<64x16xf32, #tpu.memory_space<hbm>>
        %dma_start3A_693 = arith.constant 896 : i32
        %dma_start3A_694 = arith.constant 0 : i32
        %dma_start3A_695 = tpu.memref_slice %arg6[%dma_start3A_693, %dma_start3A_694] : memref<1664x16xf32, #tpu.memory_space<vmem>> -> memref<64x16xf32, #tpu.memory_space<vmem>>
        tpu.enqueue_dma source(%dma_start3A_695 : memref<64x16xf32, #tpu.memory_space<vmem>>) target(%dma_start3A_692 : memref<64x16xf32, #tpu.memory_space<hbm>>) target_semaphore(%run_scoped3A : memref<!tpu.dma_semaphore, #tpu.memory_space<semaphore_mem>>)
        %dma_wait3A_696 = arith.constant 896 : i32
        %dma_wait3A_697 = arith.constant 0 : i32
        %dma_wait3A_698 = tpu.memref_slice %arg6[%dma_wait3A_696, %dma_wait3A_697] : memref<1664x16xf32, #tpu.memory_space<vmem>> -> memref<64x16xf32, #tpu.memory_space<vmem>>
        %dma_wait3A_699 = arith.constant 224 : i32
        %dma_wait3A_700 = tpu.memref_slice %arg4[%multiple_of3A, %dma_wait3A_699] : memref<16384x416xf32, #tpu.memory_space<hbm>> -> memref<64x16xf32, #tpu.memory_space<hbm>>
        %dma_wait3A_701 = arith.constant 224 : i32
        %dma_wait3A_702 = tpu.memref_slice %arg4[%multiple_of3A, %dma_wait3A_701] : memref<16384x416xf32, #tpu.memory_space<hbm>> -> memref<64x16xf32, #tpu.memory_space<hbm>>
        %dma_wait3A_703 = arith.constant 896 : i32
        %dma_wait3A_704 = arith.constant 0 : i32
        %dma_wait3A_705 = tpu.memref_slice %arg6[%dma_wait3A_703, %dma_wait3A_704] : memref<1664x16xf32, #tpu.memory_space<vmem>> -> memref<64x16xf32, #tpu.memory_space<vmem>>
        tpu.wait_dma2 semaphore(%run_scoped3A : memref<!tpu.dma_semaphore, #tpu.memory_space<semaphore_mem>>) src(%dma_wait3A_705 : memref<64x16xf32, #tpu.memory_space<vmem>>) dst(%dma_wait3A_702 : memref<64x16xf32, #tpu.memory_space<hbm>>)
        tpu.yield
      }) : () -> ()
      "tpu.region"() ({
        %run_scoped3A = tpu.sem_alloc : memref<!tpu.dma_semaphore, #tpu.memory_space<semaphore_mem>>
        %dma_start3A_686 = arith.constant 960 : i32
        %dma_start3A_687 = arith.constant 0 : i32
        %dma_start3A_688 = tpu.memref_slice %arg6[%dma_start3A_686, %dma_start3A_687] : memref<1664x16xf32, #tpu.memory_space<vmem>> -> memref<64x16xf32, #tpu.memory_space<vmem>>
        %dma_start3A_689 = arith.constant 240 : i32
        %dma_start3A_690 = tpu.memref_slice %arg4[%multiple_of3A, %dma_start3A_689] : memref<16384x416xf32, #tpu.memory_space<hbm>> -> memref<64x16xf32, #tpu.memory_space<hbm>>
        %dma_start3A_691 = arith.constant 240 : i32
        %dma_start3A_692 = tpu.memref_slice %arg4[%multiple_of3A, %dma_start3A_691] : memref<16384x416xf32, #tpu.memory_space<hbm>> -> memref<64x16xf32, #tpu.memory_space<hbm>>
        %dma_start3A_693 = arith.constant 960 : i32
        %dma_start3A_694 = arith.constant 0 : i32
        %dma_start3A_695 = tpu.memref_slice %arg6[%dma_start3A_693, %dma_start3A_694] : memref<1664x16xf32, #tpu.memory_space<vmem>> -> memref<64x16xf32, #tpu.memory_space<vmem>>
        tpu.enqueue_dma source(%dma_start3A_695 : memref<64x16xf32, #tpu.memory_space<vmem>>) target(%dma_start3A_692 : memref<64x16xf32, #tpu.memory_space<hbm>>) target_semaphore(%run_scoped3A : memref<!tpu.dma_semaphore, #tpu.memory_space<semaphore_mem>>)
        %dma_wait3A_696 = arith.constant 960 : i32
        %dma_wait3A_697 = arith.constant 0 : i32
        %dma_wait3A_698 = tpu.memref_slice %arg6[%dma_wait3A_696, %dma_wait3A_697] : memref<1664x16xf32, #tpu.memory_space<vmem>> -> memref<64x16xf32, #tpu.memory_space<vmem>>
        %dma_wait3A_699 = arith.constant 240 : i32
        %dma_wait3A_700 = tpu.memref_slice %arg4[%multiple_of3A, %dma_wait3A_699] : memref<16384x416xf32, #tpu.memory_space<hbm>> -> memref<64x16xf32, #tpu.memory_space<hbm>>
        %dma_wait3A_701 = arith.constant 240 : i32
        %dma_wait3A_702 = tpu.memref_slice %arg4[%multiple_of3A, %dma_wait3A_701] : memref<16384x416xf32, #tpu.memory_space<hbm>> -> memref<64x16xf32, #tpu.memory_space<hbm>>
        %dma_wait3A_703 = arith.constant 960 : i32
        %dma_wait3A_704 = arith.constant 0 : i32
        %dma_wait3A_705 = tpu.memref_slice %arg6[%dma_wait3A_703, %dma_wait3A_704] : memref<1664x16xf32, #tpu.memory_space<vmem>> -> memref<64x16xf32, #tpu.memory_space<vmem>>
        tpu.wait_dma2 semaphore(%run_scoped3A : memref<!tpu.dma_semaphore, #tpu.memory_space<semaphore_mem>>) src(%dma_wait3A_705 : memref<64x16xf32, #tpu.memory_space<vmem>>) dst(%dma_wait3A_702 : memref<64x16xf32, #tpu.memory_space<hbm>>)
        tpu.yield
      }) : () -> ()
      "tpu.region"() ({
        %run_scoped3A = tpu.sem_alloc : memref<!tpu.dma_semaphore, #tpu.memory_space<semaphore_mem>>
        %dma_start3A_686 = arith.constant 1024 : i32
        %dma_start3A_687 = arith.constant 0 : i32
        %dma_start3A_688 = tpu.memref_slice %arg6[%dma_start3A_686, %dma_start3A_687] : memref<1664x16xf32, #tpu.memory_space<vmem>> -> memref<64x16xf32, #tpu.memory_space<vmem>>
        %dma_start3A_689 = arith.constant 256 : i32
        %dma_start3A_690 = tpu.memref_slice %arg4[%multiple_of3A, %dma_start3A_689] : memref<16384x416xf32, #tpu.memory_space<hbm>> -> memref<64x16xf32, #tpu.memory_space<hbm>>
        %dma_start3A_691 = arith.constant 256 : i32
        %dma_start3A_692 = tpu.memref_slice %arg4[%multiple_of3A, %dma_start3A_691] : memref<16384x416xf32, #tpu.memory_space<hbm>> -> memref<64x16xf32, #tpu.memory_space<hbm>>
        %dma_start3A_693 = arith.constant 1024 : i32
        %dma_start3A_694 = arith.constant 0 : i32
        %dma_start3A_695 = tpu.memref_slice %arg6[%dma_start3A_693, %dma_start3A_694] : memref<1664x16xf32, #tpu.memory_space<vmem>> -> memref<64x16xf32, #tpu.memory_space<vmem>>
        tpu.enqueue_dma source(%dma_start3A_695 : memref<64x16xf32, #tpu.memory_space<vmem>>) target(%dma_start3A_692 : memref<64x16xf32, #tpu.memory_space<hbm>>) target_semaphore(%run_scoped3A : memref<!tpu.dma_semaphore, #tpu.memory_space<semaphore_mem>>)
        %dma_wait3A_696 = arith.constant 1024 : i32
        %dma_wait3A_697 = arith.constant 0 : i32
        %dma_wait3A_698 = tpu.memref_slice %arg6[%dma_wait3A_696, %dma_wait3A_697] : memref<1664x16xf32, #tpu.memory_space<vmem>> -> memref<64x16xf32, #tpu.memory_space<vmem>>
        %dma_wait3A_699 = arith.constant 256 : i32
        %dma_wait3A_700 = tpu.memref_slice %arg4[%multiple_of3A, %dma_wait3A_699] : memref<16384x416xf32, #tpu.memory_space<hbm>> -> memref<64x16xf32, #tpu.memory_space<hbm>>
        %dma_wait3A_701 = arith.constant 256 : i32
        %dma_wait3A_702 = tpu.memref_slice %arg4[%multiple_of3A, %dma_wait3A_701] : memref<16384x416xf32, #tpu.memory_space<hbm>> -> memref<64x16xf32, #tpu.memory_space<hbm>>
        %dma_wait3A_703 = arith.constant 1024 : i32
        %dma_wait3A_704 = arith.constant 0 : i32
        %dma_wait3A_705 = tpu.memref_slice %arg6[%dma_wait3A_703, %dma_wait3A_704] : memref<1664x16xf32, #tpu.memory_space<vmem>> -> memref<64x16xf32, #tpu.memory_space<vmem>>
        tpu.wait_dma2 semaphore(%run_scoped3A : memref<!tpu.dma_semaphore, #tpu.memory_space<semaphore_mem>>) src(%dma_wait3A_705 : memref<64x16xf32, #tpu.memory_space<vmem>>) dst(%dma_wait3A_702 : memref<64x16xf32, #tpu.memory_space<hbm>>)
        tpu.yield
      }) : () -> ()
      "tpu.region"() ({
        %run_scoped3A = tpu.sem_alloc : memref<!tpu.dma_semaphore, #tpu.memory_space<semaphore_mem>>
        %dma_start3A_686 = arith.constant 1088 : i32
        %dma_start3A_687 = arith.constant 0 : i32
        %dma_start3A_688 = tpu.memref_slice %arg6[%dma_start3A_686, %dma_start3A_687] : memref<1664x16xf32, #tpu.memory_space<vmem>> -> memref<64x16xf32, #tpu.memory_space<vmem>>
        %dma_start3A_689 = arith.constant 272 : i32
        %dma_start3A_690 = tpu.memref_slice %arg4[%multiple_of3A, %dma_start3A_689] : memref<16384x416xf32, #tpu.memory_space<hbm>> -> memref<64x16xf32, #tpu.memory_space<hbm>>
        %dma_start3A_691 = arith.constant 272 : i32
        %dma_start3A_692 = tpu.memref_slice %arg4[%multiple_of3A, %dma_start3A_691] : memref<16384x416xf32, #tpu.memory_space<hbm>> -> memref<64x16xf32, #tpu.memory_space<hbm>>
        %dma_start3A_693 = arith.constant 1088 : i32
        %dma_start3A_694 = arith.constant 0 : i32
        %dma_start3A_695 = tpu.memref_slice %arg6[%dma_start3A_693, %dma_start3A_694] : memref<1664x16xf32, #tpu.memory_space<vmem>> -> memref<64x16xf32, #tpu.memory_space<vmem>>
        tpu.enqueue_dma source(%dma_start3A_695 : memref<64x16xf32, #tpu.memory_space<vmem>>) target(%dma_start3A_692 : memref<64x16xf32, #tpu.memory_space<hbm>>) target_semaphore(%run_scoped3A : memref<!tpu.dma_semaphore, #tpu.memory_space<semaphore_mem>>)
        %dma_wait3A_696 = arith.constant 1088 : i32
        %dma_wait3A_697 = arith.constant 0 : i32
        %dma_wait3A_698 = tpu.memref_slice %arg6[%dma_wait3A_696, %dma_wait3A_697] : memref<1664x16xf32, #tpu.memory_space<vmem>> -> memref<64x16xf32, #tpu.memory_space<vmem>>
        %dma_wait3A_699 = arith.constant 272 : i32
        %dma_wait3A_700 = tpu.memref_slice %arg4[%multiple_of3A, %dma_wait3A_699] : memref<16384x416xf32, #tpu.memory_space<hbm>> -> memref<64x16xf32, #tpu.memory_space<hbm>>
        %dma_wait3A_701 = arith.constant 272 : i32
        %dma_wait3A_702 = tpu.memref_slice %arg4[%multiple_of3A, %dma_wait3A_701] : memref<16384x416xf32, #tpu.memory_space<hbm>> -> memref<64x16xf32, #tpu.memory_space<hbm>>
        %dma_wait3A_703 = arith.constant 1088 : i32
        %dma_wait3A_704 = arith.constant 0 : i32
        %dma_wait3A_705 = tpu.memref_slice %arg6[%dma_wait3A_703, %dma_wait3A_704] : memref<1664x16xf32, #tpu.memory_space<vmem>> -> memref<64x16xf32, #tpu.memory_space<vmem>>
        tpu.wait_dma2 semaphore(%run_scoped3A : memref<!tpu.dma_semaphore, #tpu.memory_space<semaphore_mem>>) src(%dma_wait3A_705 : memref<64x16xf32, #tpu.memory_space<vmem>>) dst(%dma_wait3A_702 : memref<64x16xf32, #tpu.memory_space<hbm>>)
        tpu.yield
      }) : () -> ()
      "tpu.region"() ({
        %run_scoped3A = tpu.sem_alloc : memref<!tpu.dma_semaphore, #tpu.memory_space<semaphore_mem>>
        %dma_start3A_686 = arith.constant 1152 : i32
        %dma_start3A_687 = arith.constant 0 : i32
        %dma_start3A_688 = tpu.memref_slice %arg6[%dma_start3A_686, %dma_start3A_687] : memref<1664x16xf32, #tpu.memory_space<vmem>> -> memref<64x16xf32, #tpu.memory_space<vmem>>
        %dma_start3A_689 = arith.constant 288 : i32
        %dma_start3A_690 = tpu.memref_slice %arg4[%multiple_of3A, %dma_start3A_689] : memref<16384x416xf32, #tpu.memory_space<hbm>> -> memref<64x16xf32, #tpu.memory_space<hbm>>
        %dma_start3A_691 = arith.constant 288 : i32
        %dma_start3A_692 = tpu.memref_slice %arg4[%multiple_of3A, %dma_start3A_691] : memref<16384x416xf32, #tpu.memory_space<hbm>> -> memref<64x16xf32, #tpu.memory_space<hbm>>
        %dma_start3A_693 = arith.constant 1152 : i32
        %dma_start3A_694 = arith.constant 0 : i32
        %dma_start3A_695 = tpu.memref_slice %arg6[%dma_start3A_693, %dma_start3A_694] : memref<1664x16xf32, #tpu.memory_space<vmem>> -> memref<64x16xf32, #tpu.memory_space<vmem>>
        tpu.enqueue_dma source(%dma_start3A_695 : memref<64x16xf32, #tpu.memory_space<vmem>>) target(%dma_start3A_692 : memref<64x16xf32, #tpu.memory_space<hbm>>) target_semaphore(%run_scoped3A : memref<!tpu.dma_semaphore, #tpu.memory_space<semaphore_mem>>)
        %dma_wait3A_696 = arith.constant 1152 : i32
        %dma_wait3A_697 = arith.constant 0 : i32
        %dma_wait3A_698 = tpu.memref_slice %arg6[%dma_wait3A_696, %dma_wait3A_697] : memref<1664x16xf32, #tpu.memory_space<vmem>> -> memref<64x16xf32, #tpu.memory_space<vmem>>
        %dma_wait3A_699 = arith.constant 288 : i32
        %dma_wait3A_700 = tpu.memref_slice %arg4[%multiple_of3A, %dma_wait3A_699] : memref<16384x416xf32, #tpu.memory_space<hbm>> -> memref<64x16xf32, #tpu.memory_space<hbm>>
        %dma_wait3A_701 = arith.constant 288 : i32
        %dma_wait3A_702 = tpu.memref_slice %arg4[%multiple_of3A, %dma_wait3A_701] : memref<16384x416xf32, #tpu.memory_space<hbm>> -> memref<64x16xf32, #tpu.memory_space<hbm>>
        %dma_wait3A_703 = arith.constant 1152 : i32
        %dma_wait3A_704 = arith.constant 0 : i32
        %dma_wait3A_705 = tpu.memref_slice %arg6[%dma_wait3A_703, %dma_wait3A_704] : memref<1664x16xf32, #tpu.memory_space<vmem>> -> memref<64x16xf32, #tpu.memory_space<vmem>>
        tpu.wait_dma2 semaphore(%run_scoped3A : memref<!tpu.dma_semaphore, #tpu.memory_space<semaphore_mem>>) src(%dma_wait3A_705 : memref<64x16xf32, #tpu.memory_space<vmem>>) dst(%dma_wait3A_702 : memref<64x16xf32, #tpu.memory_space<hbm>>)
        tpu.yield
      }) : () -> ()
      "tpu.region"() ({
        %run_scoped3A = tpu.sem_alloc : memref<!tpu.dma_semaphore, #tpu.memory_space<semaphore_mem>>
        %dma_start3A_686 = arith.constant 1216 : i32
        %dma_start3A_687 = arith.constant 0 : i32
        %dma_start3A_688 = tpu.memref_slice %arg6[%dma_start3A_686, %dma_start3A_687] : memref<1664x16xf32, #tpu.memory_space<vmem>> -> memref<64x16xf32, #tpu.memory_space<vmem>>
        %dma_start3A_689 = arith.constant 304 : i32
        %dma_start3A_690 = tpu.memref_slice %arg4[%multiple_of3A, %dma_start3A_689] : memref<16384x416xf32, #tpu.memory_space<hbm>> -> memref<64x16xf32, #tpu.memory_space<hbm>>
        %dma_start3A_691 = arith.constant 304 : i32
        %dma_start3A_692 = tpu.memref_slice %arg4[%multiple_of3A, %dma_start3A_691] : memref<16384x416xf32, #tpu.memory_space<hbm>> -> memref<64x16xf32, #tpu.memory_space<hbm>>
        %dma_start3A_693 = arith.constant 1216 : i32
        %dma_start3A_694 = arith.constant 0 : i32
        %dma_start3A_695 = tpu.memref_slice %arg6[%dma_start3A_693, %dma_start3A_694] : memref<1664x16xf32, #tpu.memory_space<vmem>> -> memref<64x16xf32, #tpu.memory_space<vmem>>
        tpu.enqueue_dma source(%dma_start3A_695 : memref<64x16xf32, #tpu.memory_space<vmem>>) target(%dma_start3A_692 : memref<64x16xf32, #tpu.memory_space<hbm>>) target_semaphore(%run_scoped3A : memref<!tpu.dma_semaphore, #tpu.memory_space<semaphore_mem>>)
        %dma_wait3A_696 = arith.constant 1216 : i32
        %dma_wait3A_697 = arith.constant 0 : i32
        %dma_wait3A_698 = tpu.memref_slice %arg6[%dma_wait3A_696, %dma_wait3A_697] : memref<1664x16xf32, #tpu.memory_space<vmem>> -> memref<64x16xf32, #tpu.memory_space<vmem>>
        %dma_wait3A_699 = arith.constant 304 : i32
        %dma_wait3A_700 = tpu.memref_slice %arg4[%multiple_of3A, %dma_wait3A_699] : memref<16384x416xf32, #tpu.memory_space<hbm>> -> memref<64x16xf32, #tpu.memory_space<hbm>>
        %dma_wait3A_701 = arith.constant 304 : i32
        %dma_wait3A_702 = tpu.memref_slice %arg4[%multiple_of3A, %dma_wait3A_701] : memref<16384x416xf32, #tpu.memory_space<hbm>> -> memref<64x16xf32, #tpu.memory_space<hbm>>
        %dma_wait3A_703 = arith.constant 1216 : i32
        %dma_wait3A_704 = arith.constant 0 : i32
        %dma_wait3A_705 = tpu.memref_slice %arg6[%dma_wait3A_703, %dma_wait3A_704] : memref<1664x16xf32, #tpu.memory_space<vmem>> -> memref<64x16xf32, #tpu.memory_space<vmem>>
        tpu.wait_dma2 semaphore(%run_scoped3A : memref<!tpu.dma_semaphore, #tpu.memory_space<semaphore_mem>>) src(%dma_wait3A_705 : memref<64x16xf32, #tpu.memory_space<vmem>>) dst(%dma_wait3A_702 : memref<64x16xf32, #tpu.memory_space<hbm>>)
        tpu.yield
      }) : () -> ()
      "tpu.region"() ({
        %run_scoped3A = tpu.sem_alloc : memref<!tpu.dma_semaphore, #tpu.memory_space<semaphore_mem>>
        %dma_start3A_686 = arith.constant 1280 : i32
        %dma_start3A_687 = arith.constant 0 : i32
        %dma_start3A_688 = tpu.memref_slice %arg6[%dma_start3A_686, %dma_start3A_687] : memref<1664x16xf32, #tpu.memory_space<vmem>> -> memref<64x16xf32, #tpu.memory_space<vmem>>
        %dma_start3A_689 = arith.constant 320 : i32
        %dma_start3A_690 = tpu.memref_slice %arg4[%multiple_of3A, %dma_start3A_689] : memref<16384x416xf32, #tpu.memory_space<hbm>> -> memref<64x16xf32, #tpu.memory_space<hbm>>
        %dma_start3A_691 = arith.constant 320 : i32
        %dma_start3A_692 = tpu.memref_slice %arg4[%multiple_of3A, %dma_start3A_691] : memref<16384x416xf32, #tpu.memory_space<hbm>> -> memref<64x16xf32, #tpu.memory_space<hbm>>
        %dma_start3A_693 = arith.constant 1280 : i32
        %dma_start3A_694 = arith.constant 0 : i32
        %dma_start3A_695 = tpu.memref_slice %arg6[%dma_start3A_693, %dma_start3A_694] : memref<1664x16xf32, #tpu.memory_space<vmem>> -> memref<64x16xf32, #tpu.memory_space<vmem>>
        tpu.enqueue_dma source(%dma_start3A_695 : memref<64x16xf32, #tpu.memory_space<vmem>>) target(%dma_start3A_692 : memref<64x16xf32, #tpu.memory_space<hbm>>) target_semaphore(%run_scoped3A : memref<!tpu.dma_semaphore, #tpu.memory_space<semaphore_mem>>)
        %dma_wait3A_696 = arith.constant 1280 : i32
        %dma_wait3A_697 = arith.constant 0 : i32
        %dma_wait3A_698 = tpu.memref_slice %arg6[%dma_wait3A_696, %dma_wait3A_697] : memref<1664x16xf32, #tpu.memory_space<vmem>> -> memref<64x16xf32, #tpu.memory_space<vmem>>
        %dma_wait3A_699 = arith.constant 320 : i32
        %dma_wait3A_700 = tpu.memref_slice %arg4[%multiple_of3A, %dma_wait3A_699] : memref<16384x416xf32, #tpu.memory_space<hbm>> -> memref<64x16xf32, #tpu.memory_space<hbm>>
        %dma_wait3A_701 = arith.constant 320 : i32
        %dma_wait3A_702 = tpu.memref_slice %arg4[%multiple_of3A, %dma_wait3A_701] : memref<16384x416xf32, #tpu.memory_space<hbm>> -> memref<64x16xf32, #tpu.memory_space<hbm>>
        %dma_wait3A_703 = arith.constant 1280 : i32
        %dma_wait3A_704 = arith.constant 0 : i32
        %dma_wait3A_705 = tpu.memref_slice %arg6[%dma_wait3A_703, %dma_wait3A_704] : memref<1664x16xf32, #tpu.memory_space<vmem>> -> memref<64x16xf32, #tpu.memory_space<vmem>>
        tpu.wait_dma2 semaphore(%run_scoped3A : memref<!tpu.dma_semaphore, #tpu.memory_space<semaphore_mem>>) src(%dma_wait3A_705 : memref<64x16xf32, #tpu.memory_space<vmem>>) dst(%dma_wait3A_702 : memref<64x16xf32, #tpu.memory_space<hbm>>)
        tpu.yield
      }) : () -> ()
      "tpu.region"() ({
        %run_scoped3A = tpu.sem_alloc : memref<!tpu.dma_semaphore, #tpu.memory_space<semaphore_mem>>
        %dma_start3A_686 = arith.constant 1344 : i32
        %dma_start3A_687 = arith.constant 0 : i32
        %dma_start3A_688 = tpu.memref_slice %arg6[%dma_start3A_686, %dma_start3A_687] : memref<1664x16xf32, #tpu.memory_space<vmem>> -> memref<64x16xf32, #tpu.memory_space<vmem>>
        %dma_start3A_689 = arith.constant 336 : i32
        %dma_start3A_690 = tpu.memref_slice %arg4[%multiple_of3A, %dma_start3A_689] : memref<16384x416xf32, #tpu.memory_space<hbm>> -> memref<64x16xf32, #tpu.memory_space<hbm>>
        %dma_start3A_691 = arith.constant 336 : i32
        %dma_start3A_692 = tpu.memref_slice %arg4[%multiple_of3A, %dma_start3A_691] : memref<16384x416xf32, #tpu.memory_space<hbm>> -> memref<64x16xf32, #tpu.memory_space<hbm>>
        %dma_start3A_693 = arith.constant 1344 : i32
        %dma_start3A_694 = arith.constant 0 : i32
        %dma_start3A_695 = tpu.memref_slice %arg6[%dma_start3A_693, %dma_start3A_694] : memref<1664x16xf32, #tpu.memory_space<vmem>> -> memref<64x16xf32, #tpu.memory_space<vmem>>
        tpu.enqueue_dma source(%dma_start3A_695 : memref<64x16xf32, #tpu.memory_space<vmem>>) target(%dma_start3A_692 : memref<64x16xf32, #tpu.memory_space<hbm>>) target_semaphore(%run_scoped3A : memref<!tpu.dma_semaphore, #tpu.memory_space<semaphore_mem>>)
        %dma_wait3A_696 = arith.constant 1344 : i32
        %dma_wait3A_697 = arith.constant 0 : i32
        %dma_wait3A_698 = tpu.memref_slice %arg6[%dma_wait3A_696, %dma_wait3A_697] : memref<1664x16xf32, #tpu.memory_space<vmem>> -> memref<64x16xf32, #tpu.memory_space<vmem>>
        %dma_wait3A_699 = arith.constant 336 : i32
        %dma_wait3A_700 = tpu.memref_slice %arg4[%multiple_of3A, %dma_wait3A_699] : memref<16384x416xf32, #tpu.memory_space<hbm>> -> memref<64x16xf32, #tpu.memory_space<hbm>>
        %dma_wait3A_701 = arith.constant 336 : i32
        %dma_wait3A_702 = tpu.memref_slice %arg4[%multiple_of3A, %dma_wait3A_701] : memref<16384x416xf32, #tpu.memory_space<hbm>> -> memref<64x16xf32, #tpu.memory_space<hbm>>
        %dma_wait3A_703 = arith.constant 1344 : i32
        %dma_wait3A_704 = arith.constant 0 : i32
        %dma_wait3A_705 = tpu.memref_slice %arg6[%dma_wait3A_703, %dma_wait3A_704] : memref<1664x16xf32, #tpu.memory_space<vmem>> -> memref<64x16xf32, #tpu.memory_space<vmem>>
        tpu.wait_dma2 semaphore(%run_scoped3A : memref<!tpu.dma_semaphore, #tpu.memory_space<semaphore_mem>>) src(%dma_wait3A_705 : memref<64x16xf32, #tpu.memory_space<vmem>>) dst(%dma_wait3A_702 : memref<64x16xf32, #tpu.memory_space<hbm>>)
        tpu.yield
      }) : () -> ()
      "tpu.region"() ({
        %run_scoped3A = tpu.sem_alloc : memref<!tpu.dma_semaphore, #tpu.memory_space<semaphore_mem>>
        %dma_start3A_686 = arith.constant 1408 : i32
        %dma_start3A_687 = arith.constant 0 : i32
        %dma_start3A_688 = tpu.memref_slice %arg6[%dma_start3A_686, %dma_start3A_687] : memref<1664x16xf32, #tpu.memory_space<vmem>> -> memref<64x16xf32, #tpu.memory_space<vmem>>
        %dma_start3A_689 = arith.constant 352 : i32
        %dma_start3A_690 = tpu.memref_slice %arg4[%multiple_of3A, %dma_start3A_689] : memref<16384x416xf32, #tpu.memory_space<hbm>> -> memref<64x16xf32, #tpu.memory_space<hbm>>
        %dma_start3A_691 = arith.constant 352 : i32
        %dma_start3A_692 = tpu.memref_slice %arg4[%multiple_of3A, %dma_start3A_691] : memref<16384x416xf32, #tpu.memory_space<hbm>> -> memref<64x16xf32, #tpu.memory_space<hbm>>
        %dma_start3A_693 = arith.constant 1408 : i32
        %dma_start3A_694 = arith.constant 0 : i32
        %dma_start3A_695 = tpu.memref_slice %arg6[%dma_start3A_693, %dma_start3A_694] : memref<1664x16xf32, #tpu.memory_space<vmem>> -> memref<64x16xf32, #tpu.memory_space<vmem>>
        tpu.enqueue_dma source(%dma_start3A_695 : memref<64x16xf32, #tpu.memory_space<vmem>>) target(%dma_start3A_692 : memref<64x16xf32, #tpu.memory_space<hbm>>) target_semaphore(%run_scoped3A : memref<!tpu.dma_semaphore, #tpu.memory_space<semaphore_mem>>)
        %dma_wait3A_696 = arith.constant 1408 : i32
        %dma_wait3A_697 = arith.constant 0 : i32
        %dma_wait3A_698 = tpu.memref_slice %arg6[%dma_wait3A_696, %dma_wait3A_697] : memref<1664x16xf32, #tpu.memory_space<vmem>> -> memref<64x16xf32, #tpu.memory_space<vmem>>
        %dma_wait3A_699 = arith.constant 352 : i32
        %dma_wait3A_700 = tpu.memref_slice %arg4[%multiple_of3A, %dma_wait3A_699] : memref<16384x416xf32, #tpu.memory_space<hbm>> -> memref<64x16xf32, #tpu.memory_space<hbm>>
        %dma_wait3A_701 = arith.constant 352 : i32
        %dma_wait3A_702 = tpu.memref_slice %arg4[%multiple_of3A, %dma_wait3A_701] : memref<16384x416xf32, #tpu.memory_space<hbm>> -> memref<64x16xf32, #tpu.memory_space<hbm>>
        %dma_wait3A_703 = arith.constant 1408 : i32
        %dma_wait3A_704 = arith.constant 0 : i32
        %dma_wait3A_705 = tpu.memref_slice %arg6[%dma_wait3A_703, %dma_wait3A_704] : memref<1664x16xf32, #tpu.memory_space<vmem>> -> memref<64x16xf32, #tpu.memory_space<vmem>>
        tpu.wait_dma2 semaphore(%run_scoped3A : memref<!tpu.dma_semaphore, #tpu.memory_space<semaphore_mem>>) src(%dma_wait3A_705 : memref<64x16xf32, #tpu.memory_space<vmem>>) dst(%dma_wait3A_702 : memref<64x16xf32, #tpu.memory_space<hbm>>)
        tpu.yield
      }) : () -> ()
      "tpu.region"() ({
        %run_scoped3A = tpu.sem_alloc : memref<!tpu.dma_semaphore, #tpu.memory_space<semaphore_mem>>
        %dma_start3A_686 = arith.constant 1472 : i32
        %dma_start3A_687 = arith.constant 0 : i32
        %dma_start3A_688 = tpu.memref_slice %arg6[%dma_start3A_686, %dma_start3A_687] : memref<1664x16xf32, #tpu.memory_space<vmem>> -> memref<64x16xf32, #tpu.memory_space<vmem>>
        %dma_start3A_689 = arith.constant 368 : i32
        %dma_start3A_690 = tpu.memref_slice %arg4[%multiple_of3A, %dma_start3A_689] : memref<16384x416xf32, #tpu.memory_space<hbm>> -> memref<64x16xf32, #tpu.memory_space<hbm>>
        %dma_start3A_691 = arith.constant 368 : i32
        %dma_start3A_692 = tpu.memref_slice %arg4[%multiple_of3A, %dma_start3A_691] : memref<16384x416xf32, #tpu.memory_space<hbm>> -> memref<64x16xf32, #tpu.memory_space<hbm>>
        %dma_start3A_693 = arith.constant 1472 : i32
        %dma_start3A_694 = arith.constant 0 : i32
        %dma_start3A_695 = tpu.memref_slice %arg6[%dma_start3A_693, %dma_start3A_694] : memref<1664x16xf32, #tpu.memory_space<vmem>> -> memref<64x16xf32, #tpu.memory_space<vmem>>
        tpu.enqueue_dma source(%dma_start3A_695 : memref<64x16xf32, #tpu.memory_space<vmem>>) target(%dma_start3A_692 : memref<64x16xf32, #tpu.memory_space<hbm>>) target_semaphore(%run_scoped3A : memref<!tpu.dma_semaphore, #tpu.memory_space<semaphore_mem>>)
        %dma_wait3A_696 = arith.constant 1472 : i32
        %dma_wait3A_697 = arith.constant 0 : i32
        %dma_wait3A_698 = tpu.memref_slice %arg6[%dma_wait3A_696, %dma_wait3A_697] : memref<1664x16xf32, #tpu.memory_space<vmem>> -> memref<64x16xf32, #tpu.memory_space<vmem>>
        %dma_wait3A_699 = arith.constant 368 : i32
        %dma_wait3A_700 = tpu.memref_slice %arg4[%multiple_of3A, %dma_wait3A_699] : memref<16384x416xf32, #tpu.memory_space<hbm>> -> memref<64x16xf32, #tpu.memory_space<hbm>>
        %dma_wait3A_701 = arith.constant 368 : i32
        %dma_wait3A_702 = tpu.memref_slice %arg4[%multiple_of3A, %dma_wait3A_701] : memref<16384x416xf32, #tpu.memory_space<hbm>> -> memref<64x16xf32, #tpu.memory_space<hbm>>
        %dma_wait3A_703 = arith.constant 1472 : i32
        %dma_wait3A_704 = arith.constant 0 : i32
        %dma_wait3A_705 = tpu.memref_slice %arg6[%dma_wait3A_703, %dma_wait3A_704] : memref<1664x16xf32, #tpu.memory_space<vmem>> -> memref<64x16xf32, #tpu.memory_space<vmem>>
        tpu.wait_dma2 semaphore(%run_scoped3A : memref<!tpu.dma_semaphore, #tpu.memory_space<semaphore_mem>>) src(%dma_wait3A_705 : memref<64x16xf32, #tpu.memory_space<vmem>>) dst(%dma_wait3A_702 : memref<64x16xf32, #tpu.memory_space<hbm>>)
        tpu.yield
      }) : () -> ()
      "tpu.region"() ({
        %run_scoped3A = tpu.sem_alloc : memref<!tpu.dma_semaphore, #tpu.memory_space<semaphore_mem>>
        %dma_start3A_686 = arith.constant 1536 : i32
        %dma_start3A_687 = arith.constant 0 : i32
        %dma_start3A_688 = tpu.memref_slice %arg6[%dma_start3A_686, %dma_start3A_687] : memref<1664x16xf32, #tpu.memory_space<vmem>> -> memref<64x16xf32, #tpu.memory_space<vmem>>
        %dma_start3A_689 = arith.constant 384 : i32
        %dma_start3A_690 = tpu.memref_slice %arg4[%multiple_of3A, %dma_start3A_689] : memref<16384x416xf32, #tpu.memory_space<hbm>> -> memref<64x16xf32, #tpu.memory_space<hbm>>
        %dma_start3A_691 = arith.constant 384 : i32
        %dma_start3A_692 = tpu.memref_slice %arg4[%multiple_of3A, %dma_start3A_691] : memref<16384x416xf32, #tpu.memory_space<hbm>> -> memref<64x16xf32, #tpu.memory_space<hbm>>
        %dma_start3A_693 = arith.constant 1536 : i32
        %dma_start3A_694 = arith.constant 0 : i32
        %dma_start3A_695 = tpu.memref_slice %arg6[%dma_start3A_693, %dma_start3A_694] : memref<1664x16xf32, #tpu.memory_space<vmem>> -> memref<64x16xf32, #tpu.memory_space<vmem>>
        tpu.enqueue_dma source(%dma_start3A_695 : memref<64x16xf32, #tpu.memory_space<vmem>>) target(%dma_start3A_692 : memref<64x16xf32, #tpu.memory_space<hbm>>) target_semaphore(%run_scoped3A : memref<!tpu.dma_semaphore, #tpu.memory_space<semaphore_mem>>)
        %dma_wait3A_696 = arith.constant 1536 : i32
        %dma_wait3A_697 = arith.constant 0 : i32
        %dma_wait3A_698 = tpu.memref_slice %arg6[%dma_wait3A_696, %dma_wait3A_697] : memref<1664x16xf32, #tpu.memory_space<vmem>> -> memref<64x16xf32, #tpu.memory_space<vmem>>
        %dma_wait3A_699 = arith.constant 384 : i32
        %dma_wait3A_700 = tpu.memref_slice %arg4[%multiple_of3A, %dma_wait3A_699] : memref<16384x416xf32, #tpu.memory_space<hbm>> -> memref<64x16xf32, #tpu.memory_space<hbm>>
        %dma_wait3A_701 = arith.constant 384 : i32
        %dma_wait3A_702 = tpu.memref_slice %arg4[%multiple_of3A, %dma_wait3A_701] : memref<16384x416xf32, #tpu.memory_space<hbm>> -> memref<64x16xf32, #tpu.memory_space<hbm>>
        %dma_wait3A_703 = arith.constant 1536 : i32
        %dma_wait3A_704 = arith.constant 0 : i32
        %dma_wait3A_705 = tpu.memref_slice %arg6[%dma_wait3A_703, %dma_wait3A_704] : memref<1664x16xf32, #tpu.memory_space<vmem>> -> memref<64x16xf32, #tpu.memory_space<vmem>>
        tpu.wait_dma2 semaphore(%run_scoped3A : memref<!tpu.dma_semaphore, #tpu.memory_space<semaphore_mem>>) src(%dma_wait3A_705 : memref<64x16xf32, #tpu.memory_space<vmem>>) dst(%dma_wait3A_702 : memref<64x16xf32, #tpu.memory_space<hbm>>)
        tpu.yield
      }) : () -> ()
      "tpu.region"() ({
        %run_scoped3A = tpu.sem_alloc : memref<!tpu.dma_semaphore, #tpu.memory_space<semaphore_mem>>
        %dma_start3A_686 = arith.constant 1600 : i32
        %dma_start3A_687 = arith.constant 0 : i32
        %dma_start3A_688 = tpu.memref_slice %arg6[%dma_start3A_686, %dma_start3A_687] : memref<1664x16xf32, #tpu.memory_space<vmem>> -> memref<64x16xf32, #tpu.memory_space<vmem>>
        %dma_start3A_689 = arith.constant 400 : i32
        %dma_start3A_690 = tpu.memref_slice %arg4[%multiple_of3A, %dma_start3A_689] : memref<16384x416xf32, #tpu.memory_space<hbm>> -> memref<64x16xf32, #tpu.memory_space<hbm>>
        %dma_start3A_691 = arith.constant 400 : i32
        %dma_start3A_692 = tpu.memref_slice %arg4[%multiple_of3A, %dma_start3A_691] : memref<16384x416xf32, #tpu.memory_space<hbm>> -> memref<64x16xf32, #tpu.memory_space<hbm>>
        %dma_start3A_693 = arith.constant 1600 : i32
        %dma_start3A_694 = arith.constant 0 : i32
        %dma_start3A_695 = tpu.memref_slice %arg6[%dma_start3A_693, %dma_start3A_694] : memref<1664x16xf32, #tpu.memory_space<vmem>> -> memref<64x16xf32, #tpu.memory_space<vmem>>
        tpu.enqueue_dma source(%dma_start3A_695 : memref<64x16xf32, #tpu.memory_space<vmem>>) target(%dma_start3A_692 : memref<64x16xf32, #tpu.memory_space<hbm>>) target_semaphore(%run_scoped3A : memref<!tpu.dma_semaphore, #tpu.memory_space<semaphore_mem>>)
        %dma_wait3A_696 = arith.constant 1600 : i32
        %dma_wait3A_697 = arith.constant 0 : i32
        %dma_wait3A_698 = tpu.memref_slice %arg6[%dma_wait3A_696, %dma_wait3A_697] : memref<1664x16xf32, #tpu.memory_space<vmem>> -> memref<64x16xf32, #tpu.memory_space<vmem>>
        %dma_wait3A_699 = arith.constant 400 : i32
        %dma_wait3A_700 = tpu.memref_slice %arg4[%multiple_of3A, %dma_wait3A_699] : memref<16384x416xf32, #tpu.memory_space<hbm>> -> memref<64x16xf32, #tpu.memory_space<hbm>>
        %dma_wait3A_701 = arith.constant 400 : i32
        %dma_wait3A_702 = tpu.memref_slice %arg4[%multiple_of3A, %dma_wait3A_701] : memref<16384x416xf32, #tpu.memory_space<hbm>> -> memref<64x16xf32, #tpu.memory_space<hbm>>
        %dma_wait3A_703 = arith.constant 1600 : i32
        %dma_wait3A_704 = arith.constant 0 : i32
        %dma_wait3A_705 = tpu.memref_slice %arg6[%dma_wait3A_703, %dma_wait3A_704] : memref<1664x16xf32, #tpu.memory_space<vmem>> -> memref<64x16xf32, #tpu.memory_space<vmem>>
        tpu.wait_dma2 semaphore(%run_scoped3A : memref<!tpu.dma_semaphore, #tpu.memory_space<semaphore_mem>>) src(%dma_wait3A_705 : memref<64x16xf32, #tpu.memory_space<vmem>>) dst(%dma_wait3A_702 : memref<64x16xf32, #tpu.memory_space<hbm>>)
        tpu.yield
      }) : () -> ()
    }
    %scan3A_5 = arith.constant 8 : i32
    return
  }
}

module attributes {stable_mosaic.version = 14 : i64} {
  func.func @_detile_body(%arg0: i32, %arg1: i32, %arg2: memref<128x12800xf32, #tpu.memory_space<vmem>>, %arg3: memref<12800x128xf32, #tpu.memory_space<vmem>>) attributes {dimension_semantics = [#tpu.dimension_semantics<arbitrary>, #tpu.dimension_semantics<arbitrary>], iteration_bounds = array<i64: 4, 8>, scalar_prefetch = 0 : i64, scratch_operands = 0 : i64, tpu.core_type = #tpu.core_type<tc>, window_params = [{transform_indices = @transform_0, window_bounds = array<i64: 128, 12800>}, {transform_indices = @transform_1, window_bounds = array<i64: 12800, 128>}]} {
    %get3A = arith.constant 0 : index
    %get3A_0 = arith.constant 0 : index
    %get3A_1 = vector.load %arg2[%get3A, %get3A_0] : memref<128x12800xf32, #tpu.memory_space<vmem>>, vector<128x12800xf32>
    %transpose3A = tpu.transpose %get3A_1, [1, 0] : vector<128x12800xf32> -> vector<12800x128xf32>
    %swap3A = arith.constant 0 : index
    %swap3A_2 = arith.constant 0 : index
    %swap3A_3 = vector.load %arg3[%swap3A, %swap3A_2] : memref<12800x128xf32, #tpu.memory_space<vmem>>, vector<12800x128xf32>
    tpu.vector_store %arg3[%swap3A, %swap3A_2], %transpose3A {strides = array<i32>} : memref<12800x128xf32, #tpu.memory_space<vmem>>, vector<12800x128xf32>,
    return
  }
  func.func @transform_0(%arg0: i32, %arg1: i32) -> (i32, i32) {
    %c0_i32 = arith.constant 0 : i32
    return %arg0, %arg1 : i32, i32
  }
  func.func @transform_1(%arg0: i32, %arg1: i32) -> (i32, i32) {
    %mul3A = arith.constant 8 : i32
    %mul3A_0 = arith.muli %arg0, %mul3A : i32
    %add3A = arith.addi %mul3A_0, %arg1 : i32
    %c0_i32 = arith.constant 0 : i32
    %c0_i32_1 = arith.constant 0 : i32
    return %add3A, %c0_i32 : i32, i32
  }
}

module attributes {stable_mosaic.version = 14 : i64} {
  func.func @_fm_body(%arg0: i32, %arg1: memref<512x416xf32, #tpu.memory_space<vmem>>, %arg2: memref<26x512xf32, #tpu.memory_space<vmem>>, %arg3: memref<26x512xf32, #tpu.memory_space<vmem>>, %arg4: memref<26x416xf32, #tpu.memory_space<vmem>>, %arg5: memref<416x48xf32, #tpu.memory_space<vmem>>, %arg6: memref<512xf32, #tpu.memory_space<vmem>>, %arg7: memref<512x32xf32, #tpu.memory_space<vmem>>, %arg8: memref<1x32xf32, #tpu.memory_space<vmem>>, %arg9: memref<32x32xf32, #tpu.memory_space<vmem>>) attributes {dimension_semantics = [#tpu.dimension_semantics<arbitrary>], iteration_bounds = array<i64: 32>, scalar_prefetch = 0 : i64, scratch_operands = 0 : i64, tpu.core_type = #tpu.core_type<tc>, window_params = [{transform_indices = @transform_0, window_bounds = array<i64: 512, 416>}, {transform_indices = @transform_1, window_bounds = array<i64: 26, 512>}, {transform_indices = @transform_2, window_bounds = array<i64: 26, 512>}, {pipeline_mode = #tpu.pipeline_mode<synchronous>, transform_indices = @transform_3, window_bounds = array<i64: 26, 416>}, {pipeline_mode = #tpu.pipeline_mode<synchronous>, transform_indices = @transform_4, window_bounds = array<i64: 416, 48>}, {transform_indices = @transform_5, window_bounds = array<i64: 512>}, {transform_indices = @transform_6, window_bounds = array<i64: 512, 32>}, {pipeline_mode = #tpu.pipeline_mode<synchronous>, transform_indices = @transform_7, window_bounds = array<i64: 1, 32>}, {pipeline_mode = #tpu.pipeline_mode<synchronous>, transform_indices = @transform_8, window_bounds = array<i64: 32, 32>}]} {
    %get3A = arith.constant 0 : index
    %get3A_0 = arith.constant 0 : index
    %get3A_1 = vector.load %arg1[%get3A, %get3A_0] : memref<512x416xf32, #tpu.memory_space<vmem>>, vector<512x416xf32>
    %get3A_2 = arith.constant 0 : index
    %get3A_3 = arith.constant 0 : index
    %get3A_4 = vector.load %arg2[%get3A_2, %get3A_3] : memref<26x512xf32, #tpu.memory_space<vmem>>, vector<26x512xf32>
    %get3A_5 = arith.constant 0 : index
    %get3A_6 = arith.constant 0 : index
    %get3A_7 = vector.load %arg3[%get3A_5, %get3A_6] : memref<26x512xf32, #tpu.memory_space<vmem>>, vector<26x512xf32>
    %get3A_8 = arith.constant 0 : index
    %get3A_9 = arith.constant 0 : index
    %get3A_10 = vector.load %arg4[%get3A_8, %get3A_9] : memref<26x416xf32, #tpu.memory_space<vmem>>, vector<26x416xf32>
    %dot_general3A = arith.constant dense<0.000000e+00> : vector<512x416xf32>
    %dot_general3A_11 = tpu.matmul %get3A_4, %get3A_10, %dot_general3A {dimension_numbers = #tpu.dot_dimension_numbers<[0], [0], [1], [1], [0, 1, 1, 1], [], []>, precision = #tpu.contract_precision<fp32>, transpose_lhs_hint = false} : vector<26x512xf32>, vector<26x416xf32>, vector<512x416xf32> -> vector<512x416xf32>
    %mul3A = arith.mulf %get3A_1, %dot_general3A_11 : vector<512x416xf32>
    %get3A_12 = arith.constant 0 : index
    %get3A_13 = arith.constant 0 : index
    %get3A_14 = vector.load %arg5[%get3A_12, %get3A_13] : memref<416x48xf32, #tpu.memory_space<vmem>>, vector<416x48xf32>
    %dot_general3A_15 = arith.constant dense<0.000000e+00> : vector<512x48xf32>
    %dot_general3A_16 = tpu.matmul %mul3A, %get3A_14, %dot_general3A_15 {dimension_numbers = #tpu.dot_dimension_numbers<[1], [0], [0], [1], [0, 0, 1, 1], [], []>, precision = #tpu.contract_precision<fp32>, transpose_lhs_hint = false} : vector<512x416xf32>, vector<416x48xf32>, vector<512x48xf32> -> vector<512x48xf32>
    %slice3A = vector.extract_strided_slice %dot_general3A_16 {offsets = [0, 0], sizes = [512, 16], strides = [1, 1]} : vector<512x48xf32> to vector<512x16xf32>
    %slice3A_17 = vector.extract_strided_slice %dot_general3A_16 {offsets = [0, 16], sizes = [512, 32], strides = [1, 1]} : vector<512x48xf32> to vector<512x32xf32>
    %mul3A_18 = arith.mulf %slice3A, %slice3A : vector<512x16xf32>
    %reduce_sum3A = arith.constant dense<0.000000e+00> : vector<512xf32>
    %reduce_sum3A_19 = vector.multi_reduction <add>, %mul3A_18, %reduce_sum3A [1] : vector<512x16xf32> to vector<512xf32>
    %mul3A_20 = arith.mulf %mul3A, %mul3A : vector<512x416xf32>
    %reduce_sum3A_21 = arith.constant dense<0.000000e+00> : vector<512xf32>
    %reduce_sum3A_22 = vector.multi_reduction <add>, %mul3A_20, %reduce_sum3A_21 [1] : vector<512x416xf32> to vector<512xf32>
    %sub3A = arith.subf %reduce_sum3A_19, %reduce_sum3A_22 : vector<512xf32>
    %mul3A_23 = arith.constant 5.000000e-01 : f32
    %mul3A_24 = vector.broadcast %mul3A_23 : f32 to vector<512xf32>
    %mul3A_25 = arith.mulf %mul3A_24, %sub3A : vector<512xf32>
    %mul3A_26 = arith.mulf %get3A_7, %get3A_4 : vector<26x512xf32>
    %reduce_sum3A_27 = arith.constant dense<0.000000e+00> : vector<512xf32>
    %reduce_sum3A_28 = vector.multi_reduction <add>, %mul3A_26, %reduce_sum3A_27 [0] : vector<26x512xf32> to vector<512xf32>
    %add3A = arith.addf %reduce_sum3A_28, %mul3A_25 : vector<512xf32>
    %swap3A = arith.constant 0 : index
    %swap3A_29 = vector.load %arg6[%swap3A] : memref<512xf32, #tpu.memory_space<vmem>>, vector<512xf32>
    tpu.vector_store %arg6[%swap3A], %add3A {strides = array<i32>} : memref<512xf32, #tpu.memory_space<vmem>>, vector<512xf32>,
    %swap3A_30 = arith.constant 0 : index
    %swap3A_31 = arith.constant 0 : index
    %swap3A_32 = vector.load %arg7[%swap3A_30, %swap3A_31] : memref<512x32xf32, #tpu.memory_space<vmem>>, vector<512x32xf32>
    tpu.vector_store %arg7[%swap3A_30, %swap3A_31], %slice3A_17 {strides = array<i32>} : memref<512x32xf32, #tpu.memory_space<vmem>>, vector<512x32xf32>,
    %eq3A = arith.constant 0 : i32
    %eq3A_33 = arith.cmpi eq, %arg0, %eq3A : i32
    %convert_element_type3A = arith.extui %eq3A_33 : i1 to i32
    %cond3A = arith.constant 0 : i32
    %cond3A_34 = arith.cmpi ne, %convert_element_type3A, %cond3A : i32
    scf.if %cond3A_34 {
      %broadcast_in_dim3A_53 = arith.constant 0.000000e+00 : f32
      %broadcast_in_dim3A_54 = vector.broadcast %broadcast_in_dim3A_53 : f32 to vector<1x32xf32>
      %swap3A_55 = arith.constant 0 : index
      %swap3A_56 = arith.constant 0 : index
      %swap3A_57 = vector.load %arg8[%swap3A_55, %swap3A_56] : memref<1x32xf32, #tpu.memory_space<vmem>>, vector<1x32xf32>
      tpu.vector_store %arg8[%swap3A_55, %swap3A_56], %broadcast_in_dim3A_54 {strides = array<i32>} : memref<1x32xf32, #tpu.memory_space<vmem>>, vector<1x32xf32>,
      %broadcast_in_dim3A_58 = arith.constant 0.000000e+00 : f32
      %broadcast_in_dim3A_59 = vector.broadcast %broadcast_in_dim3A_58 : f32 to vector<32x32xf32>
      %swap3A_60 = arith.constant 0 : index
      %swap3A_61 = arith.constant 0 : index
      %swap3A_62 = vector.load %arg9[%swap3A_60, %swap3A_61] : memref<32x32xf32, #tpu.memory_space<vmem>>, vector<32x32xf32>
      tpu.vector_store %arg9[%swap3A_60, %swap3A_61], %broadcast_in_dim3A_59 {strides = array<i32>} : memref<32x32xf32, #tpu.memory_space<vmem>>, vector<32x32xf32>,
    } else {
    }
    %get3A_35 = arith.constant 0 : index
    %get3A_36 = arith.constant 0 : index
    %get3A_37 = vector.load %arg8[%get3A_35, %get3A_36] : memref<1x32xf32, #tpu.memory_space<vmem>>, vector<1x32xf32>
    %reduce_sum3A_38 = arith.constant dense<0.000000e+00> : vector<32xf32>
    %reduce_sum3A_39 = vector.multi_reduction <add>, %slice3A_17, %reduce_sum3A_38 [0] : vector<512x32xf32> to vector<32xf32>
    %broadcast_in_dim3A = vector.shape_cast %reduce_sum3A_39 : vector<32xf32> to vector<1x32xf32>
    %add3A_40 = arith.addf %get3A_37, %broadcast_in_dim3A : vector<1x32xf32>
    %swap3A_41 = arith.constant 0 : index
    %swap3A_42 = arith.constant 0 : index
    %swap3A_43 = vector.load %arg8[%swap3A_41, %swap3A_42] : memref<1x32xf32, #tpu.memory_space<vmem>>, vector<1x32xf32>
    tpu.vector_store %arg8[%swap3A_41, %swap3A_42], %add3A_40 {strides = array<i32>} : memref<1x32xf32, #tpu.memory_space<vmem>>, vector<1x32xf32>,
    %get3A_44 = arith.constant 0 : index
    %get3A_45 = arith.constant 0 : index
    %get3A_46 = vector.load %arg9[%get3A_44, %get3A_45] : memref<32x32xf32, #tpu.memory_space<vmem>>, vector<32x32xf32>
    %dot_general3A_47 = arith.constant dense<0.000000e+00> : vector<32x32xf32>
    %dot_general3A_48 = tpu.matmul %slice3A_17, %slice3A_17, %dot_general3A_47 {dimension_numbers = #tpu.dot_dimension_numbers<[0], [0], [1], [1], [0, 1, 1, 1], [], []>, precision = #tpu.contract_precision<fp32>, transpose_lhs_hint = false} : vector<512x32xf32>, vector<512x32xf32>, vector<32x32xf32> -> vector<32x32xf32>
    %add3A_49 = arith.addf %get3A_46, %dot_general3A_48 : vector<32x32xf32>
    %swap3A_50 = arith.constant 0 : index
    %swap3A_51 = arith.constant 0 : index
    %swap3A_52 = vector.load %arg9[%swap3A_50, %swap3A_51] : memref<32x32xf32, #tpu.memory_space<vmem>>, vector<32x32xf32>
    tpu.vector_store %arg9[%swap3A_50, %swap3A_51], %add3A_49 {strides = array<i32>} : memref<32x32xf32, #tpu.memory_space<vmem>>, vector<32x32xf32>,
    return
  }
  func.func @transform_0(%arg0: i32) -> (i32, i32) {
    %c0_i32 = arith.constant 0 : i32
    %c0_i32_0 = arith.constant 0 : i32
    return %arg0, %c0_i32 : i32, i32
  }
  func.func @transform_1(%arg0: i32) -> (i32, i32) {
    %c0_i32 = arith.constant 0 : i32
    %c0_i32_0 = arith.constant 0 : i32
    return %c0_i32, %arg0 : i32, i32
  }
  func.func @transform_2(%arg0: i32) -> (i32, i32) {
    %c0_i32 = arith.constant 0 : i32
    %c0_i32_0 = arith.constant 0 : i32
    return %c0_i32, %arg0 : i32, i32
  }
  func.func @transform_3(%arg0: i32) -> (i32, i32) {
    %c0_i32 = arith.constant 0 : i32
    %c0_i32_0 = arith.constant 0 : i32
    %c0_i32_1 = arith.constant 0 : i32
    return %c0_i32, %c0_i32_0 : i32, i32
  }
  func.func @transform_4(%arg0: i32) -> (i32, i32) {
    %c0_i32 = arith.constant 0 : i32
    %c0_i32_0 = arith.constant 0 : i32
    %c0_i32_1 = arith.constant 0 : i32
    return %c0_i32, %c0_i32_0 : i32, i32
  }
  func.func @transform_5(%arg0: i32) -> i32 {
    %c0_i32 = arith.constant 0 : i32
    return %arg0 : i32
  }
  func.func @transform_6(%arg0: i32) -> (i32, i32) {
    %c0_i32 = arith.constant 0 : i32
    %c0_i32_0 = arith.constant 0 : i32
    return %arg0, %c0_i32 : i32, i32
  }
  func.func @transform_7(%arg0: i32) -> (i32, i32) {
    %c0_i32 = arith.constant 0 : i32
    %c0_i32_0 = arith.constant 0 : i32
    %c0_i32_1 = arith.constant 0 : i32
    return %c0_i32, %c0_i32_0 : i32, i32
  }
  func.func @transform_8(%arg0: i32) -> (i32, i32) {
    %c0_i32 = arith.constant 0 : i32
    %c0_i32_0 = arith.constant 0 : i32
    %c0_i32_1 = arith.constant 0 : i32
    return %c0_i32, %c0_i32_0 : i32, i32
  }
}

module attributes {stable_mosaic.version = 14 : i64} {
  func.func @_fin_body(%arg0: memref<16384xf32, #tpu.memory_space<vmem>>, %arg1: memref<16384x32xf32, #tpu.memory_space<vmem>>, %arg2: memref<1x32xf32, #tpu.memory_space<vmem>>, %arg3: memref<32x32xf32, #tpu.memory_space<vmem>>, %arg4: memref<1x1xf32, #tpu.memory_space<vmem>>, %arg5: memref<1x32xf32, #tpu.memory_space<vmem>>, %arg6: memref<1x32xf32, #tpu.memory_space<vmem>>, %arg7: memref<1x32xf32, #tpu.memory_space<vmem>>, %arg8: memref<32x32xf32, #tpu.memory_space<vmem>>, %arg9: memref<1x32xf32, #tpu.memory_space<vmem>>, %arg10: memref<1x32xf32, #tpu.memory_space<vmem>>, %arg11: memref<1x32xf32, #tpu.memory_space<vmem>>, %arg12: memref<16384xf32, #tpu.memory_space<vmem>>) attributes {dimension_semantics = [], scalar_prefetch = 0 : i64, scratch_operands = 0 : i64, tpu.core_type = #tpu.core_type<tc>} {
    %get3A = arith.constant 0 : index
    %get3A_0 = arith.constant 0 : index
    %get3A_1 = vector.load %arg2[%get3A, %get3A_0] : memref<1x32xf32, #tpu.memory_space<vmem>>, vector<1x32xf32>
    %mul3A = arith.constant 6.10351563E-5 : f32
    %mul3A_2 = vector.broadcast %mul3A : f32 to vector<1x32xf32>
    %mul3A_3 = arith.mulf %get3A_1, %mul3A_2 : vector<1x32xf32>
    %get3A_4 = arith.constant 0 : index
    %get3A_5 = arith.constant 0 : index
    %get3A_6 = vector.load %arg3[%get3A_4, %get3A_5] : memref<32x32xf32, #tpu.memory_space<vmem>>, vector<32x32xf32>
    %iota3A = tpu.iota {dimensions = array<i32: 0>} : vector<32x32xi32>
    %iota3A_7 = tpu.iota {dimensions = array<i32: 1>} : vector<32x32xi32>
    %eq3A = arith.cmpi eq, %iota3A, %iota3A_7 : vector<32x32xi32>
    %convert_element_type3A = arith.extui %eq3A : vector<32x32xi1> to vector<32x32xi32>
    %convert_element_type3A_8 = arith.sitofp %convert_element_type3A : vector<32x32xi32> to vector<32x32xf32>
    %mul3A_9 = arith.mulf %get3A_6, %convert_element_type3A_8 : vector<32x32xf32>
    %reduce_sum3A = arith.constant dense<0.000000e+00> : vector<32xf32>
    %reduce_sum3A_10 = vector.multi_reduction <add>, %mul3A_9, %reduce_sum3A [0] : vector<32x32xf32> to vector<32xf32>
    %broadcast_in_dim3A = vector.shape_cast %reduce_sum3A_10 : vector<32xf32> to vector<1x32xf32>
    %mul3A_11 = arith.constant 6.10351563E-5 : f32
    %mul3A_12 = vector.broadcast %mul3A_11 : f32 to vector<1x32xf32>
    %mul3A_13 = arith.mulf %broadcast_in_dim3A, %mul3A_12 : vector<1x32xf32>
    %mul3A_14 = arith.mulf %mul3A_3, %mul3A_3 : vector<1x32xf32>
    %sub3A = arith.subf %mul3A_13, %mul3A_14 : vector<1x32xf32>
    %get3A_15 = arith.constant 0 : index
    %get3A_16 = arith.constant 0 : index
    %get3A_17 = vector.load %arg5[%get3A_15, %get3A_16] : memref<1x32xf32, #tpu.memory_space<vmem>>, vector<1x32xf32>
    %add3A = arith.addf %mul3A_3, %get3A_17 : vector<1x32xf32>
    %get3A_18 = arith.constant 0 : index
    %get3A_19 = arith.constant 0 : index
    %get3A_20 = vector.load %arg6[%get3A_18, %get3A_19] : memref<1x32xf32, #tpu.memory_space<vmem>>, vector<1x32xf32>
    %add3A_21 = arith.constant 9.99999974E-6 : f32
    %add3A_22 = vector.broadcast %add3A_21 : f32 to vector<1x32xf32>
    %add3A_23 = arith.addf %sub3A, %add3A_22 : vector<1x32xf32>
    %rsqrt3A = math.rsqrt %add3A_23 : vector<1x32xf32>
    %mul3A_24 = arith.mulf %get3A_20, %rsqrt3A : vector<1x32xf32>
    %get3A_25 = arith.constant 0 : index
    %get3A_26 = arith.constant 0 : index
    %get3A_27 = vector.load %arg8[%get3A_25, %get3A_26] : memref<32x32xf32, #tpu.memory_space<vmem>>, vector<32x32xf32>
    %get3A_28 = arith.constant 0 : index
    %get3A_29 = arith.constant 0 : index
    %get3A_30 = vector.load %arg7[%get3A_28, %get3A_29] : memref<1x32xf32, #tpu.memory_space<vmem>>, vector<1x32xf32>
    %mul3A_31 = arith.mulf %add3A, %mul3A_24 : vector<1x32xf32>
    %sub3A_32 = arith.subf %get3A_30, %mul3A_31 : vector<1x32xf32>
    %dot_general3A = arith.constant dense<0.000000e+00> : vector<1x32xf32>
    %dot_general3A_33 = tpu.matmul %sub3A_32, %get3A_27, %dot_general3A {dimension_numbers = #tpu.dot_dimension_numbers<[1], [1], [0], [0], [0, 0, 1, 0], [], []>, precision = #tpu.contract_precision<fp32>, transpose_lhs_hint = false} : vector<1x32xf32>, vector<32x32xf32>, vector<1x32xf32> -> vector<1x32xf32>
    %get3A_34 = arith.constant 0 : index
    %get3A_35 = arith.constant 0 : index
    %get3A_36 = vector.load %arg9[%get3A_34, %get3A_35] : memref<1x32xf32, #tpu.memory_space<vmem>>, vector<1x32xf32>
    %add3A_37 = arith.addf %dot_general3A_33, %get3A_36 : vector<1x32xf32>
    %mul3A_38 = arith.mulf %add3A, %mul3A_24 : vector<1x32xf32>
    %dot_general3A_39 = arith.constant dense<0.000000e+00> : vector<1x32xf32>
    %dot_general3A_40 = tpu.matmul %mul3A_38, %get3A_27, %dot_general3A_39 {dimension_numbers = #tpu.dot_dimension_numbers<[1], [1], [0], [0], [0, 0, 1, 0], [], []>, precision = #tpu.contract_precision<fp32>, transpose_lhs_hint = false} : vector<1x32xf32>, vector<32x32xf32>, vector<1x32xf32> -> vector<1x32xf32>
    %add3A_41 = arith.addf %dot_general3A_40, %add3A_37 : vector<1x32xf32>
    %dot_general3A_42 = arith.constant dense<0.000000e+00> : vector<32x32xf32>
    %dot_general3A_43 = tpu.matmul %mul3A_3, %mul3A_3, %dot_general3A_42 {dimension_numbers = #tpu.dot_dimension_numbers<[0], [0], [1], [1], [0, 1, 1, 1], [], []>, precision = #tpu.contract_precision<fp32>, transpose_lhs_hint = false} : vector<1x32xf32>, vector<1x32xf32>, vector<32x32xf32> -> vector<32x32xf32>
    %mul3A_44 = arith.constant 6.10351563E-5 : f32
    %mul3A_45 = vector.broadcast %mul3A_44 : f32 to vector<32x32xf32>
    %mul3A_46 = arith.mulf %get3A_6, %mul3A_45 : vector<32x32xf32>
    %sub3A_47 = arith.subf %mul3A_46, %dot_general3A_43 : vector<32x32xf32>
    %dot_general3A_48 = arith.constant dense<0.000000e+00> : vector<32x32xf32>
    %dot_general3A_49 = tpu.matmul %mul3A_24, %mul3A_24, %dot_general3A_48 {dimension_numbers = #tpu.dot_dimension_numbers<[0], [0], [1], [1], [0, 1, 1, 1], [], []>, precision = #tpu.contract_precision<fp32>, transpose_lhs_hint = false} : vector<1x32xf32>, vector<1x32xf32>, vector<32x32xf32> -> vector<32x32xf32>
    %mul3A_50 = arith.mulf %sub3A_47, %dot_general3A_49 : vector<32x32xf32>
    %dot_general3A_51 = arith.constant dense<0.000000e+00> : vector<32x32xf32>
    %dot_general3A_52 = tpu.matmul %get3A_27, %mul3A_50, %dot_general3A_51 {dimension_numbers = #tpu.dot_dimension_numbers<[1], [0], [0], [1], [0, 0, 1, 1], [], []>, precision = #tpu.contract_precision<fp32>, transpose_lhs_hint = false} : vector<32x32xf32>, vector<32x32xf32>, vector<32x32xf32> -> vector<32x32xf32>
    %mul3A_53 = arith.mulf %dot_general3A_52, %get3A_27 : vector<32x32xf32>
    %reduce_sum3A_54 = arith.constant dense<0.000000e+00> : vector<32xf32>
    %reduce_sum3A_55 = vector.multi_reduction <add>, %mul3A_53, %reduce_sum3A_54 [1] : vector<32x32xf32> to vector<32xf32>
    %reshape3A = vector.shape_cast %reduce_sum3A_55 : vector<32xf32> to vector<1x32xf32>
    %get3A_56 = arith.constant 0 : index
    %get3A_57 = arith.constant 0 : index
    %get3A_58 = vector.load %arg10[%get3A_56, %get3A_57] : memref<1x32xf32, #tpu.memory_space<vmem>>, vector<1x32xf32>
    %add3A_59 = arith.constant 9.99999974E-6 : f32
    %add3A_60 = vector.broadcast %add3A_59 : f32 to vector<1x32xf32>
    %add3A_61 = arith.addf %reshape3A, %add3A_60 : vector<1x32xf32>
    %rsqrt3A_62 = math.rsqrt %add3A_61 : vector<1x32xf32>
    %mul3A_63 = arith.mulf %get3A_58, %rsqrt3A_62 : vector<1x32xf32>
    %dot_general3A_64 = arith.constant dense<0.000000e+00> : vector<1x32xf32>
    %dot_general3A_65 = tpu.matmul %mul3A_63, %get3A_27, %dot_general3A_64 {dimension_numbers = #tpu.dot_dimension_numbers<[1], [0], [0], [1], [0, 0, 1, 1], [], []>, precision = #tpu.contract_precision<fp32>, transpose_lhs_hint = false} : vector<1x32xf32>, vector<32x32xf32>, vector<1x32xf32> -> vector<1x32xf32>
    %mul3A_66 = arith.mulf %mul3A_24, %dot_general3A_65 : vector<1x32xf32>
    %get3A_67 = arith.constant 0 : index
    %get3A_68 = arith.constant 0 : index
    %get3A_69 = vector.load %arg4[%get3A_67, %get3A_68] : memref<1x1xf32, #tpu.memory_space<vmem>>, vector<1x1xf32>
    %get3A_70 = vector.extract %get3A_69[0, 0] : f32 from vector<1x1xf32>
    %sub3A_71 = arith.subf %add3A_37, %add3A_41 : vector<1x32xf32>
    %mul3A_72 = arith.mulf %sub3A_71, %mul3A_63 : vector<1x32xf32>
    %reduce_sum3A_73 = vector.shape_cast %mul3A_72 : vector<1x32xf32> to vector<1x1x32xf32>
    %reduce_sum3A_74 = arith.constant dense<0.000000e+00> : vector<1xf32>
    %reduce_sum3A_75 = vector.multi_reduction <add>, %reduce_sum3A_73, %reduce_sum3A_74 [1, 2] : vector<1x1x32xf32> to vector<1xf32>
    %reduce_sum3A_76 = vector.shape_cast %reduce_sum3A_75 : vector<1xf32> to vector<1x1x1xf32>
    %reduce_sum3A_77 = vector.extract %reduce_sum3A_76[0, 0, 0] : f32 from vector<1x1x1xf32>
    %add3A_78 = arith.addf %get3A_70, %reduce_sum3A_77 : f32
    %get3A_79 = arith.constant 0 : index
    %get3A_80 = arith.constant 0 : index
    %get3A_81 = vector.load %arg11[%get3A_79, %get3A_80] : memref<1x32xf32, #tpu.memory_space<vmem>>, vector<1x32xf32>
    %reduce_sum3A_82 = vector.shape_cast %get3A_81 : vector<1x32xf32> to vector<1x1x32xf32>
    %reduce_sum3A_83 = arith.constant dense<0.000000e+00> : vector<1xf32>
    %reduce_sum3A_84 = vector.multi_reduction <add>, %reduce_sum3A_82, %reduce_sum3A_83 [1, 2] : vector<1x1x32xf32> to vector<1xf32>
    %reduce_sum3A_85 = vector.shape_cast %reduce_sum3A_84 : vector<1xf32> to vector<1x1x1xf32>
    %reduce_sum3A_86 = vector.extract %reduce_sum3A_85[0, 0, 0] : f32 from vector<1x1x1xf32>
    %add3A_87 = arith.addf %add3A_78, %reduce_sum3A_86 : f32
    %get3A_88 = arith.constant 0 : index
    %get3A_89 = arith.constant 0 : index
    %get3A_90 = vector.load %arg5[%get3A_88, %get3A_89] : memref<1x32xf32, #tpu.memory_space<vmem>>, vector<1x32xf32>
    %mul3A_91 = arith.mulf %get3A_90, %mul3A_66 : vector<1x32xf32>
    %reduce_sum3A_92 = vector.shape_cast %mul3A_91 : vector<1x32xf32> to vector<1x1x32xf32>
    %reduce_sum3A_93 = arith.constant dense<0.000000e+00> : vector<1xf32>
    %reduce_sum3A_94 = vector.multi_reduction <add>, %reduce_sum3A_92, %reduce_sum3A_93 [1, 2] : vector<1x1x32xf32> to vector<1xf32>
    %reduce_sum3A_95 = vector.shape_cast %reduce_sum3A_94 : vector<1xf32> to vector<1x1x1xf32>
    %reduce_sum3A_96 = vector.extract %reduce_sum3A_95[0, 0, 0] : f32 from vector<1x1x1xf32>
    %add3A_97 = arith.addf %add3A_87, %reduce_sum3A_96 : f32
    %get3A_98 = arith.constant 0 : index
    %get3A_99 = arith.constant 0 : index
    %get3A_100 = vector.load %arg1[%get3A_98, %get3A_99] : memref<16384x32xf32, #tpu.memory_space<vmem>>, vector<16384x32xf32>
    %dot_general3A_101 = arith.constant dense<0.000000e+00> : vector<16384x1xf32>
    %dot_general3A_102 = tpu.matmul %get3A_100, %mul3A_66, %dot_general3A_101 {dimension_numbers = #tpu.dot_dimension_numbers<[1], [1], [0], [0], [0, 0, 1, 0], [], []>, precision = #tpu.contract_precision<fp32>, transpose_lhs_hint = false} : vector<16384x32xf32>, vector<1x32xf32>, vector<16384x1xf32> -> vector<16384x1xf32>
    %get3A_103 = arith.constant 0 : index
    %get3A_104 = vector.load %arg0[%get3A_103] : memref<16384xf32, #tpu.memory_space<vmem>>, vector<16384xf32>
    %reduce_sum3A_105 = arith.constant dense<0.000000e+00> : vector<16384xf32>
    %reduce_sum3A_106 = vector.multi_reduction <add>, %dot_general3A_102, %reduce_sum3A_105 [1] : vector<16384x1xf32> to vector<16384xf32>
    %add3A_107 = arith.addf %get3A_104, %reduce_sum3A_106 : vector<16384xf32>
    %add3A_108 = vector.broadcast %add3A_97 : f32 to vector<16384xf32>
    %add3A_109 = arith.addf %add3A_107, %add3A_108 : vector<16384xf32>
    %swap3A = arith.constant 0 : index
    %swap3A_110 = vector.load %arg12[%swap3A] : memref<16384xf32, #tpu.memory_space<vmem>>, vector<16384xf32>
    tpu.vector_store %arg12[%swap3A], %add3A_109 {strides = array<i32>} : memref<16384xf32, #tpu.memory_space<vmem>>, vector<16384xf32>,
    return
  }
}

</mosaic_0001>

<sc_bundles>
// kernel: kernel.10.cloned.1.call-start
scs
__scs_entry_jumppad:
0x0: {  	(pc) =	sbr.rel $0x88, $3  }
0x1: {  	(tag) =	ssettag $0x0;
	lr =	simm.s32 $0x1  }
0x2: {  	[smem:$0x3F94] =	sst lr;
	_ =	strace $0xD0000000  }
0x3: {  	_ = 	snop  }
0x4: {  	_ = 	snop  }
0x5: {  	_ = 	snop  }
0x6: {  	_ = 	snop  }
0x7: {  	_ = 	snop  }
__scs_overlays_trampoline_lowered:
0x8: {  	[smem:$0x3FA3] =	sst s0  }
0x9: {  	[smem:$0x3FA4] =	sst s1  }
0xa: {  	[smem:$0x3FA5] =	sst s2  }
0xb: {  	[smem:$0x3FA6] =	sst s3  }
0xc: {  	[smem:$0x3FA7] =	sst s4  }
0xd: {  	[smem:$0x3FA8] =	sst s5  }
0xe: {  	[smem:$0x3FA9] =	sst s6  }
0xf: {  	[smem:$0x3FAA] =	sst s7  }
0x10: {  	[smem:$0x3FAB] =	sst s8  }
0x11: {  	[smem:$0x3FAC] =	sst s9;
	s0 =	simm.s32 @!p0 $0x0  }
0x12: {  	s1 =	sld [smem:$0x3F92];
	s0 =	simm.s32 @p0 $0x1  }
0x13: {  	[smem:$0x3FAD] =	sst s0;
	s0 =	simm.s32 @!p1 $0x0  }
0x14: {  	s2 =	sld [smem:$0x3F91];
	s0 =	simm.s32 @p1 $0x1  }
0x15: {  	[smem:$0x3FAE] =	sst s0;
	s0 =	simm.s32 @!p2 $0x0  }
0x16: {  	s3 =	sld [smem:$0x3FDB];
	s0 =	simm.s32 @p2 $0x1  }
0x17: {  	s4 =	simm.s32 $0x1BF5;
	[smem:$0x3FB0] =	sst s0  }
0x18: {  	s0 =	sld [smem:$0x3F93];
	_ =	swait.ge [sflag:s4], $0x0  }
0x19: {  	s7 =	sld [smem:$0x3F94]  }
0x1a: {  	s8 =	sadd.s32 $0xFFFFE003, lr  }
0x1b: {  	s9 =	sadd.s32 $0xFFFFFEF7, lr;
	s5 =	simm.s32 $0xFFFFFFFF;
	p2 =	slt.u32 s8, $0xFFFFF086  }
0x1c: {  	p1 =	slt.u32 s9, $0xF7A;
	s5 =	simm.s32 @!p2 $0x0  }
0x1d: {  	s5 =	simm.s32 @p1 $0x1;
	p0 =	seq.s32 s7, s2  }
0x1e: {  	s7 =	smul.u32 @!p0 $0xF7A, s2;
	p2 =	seq.s32 @!p0 s5, $0x0  }
0x1f: {  	s9 =	smul.u32 $0xF7A, s1;
	s8 =	simm.s32 @!p0 $0x1BF5;
	p2 =	por !p2, p0  }
0x20: {  	[sflag:s8] =	ssyncset.s32 @!p0 $0xFFFFF086;
	s6 =	sadd.s32 @!p0 s3, s7;
	s7 =	simm.s32 @!p0 $0x108  }
0x21: {  	s3 =	sadd.s32 s3, s9;
	s6 =	sadd.s32 @!p0 $0x88, s6;
	s7 =	simm.s32 @p2 $0x1082  }
0x22: {  	[simem:s7], [sflag:s8] =	dma.local @!p0 [hbm:s6], $0xF7A  }
0x23: {  	s9 =	sor.u32 $0xD0000000, s2;
	s6 =	simm.s32 $0x108;
	_ =	swait.ge @!p0 [sflag:s8], $0x0  }
0x24: {  	s3 =	sadd.s32 $0x88, s3;
	s6 =	simm.s32 @!p1 $0x1082;
	[sflag:s4] =	ssyncset.s32 $0xFFFFF086  }
0x25: {  	[simem:s6], [sflag:s4] =	dma.local [hbm:s3], $0xF7A  }
0x26: {  	[smem:$0x3F94] =	sst s1;
	(tag) =	ssettag s2;
	_ =	strace s9  }
0x27: {  	s1 =	sld [smem:$0x3FA4]  }
0x28: {  	s2 =	sld [smem:$0x3FA5]  }
0x29: {  	s4 =	sld [smem:$0x3FA7]  }
0x2a: {  	p0 =	seq.s32 s5, $0x0;
	s5 =	sld [smem:$0x3FA8]  }
0x2b: {  	s6 =	sld [smem:$0x3FA9]  }
0x2c: {  	s7 =	sld [smem:$0x3FAA]  }
0x2d: {  	s3 =	simm.s32 $0x108;
	s8 =	sld [smem:$0x3FAB]  }
0x2e: {  	s3 =	simm.s32 @!p0 $0x1082;
	s9 =	sld [smem:$0x3FAC]  }
0x2f: {  	lr =	sadd.s32 s0, s3;
	s0 =	sld [smem:$0x3FA3]  }
0x30: {  	s3 =	sld [smem:$0x3FA6]  }
0x31: {  	[smem:$0x3FAF] =	sst s10  }
0x32: {  	s10 =	sld [smem:$0x3FAD];
	_ =	sdelay $0x3  }
0x33: {  	p0 =	seq.s32 s10, $0x1;
	s10 =	sld [smem:$0x3FAF];
	_ =	sdelay $0x3  }
0x34: {  	[smem:$0x3FAF] =	sst s10  }
0x35: {  	s10 =	sld [smem:$0x3FAE];
	_ =	sdelay $0x3  }
0x36: {  	p1 =	seq.s32 s10, $0x1;
	s10 =	sld [smem:$0x3FAF];
	_ =	sdelay $0x3  }
0x37: {  	[smem:$0x3FAF] =	sst s10  }
0x38: {  	s10 =	sld [smem:$0x3FB0]  }
0x39: {  	_ = 	snop;
	(pc) =	sbr.ind lr, $3  }
0x3a: {  	_ = 	snop  }
0x3b: {  	_ = 	snop  }
0x3c: {  	p2 =	seq.s32 s10, $0x1;
	s10 =	sld [smem:$0x3FAF]  }
0x3d: {  	_ =	shalt  }
0x3e: {  	_ =	shalt  }
0x3f: {  	_ =	shalt  }
0x40: {  	_ =	shalt  }
0x41: {  	_ =	shalt  }
0x42: {  	_ =	shalt  }
0x43: {  	_ =	shalt  }
0x44: {  	_ =	shalt  }
0x45: {  	_ =	shalt  }
0x46: {  	_ =	shalt  }
0x47: {  	_ =	shalt  }
0x48: {  	_ =	shalt  }
0x49: {  	_ =	shalt  }
0x4a: {  	_ =	shalt  }
0x4b: {  	_ =	shalt  }
0x4c: {  	_ =	shalt  }
0x4d: {  	_ =	shalt  }
0x4e: {  	_ =	shalt  }
0x4f: {  	_ =	shalt  }
0x50: {  	_ =	shalt  }
0x51: {  	_ =	shalt  }
0x52: {  	_ =	shalt  }
0x53: {  	_ =	shalt  }
0x54: {  	_ =	shalt  }
0x55: {  	_ =	shalt  }
0x56: {  	_ =	shalt  }
0x57: {  	_ =	shalt  }
0x58: {  	_ =	shalt  }
0x59: {  	_ =	shalt  }
0x5a: {  	_ =	shalt  }
0x5b: {  	_ =	shalt  }
0x5c: {  	_ =	shalt  }
0x5d: {  	_ =	shalt  }
0x5e: {  	_ =	shalt  }
0x5f: {  	_ =	shalt  }
0x60: {  	_ =	shalt  }
0x61: {  	_ =	shalt  }
0x62: {  	_ =	shalt  }
0x63: {  	_ =	shalt  }
0x64: {  	_ =	shalt  }
0x65: {  	_ =	shalt  }
0x66: {  	_ =	shalt  }
0x67: {  	_ =	shalt  }
0x68: {  	_ =	shalt  }
0x69: {  	_ =	shalt  }
0x6a: {  	_ =	shalt  }
0x6b: {  	_ =	shalt  }
0x6c: {  	_ =	shalt  }
0x6d: {  	_ =	shalt  }
0x6e: {  	_ =	shalt  }
0x6f: {  	_ =	shalt  }
0x70: {  	_ =	shalt  }
0x71: {  	_ =	shalt  }
0x72: {  	_ =	shalt  }
0x73: {  	_ =	shalt  }
0x74: {  	_ =	shalt  }
0x75: {  	_ =	shalt  }
0x76: {  	_ =	shalt  }
0x77: {  	_ =	shalt  }
0x78: {  	_ =	shalt  }
0x79: {  	_ =	shalt  }
0x7a: {  	_ =	shalt  }
0x7b: {  	_ =	shalt  }
0x7c: {  	_ =	shalt  }
0x7d: {  	_ =	shalt  }
0x7e: {  	_ =	shalt  }
0x7f: {  	_ =	shalt  }
0x80: {  	_ =	shalt  }
0x81: {  	_ =	shalt  }
0x82: {  	_ =	shalt  }
0x83: {  	_ =	shalt  }
0x84: {  	_ =	shalt  }
0x85: {  	_ =	shalt  }
0x86: {  	_ =	shalt  }
0x87: {  	_ =	shalt  }
.Lfunc_end0:
.L_simem_size_0:
called_computation.1_lowered:
.L_overlay_start_0:
0x88: {  	s2 =	sld [smem:$0x3FD9]  }
0x89: {  	s3 =	sld [smem:$0x3FFE];
	_ =	sdelay $0x1  }
0x8a: {  	s1 =	srdreg.scid  }
0x8b: {  	s0 =	sand.u32 $0x1, s1  }
0x8c: {  	s17 =	sshll.u32 s0, $0xA;
	s2 =	sadd.s32 s3, s2  }
0x8d: {  	s2 =	sadd.s32 s2, s17  }
0x8e: {  	[smem:$0x3FBB] =	sst s2  }
0x8f: {  	_ = 	snop  }
0x90: {  	(tm) =	ssettm $0x1  }
0x91: {  	s18 =	sld [smem:$0x3FFB];
	_ =	sdelay $0x3  }
0x92: {  	_ =	strace s18  }
0x93: {  	s2 =	sld [smem:$0x3FFC];
	_ =	sdelay $0x3  }
0x94: {  	_ =	strace s2  }
0x95: {  	s2 =	sld [smem:$0x3FFD];
	_ =	sdelay $0x3  }
0x96: {  	_ =	strace s2  }
0x97: {  	_ =	strace $0x8FFFFFFF  }
0x98: {  	s19 =	sld [smem:$0x3FDB];
	_ =	sdelay $0x1  }
0x99: {  	s20 =	simm.s32 $_scs_section_size  }
0x9a: {  	s4 =	simm.s32 $_size__tile_overlayer_lowered;
	s5 =	simm.s32 $_tile_overlayer_lowered  }
0x9b: {  	s6 =	simm.s32 $0x1BFF;
	s21 =	sshll.u32 s5, $0x1;
	s3 =	sadd.s32 s20, s19  }
0x9c: {  	s22 =	simm.s32 $0x0;
	s4 =	sshll.u32 s4, $0x1;
	s5 =	sadd.s32 s21, s3  }
0x9d: {  	[timem:s22], [sflag:s6] =	dma.local [hbm:s5], s4  }
0x9e: {  	_ =	swait.ge [sflag:s6], s4  }
0x9f: {  	s4 =	ssub.s32 $0x0, s4;
	[sflag:s6] =	ssyncset.done $0x0  }
0xa0: {  	[sflag:s6] =	ssyncadd.s32 s4;
	_ =	sdelay $0x1  }
0xa1: {  	s23 =	simm.s32 $0x1B8B  }
0xa2: {  	_ =	swait.ge [sflag:s23], $0x1  }
0xa3: {  	[sflag:s23] =	ssyncset.done $0x0  }
0xa4: {  	[sflag:s23] =	ssyncadd.s32 $0xFFFFFFFF  }
0xa5: {  	s4 =	sld [smem:$0x0]  }
0xa6: {  	s5 =	sand.u32 $0xFFFFFFFE, s1  }
0xa7: {  	p0 =	sne.s32 s1, s5  }
0xa8: {  	s5 =	sshll.u32 @p0 s5, $0xE  }
0xa9: {  	s5 =	sadd.s32 @p0 $0x11B8D, s5;
	s6 =	sshll.u32 @p0 s4, $0x11  }
0xaa: {  	s5 =	sor.u32 @p0 s6, s5  }
0xab: {  	[sflag:s5] =	ssyncadd.remote.s32 @p0 $0x1;
	_ =	sdelay $0x1  }
0xac: {  	s5 =	simm.s32 @p0 $0x1B8D  }
0xad: {  	_ =	swait.eq @p0 [sflag:s5], $0x1  }
0xae: {  	[sflag:s5] =	ssyncadd.s32 @p0 $0xFFFFFFFF  }
0xaf: {  	s6 =	sshll.u32 @!p0 s1, $0xE  }
0xb0: {  	s6 =	sor.u32 @!p0 $0x4000, s6;
	s5 =	simm.s32 @!p0 $0x1B8D  }
0xb1: {  	s4 =	sshll.u32 @!p0 s4, $0x11;
	s6 =	sadd.s32 @!p0 $0x11B8D, s6;
	_ =	swait.eq @!p0 [sflag:s5], $0x1  }
0xb2: {  	s4 =	sor.u32 @!p0 s4, s6;
	[sflag:s5] =	ssyncadd.s32 @!p0 $0xFFFFFFFF  }
0xb3: {  	s25 =	simm.s32 $0x1B8E;
	s24 =	sld [smem:$0x3FFE];
	[sflag:s4] =	ssyncadd.remote.s32 @!p0 $0x1  }
0xb4: {  	s26 =	simm.s32 $execute0_lowered;
	[smem:$0x3FD2] =	sst s25  }
0xb5: {  	s5 =	sshll.u32 s26, $0x1;
	_ =	strace $0x80000049;
	[dreg:$0x1] =	wrdreg $0xFFFFFFFF  }
0xb6: {  	s28 =	simm.s32 $_size_execute0_lowered;
	s3 =	sadd.s32 s3, s5;
	[dreg:$0x0] =	wrdreg $0x0  }
0xb7: {  	s5 =	sshll.u32 s28, $0x1;
	[dreg:$0x2] =	wrdreg s3  }
0xb8: {  	[dreg:$0x3] =	wrdreg s5  }
0xb9: {  	[dreg:$0x4] =	wrdreg $0xC0  }
0xba: {  	_ =	task [dreg:s22], $0x5FFFF  }
0xbb: {  	[dreg:$0x1] =	wrdreg $0xFFFFFFFF  }
0xbc: {  	[dreg:$0x0] =	wrdreg $0x60  }
0xbd: {  	[dreg:$0x2] =	wrdreg s24  }
0xbe: {  	[dreg:$0x3] =	wrdreg $0xA  }
0xbf: {  	_ =	task.clear_ibuf [dreg:s22], $0x4FFFF;
	_ =	strace $0x90000049  }
0xc0: {  	s29 =	simm.s32 $0xA;
	_ =	strace $0x8000004B  }
0xc1: {  	_ =	swait.ge [sflag:s29], $0x1  }
0xc2: {  	[sflag:s29] =	ssyncadd.s32 $0xFFFFFFFF  }
0xc3: {  	_ =	strace $0x9000004B  }
0xc4: {  	_ =	sfence  }
0xc5: {  	s30 =	sld [smem:$0x0];
	_ =	sdelay $0x2  }
0xc6: {  	s31 =	sshll.u32 s1, $0xD;
	s1 =	sshrl.u32 s1, $0x2  }
0xc7: {  	s4 =	sand.u32 $0x4000, s31;
	s1 =	sadd.s32 s1, s30  }
0xc8: {  	s0 =	sor.u32 s4, s0;
	s1 =	sshll.u32 s1, $0x11  }
0xc9: {  	s0 =	sor.u32 s1, s0  }
0xca: {  	s0 =	sadd.s32 $0x8F2B, s0  }
0xcb: {  	[sflag:s0] =	ssyncadd.remote.s32 $0x1  }
0xcc: {  	_ =	sfence.sel $0xFFFF  }
0xcd: {  	[dreg:$0x0] =	wrdreg $0xFFFFFFFF;
	(pc) =	sbr.abs _section_cstart, $3  }
0xce: {  	[dreg:$0x1] =	wrdreg $0xFFFFFFFF  }
0xcf: {  	_ =	task.clear_ibuf [dreg:s22], $0x2FFFF;
	_ =	strace $0x9FFFFFFF  }
0xd0: {  	(tm) =	ssettm $0x7FFFFFFF  }
0xd1: {  	_ =	shalt  }
tec
execute0_lowered:
.L_overlay_start_1:
0x0: {  	(tag) =	ssettag $0x1  }
0x1: {  	s0 =	rddreg [dreg:$0x0];
	s1 =	simm.s32 $0x0  }
0x2: {  	[smem:$0x7FF] =	sst s1;
	s2 =	sadd.s32 $0x71EE00, s0  }
0x3: {  	s18 =	sadd.s32 $0x721ED4, s0;
	_ =	strace $0x8000004A;
	[dreg:$0x2] =	wrdreg s2  }
0x4: {  	s19 =	sadd.s32 $0x724FA8, s0;
	[dreg:$0x3] =	wrdreg s18  }
0x5: {  	s20 =	sadd.s32 $0x72807C, s0;
	[dreg:$0x4] =	wrdreg s19  }
0x6: {  	s21 =	sadd.s32 $0x72B150, s0;
	[dreg:$0x5] =	wrdreg s20  }
0x7: {  	s22 =	sadd.s32 $0x72E224, s0;
	[dreg:$0x6] =	wrdreg s21  }
0x8: {  	s23 =	sadd.s32 $0x7312F8, s0;
	[dreg:$0x7] =	wrdreg s22  }
0x9: {  	s24 =	sadd.s32 $0x7343CC, s0;
	[dreg:$0x8] =	wrdreg s23  }
0xa: {  	s25 =	sadd.s32 $0x7374A0, s0;
	[dreg:$0x9] =	wrdreg s24  }
0xb: {  	s26 =	sadd.s32 $0x73A574, s0;
	[dreg:$0xa] =	wrdreg s25  }
0xc: {  	s3 =	sadd.s32 $0x73D648, s0;
	[dreg:$0xb] =	wrdreg s26  }
0xd: {  	s4 =	sadd.s32 $0x74071C, s0;
	[dreg:$0xc] =	wrdreg s3  }
0xe: {  	s5 =	sadd.s32 $0x7437F0, s0;
	[dreg:$0xd] =	wrdreg s4  }
0xf: {  	s6 =	sadd.s32 $0x7468C4, s0;
	[dreg:$0xe] =	wrdreg s5  }
0x10: {  	s7 =	sadd.s32 $0x749998, s0;
	[dreg:$0xf] =	wrdreg s6  }
0x11: {  	s8 =	sadd.s32 $0x74CA6C, s0;
	[dreg:$0x10] =	wrdreg s7  }
0x12: {  	s9 =	sadd.s32 $0x74FB40, s0;
	[dreg:$0x11] =	wrdreg s8  }
0x13: {  	s10 =	sadd.s32 $0x752C14, s0;
	[dreg:$0x12] =	wrdreg s9  }
0x14: {  	s11 =	sadd.s32 $0x755CE8, s0;
	[dreg:$0x13] =	wrdreg s10  }
0x15: {  	s12 =	sadd.s32 $0x758DBC, s0;
	[dreg:$0x14] =	wrdreg s11  }
0x16: {  	s13 =	sadd.s32 $0x75BE90, s0;
	[dreg:$0x15] =	wrdreg s12  }
0x17: {  	s14 =	sadd.s32 $0x75EF64, s0;
	[dreg:$0x16] =	wrdreg s13  }
0x18: {  	s15 =	sadd.s32 $0x762038, s0;
	[dreg:$0x17] =	wrdreg s14  }
0x19: {  	s16 =	sadd.s32 $0x76510C, s0;
	[dreg:$0x18] =	wrdreg s15  }
0x1a: {  	s17 =	sadd.s32 $0x7681E0, s0;
	[dreg:$0x19] =	wrdreg s16  }
0x1b: {  	[dreg:$0x1a] =	wrdreg s17;
	s21 =	simm.s32 $0x6C0  }
0x1c: {  	s22 =	simm.s32 $0x80;
	[dreg:$0x1e] =	wrdreg s21  }
0x1d: {  	s23 =	simm.s32 $0x700;
	[dreg:$0x1f] =	wrdreg s22  }
0x1e: {  	s24 =	simm.s32 $0xC0;
	[smem:$0x7E3] =	sst s23  }
0x1f: {  	s25 =	simm.s32 $0x740;
	[smem:$0x7E4] =	sst s24  }
0x20: {  	s26 =	simm.s32 $0x100;
	[smem:$0x7E5] =	sst s25  }
0x21: {  	s2 =	simm.s32 $0x780;
	[smem:$0x7E6] =	sst s26  }
0x22: {  	s6 =	simm.s32 $0x180;
	[smem:$0x7E7] =	sst s2  }
0x23: {  	s7 =	simm.s32 $0x800;
	[smem:$0x7EA] =	sst s6  }
0x24: {  	s8 =	simm.s32 $0x1C0;
	[smem:$0x7EB] =	sst s7  }
0x25: {  	s9 =	simm.s32 $0x840;
	[smem:$0x7EC] =	sst s8  }
0x26: {  	s10 =	simm.s32 $0x200;
	[smem:$0x7ED] =	sst s9  }
0x27: {  	s28 =	simm.s32 $0xC80;
	s11 =	simm.s32 $0x880;
	[smem:$0x7EE] =	sst s10  }
0x28: {  	s29 =	simm.s32 $0x640;
	s12 =	simm.s32 $0x240;
	[smem:$0x7EF] =	sst s11  }
0x29: {  	s31 =	simm.s32 $0xCC0;
	s13 =	simm.s32 $0x8C0;
	[smem:$0x7F0] =	sst s12  }
0x2a: {  	s30 =	simm.s32 $0x1;
	s14 =	simm.s32 $0x280;
	[smem:$0x7F1] =	sst s13  }
0x2b: {  	s3 =	stileid.u32;
	s15 =	simm.s32 $0x900;
	[smem:$0x7F2] =	sst s14  }
0x2c: {  	s4 =	srdreg.scid;
	s16 =	simm.s32 $0x2C0;
	[smem:$0x7F3] =	sst s15  }
0x2d: {  	s3 =	sshll.u32 s3, $0x7;
	s4 =	sand.u32 $0x1, s4;
	[smem:$0x7F4] =	sst s16  }
0x2e: {  	s21 =	simm.s32 $0x980;
	s22 =	simm.s32 $0x340;
	s23 =	simm.s32 $0x9C0  }
0x2f: {  	s24 =	simm.s32 $0x380;
	s25 =	simm.s32 $0xA00;
	s26 =	simm.s32 $0x3C0  }
0x30: {  	s6 =	simm.s32 $0xA40;
	s7 =	simm.s32 $0x400;
	s11 =	simm.s32 $0xA80  }
0x31: {  	s12 =	simm.s32 $0x440;
	s13 =	simm.s32 $0xAC0;
	[smem:$0x7F8] =	sst s21  }
0x32: {  	s14 =	simm.s32 $0x480;
	s15 =	simm.s32 $0xB00;
	[smem:$0x7F9] =	sst s22  }
0x33: {  	s16 =	simm.s32 $0x4C0;
	s3 =	sadd.s32 s3, s0;
	[smem:$0x7FA] =	sst s23  }
0x34: {  	s5 =	sshll.u32 s4, $0x6;
	s0 =	sadd.s32 $0x76B2B4, s0;
	[smem:$0x7FB] =	sst s24  }
0x35: {  	s17 =	ssub.s32 $0x2, s4;
	s4 =	simm.s32 $0x40;
	[smem:$0x7FC] =	sst s25  }
0x36: {  	[smem:$0x7FD] =	sst s26;
	s21 =	simm.s32 $0xBC0;
	s22 =	simm.s32 $0x580  }
0x37: {  	s18 =	sadd.s32 s5, s3;
	[dreg:$0x1b] =	wrdreg s0;
	s3 =	simm.s32 $0x140  }
0x38: {  	s23 =	simm.s32 $0xC00;
	s5 =	simm.s32 $0x7C0;
	[smem:$0x7E8] =	sst s3  }
0x39: {  	s24 =	simm.s32 $0x5C0;
	s19 =	sadd.s32 $0x77B400, s18;
	[smem:$0x7E9] =	sst s5  }
0x3a: {  	s25 =	simm.s32 $0xC40;
	s20 =	sadd.s32 $0x76E400, s18;
	[dreg:$0x1c] =	wrdreg s19  }
0x3b: {  	s26 =	simm.s32 $0x600;
	s18 =	simm.s32 $0x940;
	[dreg:$0x1d] =	wrdreg s20  }
0x3c: {  	s19 =	sshrl.u32 s17, $0x1;
	[smem:$0x7F5] =	sst s18;
	s20 =	simm.s32 $0x300  }
0x3d: {  	s18 =	simm.s32 $0x500;
	s2 =	ssub.s32 s17, s19;
	[smem:$0x7F6] =	sst s20  }
0x3e: {  	s17 =	simm.s32 $0xB40;
	s19 =	simm.s32 $0xB80;
	s2 =	smax.u32 s2, $0x1  }
0x3f: {  	s20 =	simm.s32 $0x540;
	[smem:$0x7F7] =	sst s2;
	s2 =	simm.s32 $0x0  }
.LBB2_1:
0x40: {  	[smem:$0x7E2] =	sst s2  }
0x41: {  	s0 =	rddreg [dreg:$0x1d]  }
0x42: {  	s9 =	simm.s32 $0x4000;
	s5 =	simm.s32 $0x2;
	s0 =	sadd.s32 $0x0, s0  }
0x43: {  	[tilespmem:s1], [sflag:$0x2] =	stream.strided.gather [hbm4b:s0+s4], $0x680, s9, s4, $0x38;
	[tilespmem:$0xD00] =	vst v63  }
0x44: {  	_ =	swait.ge [sflag:s5], $0x680  }
0x45: {  	s0 =	rddreg [dreg:$0x3]  }
0x46: {  	s2 =	rddreg [dreg:$0x1e]  }
0x47: {  	s3 =	rddreg [dreg:$0x2]  }
0x48: {  	s8 =	rddreg [dreg:$0x1f]  }
0x49: {  	[sflag:s5] =	ssyncset.done $0x0;
	s9 =	rddreg [dreg:$0x4]  }
0x4a: {  	s10 =	simm.s32 $0x680;
	[sflag:s5] =	ssyncadd.s32 $0xFFFFF980;
	s5 =	sld [smem:$0x7E4]  }
0x4b: {  	[tilespmem:s10], [sflag:$0x1] =	stream.indirect.gather [hbm4b:s3+s4], $0x1, s1, s4, $0xb8;
	[tilespmem:$0xD00] =	vst v63  }
0x4c: {  	s1 =	sld [smem:$0x7E3]  }
0x4d: {  	s10 =	sld [smem:$0x7E7]  }
0x4e: {  	s3 =	sld [smem:$0x7E9]  }
0x4f: {  	[tilespmem:s2], [sflag:$0x1] =	stream.indirect.gather [hbm4b:s0+s4], $0x1, s4, s4, $0xb8;
	[tilespmem:$0xD00] =	vst v63  }
0x50: {  	s2 =	sld [smem:$0x7E5]  }
0x51: {  	[tilespmem:s1], [sflag:$0x1] =	stream.indirect.gather [hbm4b:s9+s4], $0x1, s8, s4, $0xb8;
	[tilespmem:$0xD00] =	vst v63  }
0x52: {  	s9 =	rddreg [dreg:$0x5]  }
0x53: {  	s1 =	sld [smem:$0x7E6]  }
0x54: {  	[tilespmem:s2], [sflag:$0x1] =	stream.indirect.gather [hbm4b:s9+s4], $0x1, s5, s4, $0xb8;
	[tilespmem:$0xD00] =	vst v63  }
0x55: {  	s2 =	rddreg [dreg:$0x6]  }
0x56: {  	s5 =	sld [smem:$0x7E8]  }
0x57: {  	s9 =	rddreg [dreg:$0x7]  }
0x58: {  	[tilespmem:s10], [sflag:$0x1] =	stream.indirect.gather [hbm4b:s2+s4], $0x1, s1, s4, $0xb8;
	[tilespmem:$0xD00] =	vst v63  }
0x59: {  	s10 =	sld [smem:$0x7EB]  }
0x5a: {  	s1 =	sld [smem:$0x7EA]  }
0x5b: {  	s2 =	rddreg [dreg:$0x8]  }
0x5c: {  	[tilespmem:s3], [sflag:$0x1] =	stream.indirect.gather [hbm4b:s9+s4], $0x1, s5, s4, $0xb8;
	[tilespmem:$0xD00] =	vst v63  }
0x5d: {  	s3 =	sld [smem:$0x7ED]  }
0x5e: {  	s5 =	sld [smem:$0x7EC]  }
0x5f: {  	s9 =	rddreg [dreg:$0x9]  }
0x60: {  	[tilespmem:s10], [sflag:$0x1] =	stream.indirect.gather [hbm4b:s2+s4], $0x1, s1, s4, $0xb8;
	[tilespmem:$0xD00] =	vst v63  }
0x61: {  	s10 =	sld [smem:$0x7EF]  }
0x62: {  	s1 =	sld [smem:$0x7EE]  }
0x63: {  	s2 =	rddreg [dreg:$0xa]  }
0x64: {  	[tilespmem:s3], [sflag:$0x1] =	stream.indirect.gather [hbm4b:s9+s4], $0x1, s5, s4, $0xb8;
	[tilespmem:$0xD00] =	vst v63  }
0x65: {  	s3 =	sld [smem:$0x7F1]  }
0x66: {  	s5 =	sld [smem:$0x7F0]  }
0x67: {  	s9 =	rddreg [dreg:$0xb]  }
0x68: {  	[tilespmem:s10], [sflag:$0x1] =	stream.indirect.gather [hbm4b:s2+s4], $0x1, s1, s4, $0xb8;
	[tilespmem:$0xD00] =	vst v63  }
0x69: {  	s10 =	sld [smem:$0x7F3]  }
0x6a: {  	s1 =	sld [smem:$0x7F2]  }
0x6b: {  	s2 =	rddreg [dreg:$0xc]  }
0x6c: {  	[tilespmem:s3], [sflag:$0x1] =	stream.indirect.gather [hbm4b:s9+s4], $0x1, s5, s4, $0xb8;
	[tilespmem:$0xD00] =	vst v63  }
0x6d: {  	s3 =	sld [smem:$0x7F5]  }
0x6e: {  	s5 =	sld [smem:$0x7F4]  }
0x6f: {  	s9 =	rddreg [dreg:$0xd]  }
0x70: {  	[tilespmem:s10], [sflag:$0x1] =	stream.indirect.gather [hbm4b:s2+s4], $0x1, s1, s4, $0xb8;
	[tilespmem:$0xD00] =	vst v63  }
0x71: {  	s10 =	sld [smem:$0x7F8]  }
0x72: {  	s1 =	sld [smem:$0x7F6]  }
0x73: {  	s2 =	rddreg [dreg:$0xe]  }
0x74: {  	[tilespmem:s3], [sflag:$0x1] =	stream.indirect.gather [hbm4b:s9+s4], $0x1, s5, s4, $0xb8;
	[tilespmem:$0xD00] =	vst v63  }
0x75: {  	s3 =	sld [smem:$0x7FA]  }
0x76: {  	s5 =	sld [smem:$0x7F9]  }
0x77: {  	s9 =	rddreg [dreg:$0xf]  }
0x78: {  	[tilespmem:s10], [sflag:$0x1] =	stream.indirect.gather [hbm4b:s2+s4], $0x1, s1, s4, $0xb8;
	[tilespmem:$0xD00] =	vst v63  }
0x79: {  	s10 =	sld [smem:$0x7FC]  }
0x7a: {  	s1 =	sld [smem:$0x7FB]  }
0x7b: {  	s2 =	rddreg [dreg:$0x10]  }
0x7c: {  	[tilespmem:s3], [sflag:$0x1] =	stream.indirect.gather [hbm4b:s9+s4], $0x1, s5, s4, $0xb8;
	[tilespmem:$0xD00] =	vst v63  }
0x7d: {  	s3 =	sld [smem:$0x7FD]  }
0x7e: {  	[tilespmem:s10], [sflag:$0x1] =	stream.indirect.gather [hbm4b:s2+s4], $0x1, s1, s4, $0xb8;
	[tilespmem:$0xD00] =	vst v63  }
0x7f: {  	s5 =	rddreg [dreg:$0x11]  }
0x80: {  	[tilespmem:s6], [sflag:$0x1] =	stream.indirect.gather [hbm4b:s5+s4], $0x1, s3, s4, $0xb8;
	[tilespmem:$0xD00] =	vst v63  }
0x81: {  	s9 =	rddreg [dreg:$0x12]  }
0x82: {  	[tilespmem:s11], [sflag:$0x1] =	stream.indirect.gather [hbm4b:s9+s4], $0x1, s7, s4, $0xb8;
	[tilespmem:$0xD00] =	vst v63  }
0x83: {  	s10 =	rddreg [dreg:$0x13]  }
0x84: {  	[tilespmem:s13], [sflag:$0x1] =	stream.indirect.gather [hbm4b:s10+s4], $0x1, s12, s4, $0xb8;
	[tilespmem:$0xD00] =	vst v63  }
0x85: {  	s11 =	rddreg [dreg:$0x14]  }
0x86: {  	[tilespmem:s15], [sflag:$0x1] =	stream.indirect.gather [hbm4b:s11+s4], $0x1, s14, s4, $0xb8;
	[tilespmem:$0xD00] =	vst v63  }
0x87: {  	s13 =	rddreg [dreg:$0x15]  }
0x88: {  	[tilespmem:s17], [sflag:$0x1] =	stream.indirect.gather [hbm4b:s13+s4], $0x1, s16, s4, $0xb8;
	[tilespmem:$0xD00] =	vst v63  }
0x89: {  	s15 =	rddreg [dreg:$0x16]  }
0x8a: {  	[tilespmem:s19], [sflag:$0x1] =	stream.indirect.gather [hbm4b:s15+s4], $0x1, s18, s4, $0xb8;
	[tilespmem:$0xD00] =	vst v63  }
0x8b: {  	s17 =	rddreg [dreg:$0x17]  }
0x8c: {  	[tilespmem:s21], [sflag:$0x1] =	stream.indirect.gather [hbm4b:s17+s4], $0x1, s20, s4, $0xb8;
	[tilespmem:$0xD00] =	vst v63  }
0x8d: {  	s19 =	rddreg [dreg:$0x18]  }
0x8e: {  	[tilespmem:s23], [sflag:$0x1] =	stream.indirect.gather [hbm4b:s19+s4], $0x1, s22, s4, $0xb8;
	[tilespmem:$0xD00] =	vst v63  }
0x8f: {  	s21 =	rddreg [dreg:$0x19]  }
0x90: {  	[tilespmem:s25], [sflag:$0x1] =	stream.indirect.gather [hbm4b:s21+s4], $0x1, s24, s4, $0xb8;
	[tilespmem:$0xD00] =	vst v63  }
0x91: {  	s23 =	rddreg [dreg:$0x1a]  }
0x92: {  	[tilespmem:s28], [sflag:$0x1] =	stream.indirect.gather [hbm4b:s23+s4], $0x1, s26, s4, $0xb8;
	[tilespmem:$0xD00] =	vst v63  }
0x93: {  	s25 =	rddreg [dreg:$0x1b]  }
0x94: {  	[tilespmem:s31], [sflag:$0x1] =	stream.indirect.gather [hbm4b:s25+s4], $0x1, s29, s4, $0xb8;
	[tilespmem:$0xD00] =	vst v63  }
0x95: {  	_ =	swait.ge [sflag:s30], $0x40  }
0x96: {  	[sflag:s30] =	ssyncset.done $0x0  }
0x97: {  	[sflag:s30] =	ssyncadd.s32 $0xFFFFFFC0  }
0x98: {  	_ =	swait.ge [sflag:s30], $0x40  }
0x99: {  	[sflag:s30] =	ssyncset.done $0x0  }
0x9a: {  	[sflag:s30] =	ssyncadd.s32 $0xFFFFFFC0  }
0x9b: {  	_ =	swait.ge [sflag:s30], $0x40  }
0x9c: {  	[sflag:s30] =	ssyncset.done $0x0  }
0x9d: {  	[sflag:s30] =	ssyncadd.s32 $0xFFFFFFC0  }
0x9e: {  	_ =	swait.ge [sflag:s30], $0x40  }
0x9f: {  	[sflag:s30] =	ssyncset.done $0x0  }
0xa0: {  	[sflag:s30] =	ssyncadd.s32 $0xFFFFFFC0  }
0xa1: {  	_ =	swait.ge [sflag:s30], $0x40  }
0xa2: {  	[sflag:s30] =	ssyncset.done $0x0  }
0xa3: {  	[sflag:s30] =	ssyncadd.s32 $0xFFFFFFC0  }
0xa4: {  	_ =	swait.ge [sflag:s30], $0x40  }
0xa5: {  	[sflag:s30] =	ssyncset.done $0x0  }
0xa6: {  	[sflag:s30] =	ssyncadd.s32 $0xFFFFFFC0  }
0xa7: {  	_ =	swait.ge [sflag:s30], $0x40  }
0xa8: {  	[sflag:s30] =	ssyncset.done $0x0  }
0xa9: {  	[sflag:s30] =	ssyncadd.s32 $0xFFFFFFC0  }
0xaa: {  	_ =	swait.ge [sflag:s30], $0x40  }
0xab: {  	[sflag:s30] =	ssyncset.done $0x0  }
0xac: {  	[sflag:s30] =	ssyncadd.s32 $0xFFFFFFC0  }
0xad: {  	_ =	swait.ge [sflag:s30], $0x40  }
0xae: {  	[sflag:s30] =	ssyncset.done $0x0  }
0xaf: {  	[sflag:s30] =	ssyncadd.s32 $0xFFFFFFC0  }
0xb0: {  	_ =	swait.ge [sflag:s30], $0x40  }
0xb1: {  	[sflag:s30] =	ssyncset.done $0x0  }
0xb2: {  	[sflag:s30] =	ssyncadd.s32 $0xFFFFFFC0  }
0xb3: {  	_ =	swait.ge [sflag:s30], $0x40  }
0xb4: {  	[sflag:s30] =	ssyncset.done $0x0  }
0xb5: {  	[sflag:s30] =	ssyncadd.s32 $0xFFFFFFC0  }
0xb6: {  	_ =	swait.ge [sflag:s30], $0x40  }
0xb7: {  	[sflag:s30] =	ssyncset.done $0x0  }
0xb8: {  	[sflag:s30] =	ssyncadd.s32 $0xFFFFFFC0  }
0xb9: {  	_ =	swait.ge [sflag:s30], $0x40  }
0xba: {  	[sflag:s30] =	ssyncset.done $0x0  }
0xbb: {  	[sflag:s30] =	ssyncadd.s32 $0xFFFFFFC0  }
0xbc: {  	_ =	swait.ge [sflag:s30], $0x40  }
0xbd: {  	[sflag:s30] =	ssyncset.done $0x0  }
0xbe: {  	[sflag:s30] =	ssyncadd.s32 $0xFFFFFFC0  }
0xbf: {  	_ =	swait.ge [sflag:s30], $0x40  }
0xc0: {  	[sflag:s30] =	ssyncset.done $0x0  }
0xc1: {  	[sflag:s30] =	ssyncadd.s32 $0xFFFFFFC0  }
0xc2: {  	_ =	swait.ge [sflag:s30], $0x40  }
0xc3: {  	[sflag:s30] =	ssyncset.done $0x0  }
0xc4: {  	[sflag:s30] =	ssyncadd.s32 $0xFFFFFFC0  }
0xc5: {  	_ =	swait.ge [sflag:s30], $0x40  }
0xc6: {  	[sflag:s30] =	ssyncset.done $0x0  }
0xc7: {  	[sflag:s30] =	ssyncadd.s32 $0xFFFFFFC0  }
0xc8: {  	_ =	swait.ge [sflag:s30], $0x40  }
0xc9: {  	[sflag:s30] =	ssyncset.done $0x0  }
0xca: {  	[sflag:s30] =	ssyncadd.s32 $0xFFFFFFC0  }
0xcb: {  	s1 =	simm.s32 $0x0;
	s10 =	simm.s32 $0x8;
	_ =	swait.ge [sflag:s30], $0x40  }
.LBB2_2:
0xcc: {  	[sflag:s30] =	ssyncset.done $0x0  }
0xcd: {  	[sflag:s30] =	ssyncadd.s32 $0xFFFFFFC0  }
0xce: {  	_ =	swait.ge [sflag:s30], $0x40  }
0xcf: {  	[sflag:s30] =	ssyncset.done $0x0  }
0xd0: {  	[sflag:s30] =	ssyncadd.s32 $0xFFFFFFC0  }
0xd1: {  	_ =	swait.ge [sflag:s30], $0x40  }
0xd2: {  	[sflag:s30] =	ssyncset.done $0x0  }
0xd3: {  	[sflag:s30] =	ssyncadd.s32 $0xFFFFFFC0  }
0xd4: {  	_ =	swait.ge [sflag:s30], $0x40  }
0xd5: {  	[sflag:s30] =	ssyncset.done $0x0  }
0xd6: {  	[sflag:s30] =	ssyncadd.s32 $0xFFFFFFC0  }
0xd7: {  	_ =	swait.ge [sflag:s30], $0x40  }
0xd8: {  	[sflag:s30] =	ssyncset.done $0x0  }
0xd9: {  	[sflag:s30] =	ssyncadd.s32 $0xFFFFFFC0  }
0xda: {  	_ =	swait.ge [sflag:s30], $0x40  }
0xdb: {  	[sflag:s30] =	ssyncset.done $0x0  }
0xdc: {  	[sflag:s30] =	ssyncadd.s32 $0xFFFFFFC0  }
0xdd: {  	_ =	swait.ge [sflag:s30], $0x40  }
0xde: {  	[sflag:s30] =	ssyncset.done $0x0  }
0xdf: {  	s3 =	smov.u32 s10;
	s0 =	simm.s32 $0x4000;
	[sflag:s30] =	ssyncadd.s32 $0xFFFFFFC0  }
0xe0: {  	s24 =	simm.s32 $0x680;
	s25 =	simm.s32 $0x2;
	_ =	swait.ge [sflag:s30], $0x40  }
0xe1: {  	s2 =	smov.u32 s3;
	s8 =	rddreg [dreg:$0x1c];
	[sflag:s30] =	ssyncset.done $0x0  }
0xe2: {  	[smem:$0x7E1] =	sst s2;
	[sflag:s30] =	ssyncadd.s32 $0xFFFFFFC0;
	s8 =	sadd.s32 s1, s8  }
0xe3: {  	[hbm4b:s8+s4] =	stream.strided.scatter [tilespmem:s24], [sflag:$0x2], $0x680, s0, s4, $0x38;
	[tilespmem:$0xD00] =	vst v63  }
0xe4: {  	_ =	swait.ge [sflag:s25], $0x680  }
0xe5: {  	s26 =	rddreg [dreg:$0x1d];
	[sflag:s25] =	ssyncset.done $0x0  }
0xe6: {  	s8 =	simm.s32 $0x0;
	[sflag:s25] =	ssyncadd.s32 $0xFFFFF980;
	s3 =	sadd.s32 s2, s26  }
0xe7: {  	[tilespmem:s8], [sflag:$0x2] =	stream.strided.gather [hbm4b:s3+s4], $0x680, s0, s4, $0x38;
	[tilespmem:$0xD00] =	vst v63  }
0xe8: {  	_ =	swait.ge [sflag:s25], $0x680  }
0xe9: {  	s2 =	rddreg [dreg:$0x12]  }
0xea: {  	s3 =	sld [smem:$0x7FD]  }
0xeb: {  	s5 =	sld [smem:$0x7FC]  }
0xec: {  	s6 =	sld [smem:$0x7FB]  }
0xed: {  	s7 =	sld [smem:$0x7FA]  }
0xee: {  	s11 =	sld [smem:$0x7F9]  }
0xef: {  	s12 =	sld [smem:$0x7F8]  }
0xf0: {  	s13 =	sld [smem:$0x7F6]  }
0xf1: {  	s14 =	sld [smem:$0x7F5]  }
0xf2: {  	s15 =	sld [smem:$0x7F4]  }
0xf3: {  	s16 =	sld [smem:$0x7F3]  }
0xf4: {  	s17 =	sld [smem:$0x7F2]  }
0xf5: {  	s18 =	sld [smem:$0x7F1]  }
0xf6: {  	s19 =	sld [smem:$0x7F0]  }
0xf7: {  	s20 =	sld [smem:$0x7EF]  }
0xf8: {  	s21 =	sld [smem:$0x7EE]  }
0xf9: {  	s22 =	sld [smem:$0x7ED]  }
0xfa: {  	s23 =	sld [smem:$0x7EC]  }
0xfb: {  	s24 =	sld [smem:$0x7EB]  }
0xfc: {  	s26 =	sld [smem:$0x7E9]  }
0xfd: {  	s28 =	sld [smem:$0x7E8]  }
0xfe: {  	s29 =	sld [smem:$0x7E7]  }
0xff: {  	s1 =	sld [smem:$0x7E6]  }
0x100: {  	s0 =	rddreg [dreg:$0x1e]  }
0x101: {  	s31 =	rddreg [dreg:$0x1f]  }
0x102: {  	s9 =	rddreg [dreg:$0x4]  }
0x103: {  	[sflag:s25] =	ssyncset.done $0x0;
	[smem:$0x7E0] =	sst s2  }
0x104: {  	[sflag:s25] =	ssyncadd.s32 $0xFFFFF980;
	s25 =	sld [smem:$0x7EA]  }
0x105: {  	s2 =	rddreg [dreg:$0x2]  }
0x106: {  	[smem:$0x7DF] =	sst s3  }
0x107: {  	[smem:$0x7DD] =	sst s5  }
0x108: {  	[smem:$0x7DE] =	sst s6  }
0x109: {  	[smem:$0x7DC] =	sst s7  }
0x10a: {  	s5 =	sld [smem:$0x7E5]  }
0x10b: {  	s7 =	sld [smem:$0x7E4]  }
0x10c: {  	s6 =	rddreg [dreg:$0x3];
	s3 =	simm.s32 $0x680  }
0x10d: {  	[tilespmem:s3], [sflag:$0x1] =	stream.indirect.gather [hbm4b:s2+s4], $0x1, s8, s4, $0xb8;
	[tilespmem:$0xD00] =	vst v63  }
0x10e: {  	s8 =	sld [smem:$0x7E3]  }
0x10f: {  	s3 =	rddreg [dreg:$0x5]  }
0x110: {  	[tilespmem:s0], [sflag:$0x1] =	stream.indirect.gather [hbm4b:s6+s4], $0x1, s4, s4, $0xb8;
	[tilespmem:$0xD00] =	vst v63  }
0x111: {  	s2 =	rddreg [dreg:$0x8]  }
0x112: {  	[tilespmem:s8], [sflag:$0x1] =	stream.indirect.gather [hbm4b:s9+s4], $0x1, s31, s4, $0xb8;
	[tilespmem:$0xD00] =	vst v63  }
0x113: {  	s8 =	rddreg [dreg:$0x6]  }
0x114: {  	s9 =	rddreg [dreg:$0x7]  }
0x115: {  	[tilespmem:s5], [sflag:$0x1] =	stream.indirect.gather [hbm4b:s3+s4], $0x1, s7, s4, $0xb8;
	[tilespmem:$0xD00] =	vst v63  }
0x116: {  	s3 =	rddreg [dreg:$0x9]  }
0x117: {  	[tilespmem:s29], [sflag:$0x1] =	stream.indirect.gather [hbm4b:s8+s4], $0x1, s1, s4, $0xb8;
	[tilespmem:$0xD00] =	vst v63  }
0x118: {  	s5 =	rddreg [dreg:$0xa]  }
0x119: {  	[tilespmem:s26], [sflag:$0x1] =	stream.indirect.gather [hbm4b:s9+s4], $0x1, s28, s4, $0xb8;
	[tilespmem:$0xD00] =	vst v63  }
0x11a: {  	s8 =	rddreg [dreg:$0xb]  }
0x11b: {  	[tilespmem:s24], [sflag:$0x1] =	stream.indirect.gather [hbm4b:s2+s4], $0x1, s25, s4, $0xb8;
	[tilespmem:$0xD00] =	vst v63  }
0x11c: {  	s1 =	rddreg [dreg:$0x10]  }
0x11d: {  	[tilespmem:s22], [sflag:$0x1] =	stream.indirect.gather [hbm4b:s3+s4], $0x1, s23, s4, $0xb8;
	[tilespmem:$0xD00] =	vst v63  }
0x11e: {  	s9 =	rddreg [dreg:$0xc]  }
0x11f: {  	[tilespmem:s20], [sflag:$0x1] =	stream.indirect.gather [hbm4b:s5+s4], $0x1, s21, s4, $0xb8;
	[tilespmem:$0xD00] =	vst v63  }
0x120: {  	s2 =	rddreg [dreg:$0xd]  }
0x121: {  	[tilespmem:s18], [sflag:$0x1] =	stream.indirect.gather [hbm4b:s8+s4], $0x1, s19, s4, $0xb8;
	[tilespmem:$0xD00] =	vst v63  }
0x122: {  	s3 =	rddreg [dreg:$0xe]  }
0x123: {  	[tilespmem:s16], [sflag:$0x1] =	stream.indirect.gather [hbm4b:s9+s4], $0x1, s17, s4, $0xb8;
	[tilespmem:$0xD00] =	vst v63  }
0x124: {  	s5 =	rddreg [dreg:$0xf]  }
0x125: {  	[tilespmem:s14], [sflag:$0x1] =	stream.indirect.gather [hbm4b:s2+s4], $0x1, s15, s4, $0xb8;
	[tilespmem:$0xD00] =	vst v63  }
0x126: {  	s8 =	sld [smem:$0x7DC]  }
0x127: {  	[tilespmem:s12], [sflag:$0x1] =	stream.indirect.gather [hbm4b:s3+s4], $0x1, s13, s4, $0xb8;
	[tilespmem:$0xD00] =	vst v63  }
0x128: {  	s3 =	sld [smem:$0x7DD]  }
0x129: {  	[tilespmem:s8], [sflag:$0x1] =	stream.indirect.gather [hbm4b:s5+s4], $0x1, s11, s4, $0xb8;
	[tilespmem:$0xD00] =	vst v63  }
0x12a: {  	s5 =	sld [smem:$0x7DE]  }
0x12b: {  	s9 =	rddreg [dreg:$0x11]  }
0x12c: {  	s8 =	sld [smem:$0x7DF]  }
0x12d: {  	[tilespmem:s3], [sflag:$0x1] =	stream.indirect.gather [hbm4b:s1+s4], $0x1, s5, s4, $0xb8;
	[tilespmem:$0xD00] =	vst v63  }
0x12e: {  	s6 =	simm.s32 $0xA40;
	s3 =	sld [smem:$0x7E0]  }
0x12f: {  	[tilespmem:s6], [sflag:$0x1] =	stream.indirect.gather [hbm4b:s9+s4], $0x1, s8, s4, $0xb8;
	[tilespmem:$0xD00] =	vst v63  }
0x130: {  	s7 =	simm.s32 $0x400;
	s11 =	simm.s32 $0xA80  }
0x131: {  	[tilespmem:s11], [sflag:$0x1] =	stream.indirect.gather [hbm4b:s3+s4], $0x1, s7, s4, $0xb8;
	[tilespmem:$0xD00] =	vst v63  }
0x132: {  	s13 =	simm.s32 $0xAC0;
	s12 =	simm.s32 $0x440;
	s1 =	rddreg [dreg:$0x13]  }
0x133: {  	[tilespmem:s13], [sflag:$0x1] =	stream.indirect.gather [hbm4b:s1+s4], $0x1, s12, s4, $0xb8;
	[tilespmem:$0xD00] =	vst v63  }
0x134: {  	s15 =	simm.s32 $0xB00;
	s14 =	simm.s32 $0x480;
	s9 =	rddreg [dreg:$0x14]  }
0x135: {  	[tilespmem:s15], [sflag:$0x1] =	stream.indirect.gather [hbm4b:s9+s4], $0x1, s14, s4, $0xb8;
	[tilespmem:$0xD00] =	vst v63  }
0x136: {  	s17 =	simm.s32 $0xB40;
	s16 =	simm.s32 $0x4C0;
	s5 =	rddreg [dreg:$0x15]  }
0x137: {  	[tilespmem:s17], [sflag:$0x1] =	stream.indirect.gather [hbm4b:s5+s4], $0x1, s16, s4, $0xb8;
	[tilespmem:$0xD00] =	vst v63  }
0x138: {  	s19 =	simm.s32 $0xB80;
	s18 =	simm.s32 $0x500;
	s8 =	rddreg [dreg:$0x16]  }
0x139: {  	[tilespmem:s19], [sflag:$0x1] =	stream.indirect.gather [hbm4b:s8+s4], $0x1, s18, s4, $0xb8;
	[tilespmem:$0xD00] =	vst v63  }
0x13a: {  	s21 =	simm.s32 $0xBC0;
	s20 =	simm.s32 $0x540;
	s9 =	rddreg [dreg:$0x17]  }
0x13b: {  	[tilespmem:s21], [sflag:$0x1] =	stream.indirect.gather [hbm4b:s9+s4], $0x1, s20, s4, $0xb8;
	[tilespmem:$0xD00] =	vst v63  }
0x13c: {  	s23 =	simm.s32 $0xC00;
	s22 =	simm.s32 $0x580;
	s3 =	rddreg [dreg:$0x18]  }
0x13d: {  	[tilespmem:s23], [sflag:$0x1] =	stream.indirect.gather [hbm4b:s3+s4], $0x1, s22, s4, $0xb8;
	[tilespmem:$0xD00] =	vst v63  }
0x13e: {  	s25 =	simm.s32 $0xC40;
	s24 =	simm.s32 $0x5C0;
	s5 =	rddreg [dreg:$0x19]  }
0x13f: {  	[tilespmem:s25], [sflag:$0x1] =	stream.indirect.gather [hbm4b:s5+s4], $0x1, s24, s4, $0xb8;
	[tilespmem:$0xD00] =	vst v63  }
0x140: {  	s28 =	simm.s32 $0xC80;
	s26 =	simm.s32 $0x600;
	s8 =	rddreg [dreg:$0x1a]  }
0x141: {  	[tilespmem:s28], [sflag:$0x1] =	stream.indirect.gather [hbm4b:s8+s4], $0x1, s26, s4, $0xb8;
	[tilespmem:$0xD00] =	vst v63  }
0x142: {  	s31 =	simm.s32 $0xCC0;
	s29 =	simm.s32 $0x640;
	s9 =	rddreg [dreg:$0x1b]  }
0x143: {  	[tilespmem:s31], [sflag:$0x1] =	stream.indirect.gather [hbm4b:s9+s4], $0x1, s29, s4, $0xb8;
	[tilespmem:$0xD00] =	vst v63  }
0x144: {  	s1 =	sld [smem:$0x7E1];
	_ =	swait.ge [sflag:s30], $0x40  }
0x145: {  	[sflag:s30] =	ssyncset.done $0x0  }
0x146: {  	[sflag:s30] =	ssyncadd.s32 $0xFFFFFFC0  }
0x147: {  	_ =	swait.ge [sflag:s30], $0x40  }
0x148: {  	[sflag:s30] =	ssyncset.done $0x0  }
0x149: {  	[sflag:s30] =	ssyncadd.s32 $0xFFFFFFC0  }
0x14a: {  	_ =	swait.ge [sflag:s30], $0x40  }
0x14b: {  	[sflag:s30] =	ssyncset.done $0x0  }
0x14c: {  	[sflag:s30] =	ssyncadd.s32 $0xFFFFFFC0  }
0x14d: {  	_ =	swait.ge [sflag:s30], $0x40  }
0x14e: {  	[sflag:s30] =	ssyncset.done $0x0  }
0x14f: {  	[sflag:s30] =	ssyncadd.s32 $0xFFFFFFC0  }
0x150: {  	_ =	swait.ge [sflag:s30], $0x40  }
0x151: {  	[sflag:s30] =	ssyncset.done $0x0  }
0x152: {  	[sflag:s30] =	ssyncadd.s32 $0xFFFFFFC0  }
0x153: {  	_ =	swait.ge [sflag:s30], $0x40  }
0x154: {  	[sflag:s30] =	ssyncset.done $0x0  }
0x155: {  	[sflag:s30] =	ssyncadd.s32 $0xFFFFFFC0  }
0x156: {  	_ =	swait.ge [sflag:s30], $0x40  }
0x157: {  	[sflag:s30] =	ssyncset.done $0x0  }
0x158: {  	[sflag:s30] =	ssyncadd.s32 $0xFFFFFFC0  }
0x159: {  	_ =	swait.ge [sflag:s30], $0x40  }
0x15a: {  	[sflag:s30] =	ssyncset.done $0x0  }
0x15b: {  	[sflag:s30] =	ssyncadd.s32 $0xFFFFFFC0  }
0x15c: {  	_ =	swait.ge [sflag:s30], $0x40  }
0x15d: {  	[sflag:s30] =	ssyncset.done $0x0  }
0x15e: {  	[sflag:s30] =	ssyncadd.s32 $0xFFFFFFC0  }
0x15f: {  	_ =	swait.ge [sflag:s30], $0x40  }
0x160: {  	[sflag:s30] =	ssyncset.done $0x0  }
0x161: {  	[sflag:s30] =	ssyncadd.s32 $0xFFFFFFC0  }
0x162: {  	_ =	swait.ge [sflag:s30], $0x40  }
0x163: {  	[sflag:s30] =	ssyncset.done $0x0  }
0x164: {  	[sflag:s30] =	ssyncadd.s32 $0xFFFFFFC0  }
0x165: {  	_ =	swait.ge [sflag:s30], $0x40  }
0x166: {  	[sflag:s30] =	ssyncset.done $0x0  }
0x167: {  	[sflag:s30] =	ssyncadd.s32 $0xFFFFFFC0  }
0x168: {  	_ =	swait.ge [sflag:s30], $0x40  }
0x169: {  	[sflag:s30] =	ssyncset.done $0x0  }
0x16a: {  	[sflag:s30] =	ssyncadd.s32 $0xFFFFFFC0  }
0x16b: {  	_ =	swait.ge [sflag:s30], $0x40  }
0x16c: {  	[sflag:s30] =	ssyncset.done $0x0  }
0x16d: {  	[sflag:s30] =	ssyncadd.s32 $0xFFFFFFC0  }
0x16e: {  	_ =	swait.ge [sflag:s30], $0x40  }
0x16f: {  	[sflag:s30] =	ssyncset.done $0x0  }
0x170: {  	[sflag:s30] =	ssyncadd.s32 $0xFFFFFFC0  }
0x171: {  	_ =	swait.ge [sflag:s30], $0x40  }
0x172: {  	[sflag:s30] =	ssyncset.done $0x0  }
0x173: {  	[sflag:s30] =	ssyncadd.s32 $0xFFFFFFC0  }
0x174: {  	_ =	swait.ge [sflag:s30], $0x40  }
0x175: {  	p0 =	sne.s32 s10, $0x38;
	[sflag:s30] =	ssyncset.done $0x0  }
.Ltmp0:
0x176: {  	[sflag:s30] =	ssyncadd.s32 $0xFFFFFFC0;
	(pc) =	sbr.rel @p0 .LBB2_2-.Ltmp0, $4  }
0x177: {  	_ =	swait.ge [sflag:s30], $0x40  }
0x178: {  	[sflag:s30] =	ssyncset.done $0x0  }
0x179: {  	[sflag:s30] =	ssyncadd.s32 $0xFFFFFFC0  }
0x17a: {  	s10 =	sadd.s32 $0x8, s10;
	_ =	swait.ge [sflag:s30], $0x40  }
0x17b: {  	[sflag:s30] =	ssyncset.done $0x0  }
0x17c: {  	[sflag:s30] =	ssyncadd.s32 $0xFFFFFFC0  }
0x17d: {  	_ =	swait.ge [sflag:s30], $0x40  }
0x17e: {  	[sflag:s30] =	ssyncset.done $0x0  }
0x17f: {  	[sflag:s30] =	ssyncadd.s32 $0xFFFFFFC0  }
0x180: {  	_ =	swait.ge [sflag:s30], $0x40  }
0x181: {  	[sflag:s30] =	ssyncset.done $0x0  }
0x182: {  	[sflag:s30] =	ssyncadd.s32 $0xFFFFFFC0  }
0x183: {  	_ =	swait.ge [sflag:s30], $0x40  }
0x184: {  	[sflag:s30] =	ssyncset.done $0x0  }
0x185: {  	[sflag:s30] =	ssyncadd.s32 $0xFFFFFFC0  }
0x186: {  	_ =	swait.ge [sflag:s30], $0x40  }
0x187: {  	[sflag:s30] =	ssyncset.done $0x0  }
0x188: {  	[sflag:s30] =	ssyncadd.s32 $0xFFFFFFC0  }
0x189: {  	_ =	swait.ge [sflag:s30], $0x40  }
0x18a: {  	[sflag:s30] =	ssyncset.done $0x0  }
0x18b: {  	[sflag:s30] =	ssyncadd.s32 $0xFFFFFFC0  }
0x18c: {  	_ =	swait.ge [sflag:s30], $0x40  }
0x18d: {  	[sflag:s30] =	ssyncset.done $0x0  }
0x18e: {  	[sflag:s30] =	ssyncadd.s32 $0xFFFFFFC0  }
0x18f: {  	s5 =	simm.s32 $0x4000;
	_ =	swait.ge [sflag:s30], $0x40  }
0x190: {  	s2 =	simm.s32 $0x680;
	s0 =	rddreg [dreg:$0x1c];
	[sflag:s30] =	ssyncset.done $0x0  }
0x191: {  	s8 =	simm.s32 $0x2;
	[sflag:s30] =	ssyncadd.s32 $0xFFFFFFC0;
	s0 =	sadd.s32 s1, s0  }
0x192: {  	[hbm4b:s0+s4] =	stream.strided.scatter [tilespmem:s2], [sflag:$0x2], $0x680, s5, s4, $0x38;
	[tilespmem:$0xD00] =	vst v63  }
0x193: {  	_ =	swait.ge [sflag:s8], $0x680  }
0x194: {  	s9 =	sld [smem:$0x7E2]  }
0x195: {  	s10 =	sld [smem:$0x7F7];
	_ =	sdelay $0x1  }
0x196: {  	s2 =	sadd.s32 $0x1, s9  }
0x197: {  	p0 =	sne.s32 s2, s10  }
.Ltmp1:
0x198: {  	_ = 	snop;
	(pc) =	sbr.rel @p0 .LBB2_1-.Ltmp1, $3  }
0x199: {  	_ =	sdelay $0x1  }
0x19a: {  	[sflag:s8] =	ssyncset.done $0x0  }
0x19b: {  	s1 =	simm.s32 $0x0;
	[sflag:s8] =	ssyncadd.s32 $0xFFFFF980  }
0x19c: {  	_ =	sfence.sel $0x180000  }
0x19d: {  	[bflag:$0x0] =	sbarrier.arrive $0xFFFF  }
0x19e: {  	_ =	strace $0x9000004A  }
0x19f: {  	s0 =	stileid.u32;
	[bflag:$0x2] =	sbarrier.arrive $0xFFFF  }
0x1a0: {  	p0 =	sne.s32 s0, $0x0;
	s0 =	rddreg [dreg:$0x1]  }
0x1a1: {  	s0 =	sadd.s32 @!p0 $0x100000, s0  }
0x1a2: {  	[sflag:s0] =	ssyncadd.tile.s32 @!p0 $0x1;
	_ =	shalt  }
.Lfunc_end2:
_tile_overlayer_lowered:
.L_overlay_start_2:
0x1a3: {  	(tag) =	ssettag $0x2  }
0x1a4: {  	s0 =	rddreg [dreg:$0x0];
	s2 =	stileid.u32  }
0x1a5: {  	s1 =	rddreg [dreg:$0x1];
	p0 =	sne.s32 s2, $0x0  }
0x1a6: {  	s3 =	rddreg [dreg:$0x2];
	[bflag:$0x3] =	sbarrier.arrive $0xFFFF;
	s2 =	simm.s32 @!p0 $0x1C02  }
0x1a7: {  	[timem:s3], [sflag:s2] =	dma.local @!p0 [hbm:s0], s1  }
0x1a8: {  	s0 =	simm.s32 @!p0 $0x2  }
0x1a9: {  	_ =	swait.ge @!p0 [sflag:s0], s1  }
0x1aa: {  	s1 =	ssub.s32 @!p0 $0x0, s1;
	[sflag:s0] =	ssyncset.done @!p0 $0x0  }
0x1ab: {  	[sflag:s0] =	ssyncadd.s32 @!p0 s1  }
0x1ac: {  	[bflag:$0x3] =	sbarrier.arrive $0xFFFF  }
0x1ad: {  	_ =	shalt  }

// kernel: kernel.7.cloned.1.call-start
scs
__scs_entry_jumppad:
0x0: {  	(pc) =	sbr.rel $0x88, $3  }
0x1: {  	(tag) =	ssettag $0x0;
	lr =	simm.s32 $0x1  }
0x2: {  	[smem:$0x3F94] =	sst lr;
	_ =	strace $0xD0000000  }
0x3: {  	_ = 	snop  }
0x4: {  	_ = 	snop  }
0x5: {  	_ = 	snop  }
0x6: {  	_ = 	snop  }
0x7: {  	_ = 	snop  }
__scs_overlays_trampoline_lowered:
0x8: {  	[smem:$0x3FA3] =	sst s0  }
0x9: {  	[smem:$0x3FA4] =	sst s1  }
0xa: {  	[smem:$0x3FA5] =	sst s2  }
0xb: {  	[smem:$0x3FA6] =	sst s3  }
0xc: {  	[smem:$0x3FA7] =	sst s4  }
0xd: {  	[smem:$0x3FA8] =	sst s5  }
0xe: {  	[smem:$0x3FA9] =	sst s6  }
0xf: {  	[smem:$0x3FAA] =	sst s7  }
0x10: {  	[smem:$0x3FAB] =	sst s8  }
0x11: {  	[smem:$0x3FAC] =	sst s9;
	s0 =	simm.s32 @!p0 $0x0  }
0x12: {  	s1 =	sld [smem:$0x3F92];
	s0 =	simm.s32 @p0 $0x1  }
0x13: {  	[smem:$0x3FAD] =	sst s0;
	s0 =	simm.s32 @!p1 $0x0  }
0x14: {  	s2 =	sld [smem:$0x3F91];
	s0 =	simm.s32 @p1 $0x1  }
0x15: {  	[smem:$0x3FAE] =	sst s0;
	s0 =	simm.s32 @!p2 $0x0  }
0x16: {  	s3 =	sld [smem:$0x3FDB];
	s0 =	simm.s32 @p2 $0x1  }
0x17: {  	s4 =	simm.s32 $0x1BF5;
	[smem:$0x3FB0] =	sst s0  }
0x18: {  	s0 =	sld [smem:$0x3F93];
	_ =	swait.ge [sflag:s4], $0x0  }
0x19: {  	s7 =	sld [smem:$0x3F94]  }
0x1a: {  	s8 =	sadd.s32 $0xFFFFE003, lr  }
0x1b: {  	s9 =	sadd.s32 $0xFFFFFEF7, lr;
	s5 =	simm.s32 $0xFFFFFFFF;
	p2 =	slt.u32 s8, $0xFFFFF086  }
0x1c: {  	p1 =	slt.u32 s9, $0xF7A;
	s5 =	simm.s32 @!p2 $0x0  }
0x1d: {  	s5 =	simm.s32 @p1 $0x1;
	p0 =	seq.s32 s7, s2  }
0x1e: {  	s7 =	smul.u32 @!p0 $0xF7A, s2;
	p2 =	seq.s32 @!p0 s5, $0x0  }
0x1f: {  	s9 =	smul.u32 $0xF7A, s1;
	s8 =	simm.s32 @!p0 $0x1BF5;
	p2 =	por !p2, p0  }
0x20: {  	[sflag:s8] =	ssyncset.s32 @!p0 $0xFFFFF086;
	s6 =	sadd.s32 @!p0 s3, s7;
	s7 =	simm.s32 @!p0 $0x108  }
0x21: {  	s3 =	sadd.s32 s3, s9;
	s6 =	sadd.s32 @!p0 $0x88, s6;
	s7 =	simm.s32 @p2 $0x1082  }
0x22: {  	[simem:s7], [sflag:s8] =	dma.local @!p0 [hbm:s6], $0xF7A  }
0x23: {  	s9 =	sor.u32 $0xD0000000, s2;
	s6 =	simm.s32 $0x108;
	_ =	swait.ge @!p0 [sflag:s8], $0x0  }
0x24: {  	s3 =	sadd.s32 $0x88, s3;
	s6 =	simm.s32 @!p1 $0x1082;
	[sflag:s4] =	ssyncset.s32 $0xFFFFF086  }
0x25: {  	[simem:s6], [sflag:s4] =	dma.local [hbm:s3], $0xF7A  }
0x26: {  	[smem:$0x3F94] =	sst s1;
	(tag) =	ssettag s2;
	_ =	strace s9  }
0x27: {  	s1 =	sld [smem:$0x3FA4]  }
0x28: {  	s2 =	sld [smem:$0x3FA5]  }
0x29: {  	s4 =	sld [smem:$0x3FA7]  }
0x2a: {  	p0 =	seq.s32 s5, $0x0;
	s5 =	sld [smem:$0x3FA8]  }
0x2b: {  	s6 =	sld [smem:$0x3FA9]  }
0x2c: {  	s7 =	sld [smem:$0x3FAA]  }
0x2d: {  	s3 =	simm.s32 $0x108;
	s8 =	sld [smem:$0x3FAB]  }
0x2e: {  	s3 =	simm.s32 @!p0 $0x1082;
	s9 =	sld [smem:$0x3FAC]  }
0x2f: {  	lr =	sadd.s32 s0, s3;
	s0 =	sld [smem:$0x3FA3]  }
0x30: {  	s3 =	sld [smem:$0x3FA6]  }
0x31: {  	[smem:$0x3FAF] =	sst s10  }
0x32: {  	s10 =	sld [smem:$0x3FAD];
	_ =	sdelay $0x3  }
0x33: {  	p0 =	seq.s32 s10, $0x1;
	s10 =	sld [smem:$0x3FAF];
	_ =	sdelay $0x3  }
0x34: {  	[smem:$0x3FAF] =	sst s10  }
0x35: {  	s10 =	sld [smem:$0x3FAE];
	_ =	sdelay $0x3  }
0x36: {  	p1 =	seq.s32 s10, $0x1;
	s10 =	sld [smem:$0x3FAF];
	_ =	sdelay $0x3  }
0x37: {  	[smem:$0x3FAF] =	sst s10  }
0x38: {  	s10 =	sld [smem:$0x3FB0]  }
0x39: {  	_ = 	snop;
	(pc) =	sbr.ind lr, $3  }
0x3a: {  	_ = 	snop  }
0x3b: {  	_ = 	snop  }
0x3c: {  	p2 =	seq.s32 s10, $0x1;
	s10 =	sld [smem:$0x3FAF]  }
0x3d: {  	_ =	shalt  }
0x3e: {  	_ =	shalt  }
0x3f: {  	_ =	shalt  }
0x40: {  	_ =	shalt  }
0x41: {  	_ =	shalt  }
0x42: {  	_ =	shalt  }
0x43: {  	_ =	shalt  }
0x44: {  	_ =	shalt  }
0x45: {  	_ =	shalt  }
0x46: {  	_ =	shalt  }
0x47: {  	_ =	shalt  }
0x48: {  	_ =	shalt  }
0x49: {  	_ =	shalt  }
0x4a: {  	_ =	shalt  }
0x4b: {  	_ =	shalt  }
0x4c: {  	_ =	shalt  }
0x4d: {  	_ =	shalt  }
0x4e: {  	_ =	shalt  }
0x4f: {  	_ =	shalt  }
0x50: {  	_ =	shalt  }
0x51: {  	_ =	shalt  }
0x52: {  	_ =	shalt  }
0x53: {  	_ =	shalt  }
0x54: {  	_ =	shalt  }
0x55: {  	_ =	shalt  }
0x56: {  	_ =	shalt  }
0x57: {  	_ =	shalt  }
0x58: {  	_ =	shalt  }
0x59: {  	_ =	shalt  }
0x5a: {  	_ =	shalt  }
0x5b: {  	_ =	shalt  }
0x5c: {  	_ =	shalt  }
0x5d: {  	_ =	shalt  }
0x5e: {  	_ =	shalt  }
0x5f: {  	_ =	shalt  }
0x60: {  	_ =	shalt  }
0x61: {  	_ =	shalt  }
0x62: {  	_ =	shalt  }
0x63: {  	_ =	shalt  }
0x64: {  	_ =	shalt  }
0x65: {  	_ =	shalt  }
0x66: {  	_ =	shalt  }
0x67: {  	_ =	shalt  }
0x68: {  	_ =	shalt  }
0x69: {  	_ =	shalt  }
0x6a: {  	_ =	shalt  }
0x6b: {  	_ =	shalt  }
0x6c: {  	_ =	shalt  }
0x6d: {  	_ =	shalt  }
0x6e: {  	_ =	shalt  }
0x6f: {  	_ =	shalt  }
0x70: {  	_ =	shalt  }
0x71: {  	_ =	shalt  }
0x72: {  	_ =	shalt  }
0x73: {  	_ =	shalt  }
0x74: {  	_ =	shalt  }
0x75: {  	_ =	shalt  }
0x76: {  	_ =	shalt  }
0x77: {  	_ =	shalt  }
0x78: {  	_ =	shalt  }
0x79: {  	_ =	shalt  }
0x7a: {  	_ =	shalt  }
0x7b: {  	_ =	shalt  }
0x7c: {  	_ =	shalt  }
0x7d: {  	_ =	shalt  }
0x7e: {  	_ =	shalt  }
0x7f: {  	_ =	shalt  }
0x80: {  	_ =	shalt  }
0x81: {  	_ =	shalt  }
0x82: {  	_ =	shalt  }
0x83: {  	_ =	shalt  }
0x84: {  	_ =	shalt  }
0x85: {  	_ =	shalt  }
0x86: {  	_ =	shalt  }
0x87: {  	_ =	shalt  }
.Lfunc_end0:
.L_simem_size_0:
called_computation_lowered:
.L_overlay_start_0:
0x88: {  	s2 =	sld [smem:$0x3FD9]  }
0x89: {  	s3 =	sld [smem:$0x3FFE];
	_ =	sdelay $0x1  }
0x8a: {  	s1 =	srdreg.scid  }
0x8b: {  	s0 =	sand.u32 $0x1, s1  }
0x8c: {  	s16 =	sshll.u32 s0, $0xA;
	s2 =	sadd.s32 s3, s2  }
0x8d: {  	s2 =	sadd.s32 s2, s16  }
0x8e: {  	[smem:$0x3FBB] =	sst s2  }
0x8f: {  	_ = 	snop  }
0x90: {  	(tm) =	ssettm $0x1  }
0x91: {  	s17 =	sld [smem:$0x3FFB];
	_ =	sdelay $0x3  }
0x92: {  	_ =	strace s17  }
0x93: {  	s2 =	sld [smem:$0x3FFC];
	_ =	sdelay $0x3  }
0x94: {  	_ =	strace s2  }
0x95: {  	s2 =	sld [smem:$0x3FFD];
	_ =	sdelay $0x3  }
0x96: {  	_ =	strace s2  }
0x97: {  	_ =	strace $0x8FFFFFFF  }
0x98: {  	s18 =	sld [smem:$0x3FDB];
	_ =	sdelay $0x1  }
0x99: {  	s19 =	simm.s32 $_scs_section_size  }
0x9a: {  	s4 =	simm.s32 $_size__tile_overlayer_lowered;
	s5 =	simm.s32 $_tile_overlayer_lowered  }
0x9b: {  	s22 =	simm.s32 $0x1BFF;
	s21 =	sshll.u32 s5, $0x1;
	s2 =	sadd.s32 s19, s18  }
0x9c: {  	s6 =	simm.s32 $0x0;
	s20 =	sshll.u32 s4, $0x1;
	s4 =	sadd.s32 s21, s2  }
0x9d: {  	[timem:s6], [sflag:s22] =	dma.local [hbm:s4], s20  }
0x9e: {  	_ =	swait.ge [sflag:s22], s20  }
0x9f: {  	s3 =	ssub.s32 $0x0, s20;
	[sflag:s22] =	ssyncset.done $0x0  }
0xa0: {  	[sflag:s22] =	ssyncadd.s32 s3;
	_ =	sdelay $0x1  }
0xa1: {  	s23 =	simm.s32 $0x1B8B  }
0xa2: {  	_ =	swait.ge [sflag:s23], $0x1  }
0xa3: {  	[sflag:s23] =	ssyncset.done $0x0  }
0xa4: {  	s25 =	simm.s32 $0x1B8E;
	s24 =	sld [smem:$0x3FFE];
	[sflag:s23] =	ssyncadd.s32 $0xFFFFFFFF  }
0xa5: {  	s26 =	simm.s32 $execute0_lowered;
	[smem:$0x3FD2] =	sst s25  }
0xa6: {  	s4 =	sshll.u32 s26, $0x1;
	_ =	strace $0x80000046;
	[dreg:$0x1] =	wrdreg $0xFFFFFFFF  }
0xa7: {  	s28 =	simm.s32 $_size_execute0_lowered;
	s2 =	sadd.s32 s2, s4;
	[dreg:$0x0] =	wrdreg $0x0  }
0xa8: {  	s4 =	sshll.u32 s28, $0x1;
	[dreg:$0x2] =	wrdreg s2  }
0xa9: {  	[dreg:$0x3] =	wrdreg s4  }
0xaa: {  	[dreg:$0x4] =	wrdreg $0xC0  }
0xab: {  	_ =	task [dreg:s6], $0x5FFFF  }
0xac: {  	[dreg:$0x1] =	wrdreg $0xFFFFFFFF  }
0xad: {  	[dreg:$0x0] =	wrdreg $0x60  }
0xae: {  	[dreg:$0x2] =	wrdreg s24  }
0xaf: {  	[dreg:$0x3] =	wrdreg $0x9  }
0xb0: {  	_ =	task.clear_ibuf [dreg:s6], $0x4FFFF;
	_ =	strace $0x90000046  }
0xb1: {  	s29 =	simm.s32 $0x9;
	_ =	strace $0x80000048  }
0xb2: {  	_ =	swait.ge [sflag:s29], $0x1  }
0xb3: {  	[sflag:s29] =	ssyncadd.s32 $0xFFFFFFFF  }
0xb4: {  	_ =	strace $0x90000048  }
0xb5: {  	_ =	sfence  }
0xb6: {  	s30 =	sld [smem:$0x0];
	_ =	sdelay $0x2  }
0xb7: {  	s31 =	sshll.u32 s1, $0xD;
	s1 =	sshrl.u32 s1, $0x2  }
0xb8: {  	s3 =	sand.u32 $0x4000, s31;
	s1 =	sadd.s32 s1, s30  }
0xb9: {  	s0 =	sor.u32 s3, s0;
	s1 =	sshll.u32 s1, $0x11  }
0xba: {  	s0 =	sor.u32 s1, s0  }
0xbb: {  	s0 =	sadd.s32 $0x8F2B, s0  }
0xbc: {  	[sflag:s0] =	ssyncadd.remote.s32 $0x1  }
0xbd: {  	_ =	sfence.sel $0xFFFF  }
0xbe: {  	[dreg:$0x0] =	wrdreg $0xFFFFFFFF;
	(pc) =	sbr.abs _section_cstart, $3  }
0xbf: {  	[dreg:$0x1] =	wrdreg $0xFFFFFFFF  }
0xc0: {  	_ =	task.clear_ibuf [dreg:s6], $0x2FFFF;
	_ =	strace $0x9FFFFFFF  }
0xc1: {  	(tm) =	ssettm $0x7FFFFFFF  }
tec
execute0_lowered:
.L_overlay_start_1:
0x0: {  	(tag) =	ssettag $0x1  }
0x1: {  	s1 =	rddreg [dreg:$0x0];
	s6 =	simm.s32 $0x0  }
0x2: {  	s31 =	simm.s32 $0x4000;
	[smem:$0x7FF] =	sst s6  }
0x3: {  	s8 =	simm.s32 $0x100;
	_ =	strace $0x80000047;
	[dreg:$0x3] =	wrdreg s31  }
0x4: {  	s9 =	simm.s32 $0x140;
	[dreg:$0x6] =	wrdreg s8  }
0x5: {  	s10 =	simm.s32 $0x180;
	[dreg:$0x7] =	wrdreg s9  }
0x6: {  	s11 =	simm.s32 $0x1C0;
	[dreg:$0x8] =	wrdreg s10  }
0x7: {  	s12 =	simm.s32 $0x200;
	[dreg:$0x9] =	wrdreg s11  }
0x8: {  	s13 =	simm.s32 $0x240;
	[dreg:$0xa] =	wrdreg s12  }
0x9: {  	s15 =	simm.s32 $0x280;
	[dreg:$0xb] =	wrdreg s13  }
0xa: {  	s16 =	simm.s32 $0x2C0;
	[dreg:$0xc] =	wrdreg s15  }
0xb: {  	s17 =	simm.s32 $0x300;
	[dreg:$0xd] =	wrdreg s16  }
0xc: {  	s18 =	simm.s32 $0x340;
	[dreg:$0xe] =	wrdreg s17  }
0xd: {  	s19 =	simm.s32 $0x380;
	[dreg:$0xf] =	wrdreg s18  }
0xe: {  	s20 =	simm.s32 $0x3C0;
	[dreg:$0x10] =	wrdreg s19  }
0xf: {  	s0 =	srdreg.scid;
	s21 =	simm.s32 $0x400;
	[dreg:$0x11] =	wrdreg s20  }
0x10: {  	s4 =	stileid.u32;
	s22 =	simm.s32 $0x440;
	[dreg:$0x12] =	wrdreg s21  }
0x11: {  	s23 =	simm.s32 $0x480;
	s24 =	simm.s32 $0x4C0;
	[dreg:$0x13] =	wrdreg s22  }
0x12: {  	s25 =	simm.s32 $0x500;
	s26 =	simm.s32 $0x540;
	[dreg:$0x14] =	wrdreg s23  }
0x13: {  	s28 =	simm.s32 $0x580;
	s29 =	simm.s32 $0x5C0;
	[dreg:$0x15] =	wrdreg s24  }
0x14: {  	s0 =	sand.u32 $0x1, s0;
	s2 =	smul.u32 $0xD000, s4;
	[dreg:$0x16] =	wrdreg s25  }
0x15: {  	s4 =	sshll.u32 s4, $0xA;
	s3 =	smul.u32 $0x6800, s0;
	[dreg:$0x17] =	wrdreg s26  }
0x16: {  	s5 =	sshll.u32 s0, $0x9;
	s0 =	ssub.s32 $0x2, s0;
	[dreg:$0x18] =	wrdreg s28  }
0x17: {  	s9 =	simm.s32 $0x40;
	[dreg:$0x19] =	wrdreg s29;
	s31 =	simm.s32 $0x640  }
0x18: {  	s2 =	sadd.s32 s2, s1;
	s4 =	sor.u32 s5, s4;
	s5 =	simm.s32 $0xC0  }
0x19: {  	s6 =	sshrl.u32 s0, $0x1;
	[dreg:$0x1b] =	wrdreg s31;
	s2 =	sadd.s32 s3, s2  }
0x1a: {  	s30 =	sshrl.u32 s4, $0x3;
	s3 =	sadd.s32 $0x1E00, s1;
	s4 =	simm.s32 $0x80  }
0x1b: {  	[dreg:$0x5] =	wrdreg s5;
	s0 =	ssub.s32 s0, s6;
	s5 =	sadd.s32 $0x321E00, s1  }
0x1c: {  	s2 =	sadd.s32 $0x64EE00, s2;
	s7 =	sadd.s32 s30, s1;
	[dreg:$0x4] =	wrdreg s4  }
0x1d: {  	s4 =	sadd.s32 $0x191E00, s1;
	s1 =	sadd.s32 $0x4B1E00, s1;
	[dreg:$0x2] =	wrdreg s2  }
0x1e: {  	s10 =	simm.s32 $0x2;
	s0 =	smax.u32 s0, $0x1;
	[dreg:$0x1c] =	wrdreg s1  }
0x1f: {  	s12 =	simm.s32 $0x1;
	s30 =	simm.s32 $0x600;
	[dreg:$0x1d] =	wrdreg s0  }
0x20: {  	s13 =	simm.s32 $0x10;
	s14 =	sadd.s32 $0x641E00, s7;
	[dreg:$0x1a] =	wrdreg s30  }
0x21: {  	s0 =	simm.s32 $0x0;
	[dreg:$0x1e] =	wrdreg s14;
	s14 =	simm.s32 $0x1A0  }
.LBB2_1:
0x22: {  	[dreg:$0x1f] =	wrdreg s0  }
0x23: {  	s15 =	rddreg [dreg:$0x3]  }
0x24: {  	s16 =	simm.s32 $0x0;
	s17 =	rddreg [dreg:$0x1e]  }
0x25: {  	[tilespmem:s16], [sflag:$0x2] =	stream.strided.gather [hbm4b:s17+s9], $0x680, s15, s9, $0x38;
	[tilespmem:$0x6E80] =	vst v63  }
0x26: {  	_ =	swait.ge [sflag:s10], $0x680  }
0x27: {  	[sflag:s10] =	ssyncset.done $0x0  }
0x28: {  	s18 =	simm.s32 $0x680;
	[sflag:s10] =	ssyncadd.s32 $0xFFFFF980  }
0x29: {  	[tilespmem:s18], [sflag:$0x1] =	stream.indirect.gather [hbm4b:s3+s9], $0x10, s16, s9, $0xb8;
	[tilespmem:$0x6E80] =	vst v63  }
0x2a: {  	s19 =	simm.s32 $0xA80;
	s26 =	rddreg [dreg:$0x4]  }
0x2b: {  	[tilespmem:s19], [sflag:$0x1] =	stream.indirect.gather [hbm4b:s3+s9], $0x10, s9, s9, $0xb8;
	[tilespmem:$0x6E80] =	vst v63  }
0x2c: {  	s20 =	simm.s32 $0xE80;
	s28 =	rddreg [dreg:$0x5]  }
0x2d: {  	[tilespmem:s20], [sflag:$0x1] =	stream.indirect.gather [hbm4b:s3+s9], $0x10, s26, s9, $0xb8;
	[tilespmem:$0x6E80] =	vst v63  }
0x2e: {  	s21 =	simm.s32 $0x1280;
	s29 =	rddreg [dreg:$0x6]  }
0x2f: {  	[tilespmem:s21], [sflag:$0x1] =	stream.indirect.gather [hbm4b:s3+s9], $0x10, s28, s9, $0xb8;
	[tilespmem:$0x6E80] =	vst v63  }
0x30: {  	s22 =	simm.s32 $0x1680;
	s30 =	rddreg [dreg:$0x7]  }
0x31: {  	[tilespmem:s22], [sflag:$0x1] =	stream.indirect.gather [hbm4b:s3+s9], $0x10, s29, s9, $0xb8;
	[tilespmem:$0x6E80] =	vst v63  }
0x32: {  	s23 =	simm.s32 $0x1A80;
	s31 =	rddreg [dreg:$0x8]  }
0x33: {  	[tilespmem:s23], [sflag:$0x1] =	stream.indirect.gather [hbm4b:s3+s9], $0x10, s30, s9, $0xb8;
	[tilespmem:$0x6E80] =	vst v63  }
0x34: {  	s24 =	simm.s32 $0x1E80;
	s0 =	rddreg [dreg:$0x9]  }
0x35: {  	[tilespmem:s24], [sflag:$0x1] =	stream.indirect.gather [hbm4b:s3+s9], $0x10, s31, s9, $0xb8;
	[tilespmem:$0x6E80] =	vst v63  }
0x36: {  	s25 =	simm.s32 $0x2280;
	s1 =	rddreg [dreg:$0xa]  }
0x37: {  	[tilespmem:s25], [sflag:$0x1] =	stream.indirect.gather [hbm4b:s3+s9], $0x10, s0, s9, $0xb8;
	[tilespmem:$0x6E80] =	vst v63  }
0x38: {  	s2 =	rddreg [dreg:$0xb];
	s26 =	simm.s32 $0x2680  }
0x39: {  	[tilespmem:s26], [sflag:$0x1] =	stream.indirect.gather [hbm4b:s4+s9], $0x10, s1, s9, $0xb8;
	[tilespmem:$0x6E80] =	vst v63  }
0x3a: {  	s6 =	rddreg [dreg:$0xc];
	s28 =	simm.s32 $0x2A80  }
0x3b: {  	[tilespmem:s28], [sflag:$0x1] =	stream.indirect.gather [hbm4b:s4+s9], $0x10, s2, s9, $0xb8;
	[tilespmem:$0x6E80] =	vst v63  }
0x3c: {  	s7 =	rddreg [dreg:$0xd];
	s1 =	simm.s32 $0x2E80  }
0x3d: {  	[tilespmem:s1], [sflag:$0x1] =	stream.indirect.gather [hbm4b:s4+s9], $0x10, s6, s9, $0xb8;
	[tilespmem:$0x6E80] =	vst v63  }
0x3e: {  	s8 =	rddreg [dreg:$0xe];
	s0 =	simm.s32 $0x3280  }
0x3f: {  	[tilespmem:s0], [sflag:$0x1] =	stream.indirect.gather [hbm4b:s4+s9], $0x10, s7, s9, $0xb8;
	[tilespmem:$0x6E80] =	vst v63  }
0x40: {  	s11 =	rddreg [dreg:$0xf];
	s7 =	simm.s32 $0x3680  }
0x41: {  	[tilespmem:s7], [sflag:$0x1] =	stream.indirect.gather [hbm4b:s4+s9], $0x10, s8, s9, $0xb8;
	[tilespmem:$0x6E80] =	vst v63  }
0x42: {  	s15 =	rddreg [dreg:$0x16];
	s8 =	simm.s32 $0x3A80  }
0x43: {  	[tilespmem:s8], [sflag:$0x1] =	stream.indirect.gather [hbm4b:s4+s9], $0x10, s11, s9, $0xb8;
	[tilespmem:$0x6E80] =	vst v63  }
0x44: {  	s29 =	rddreg [dreg:$0x10];
	s2 =	simm.s32 $0x3E80  }
0x45: {  	[tilespmem:s2], [sflag:$0x1] =	stream.indirect.gather [hbm4b:s4+s9], $0x10, s29, s9, $0xb8;
	[tilespmem:$0x6E80] =	vst v63  }
0x46: {  	s30 =	rddreg [dreg:$0x11];
	s11 =	simm.s32 $0x4280  }
0x47: {  	[tilespmem:s11], [sflag:$0x1] =	stream.indirect.gather [hbm4b:s4+s9], $0x10, s30, s9, $0xb8;
	[tilespmem:$0x6E80] =	vst v63  }
0x48: {  	s31 =	rddreg [dreg:$0x12];
	s6 =	simm.s32 $0x4680  }
0x49: {  	[tilespmem:s6], [sflag:$0x1] =	stream.indirect.gather [hbm4b:s5+s9], $0x10, s31, s9, $0xb8;
	[tilespmem:$0x6E80] =	vst v63  }
0x4a: {  	s29 =	rddreg [dreg:$0x13];
	s30 =	simm.s32 $0x4A80  }
0x4b: {  	[tilespmem:s30], [sflag:$0x1] =	stream.indirect.gather [hbm4b:s5+s9], $0x10, s29, s9, $0xb8;
	[tilespmem:$0x6E80] =	vst v63  }
0x4c: {  	s31 =	rddreg [dreg:$0x14];
	s29 =	simm.s32 $0x4E80  }
0x4d: {  	[tilespmem:s29], [sflag:$0x1] =	stream.indirect.gather [hbm4b:s5+s9], $0x10, s31, s9, $0xb8;
	[tilespmem:$0x6E80] =	vst v63  }
0x4e: {  	s16 =	rddreg [dreg:$0x15];
	s31 =	simm.s32 $0x5280  }
0x4f: {  	[tilespmem:s31], [sflag:$0x1] =	stream.indirect.gather [hbm4b:s5+s9], $0x10, s16, s9, $0xb8;
	[tilespmem:$0x6E80] =	vst v63  }
0x50: {  	s29 =	rddreg [dreg:$0x1c];
	s31 =	simm.s32 $0x5680  }
0x51: {  	[tilespmem:s31], [sflag:$0x1] =	stream.indirect.gather [hbm4b:s5+s9], $0x10, s15, s9, $0xb8;
	[tilespmem:$0x6E80] =	vst v63  }
0x52: {  	s16 =	rddreg [dreg:$0x17];
	s31 =	simm.s32 $0x5A80  }
0x53: {  	[tilespmem:s31], [sflag:$0x1] =	stream.indirect.gather [hbm4b:s5+s9], $0x10, s16, s9, $0xb8;
	[tilespmem:$0x6E80] =	vst v63  }
0x54: {  	s15 =	rddreg [dreg:$0x18];
	s31 =	simm.s32 $0x5E80  }
0x55: {  	[tilespmem:s31], [sflag:$0x1] =	stream.indirect.gather [hbm4b:s5+s9], $0x10, s15, s9, $0xb8;
	[tilespmem:$0x6E80] =	vst v63  }
0x56: {  	s16 =	rddreg [dreg:$0x19];
	s31 =	simm.s32 $0x6280  }
0x57: {  	[tilespmem:s31], [sflag:$0x1] =	stream.indirect.gather [hbm4b:s5+s9], $0x10, s16, s9, $0xb8;
	[tilespmem:$0x6E80] =	vst v63  }
0x58: {  	s15 =	rddreg [dreg:$0x1a];
	s31 =	simm.s32 $0x6680  }
0x59: {  	[tilespmem:s31], [sflag:$0x1] =	stream.indirect.gather [hbm4b:s29+s9], $0x10, s15, s9, $0xb8;
	[tilespmem:$0x6E80] =	vst v63  }
0x5a: {  	s16 =	rddreg [dreg:$0x1b];
	s15 =	simm.s32 $0x6A80  }
0x5b: {  	[tilespmem:s15], [sflag:$0x1] =	stream.indirect.gather [hbm4b:s29+s9], $0x10, s16, s9, $0xb8;
	[tilespmem:$0x6E80] =	vst v63  }
0x5c: {  	_ =	swait.ge [sflag:s12], $0x400  }
0x5d: {  	[sflag:s12] =	ssyncset.done $0x0  }
0x5e: {  	[sflag:s12] =	ssyncadd.s32 $0xFFFFFC00  }
0x5f: {  	_ =	swait.ge [sflag:s12], $0x400  }
0x60: {  	[sflag:s12] =	ssyncset.done $0x0  }
0x61: {  	[sflag:s12] =	ssyncadd.s32 $0xFFFFFC00  }
0x62: {  	_ =	swait.ge [sflag:s12], $0x400  }
0x63: {  	[sflag:s12] =	ssyncset.done $0x0  }
0x64: {  	[sflag:s12] =	ssyncadd.s32 $0xFFFFFC00  }
0x65: {  	_ =	swait.ge [sflag:s12], $0x400  }
0x66: {  	[sflag:s12] =	ssyncset.done $0x0  }
0x67: {  	[sflag:s12] =	ssyncadd.s32 $0xFFFFFC00  }
0x68: {  	_ =	swait.ge [sflag:s12], $0x400  }
0x69: {  	[sflag:s12] =	ssyncset.done $0x0  }
0x6a: {  	[sflag:s12] =	ssyncadd.s32 $0xFFFFFC00  }
0x6b: {  	_ =	swait.ge [sflag:s12], $0x400  }
0x6c: {  	[sflag:s12] =	ssyncset.done $0x0  }
0x6d: {  	[sflag:s12] =	ssyncadd.s32 $0xFFFFFC00  }
0x6e: {  	_ =	swait.ge [sflag:s12], $0x400  }
0x6f: {  	[sflag:s12] =	ssyncset.done $0x0  }
0x70: {  	[sflag:s12] =	ssyncadd.s32 $0xFFFFFC00  }
0x71: {  	_ =	swait.ge [sflag:s12], $0x400  }
0x72: {  	[sflag:s12] =	ssyncset.done $0x0  }
0x73: {  	[sflag:s12] =	ssyncadd.s32 $0xFFFFFC00  }
0x74: {  	_ =	swait.ge [sflag:s12], $0x400  }
0x75: {  	[sflag:s12] =	ssyncset.done $0x0  }
0x76: {  	[sflag:s12] =	ssyncadd.s32 $0xFFFFFC00  }
0x77: {  	_ =	swait.ge [sflag:s12], $0x400  }
0x78: {  	[sflag:s12] =	ssyncset.done $0x0  }
0x79: {  	[sflag:s12] =	ssyncadd.s32 $0xFFFFFC00  }
0x7a: {  	_ =	swait.ge [sflag:s12], $0x400  }
0x7b: {  	[sflag:s12] =	ssyncset.done $0x0  }
0x7c: {  	[sflag:s12] =	ssyncadd.s32 $0xFFFFFC00  }
0x7d: {  	_ =	swait.ge [sflag:s12], $0x400  }
0x7e: {  	[sflag:s12] =	ssyncset.done $0x0  }
0x7f: {  	[sflag:s12] =	ssyncadd.s32 $0xFFFFFC00  }
0x80: {  	_ =	swait.ge [sflag:s12], $0x400  }
0x81: {  	[sflag:s12] =	ssyncset.done $0x0  }
0x82: {  	[sflag:s12] =	ssyncadd.s32 $0xFFFFFC00  }
0x83: {  	_ =	swait.ge [sflag:s12], $0x400  }
0x84: {  	[sflag:s12] =	ssyncset.done $0x0  }
0x85: {  	[sflag:s12] =	ssyncadd.s32 $0xFFFFFC00  }
0x86: {  	_ =	swait.ge [sflag:s12], $0x400  }
0x87: {  	[sflag:s12] =	ssyncset.done $0x0  }
0x88: {  	[sflag:s12] =	ssyncadd.s32 $0xFFFFFC00  }
0x89: {  	_ =	swait.ge [sflag:s12], $0x400  }
0x8a: {  	[sflag:s12] =	ssyncset.done $0x0  }
0x8b: {  	[sflag:s12] =	ssyncadd.s32 $0xFFFFFC00  }
0x8c: {  	_ =	swait.ge [sflag:s12], $0x400  }
0x8d: {  	[sflag:s12] =	ssyncset.done $0x0  }
0x8e: {  	[sflag:s12] =	ssyncadd.s32 $0xFFFFFC00  }
0x8f: {  	_ =	swait.ge [sflag:s12], $0x400  }
0x90: {  	[sflag:s12] =	ssyncset.done $0x0  }
0x91: {  	[sflag:s12] =	ssyncadd.s32 $0xFFFFFC00  }
0x92: {  	_ =	swait.ge [sflag:s12], $0x400  }
0x93: {  	[sflag:s12] =	ssyncset.done $0x0  }
0x94: {  	[sflag:s12] =	ssyncadd.s32 $0xFFFFFC00  }
0x95: {  	_ =	swait.ge [sflag:s12], $0x400  }
0x96: {  	[sflag:s12] =	ssyncset.done $0x0  }
0x97: {  	[sflag:s12] =	ssyncadd.s32 $0xFFFFFC00  }
0x98: {  	_ =	swait.ge [sflag:s12], $0x400  }
0x99: {  	[sflag:s12] =	ssyncset.done $0x0  }
0x9a: {  	[sflag:s12] =	ssyncadd.s32 $0xFFFFFC00  }
0x9b: {  	_ =	swait.ge [sflag:s12], $0x400  }
0x9c: {  	[sflag:s12] =	ssyncset.done $0x0  }
0x9d: {  	[sflag:s12] =	ssyncadd.s32 $0xFFFFFC00  }
0x9e: {  	_ =	swait.ge [sflag:s12], $0x400  }
0x9f: {  	[sflag:s12] =	ssyncset.done $0x0  }
0xa0: {  	[sflag:s12] =	ssyncadd.s32 $0xFFFFFC00  }
0xa1: {  	_ =	swait.ge [sflag:s12], $0x400  }
0xa2: {  	[sflag:s12] =	ssyncset.done $0x0  }
0xa3: {  	[sflag:s12] =	ssyncadd.s32 $0xFFFFFC00  }
0xa4: {  	_ =	swait.ge [sflag:s12], $0x400  }
0xa5: {  	[sflag:s12] =	ssyncset.done $0x0  }
0xa6: {  	[sflag:s12] =	ssyncadd.s32 $0xFFFFFC00  }
0xa7: {  	_ =	swait.ge [sflag:s12], $0x400  }
0xa8: {  	s16 =	rddreg [dreg:$0x2];
	[sflag:s12] =	ssyncset.done $0x0  }
0xa9: {  	[sflag:s12] =	ssyncadd.s32 $0xFFFFFC00;
	s15 =	sadd.s32 $0x0, s16  }
0xaa: {  	[hbm4b:s15+s13] =	stream.strided.scatter [tilespmem:s18], [sflag:$0x2], $0x400, s14, s13, $0x38;
	[tilespmem:$0x6E80] =	vst v63  }
0xab: {  	_ =	swait.ge [sflag:s10], $0x400  }
0xac: {  	[sflag:s10] =	ssyncset.done $0x0  }
0xad: {  	s18 =	sadd.s32 $0x2, s15;
	[sflag:s10] =	ssyncadd.s32 $0xFFFFFC00  }
0xae: {  	[hbm4b:s18+s13] =	stream.strided.scatter [tilespmem:s19], [sflag:$0x2], $0x400, s14, s13, $0x38;
	[tilespmem:$0x6E80] =	vst v63  }
0xaf: {  	_ =	swait.ge [sflag:s10], $0x400  }
0xb0: {  	[sflag:s10] =	ssyncset.done $0x0  }
0xb1: {  	s19 =	sadd.s32 $0x4, s15;
	[sflag:s10] =	ssyncadd.s32 $0xFFFFFC00  }
0xb2: {  	[hbm4b:s19+s13] =	stream.strided.scatter [tilespmem:s20], [sflag:$0x2], $0x400, s14, s13, $0x38;
	[tilespmem:$0x6E80] =	vst v63  }
0xb3: {  	_ =	swait.ge [sflag:s10], $0x400  }
0xb4: {  	[sflag:s10] =	ssyncset.done $0x0  }
0xb5: {  	s20 =	sadd.s32 $0x6, s15;
	[sflag:s10] =	ssyncadd.s32 $0xFFFFFC00  }
0xb6: {  	[hbm4b:s20+s13] =	stream.strided.scatter [tilespmem:s21], [sflag:$0x2], $0x400, s14, s13, $0x38;
	[tilespmem:$0x6E80] =	vst v63  }
0xb7: {  	_ =	swait.ge [sflag:s10], $0x400  }
0xb8: {  	[sflag:s10] =	ssyncset.done $0x0  }
0xb9: {  	s18 =	sadd.s32 $0x8, s15;
	[sflag:s10] =	ssyncadd.s32 $0xFFFFFC00  }
0xba: {  	[hbm4b:s18+s13] =	stream.strided.scatter [tilespmem:s22], [sflag:$0x2], $0x400, s14, s13, $0x38;
	[tilespmem:$0x6E80] =	vst v63  }
0xbb: {  	_ =	swait.ge [sflag:s10], $0x400  }
0xbc: {  	[sflag:s10] =	ssyncset.done $0x0  }
0xbd: {  	s19 =	sadd.s32 $0xA, s15;
	[sflag:s10] =	ssyncadd.s32 $0xFFFFFC00  }
0xbe: {  	[hbm4b:s19+s13] =	stream.strided.scatter [tilespmem:s23], [sflag:$0x2], $0x400, s14, s13, $0x38;
	[tilespmem:$0x6E80] =	vst v63  }
0xbf: {  	_ =	swait.ge [sflag:s10], $0x400  }
0xc0: {  	[sflag:s10] =	ssyncset.done $0x0  }
0xc1: {  	s20 =	sadd.s32 $0xC, s15;
	[sflag:s10] =	ssyncadd.s32 $0xFFFFFC00  }
0xc2: {  	[hbm4b:s20+s13] =	stream.strided.scatter [tilespmem:s24], [sflag:$0x2], $0x400, s14, s13, $0x38;
	[tilespmem:$0x6E80] =	vst v63  }
0xc3: {  	_ =	swait.ge [sflag:s10], $0x400  }
0xc4: {  	[sflag:s10] =	ssyncset.done $0x0  }
0xc5: {  	s21 =	sadd.s32 $0xE, s15;
	[sflag:s10] =	ssyncadd.s32 $0xFFFFFC00  }
0xc6: {  	[hbm4b:s21+s13] =	stream.strided.scatter [tilespmem:s25], [sflag:$0x2], $0x400, s14, s13, $0x38;
	[tilespmem:$0x6E80] =	vst v63  }
0xc7: {  	_ =	swait.ge [sflag:s10], $0x400  }
0xc8: {  	[sflag:s10] =	ssyncset.done $0x0  }
0xc9: {  	s22 =	sadd.s32 $0x10, s15;
	[sflag:s10] =	ssyncadd.s32 $0xFFFFFC00  }
0xca: {  	[hbm4b:s22+s13] =	stream.strided.scatter [tilespmem:s26], [sflag:$0x2], $0x400, s14, s13, $0x38;
	[tilespmem:$0x6E80] =	vst v63  }
0xcb: {  	_ =	swait.ge [sflag:s10], $0x400  }
0xcc: {  	[sflag:s10] =	ssyncset.done $0x0  }
0xcd: {  	s23 =	sadd.s32 $0x12, s15;
	[sflag:s10] =	ssyncadd.s32 $0xFFFFFC00  }
0xce: {  	[hbm4b:s23+s13] =	stream.strided.scatter [tilespmem:s28], [sflag:$0x2], $0x400, s14, s13, $0x38;
	[tilespmem:$0x6E80] =	vst v63  }
0xcf: {  	_ =	swait.ge [sflag:s10], $0x400  }
0xd0: {  	[sflag:s10] =	ssyncset.done $0x0  }
0xd1: {  	s24 =	sadd.s32 $0x14, s15;
	[sflag:s10] =	ssyncadd.s32 $0xFFFFFC00  }
0xd2: {  	[hbm4b:s24+s13] =	stream.strided.scatter [tilespmem:s1], [sflag:$0x2], $0x400, s14, s13, $0x38;
	[tilespmem:$0x6E80] =	vst v63  }
0xd3: {  	_ =	swait.ge [sflag:s10], $0x400  }
0xd4: {  	[sflag:s10] =	ssyncset.done $0x0  }
0xd5: {  	s25 =	sadd.s32 $0x16, s15;
	[sflag:s10] =	ssyncadd.s32 $0xFFFFFC00  }
0xd6: {  	[hbm4b:s25+s13] =	stream.strided.scatter [tilespmem:s0], [sflag:$0x2], $0x400, s14, s13, $0x38;
	[tilespmem:$0x6E80] =	vst v63  }
0xd7: {  	_ =	swait.ge [sflag:s10], $0x400  }
0xd8: {  	[sflag:s10] =	ssyncset.done $0x0  }
0xd9: {  	s26 =	sadd.s32 $0x18, s15;
	[sflag:s10] =	ssyncadd.s32 $0xFFFFFC00  }
0xda: {  	[hbm4b:s26+s13] =	stream.strided.scatter [tilespmem:s7], [sflag:$0x2], $0x400, s14, s13, $0x38;
	[tilespmem:$0x6E80] =	vst v63  }
0xdb: {  	_ =	swait.ge [sflag:s10], $0x400  }
0xdc: {  	[sflag:s10] =	ssyncset.done $0x0  }
0xdd: {  	s28 =	sadd.s32 $0x1A, s15;
	[sflag:s10] =	ssyncadd.s32 $0xFFFFFC00  }
0xde: {  	[hbm4b:s28+s13] =	stream.strided.scatter [tilespmem:s8], [sflag:$0x2], $0x400, s14, s13, $0x38;
	[tilespmem:$0x6E80] =	vst v63  }
0xdf: {  	_ =	swait.ge [sflag:s10], $0x400  }
0xe0: {  	[sflag:s10] =	ssyncset.done $0x0  }
0xe1: {  	s0 =	sadd.s32 $0x1C, s15;
	[sflag:s10] =	ssyncadd.s32 $0xFFFFFC00  }
0xe2: {  	[hbm4b:s0+s13] =	stream.strided.scatter [tilespmem:s2], [sflag:$0x2], $0x400, s14, s13, $0x38;
	[tilespmem:$0x6E80] =	vst v63  }
0xe3: {  	_ =	swait.ge [sflag:s10], $0x400  }
0xe4: {  	[sflag:s10] =	ssyncset.done $0x0  }
0xe5: {  	s1 =	sadd.s32 $0x1E, s15;
	[sflag:s10] =	ssyncadd.s32 $0xFFFFFC00  }
0xe6: {  	[hbm4b:s1+s13] =	stream.strided.scatter [tilespmem:s11], [sflag:$0x2], $0x400, s14, s13, $0x38;
	[tilespmem:$0x6E80] =	vst v63  }
0xe7: {  	_ =	swait.ge [sflag:s10], $0x400  }
0xe8: {  	[sflag:s10] =	ssyncset.done $0x0  }
0xe9: {  	s2 =	sadd.s32 $0x20, s15;
	[sflag:s10] =	ssyncadd.s32 $0xFFFFFC00  }
0xea: {  	[hbm4b:s2+s13] =	stream.strided.scatter [tilespmem:s6], [sflag:$0x2], $0x400, s14, s13, $0x38;
	[tilespmem:$0x6E80] =	vst v63  }
0xeb: {  	_ =	swait.ge [sflag:s10], $0x400  }
0xec: {  	[sflag:s10] =	ssyncset.done $0x0  }
0xed: {  	s7 =	sadd.s32 $0x22, s15;
	[sflag:s10] =	ssyncadd.s32 $0xFFFFFC00  }
0xee: {  	[hbm4b:s7+s13] =	stream.strided.scatter [tilespmem:s30], [sflag:$0x2], $0x400, s14, s13, $0x38;
	[tilespmem:$0x6E80] =	vst v63  }
0xef: {  	_ =	swait.ge [sflag:s10], $0x400  }
0xf0: {  	[sflag:s10] =	ssyncset.done $0x0  }
0xf1: {  	s8 =	sadd.s32 $0x24, s15;
	s11 =	simm.s32 $0x4E80;
	[sflag:s10] =	ssyncadd.s32 $0xFFFFFC00  }
0xf2: {  	[hbm4b:s8+s13] =	stream.strided.scatter [tilespmem:s11], [sflag:$0x2], $0x400, s14, s13, $0x38;
	[tilespmem:$0x6E80] =	vst v63  }
0xf3: {  	_ =	swait.ge [sflag:s10], $0x400  }
0xf4: {  	[sflag:s10] =	ssyncset.done $0x0  }
0xf5: {  	s18 =	sadd.s32 $0x26, s15;
	s19 =	simm.s32 $0x5280;
	[sflag:s10] =	ssyncadd.s32 $0xFFFFFC00  }
0xf6: {  	[hbm4b:s18+s13] =	stream.strided.scatter [tilespmem:s19], [sflag:$0x2], $0x400, s14, s13, $0x38;
	[tilespmem:$0x6E80] =	vst v63  }
0xf7: {  	_ =	swait.ge [sflag:s10], $0x400  }
0xf8: {  	[sflag:s10] =	ssyncset.done $0x0  }
0xf9: {  	s20 =	sadd.s32 $0x28, s15;
	s21 =	simm.s32 $0x5680;
	[sflag:s10] =	ssyncadd.s32 $0xFFFFFC00  }
0xfa: {  	[hbm4b:s20+s13] =	stream.strided.scatter [tilespmem:s21], [sflag:$0x2], $0x400, s14, s13, $0x38;
	[tilespmem:$0x6E80] =	vst v63  }
0xfb: {  	_ =	swait.ge [sflag:s10], $0x400  }
0xfc: {  	[sflag:s10] =	ssyncset.done $0x0  }
0xfd: {  	s22 =	sadd.s32 $0x2A, s15;
	s23 =	simm.s32 $0x5A80;
	[sflag:s10] =	ssyncadd.s32 $0xFFFFFC00  }
0xfe: {  	[hbm4b:s22+s13] =	stream.strided.scatter [tilespmem:s23], [sflag:$0x2], $0x400, s14, s13, $0x38;
	[tilespmem:$0x6E80] =	vst v63  }
0xff: {  	_ =	swait.ge [sflag:s10], $0x400  }
0x100: {  	[sflag:s10] =	ssyncset.done $0x0  }
0x101: {  	s24 =	sadd.s32 $0x2C, s15;
	s25 =	simm.s32 $0x5E80;
	[sflag:s10] =	ssyncadd.s32 $0xFFFFFC00  }
0x102: {  	[hbm4b:s24+s13] =	stream.strided.scatter [tilespmem:s25], [sflag:$0x2], $0x400, s14, s13, $0x38;
	[tilespmem:$0x6E80] =	vst v63  }
0x103: {  	_ =	swait.ge [sflag:s10], $0x400  }
0x104: {  	[sflag:s10] =	ssyncset.done $0x0  }
0x105: {  	s26 =	sadd.s32 $0x2E, s15;
	s28 =	simm.s32 $0x6280;
	[sflag:s10] =	ssyncadd.s32 $0xFFFFFC00  }
0x106: {  	[hbm4b:s26+s13] =	stream.strided.scatter [tilespmem:s28], [sflag:$0x2], $0x400, s14, s13, $0x38;
	[tilespmem:$0x6E80] =	vst v63  }
0x107: {  	_ =	swait.ge [sflag:s10], $0x400  }
0x108: {  	[sflag:s10] =	ssyncset.done $0x0  }
0x109: {  	s31 =	simm.s32 $0x6680;
	s30 =	sadd.s32 $0x30, s15;
	[sflag:s10] =	ssyncadd.s32 $0xFFFFFC00  }
0x10a: {  	[hbm4b:s30+s13] =	stream.strided.scatter [tilespmem:s31], [sflag:$0x2], $0x400, s14, s13, $0x38;
	[tilespmem:$0x6E80] =	vst v63  }
0x10b: {  	_ =	swait.ge [sflag:s10], $0x400  }
0x10c: {  	[sflag:s10] =	ssyncset.done $0x0  }
0x10d: {  	s29 =	simm.s32 $0x6A80;
	s15 =	sadd.s32 $0x32, s15;
	[sflag:s10] =	ssyncadd.s32 $0xFFFFFC00  }
0x10e: {  	[hbm4b:s15+s13] =	stream.strided.scatter [tilespmem:s29], [sflag:$0x2], $0x400, s14, s13, $0x38;
	[tilespmem:$0x6E80] =	vst v63  }
0x10f: {  	s16 =	simm.s32 $0x1A00;
	_ =	swait.ge [sflag:s10], $0x400  }
0x110: {  	s15 =	simm.s32 $0xD00;
	s19 =	rddreg [dreg:$0x3];
	[sflag:s10] =	ssyncset.done $0x0  }
.LBB2_2:
0x111: {  	[sflag:s10] =	ssyncadd.s32 $0xFFFFFC00;
	s17 =	sadd.s32 $0x8, s17;
	s20 =	simm.s32 $0x0  }
0x112: {  	[tilespmem:s20], [sflag:$0x2] =	stream.strided.gather [hbm4b:s17+s9], $0x680, s19, s9, $0x38;
	[tilespmem:$0x6E80] =	vst v63  }
0x113: {  	_ =	swait.ge [sflag:s10], $0x680  }
0x114: {  	[sflag:s10] =	ssyncset.done $0x0  }
0x115: {  	s21 =	simm.s32 $0x680;
	[sflag:s10] =	ssyncadd.s32 $0xFFFFF980  }
0x116: {  	[tilespmem:s21], [sflag:$0x1] =	stream.indirect.gather [hbm4b:s3+s9], $0x10, s20, s9, $0xb8;
	[tilespmem:$0x6E80] =	vst v63  }
0x117: {  	s22 =	simm.s32 $0xA80;
	s26 =	rddreg [dreg:$0x4]  }
0x118: {  	[tilespmem:s22], [sflag:$0x1] =	stream.indirect.gather [hbm4b:s3+s9], $0x10, s9, s9, $0xb8;
	[tilespmem:$0x6E80] =	vst v63  }
0x119: {  	s23 =	simm.s32 $0xE80;
	s28 =	rddreg [dreg:$0x5]  }
0x11a: {  	[tilespmem:s23], [sflag:$0x1] =	stream.indirect.gather [hbm4b:s3+s9], $0x10, s26, s9, $0xb8;
	[tilespmem:$0x6E80] =	vst v63  }
0x11b: {  	s24 =	simm.s32 $0x1280;
	s29 =	rddreg [dreg:$0x6]  }
0x11c: {  	[tilespmem:s24], [sflag:$0x1] =	stream.indirect.gather [hbm4b:s3+s9], $0x10, s28, s9, $0xb8;
	[tilespmem:$0x6E80] =	vst v63  }
0x11d: {  	s25 =	simm.s32 $0x1680;
	s30 =	rddreg [dreg:$0x7]  }
0x11e: {  	[tilespmem:s25], [sflag:$0x1] =	stream.indirect.gather [hbm4b:s3+s9], $0x10, s29, s9, $0xb8;
	[tilespmem:$0x6E80] =	vst v63  }
0x11f: {  	s31 =	rddreg [dreg:$0x8];
	s26 =	simm.s32 $0x1A80  }
0x120: {  	[tilespmem:s26], [sflag:$0x1] =	stream.indirect.gather [hbm4b:s3+s9], $0x10, s30, s9, $0xb8;
	[tilespmem:$0x6E80] =	vst v63  }
0x121: {  	s0 =	rddreg [dreg:$0x9];
	s28 =	simm.s32 $0x1E80  }
0x122: {  	[tilespmem:s28], [sflag:$0x1] =	stream.indirect.gather [hbm4b:s3+s9], $0x10, s31, s9, $0xb8;
	[tilespmem:$0x6E80] =	vst v63  }
0x123: {  	s1 =	rddreg [dreg:$0xa];
	s29 =	simm.s32 $0x2280  }
0x124: {  	[tilespmem:s29], [sflag:$0x1] =	stream.indirect.gather [hbm4b:s3+s9], $0x10, s0, s9, $0xb8;
	[tilespmem:$0x6E80] =	vst v63  }
0x125: {  	s2 =	rddreg [dreg:$0xb];
	s30 =	simm.s32 $0x2680  }
0x126: {  	[tilespmem:s30], [sflag:$0x1] =	stream.indirect.gather [hbm4b:s4+s9], $0x10, s1, s9, $0xb8;
	[tilespmem:$0x6E80] =	vst v63  }
0x127: {  	s6 =	rddreg [dreg:$0xc];
	s31 =	simm.s32 $0x2A80  }
0x128: {  	[tilespmem:s31], [sflag:$0x1] =	stream.indirect.gather [hbm4b:s4+s9], $0x10, s2, s9, $0xb8;
	[tilespmem:$0x6E80] =	vst v63  }
0x129: {  	s7 =	rddreg [dreg:$0xd];
	s1 =	simm.s32 $0x2E80  }
0x12a: {  	[tilespmem:s1], [sflag:$0x1] =	stream.indirect.gather [hbm4b:s4+s9], $0x10, s6, s9, $0xb8;
	[tilespmem:$0x6E80] =	vst v63  }
0x12b: {  	s8 =	rddreg [dreg:$0xe];
	s2 =	simm.s32 $0x3280  }
0x12c: {  	[tilespmem:s2], [sflag:$0x1] =	stream.indirect.gather [hbm4b:s4+s9], $0x10, s7, s9, $0xb8;
	[tilespmem:$0x6E80] =	vst v63  }
0x12d: {  	s11 =	rddreg [dreg:$0xf];
	s7 =	simm.s32 $0x3680  }
0x12e: {  	[tilespmem:s7], [sflag:$0x1] =	stream.indirect.gather [hbm4b:s4+s9], $0x10, s8, s9, $0xb8;
	[tilespmem:$0x6E80] =	vst v63  }
0x12f: {  	s19 =	rddreg [dreg:$0x12];
	s8 =	simm.s32 $0x3A80  }
0x130: {  	[tilespmem:s8], [sflag:$0x1] =	stream.indirect.gather [hbm4b:s4+s9], $0x10, s11, s9, $0xb8;
	[tilespmem:$0x6E80] =	vst v63  }
0x131: {  	s0 =	rddreg [dreg:$0x10];
	s6 =	simm.s32 $0x3E80  }
0x132: {  	[tilespmem:s6], [sflag:$0x1] =	stream.indirect.gather [hbm4b:s4+s9], $0x10, s0, s9, $0xb8;
	[tilespmem:$0x6E80] =	vst v63  }
0x133: {  	s11 =	rddreg [dreg:$0x11];
	s0 =	simm.s32 $0x4280  }
0x134: {  	[tilespmem:s0], [sflag:$0x1] =	stream.indirect.gather [hbm4b:s4+s9], $0x10, s11, s9, $0xb8;
	[tilespmem:$0x6E80] =	vst v63  }
0x135: {  	s20 =	rddreg [dreg:$0x13];
	s11 =	simm.s32 $0x4680  }
0x136: {  	[tilespmem:s11], [sflag:$0x1] =	stream.indirect.gather [hbm4b:s5+s9], $0x10, s19, s9, $0xb8;
	[tilespmem:$0x6E80] =	vst v63  }
0x137: {  	s0 =	rddreg [dreg:$0x1c];
	s11 =	simm.s32 $0x4A80  }
0x138: {  	[tilespmem:s11], [sflag:$0x1] =	stream.indirect.gather [hbm4b:s5+s9], $0x10, s20, s9, $0xb8;
	[tilespmem:$0x6E80] =	vst v63  }
0x139: {  	s19 =	rddreg [dreg:$0x14];
	s11 =	simm.s32 $0x4E80  }
0x13a: {  	[tilespmem:s11], [sflag:$0x1] =	stream.indirect.gather [hbm4b:s5+s9], $0x10, s19, s9, $0xb8;
	[tilespmem:$0x6E80] =	vst v63  }
0x13b: {  	s20 =	rddreg [dreg:$0x15];
	s11 =	simm.s32 $0x5280  }
0x13c: {  	[tilespmem:s11], [sflag:$0x1] =	stream.indirect.gather [hbm4b:s5+s9], $0x10, s20, s9, $0xb8;
	[tilespmem:$0x6E80] =	vst v63  }
0x13d: {  	s19 =	rddreg [dreg:$0x16];
	s11 =	simm.s32 $0x5680  }
0x13e: {  	[tilespmem:s11], [sflag:$0x1] =	stream.indirect.gather [hbm4b:s5+s9], $0x10, s19, s9, $0xb8;
	[tilespmem:$0x6E80] =	vst v63  }
0x13f: {  	s20 =	rddreg [dreg:$0x17];
	s11 =	simm.s32 $0x5A80  }
0x140: {  	[tilespmem:s11], [sflag:$0x1] =	stream.indirect.gather [hbm4b:s5+s9], $0x10, s20, s9, $0xb8;
	[tilespmem:$0x6E80] =	vst v63  }
0x141: {  	s19 =	rddreg [dreg:$0x18];
	s11 =	simm.s32 $0x5E80  }
0x142: {  	[tilespmem:s11], [sflag:$0x1] =	stream.indirect.gather [hbm4b:s5+s9], $0x10, s19, s9, $0xb8;
	[tilespmem:$0x6E80] =	vst v63  }
0x143: {  	s20 =	rddreg [dreg:$0x19];
	s11 =	simm.s32 $0x6280  }
0x144: {  	[tilespmem:s11], [sflag:$0x1] =	stream.indirect.gather [hbm4b:s5+s9], $0x10, s20, s9, $0xb8;
	[tilespmem:$0x6E80] =	vst v63  }
0x145: {  	s19 =	rddreg [dreg:$0x1a];
	s11 =	simm.s32 $0x6680  }
0x146: {  	[tilespmem:s11], [sflag:$0x1] =	stream.indirect.gather [hbm4b:s0+s9], $0x10, s19, s9, $0xb8;
	[tilespmem:$0x6E80] =	vst v63  }
0x147: {  	s20 =	rddreg [dreg:$0x1b];
	s19 =	simm.s32 $0x6A80  }
0x148: {  	[tilespmem:s19], [sflag:$0x1] =	stream.indirect.gather [hbm4b:s0+s9], $0x10, s20, s9, $0xb8;
	[tilespmem:$0x6E80] =	vst v63  }
0x149: {  	_ =	swait.ge [sflag:s12], $0x400  }
0x14a: {  	[sflag:s12] =	ssyncset.done $0x0  }
0x14b: {  	[sflag:s12] =	ssyncadd.s32 $0xFFFFFC00  }
0x14c: {  	_ =	swait.ge [sflag:s12], $0x400  }
0x14d: {  	[sflag:s12] =	ssyncset.done $0x0  }
0x14e: {  	[sflag:s12] =	ssyncadd.s32 $0xFFFFFC00  }
0x14f: {  	_ =	swait.ge [sflag:s12], $0x400  }
0x150: {  	[sflag:s12] =	ssyncset.done $0x0  }
0x151: {  	[sflag:s12] =	ssyncadd.s32 $0xFFFFFC00  }
0x152: {  	_ =	swait.ge [sflag:s12], $0x400  }
0x153: {  	[sflag:s12] =	ssyncset.done $0x0  }
0x154: {  	[sflag:s12] =	ssyncadd.s32 $0xFFFFFC00  }
0x155: {  	_ =	swait.ge [sflag:s12], $0x400  }
0x156: {  	[sflag:s12] =	ssyncset.done $0x0  }
0x157: {  	[sflag:s12] =	ssyncadd.s32 $0xFFFFFC00  }
0x158: {  	_ =	swait.ge [sflag:s12], $0x400  }
0x159: {  	[sflag:s12] =	ssyncset.done $0x0  }
0x15a: {  	[sflag:s12] =	ssyncadd.s32 $0xFFFFFC00  }
0x15b: {  	_ =	swait.ge [sflag:s12], $0x400  }
0x15c: {  	[sflag:s12] =	ssyncset.done $0x0  }
0x15d: {  	[sflag:s12] =	ssyncadd.s32 $0xFFFFFC00  }
0x15e: {  	_ =	swait.ge [sflag:s12], $0x400  }
0x15f: {  	[sflag:s12] =	ssyncset.done $0x0  }
0x160: {  	[sflag:s12] =	ssyncadd.s32 $0xFFFFFC00  }
0x161: {  	_ =	swait.ge [sflag:s12], $0x400  }
0x162: {  	[sflag:s12] =	ssyncset.done $0x0  }
0x163: {  	[sflag:s12] =	ssyncadd.s32 $0xFFFFFC00  }
0x164: {  	_ =	swait.ge [sflag:s12], $0x400  }
0x165: {  	[sflag:s12] =	ssyncset.done $0x0  }
0x166: {  	[sflag:s12] =	ssyncadd.s32 $0xFFFFFC00  }
0x167: {  	_ =	swait.ge [sflag:s12], $0x400  }
0x168: {  	[sflag:s12] =	ssyncset.done $0x0  }
0x169: {  	[sflag:s12] =	ssyncadd.s32 $0xFFFFFC00  }
0x16a: {  	_ =	swait.ge [sflag:s12], $0x400  }
0x16b: {  	[sflag:s12] =	ssyncset.done $0x0  }
0x16c: {  	[sflag:s12] =	ssyncadd.s32 $0xFFFFFC00  }
0x16d: {  	_ =	swait.ge [sflag:s12], $0x400  }
0x16e: {  	[sflag:s12] =	ssyncset.done $0x0  }
0x16f: {  	[sflag:s12] =	ssyncadd.s32 $0xFFFFFC00  }
0x170: {  	_ =	swait.ge [sflag:s12], $0x400  }
0x171: {  	[sflag:s12] =	ssyncset.done $0x0  }
0x172: {  	[sflag:s12] =	ssyncadd.s32 $0xFFFFFC00  }
0x173: {  	_ =	swait.ge [sflag:s12], $0x400  }
0x174: {  	[sflag:s12] =	ssyncset.done $0x0  }
0x175: {  	[sflag:s12] =	ssyncadd.s32 $0xFFFFFC00  }
0x176: {  	_ =	swait.ge [sflag:s12], $0x400  }
0x177: {  	[sflag:s12] =	ssyncset.done $0x0  }
0x178: {  	[sflag:s12] =	ssyncadd.s32 $0xFFFFFC00  }
0x179: {  	_ =	swait.ge [sflag:s12], $0x400  }
0x17a: {  	[sflag:s12] =	ssyncset.done $0x0  }
0x17b: {  	[sflag:s12] =	ssyncadd.s32 $0xFFFFFC00  }
0x17c: {  	_ =	swait.ge [sflag:s12], $0x400  }
0x17d: {  	[sflag:s12] =	ssyncset.done $0x0  }
0x17e: {  	[sflag:s12] =	ssyncadd.s32 $0xFFFFFC00  }
0x17f: {  	_ =	swait.ge [sflag:s12], $0x400  }
0x180: {  	[sflag:s12] =	ssyncset.done $0x0  }
0x181: {  	[sflag:s12] =	ssyncadd.s32 $0xFFFFFC00  }
0x182: {  	_ =	swait.ge [sflag:s12], $0x400  }
0x183: {  	[sflag:s12] =	ssyncset.done $0x0  }
0x184: {  	[sflag:s12] =	ssyncadd.s32 $0xFFFFFC00  }
0x185: {  	_ =	swait.ge [sflag:s12], $0x400  }
0x186: {  	[sflag:s12] =	ssyncset.done $0x0  }
0x187: {  	[sflag:s12] =	ssyncadd.s32 $0xFFFFFC00  }
0x188: {  	_ =	swait.ge [sflag:s12], $0x400  }
0x189: {  	[sflag:s12] =	ssyncset.done $0x0  }
0x18a: {  	[sflag:s12] =	ssyncadd.s32 $0xFFFFFC00  }
0x18b: {  	_ =	swait.ge [sflag:s12], $0x400  }
0x18c: {  	[sflag:s12] =	ssyncset.done $0x0  }
0x18d: {  	[sflag:s12] =	ssyncadd.s32 $0xFFFFFC00  }
0x18e: {  	_ =	swait.ge [sflag:s12], $0x400  }
0x18f: {  	[sflag:s12] =	ssyncset.done $0x0  }
0x190: {  	[sflag:s12] =	ssyncadd.s32 $0xFFFFFC00  }
0x191: {  	_ =	swait.ge [sflag:s12], $0x400  }
0x192: {  	[sflag:s12] =	ssyncset.done $0x0  }
0x193: {  	[sflag:s12] =	ssyncadd.s32 $0xFFFFFC00  }
0x194: {  	_ =	swait.ge [sflag:s12], $0x400  }
0x195: {  	s20 =	rddreg [dreg:$0x2];
	[sflag:s12] =	ssyncset.done $0x0  }
0x196: {  	[sflag:s12] =	ssyncadd.s32 $0xFFFFFC00;
	s19 =	sadd.s32 s15, s20  }
0x197: {  	[hbm4b:s19+s13] =	stream.strided.scatter [tilespmem:s21], [sflag:$0x2], $0x400, s14, s13, $0x38;
	[tilespmem:$0x6E80] =	vst v63  }
0x198: {  	_ =	swait.ge [sflag:s10], $0x400  }
0x199: {  	[sflag:s10] =	ssyncset.done $0x0  }
0x19a: {  	s21 =	sadd.s32 $0x2, s19;
	[sflag:s10] =	ssyncadd.s32 $0xFFFFFC00  }
0x19b: {  	[hbm4b:s21+s13] =	stream.strided.scatter [tilespmem:s22], [sflag:$0x2], $0x400, s14, s13, $0x38;
	[tilespmem:$0x6E80] =	vst v63  }
0x19c: {  	_ =	swait.ge [sflag:s10], $0x400  }
0x19d: {  	[sflag:s10] =	ssyncset.done $0x0  }
0x19e: {  	s22 =	sadd.s32 $0x4, s19;
	[sflag:s10] =	ssyncadd.s32 $0xFFFFFC00  }
0x19f: {  	[hbm4b:s22+s13] =	stream.strided.scatter [tilespmem:s23], [sflag:$0x2], $0x400, s14, s13, $0x38;
	[tilespmem:$0x6E80] =	vst v63  }
0x1a0: {  	_ =	swait.ge [sflag:s10], $0x400  }
0x1a1: {  	[sflag:s10] =	ssyncset.done $0x0  }
0x1a2: {  	s23 =	sadd.s32 $0x6, s19;
	[sflag:s10] =	ssyncadd.s32 $0xFFFFFC00  }
0x1a3: {  	[hbm4b:s23+s13] =	stream.strided.scatter [tilespmem:s24], [sflag:$0x2], $0x400, s14, s13, $0x38;
	[tilespmem:$0x6E80] =	vst v63  }
0x1a4: {  	_ =	swait.ge [sflag:s10], $0x400  }
0x1a5: {  	[sflag:s10] =	ssyncset.done $0x0  }
0x1a6: {  	s24 =	sadd.s32 $0x8, s19;
	[sflag:s10] =	ssyncadd.s32 $0xFFFFFC00  }
0x1a7: {  	[hbm4b:s24+s13] =	stream.strided.scatter [tilespmem:s25], [sflag:$0x2], $0x400, s14, s13, $0x38;
	[tilespmem:$0x6E80] =	vst v63  }
0x1a8: {  	_ =	swait.ge [sflag:s10], $0x400  }
0x1a9: {  	[sflag:s10] =	ssyncset.done $0x0  }
0x1aa: {  	s25 =	sadd.s32 $0xA, s19;
	[sflag:s10] =	ssyncadd.s32 $0xFFFFFC00  }
0x1ab: {  	[hbm4b:s25+s13] =	stream.strided.scatter [tilespmem:s26], [sflag:$0x2], $0x400, s14, s13, $0x38;
	[tilespmem:$0x6E80] =	vst v63  }
0x1ac: {  	_ =	swait.ge [sflag:s10], $0x400  }
0x1ad: {  	[sflag:s10] =	ssyncset.done $0x0  }
0x1ae: {  	s26 =	sadd.s32 $0xC, s19;
	[sflag:s10] =	ssyncadd.s32 $0xFFFFFC00  }
0x1af: {  	[hbm4b:s26+s13] =	stream.strided.scatter [tilespmem:s28], [sflag:$0x2], $0x400, s14, s13, $0x38;
	[tilespmem:$0x6E80] =	vst v63  }
0x1b0: {  	_ =	swait.ge [sflag:s10], $0x400  }
0x1b1: {  	[sflag:s10] =	ssyncset.done $0x0  }
0x1b2: {  	s28 =	sadd.s32 $0xE, s19;
	[sflag:s10] =	ssyncadd.s32 $0xFFFFFC00  }
0x1b3: {  	[hbm4b:s28+s13] =	stream.strided.scatter [tilespmem:s29], [sflag:$0x2], $0x400, s14, s13, $0x38;
	[tilespmem:$0x6E80] =	vst v63  }
0x1b4: {  	_ =	swait.ge [sflag:s10], $0x400  }
0x1b5: {  	[sflag:s10] =	ssyncset.done $0x0  }
0x1b6: {  	s20 =	sadd.s32 $0x10, s19;
	[sflag:s10] =	ssyncadd.s32 $0xFFFFFC00  }
0x1b7: {  	[hbm4b:s20+s13] =	stream.strided.scatter [tilespmem:s30], [sflag:$0x2], $0x400, s14, s13, $0x38;
	[tilespmem:$0x6E80] =	vst v63  }
0x1b8: {  	_ =	swait.ge [sflag:s10], $0x400  }
0x1b9: {  	[sflag:s10] =	ssyncset.done $0x0  }
0x1ba: {  	s21 =	sadd.s32 $0x12, s19;
	[sflag:s10] =	ssyncadd.s32 $0xFFFFFC00  }
0x1bb: {  	[hbm4b:s21+s13] =	stream.strided.scatter [tilespmem:s31], [sflag:$0x2], $0x400, s14, s13, $0x38;
	[tilespmem:$0x6E80] =	vst v63  }
0x1bc: {  	_ =	swait.ge [sflag:s10], $0x400  }
0x1bd: {  	[sflag:s10] =	ssyncset.done $0x0  }
0x1be: {  	s22 =	sadd.s32 $0x14, s19;
	[sflag:s10] =	ssyncadd.s32 $0xFFFFFC00  }
0x1bf: {  	[hbm4b:s22+s13] =	stream.strided.scatter [tilespmem:s1], [sflag:$0x2], $0x400, s14, s13, $0x38;
	[tilespmem:$0x6E80] =	vst v63  }
0x1c0: {  	_ =	swait.ge [sflag:s10], $0x400  }
0x1c1: {  	[sflag:s10] =	ssyncset.done $0x0  }
0x1c2: {  	s23 =	sadd.s32 $0x16, s19;
	[sflag:s10] =	ssyncadd.s32 $0xFFFFFC00  }
0x1c3: {  	[hbm4b:s23+s13] =	stream.strided.scatter [tilespmem:s2], [sflag:$0x2], $0x400, s14, s13, $0x38;
	[tilespmem:$0x6E80] =	vst v63  }
0x1c4: {  	_ =	swait.ge [sflag:s10], $0x400  }
0x1c5: {  	[sflag:s10] =	ssyncset.done $0x0  }
0x1c6: {  	s24 =	sadd.s32 $0x18, s19;
	[sflag:s10] =	ssyncadd.s32 $0xFFFFFC00  }
0x1c7: {  	[hbm4b:s24+s13] =	stream.strided.scatter [tilespmem:s7], [sflag:$0x2], $0x400, s14, s13, $0x38;
	[tilespmem:$0x6E80] =	vst v63  }
0x1c8: {  	_ =	swait.ge [sflag:s10], $0x400  }
0x1c9: {  	[sflag:s10] =	ssyncset.done $0x0  }
0x1ca: {  	s25 =	sadd.s32 $0x1A, s19;
	[sflag:s10] =	ssyncadd.s32 $0xFFFFFC00  }
0x1cb: {  	[hbm4b:s25+s13] =	stream.strided.scatter [tilespmem:s8], [sflag:$0x2], $0x400, s14, s13, $0x38;
	[tilespmem:$0x6E80] =	vst v63  }
0x1cc: {  	_ =	swait.ge [sflag:s10], $0x400  }
0x1cd: {  	[sflag:s10] =	ssyncset.done $0x0  }
0x1ce: {  	s26 =	sadd.s32 $0x1C, s19;
	[sflag:s10] =	ssyncadd.s32 $0xFFFFFC00  }
0x1cf: {  	[hbm4b:s26+s13] =	stream.strided.scatter [tilespmem:s6], [sflag:$0x2], $0x400, s14, s13, $0x38;
	[tilespmem:$0x6E80] =	vst v63  }
0x1d0: {  	_ =	swait.ge [sflag:s10], $0x400  }
0x1d1: {  	[sflag:s10] =	ssyncset.done $0x0  }
0x1d2: {  	s28 =	sadd.s32 $0x1E, s19;
	s29 =	simm.s32 $0x4280;
	[sflag:s10] =	ssyncadd.s32 $0xFFFFFC00  }
0x1d3: {  	[hbm4b:s28+s13] =	stream.strided.scatter [tilespmem:s29], [sflag:$0x2], $0x400, s14, s13, $0x38;
	[tilespmem:$0x6E80] =	vst v63  }
0x1d4: {  	_ =	swait.ge [sflag:s10], $0x400  }
0x1d5: {  	[sflag:s10] =	ssyncset.done $0x0  }
0x1d6: {  	s30 =	sadd.s32 $0x20, s19;
	s31 =	simm.s32 $0x4680;
	[sflag:s10] =	ssyncadd.s32 $0xFFFFFC00  }
0x1d7: {  	[hbm4b:s30+s13] =	stream.strided.scatter [tilespmem:s31], [sflag:$0x2], $0x400, s14, s13, $0x38;
	[tilespmem:$0x6E80] =	vst v63  }
0x1d8: {  	_ =	swait.ge [sflag:s10], $0x400  }
0x1d9: {  	[sflag:s10] =	ssyncset.done $0x0  }
0x1da: {  	s1 =	sadd.s32 $0x22, s19;
	s2 =	simm.s32 $0x4A80;
	[sflag:s10] =	ssyncadd.s32 $0xFFFFFC00  }
0x1db: {  	[hbm4b:s1+s13] =	stream.strided.scatter [tilespmem:s2], [sflag:$0x2], $0x400, s14, s13, $0x38;
	[tilespmem:$0x6E80] =	vst v63  }
0x1dc: {  	_ =	swait.ge [sflag:s10], $0x400  }
0x1dd: {  	[sflag:s10] =	ssyncset.done $0x0  }
0x1de: {  	s7 =	simm.s32 $0x4E80;
	s6 =	sadd.s32 $0x24, s19;
	[sflag:s10] =	ssyncadd.s32 $0xFFFFFC00  }
0x1df: {  	[hbm4b:s6+s13] =	stream.strided.scatter [tilespmem:s7], [sflag:$0x2], $0x400, s14, s13, $0x38;
	[tilespmem:$0x6E80] =	vst v63  }
0x1e0: {  	_ =	swait.ge [sflag:s10], $0x400  }
0x1e1: {  	[sflag:s10] =	ssyncset.done $0x0  }
0x1e2: {  	s20 =	simm.s32 $0x5280;
	s8 =	sadd.s32 $0x26, s19;
	[sflag:s10] =	ssyncadd.s32 $0xFFFFFC00  }
0x1e3: {  	[hbm4b:s8+s13] =	stream.strided.scatter [tilespmem:s20], [sflag:$0x2], $0x400, s14, s13, $0x38;
	[tilespmem:$0x6E80] =	vst v63  }
0x1e4: {  	_ =	swait.ge [sflag:s10], $0x400  }
0x1e5: {  	[sflag:s10] =	ssyncset.done $0x0  }
0x1e6: {  	s21 =	sadd.s32 $0x28, s19;
	s22 =	simm.s32 $0x5680;
	[sflag:s10] =	ssyncadd.s32 $0xFFFFFC00  }
0x1e7: {  	[hbm4b:s21+s13] =	stream.strided.scatter [tilespmem:s22], [sflag:$0x2], $0x400, s14, s13, $0x38;
	[tilespmem:$0x6E80] =	vst v63  }
0x1e8: {  	_ =	swait.ge [sflag:s10], $0x400  }
0x1e9: {  	[sflag:s10] =	ssyncset.done $0x0  }
0x1ea: {  	s23 =	sadd.s32 $0x2A, s19;
	s24 =	simm.s32 $0x5A80;
	[sflag:s10] =	ssyncadd.s32 $0xFFFFFC00  }
0x1eb: {  	[hbm4b:s23+s13] =	stream.strided.scatter [tilespmem:s24], [sflag:$0x2], $0x400, s14, s13, $0x38;
	[tilespmem:$0x6E80] =	vst v63  }
0x1ec: {  	_ =	swait.ge [sflag:s10], $0x400  }
0x1ed: {  	[sflag:s10] =	ssyncset.done $0x0  }
0x1ee: {  	s25 =	sadd.s32 $0x2C, s19;
	s26 =	simm.s32 $0x5E80;
	[sflag:s10] =	ssyncadd.s32 $0xFFFFFC00  }
0x1ef: {  	[hbm4b:s25+s13] =	stream.strided.scatter [tilespmem:s26], [sflag:$0x2], $0x400, s14, s13, $0x38;
	[tilespmem:$0x6E80] =	vst v63  }
0x1f0: {  	_ =	swait.ge [sflag:s10], $0x400  }
0x1f1: {  	[sflag:s10] =	ssyncset.done $0x0  }
0x1f2: {  	s28 =	sadd.s32 $0x2E, s19;
	s29 =	simm.s32 $0x6280;
	[sflag:s10] =	ssyncadd.s32 $0xFFFFFC00  }
0x1f3: {  	[hbm4b:s28+s13] =	stream.strided.scatter [tilespmem:s29], [sflag:$0x2], $0x400, s14, s13, $0x38;
	[tilespmem:$0x6E80] =	vst v63  }
0x1f4: {  	_ =	swait.ge [sflag:s10], $0x400  }
0x1f5: {  	[sflag:s10] =	ssyncset.done $0x0  }
0x1f6: {  	s11 =	simm.s32 $0x6680;
	s30 =	sadd.s32 $0x30, s19;
	[sflag:s10] =	ssyncadd.s32 $0xFFFFFC00  }
0x1f7: {  	[hbm4b:s30+s13] =	stream.strided.scatter [tilespmem:s11], [sflag:$0x2], $0x400, s14, s13, $0x38;
	[tilespmem:$0x6E80] =	vst v63  }
0x1f8: {  	p0 =	sne.s32 s16, $0x5B00;
	_ =	swait.ge [sflag:s10], $0x400  }
.Ltmp0:
0x1f9: {  	[sflag:s10] =	ssyncset.done $0x0;
	(pc) =	sbr.rel @p0 .LBB2_2-.Ltmp0, $4  }
0x1fa: {  	s0 =	simm.s32 $0x6A80;
	s31 =	sadd.s32 $0x32, s19;
	[sflag:s10] =	ssyncadd.s32 $0xFFFFFC00  }
0x1fb: {  	[hbm4b:s31+s13] =	stream.strided.scatter [tilespmem:s0], [sflag:$0x2], $0x400, s14, s13, $0x38;
	[tilespmem:$0x6E80] =	vst v63  }
0x1fc: {  	s18 =	smov.u32 s16;
	s16 =	sadd.s32 $0xD00, s16;
	_ =	swait.ge [sflag:s10], $0x400  }
0x1fd: {  	s15 =	smov.u32 s18;
	s19 =	rddreg [dreg:$0x3];
	[sflag:s10] =	ssyncset.done $0x0  }
0x1fe: {  	[sflag:s10] =	ssyncadd.s32 $0xFFFFFC00;
	s16 =	sadd.s32 $0x8, s17;
	s25 =	simm.s32 $0x0  }
0x1ff: {  	[tilespmem:s25], [sflag:$0x2] =	stream.strided.gather [hbm4b:s16+s9], $0x680, s19, s9, $0x38;
	[tilespmem:$0x6E80] =	vst v63  }
0x200: {  	_ =	swait.ge [sflag:s10], $0x680  }
0x201: {  	[sflag:s10] =	ssyncset.done $0x0  }
0x202: {  	s18 =	simm.s32 $0x680;
	[sflag:s10] =	ssyncadd.s32 $0xFFFFF980  }
0x203: {  	[tilespmem:s18], [sflag:$0x1] =	stream.indirect.gather [hbm4b:s3+s9], $0x10, s25, s9, $0xb8;
	[tilespmem:$0x6E80] =	vst v63  }
0x204: {  	s19 =	simm.s32 $0xA80;
	s26 =	rddreg [dreg:$0x4]  }
0x205: {  	[tilespmem:s19], [sflag:$0x1] =	stream.indirect.gather [hbm4b:s3+s9], $0x10, s9, s9, $0xb8;
	[tilespmem:$0x6E80] =	vst v63  }
0x206: {  	s20 =	simm.s32 $0xE80;
	s28 =	rddreg [dreg:$0x5]  }
0x207: {  	[tilespmem:s20], [sflag:$0x1] =	stream.indirect.gather [hbm4b:s3+s9], $0x10, s26, s9, $0xb8;
	[tilespmem:$0x6E80] =	vst v63  }
0x208: {  	s21 =	simm.s32 $0x1280;
	s29 =	rddreg [dreg:$0x6]  }
0x209: {  	[tilespmem:s21], [sflag:$0x1] =	stream.indirect.gather [hbm4b:s3+s9], $0x10, s28, s9, $0xb8;
	[tilespmem:$0x6E80] =	vst v63  }
0x20a: {  	s22 =	simm.s32 $0x1680;
	s30 =	rddreg [dreg:$0x7]  }
0x20b: {  	[tilespmem:s22], [sflag:$0x1] =	stream.indirect.gather [hbm4b:s3+s9], $0x10, s29, s9, $0xb8;
	[tilespmem:$0x6E80] =	vst v63  }
0x20c: {  	s23 =	simm.s32 $0x1A80;
	s31 =	rddreg [dreg:$0x8]  }
0x20d: {  	[tilespmem:s23], [sflag:$0x1] =	stream.indirect.gather [hbm4b:s3+s9], $0x10, s30, s9, $0xb8;
	[tilespmem:$0x6E80] =	vst v63  }
0x20e: {  	s24 =	simm.s32 $0x1E80;
	s0 =	rddreg [dreg:$0x9]  }
0x20f: {  	[tilespmem:s24], [sflag:$0x1] =	stream.indirect.gather [hbm4b:s3+s9], $0x10, s31, s9, $0xb8;
	[tilespmem:$0x6E80] =	vst v63  }
0x210: {  	s1 =	rddreg [dreg:$0xa];
	s25 =	simm.s32 $0x2280  }
0x211: {  	[tilespmem:s25], [sflag:$0x1] =	stream.indirect.gather [hbm4b:s3+s9], $0x10, s0, s9, $0xb8;
	[tilespmem:$0x6E80] =	vst v63  }
0x212: {  	s2 =	rddreg [dreg:$0xb];
	s26 =	simm.s32 $0x2680  }
0x213: {  	[tilespmem:s26], [sflag:$0x1] =	stream.indirect.gather [hbm4b:s4+s9], $0x10, s1, s9, $0xb8;
	[tilespmem:$0x6E80] =	vst v63  }
0x214: {  	s6 =	rddreg [dreg:$0xc];
	s28 =	simm.s32 $0x2A80  }
0x215: {  	[tilespmem:s28], [sflag:$0x1] =	stream.indirect.gather [hbm4b:s4+s9], $0x10, s2, s9, $0xb8;
	[tilespmem:$0x6E80] =	vst v63  }
0x216: {  	s7 =	rddreg [dreg:$0xd];
	s1 =	simm.s32 $0x2E80  }
0x217: {  	[tilespmem:s1], [sflag:$0x1] =	stream.indirect.gather [hbm4b:s4+s9], $0x10, s6, s9, $0xb8;
	[tilespmem:$0x6E80] =	vst v63  }
0x218: {  	s8 =	rddreg [dreg:$0xe];
	s0 =	simm.s32 $0x3280  }
0x219: {  	[tilespmem:s0], [sflag:$0x1] =	stream.indirect.gather [hbm4b:s4+s9], $0x10, s7, s9, $0xb8;
	[tilespmem:$0x6E80] =	vst v63  }
0x21a: {  	s11 =	rddreg [dreg:$0xf];
	s7 =	simm.s32 $0x3680  }
0x21b: {  	[tilespmem:s7], [sflag:$0x1] =	stream.indirect.gather [hbm4b:s4+s9], $0x10, s8, s9, $0xb8;
	[tilespmem:$0x6E80] =	vst v63  }
0x21c: {  	s17 =	rddreg [dreg:$0x15];
	s8 =	simm.s32 $0x3A80  }
0x21d: {  	[tilespmem:s8], [sflag:$0x1] =	stream.indirect.gather [hbm4b:s4+s9], $0x10, s11, s9, $0xb8;
	[tilespmem:$0x6E80] =	vst v63  }
0x21e: {  	s29 =	rddreg [dreg:$0x10];
	s2 =	simm.s32 $0x3E80  }
0x21f: {  	[tilespmem:s2], [sflag:$0x1] =	stream.indirect.gather [hbm4b:s4+s9], $0x10, s29, s9, $0xb8;
	[tilespmem:$0x6E80] =	vst v63  }
0x220: {  	s30 =	rddreg [dreg:$0x11];
	s11 =	simm.s32 $0x4280  }
0x221: {  	[tilespmem:s11], [sflag:$0x1] =	stream.indirect.gather [hbm4b:s4+s9], $0x10, s30, s9, $0xb8;
	[tilespmem:$0x6E80] =	vst v63  }
0x222: {  	s31 =	rddreg [dreg:$0x12];
	s6 =	simm.s32 $0x4680  }
0x223: {  	[tilespmem:s6], [sflag:$0x1] =	stream.indirect.gather [hbm4b:s5+s9], $0x10, s31, s9, $0xb8;
	[tilespmem:$0x6E80] =	vst v63  }
0x224: {  	s29 =	rddreg [dreg:$0x13];
	s30 =	simm.s32 $0x4A80  }
0x225: {  	[tilespmem:s30], [sflag:$0x1] =	stream.indirect.gather [hbm4b:s5+s9], $0x10, s29, s9, $0xb8;
	[tilespmem:$0x6E80] =	vst v63  }
0x226: {  	s31 =	rddreg [dreg:$0x14];
	s29 =	simm.s32 $0x4E80  }
0x227: {  	[tilespmem:s29], [sflag:$0x1] =	stream.indirect.gather [hbm4b:s5+s9], $0x10, s31, s9, $0xb8;
	[tilespmem:$0x6E80] =	vst v63  }
0x228: {  	s16 =	rddreg [dreg:$0x16];
	s31 =	simm.s32 $0x5280  }
0x229: {  	[tilespmem:s31], [sflag:$0x1] =	stream.indirect.gather [hbm4b:s5+s9], $0x10, s17, s9, $0xb8;
	[tilespmem:$0x6E80] =	vst v63  }
0x22a: {  	s29 =	rddreg [dreg:$0x1c];
	s31 =	simm.s32 $0x5680  }
0x22b: {  	[tilespmem:s31], [sflag:$0x1] =	stream.indirect.gather [hbm4b:s5+s9], $0x10, s16, s9, $0xb8;
	[tilespmem:$0x6E80] =	vst v63  }
0x22c: {  	s17 =	rddreg [dreg:$0x17];
	s31 =	simm.s32 $0x5A80  }
0x22d: {  	[tilespmem:s31], [sflag:$0x1] =	stream.indirect.gather [hbm4b:s5+s9], $0x10, s17, s9, $0xb8;
	[tilespmem:$0x6E80] =	vst v63  }
0x22e: {  	s16 =	rddreg [dreg:$0x18];
	s31 =	simm.s32 $0x5E80  }
0x22f: {  	[tilespmem:s31], [sflag:$0x1] =	stream.indirect.gather [hbm4b:s5+s9], $0x10, s16, s9, $0xb8;
	[tilespmem:$0x6E80] =	vst v63  }
0x230: {  	s17 =	rddreg [dreg:$0x19];
	s31 =	simm.s32 $0x6280  }
0x231: {  	[tilespmem:s31], [sflag:$0x1] =	stream.indirect.gather [hbm4b:s5+s9], $0x10, s17, s9, $0xb8;
	[tilespmem:$0x6E80] =	vst v63  }
0x232: {  	s16 =	rddreg [dreg:$0x1a];
	s31 =	simm.s32 $0x6680  }
0x233: {  	[tilespmem:s31], [sflag:$0x1] =	stream.indirect.gather [hbm4b:s29+s9], $0x10, s16, s9, $0xb8;
	[tilespmem:$0x6E80] =	vst v63  }
0x234: {  	s17 =	rddreg [dreg:$0x1b];
	s16 =	simm.s32 $0x6A80  }
0x235: {  	[tilespmem:s16], [sflag:$0x1] =	stream.indirect.gather [hbm4b:s29+s9], $0x10, s17, s9, $0xb8;
	[tilespmem:$0x6E80] =	vst v63  }
0x236: {  	_ =	swait.ge [sflag:s12], $0x400  }
0x237: {  	[sflag:s12] =	ssyncset.done $0x0  }
0x238: {  	[sflag:s12] =	ssyncadd.s32 $0xFFFFFC00  }
0x239: {  	_ =	swait.ge [sflag:s12], $0x400  }
0x23a: {  	[sflag:s12] =	ssyncset.done $0x0  }
0x23b: {  	[sflag:s12] =	ssyncadd.s32 $0xFFFFFC00  }
0x23c: {  	_ =	swait.ge [sflag:s12], $0x400  }
0x23d: {  	[sflag:s12] =	ssyncset.done $0x0  }
0x23e: {  	[sflag:s12] =	ssyncadd.s32 $0xFFFFFC00  }
0x23f: {  	_ =	swait.ge [sflag:s12], $0x400  }
0x240: {  	[sflag:s12] =	ssyncset.done $0x0  }
0x241: {  	[sflag:s12] =	ssyncadd.s32 $0xFFFFFC00  }
0x242: {  	_ =	swait.ge [sflag:s12], $0x400  }
0x243: {  	[sflag:s12] =	ssyncset.done $0x0  }
0x244: {  	[sflag:s12] =	ssyncadd.s32 $0xFFFFFC00  }
0x245: {  	_ =	swait.ge [sflag:s12], $0x400  }
0x246: {  	[sflag:s12] =	ssyncset.done $0x0  }
0x247: {  	[sflag:s12] =	ssyncadd.s32 $0xFFFFFC00  }
0x248: {  	_ =	swait.ge [sflag:s12], $0x400  }
0x249: {  	[sflag:s12] =	ssyncset.done $0x0  }
0x24a: {  	[sflag:s12] =	ssyncadd.s32 $0xFFFFFC00  }
0x24b: {  	_ =	swait.ge [sflag:s12], $0x400  }
0x24c: {  	[sflag:s12] =	ssyncset.done $0x0  }
0x24d: {  	[sflag:s12] =	ssyncadd.s32 $0xFFFFFC00  }
0x24e: {  	_ =	swait.ge [sflag:s12], $0x400  }
0x24f: {  	[sflag:s12] =	ssyncset.done $0x0  }
0x250: {  	[sflag:s12] =	ssyncadd.s32 $0xFFFFFC00  }
0x251: {  	_ =	swait.ge [sflag:s12], $0x400  }
0x252: {  	[sflag:s12] =	ssyncset.done $0x0  }
0x253: {  	[sflag:s12] =	ssyncadd.s32 $0xFFFFFC00  }
0x254: {  	_ =	swait.ge [sflag:s12], $0x400  }
0x255: {  	[sflag:s12] =	ssyncset.done $0x0  }
0x256: {  	[sflag:s12] =	ssyncadd.s32 $0xFFFFFC00  }
0x257: {  	_ =	swait.ge [sflag:s12], $0x400  }
0x258: {  	[sflag:s12] =	ssyncset.done $0x0  }
0x259: {  	[sflag:s12] =	ssyncadd.s32 $0xFFFFFC00  }
0x25a: {  	_ =	swait.ge [sflag:s12], $0x400  }
0x25b: {  	[sflag:s12] =	ssyncset.done $0x0  }
0x25c: {  	[sflag:s12] =	ssyncadd.s32 $0xFFFFFC00  }
0x25d: {  	_ =	swait.ge [sflag:s12], $0x400  }
0x25e: {  	[sflag:s12] =	ssyncset.done $0x0  }
0x25f: {  	[sflag:s12] =	ssyncadd.s32 $0xFFFFFC00  }
0x260: {  	_ =	swait.ge [sflag:s12], $0x400  }
0x261: {  	[sflag:s12] =	ssyncset.done $0x0  }
0x262: {  	[sflag:s12] =	ssyncadd.s32 $0xFFFFFC00  }
0x263: {  	_ =	swait.ge [sflag:s12], $0x400  }
0x264: {  	[sflag:s12] =	ssyncset.done $0x0  }
0x265: {  	[sflag:s12] =	ssyncadd.s32 $0xFFFFFC00  }
0x266: {  	_ =	swait.ge [sflag:s12], $0x400  }
0x267: {  	[sflag:s12] =	ssyncset.done $0x0  }
0x268: {  	[sflag:s12] =	ssyncadd.s32 $0xFFFFFC00  }
0x269: {  	_ =	swait.ge [sflag:s12], $0x400  }
0x26a: {  	[sflag:s12] =	ssyncset.done $0x0  }
0x26b: {  	[sflag:s12] =	ssyncadd.s32 $0xFFFFFC00  }
0x26c: {  	_ =	swait.ge [sflag:s12], $0x400  }
0x26d: {  	[sflag:s12] =	ssyncset.done $0x0  }
0x26e: {  	[sflag:s12] =	ssyncadd.s32 $0xFFFFFC00  }
0x26f: {  	_ =	swait.ge [sflag:s12], $0x400  }
0x270: {  	[sflag:s12] =	ssyncset.done $0x0  }
0x271: {  	[sflag:s12] =	ssyncadd.s32 $0xFFFFFC00  }
0x272: {  	_ =	swait.ge [sflag:s12], $0x400  }
0x273: {  	[sflag:s12] =	ssyncset.done $0x0  }
0x274: {  	[sflag:s12] =	ssyncadd.s32 $0xFFFFFC00  }
0x275: {  	_ =	swait.ge [sflag:s12], $0x400  }
0x276: {  	[sflag:s12] =	ssyncset.done $0x0  }
0x277: {  	[sflag:s12] =	ssyncadd.s32 $0xFFFFFC00  }
0x278: {  	_ =	swait.ge [sflag:s12], $0x400  }
0x279: {  	[sflag:s12] =	ssyncset.done $0x0  }
0x27a: {  	[sflag:s12] =	ssyncadd.s32 $0xFFFFFC00  }
0x27b: {  	_ =	swait.ge [sflag:s12], $0x400  }
0x27c: {  	[sflag:s12] =	ssyncset.done $0x0  }
0x27d: {  	[sflag:s12] =	ssyncadd.s32 $0xFFFFFC00  }
0x27e: {  	_ =	swait.ge [sflag:s12], $0x400  }
0x27f: {  	[sflag:s12] =	ssyncset.done $0x0  }
0x280: {  	[sflag:s12] =	ssyncadd.s32 $0xFFFFFC00  }
0x281: {  	_ =	swait.ge [sflag:s12], $0x400  }
0x282: {  	s29 =	rddreg [dreg:$0x2];
	[sflag:s12] =	ssyncset.done $0x0  }
0x283: {  	[sflag:s12] =	ssyncadd.s32 $0xFFFFFC00;
	s15 =	sadd.s32 s15, s29  }
0x284: {  	[hbm4b:s15+s13] =	stream.strided.scatter [tilespmem:s18], [sflag:$0x2], $0x400, s14, s13, $0x38;
	[tilespmem:$0x6E80] =	vst v63  }
0x285: {  	_ =	swait.ge [sflag:s10], $0x400  }
0x286: {  	[sflag:s10] =	ssyncset.done $0x0  }
0x287: {  	s16 =	sadd.s32 $0x2, s15;
	[sflag:s10] =	ssyncadd.s32 $0xFFFFFC00  }
0x288: {  	[hbm4b:s16+s13] =	stream.strided.scatter [tilespmem:s19], [sflag:$0x2], $0x400, s14, s13, $0x38;
	[tilespmem:$0x6E80] =	vst v63  }
0x289: {  	_ =	swait.ge [sflag:s10], $0x400  }
0x28a: {  	[sflag:s10] =	ssyncset.done $0x0  }
0x28b: {  	s29 =	sadd.s32 $0x4, s15;
	[sflag:s10] =	ssyncadd.s32 $0xFFFFFC00  }
0x28c: {  	[hbm4b:s29+s13] =	stream.strided.scatter [tilespmem:s20], [sflag:$0x2], $0x400, s14, s13, $0x38;
	[tilespmem:$0x6E80] =	vst v63  }
0x28d: {  	_ =	swait.ge [sflag:s10], $0x400  }
0x28e: {  	[sflag:s10] =	ssyncset.done $0x0  }
0x28f: {  	s18 =	sadd.s32 $0x6, s15;
	[sflag:s10] =	ssyncadd.s32 $0xFFFFFC00  }
0x290: {  	[hbm4b:s18+s13] =	stream.strided.scatter [tilespmem:s21], [sflag:$0x2], $0x400, s14, s13, $0x38;
	[tilespmem:$0x6E80] =	vst v63  }
0x291: {  	_ =	swait.ge [sflag:s10], $0x400  }
0x292: {  	[sflag:s10] =	ssyncset.done $0x0  }
0x293: {  	s19 =	sadd.s32 $0x8, s15;
	[sflag:s10] =	ssyncadd.s32 $0xFFFFFC00  }
0x294: {  	[hbm4b:s19+s13] =	stream.strided.scatter [tilespmem:s22], [sflag:$0x2], $0x400, s14, s13, $0x38;
	[tilespmem:$0x6E80] =	vst v63  }
0x295: {  	_ =	swait.ge [sflag:s10], $0x400  }
0x296: {  	[sflag:s10] =	ssyncset.done $0x0  }
0x297: {  	s20 =	sadd.s32 $0xA, s15;
	[sflag:s10] =	ssyncadd.s32 $0xFFFFFC00  }
0x298: {  	[hbm4b:s20+s13] =	stream.strided.scatter [tilespmem:s23], [sflag:$0x2], $0x400, s14, s13, $0x38;
	[tilespmem:$0x6E80] =	vst v63  }
0x299: {  	_ =	swait.ge [sflag:s10], $0x400  }
0x29a: {  	[sflag:s10] =	ssyncset.done $0x0  }
0x29b: {  	s21 =	sadd.s32 $0xC, s15;
	[sflag:s10] =	ssyncadd.s32 $0xFFFFFC00  }
0x29c: {  	[hbm4b:s21+s13] =	stream.strided.scatter [tilespmem:s24], [sflag:$0x2], $0x400, s14, s13, $0x38;
	[tilespmem:$0x6E80] =	vst v63  }
0x29d: {  	_ =	swait.ge [sflag:s10], $0x400  }
0x29e: {  	[sflag:s10] =	ssyncset.done $0x0  }
0x29f: {  	s22 =	sadd.s32 $0xE, s15;
	[sflag:s10] =	ssyncadd.s32 $0xFFFFFC00  }
0x2a0: {  	[hbm4b:s22+s13] =	stream.strided.scatter [tilespmem:s25], [sflag:$0x2], $0x400, s14, s13, $0x38;
	[tilespmem:$0x6E80] =	vst v63  }
0x2a1: {  	_ =	swait.ge [sflag:s10], $0x400  }
0x2a2: {  	[sflag:s10] =	ssyncset.done $0x0  }
0x2a3: {  	s23 =	sadd.s32 $0x10, s15;
	[sflag:s10] =	ssyncadd.s32 $0xFFFFFC00  }
0x2a4: {  	[hbm4b:s23+s13] =	stream.strided.scatter [tilespmem:s26], [sflag:$0x2], $0x400, s14, s13, $0x38;
	[tilespmem:$0x6E80] =	vst v63  }
0x2a5: {  	_ =	swait.ge [sflag:s10], $0x400  }
0x2a6: {  	[sflag:s10] =	ssyncset.done $0x0  }
0x2a7: {  	s24 =	sadd.s32 $0x12, s15;
	[sflag:s10] =	ssyncadd.s32 $0xFFFFFC00  }
0x2a8: {  	[hbm4b:s24+s13] =	stream.strided.scatter [tilespmem:s28], [sflag:$0x2], $0x400, s14, s13, $0x38;
	[tilespmem:$0x6E80] =	vst v63  }
0x2a9: {  	_ =	swait.ge [sflag:s10], $0x400  }
0x2aa: {  	[sflag:s10] =	ssyncset.done $0x0  }
0x2ab: {  	s25 =	sadd.s32 $0x14, s15;
	[sflag:s10] =	ssyncadd.s32 $0xFFFFFC00  }
0x2ac: {  	[hbm4b:s25+s13] =	stream.strided.scatter [tilespmem:s1], [sflag:$0x2], $0x400, s14, s13, $0x38;
	[tilespmem:$0x6E80] =	vst v63  }
0x2ad: {  	_ =	swait.ge [sflag:s10], $0x400  }
0x2ae: {  	[sflag:s10] =	ssyncset.done $0x0  }
0x2af: {  	s26 =	sadd.s32 $0x16, s15;
	[sflag:s10] =	ssyncadd.s32 $0xFFFFFC00  }
0x2b0: {  	[hbm4b:s26+s13] =	stream.strided.scatter [tilespmem:s0], [sflag:$0x2], $0x400, s14, s13, $0x38;
	[tilespmem:$0x6E80] =	vst v63  }
0x2b1: {  	_ =	swait.ge [sflag:s10], $0x400  }
0x2b2: {  	[sflag:s10] =	ssyncset.done $0x0  }
0x2b3: {  	s28 =	sadd.s32 $0x18, s15;
	[sflag:s10] =	ssyncadd.s32 $0xFFFFFC00  }
0x2b4: {  	[hbm4b:s28+s13] =	stream.strided.scatter [tilespmem:s7], [sflag:$0x2], $0x400, s14, s13, $0x38;
	[tilespmem:$0x6E80] =	vst v63  }
0x2b5: {  	_ =	swait.ge [sflag:s10], $0x400  }
0x2b6: {  	[sflag:s10] =	ssyncset.done $0x0  }
0x2b7: {  	s29 =	sadd.s32 $0x1A, s15;
	[sflag:s10] =	ssyncadd.s32 $0xFFFFFC00  }
0x2b8: {  	[hbm4b:s29+s13] =	stream.strided.scatter [tilespmem:s8], [sflag:$0x2], $0x400, s14, s13, $0x38;
	[tilespmem:$0x6E80] =	vst v63  }
0x2b9: {  	_ =	swait.ge [sflag:s10], $0x400  }
0x2ba: {  	[sflag:s10] =	ssyncset.done $0x0  }
0x2bb: {  	s0 =	sadd.s32 $0x1C, s15;
	[sflag:s10] =	ssyncadd.s32 $0xFFFFFC00  }
0x2bc: {  	[hbm4b:s0+s13] =	stream.strided.scatter [tilespmem:s2], [sflag:$0x2], $0x400, s14, s13, $0x38;
	[tilespmem:$0x6E80] =	vst v63  }
0x2bd: {  	_ =	swait.ge [sflag:s10], $0x400  }
0x2be: {  	[sflag:s10] =	ssyncset.done $0x0  }
0x2bf: {  	s1 =	sadd.s32 $0x1E, s15;
	[sflag:s10] =	ssyncadd.s32 $0xFFFFFC00  }
0x2c0: {  	[hbm4b:s1+s13] =	stream.strided.scatter [tilespmem:s11], [sflag:$0x2], $0x400, s14, s13, $0x38;
	[tilespmem:$0x6E80] =	vst v63  }
0x2c1: {  	_ =	swait.ge [sflag:s10], $0x400  }
0x2c2: {  	[sflag:s10] =	ssyncset.done $0x0  }
0x2c3: {  	s2 =	sadd.s32 $0x20, s15;
	[sflag:s10] =	ssyncadd.s32 $0xFFFFFC00  }
0x2c4: {  	[hbm4b:s2+s13] =	stream.strided.scatter [tilespmem:s6], [sflag:$0x2], $0x400, s14, s13, $0x38;
	[tilespmem:$0x6E80] =	vst v63  }
0x2c5: {  	_ =	swait.ge [sflag:s10], $0x400  }
0x2c6: {  	[sflag:s10] =	ssyncset.done $0x0  }
0x2c7: {  	s7 =	sadd.s32 $0x22, s15;
	[sflag:s10] =	ssyncadd.s32 $0xFFFFFC00  }
0x2c8: {  	[hbm4b:s7+s13] =	stream.strided.scatter [tilespmem:s30], [sflag:$0x2], $0x400, s14, s13, $0x38;
	[tilespmem:$0x6E80] =	vst v63  }
0x2c9: {  	_ =	swait.ge [sflag:s10], $0x400  }
0x2ca: {  	[sflag:s10] =	ssyncset.done $0x0  }
0x2cb: {  	s8 =	sadd.s32 $0x24, s15;
	s11 =	simm.s32 $0x4E80;
	[sflag:s10] =	ssyncadd.s32 $0xFFFFFC00  }
0x2cc: {  	[hbm4b:s8+s13] =	stream.strided.scatter [tilespmem:s11], [sflag:$0x2], $0x400, s14, s13, $0x38;
	[tilespmem:$0x6E80] =	vst v63  }
0x2cd: {  	_ =	swait.ge [sflag:s10], $0x400  }
0x2ce: {  	[sflag:s10] =	ssyncset.done $0x0  }
0x2cf: {  	s18 =	sadd.s32 $0x26, s15;
	s19 =	simm.s32 $0x5280;
	[sflag:s10] =	ssyncadd.s32 $0xFFFFFC00  }
0x2d0: {  	[hbm4b:s18+s13] =	stream.strided.scatter [tilespmem:s19], [sflag:$0x2], $0x400, s14, s13, $0x38;
	[tilespmem:$0x6E80] =	vst v63  }
0x2d1: {  	_ =	swait.ge [sflag:s10], $0x400  }
0x2d2: {  	[sflag:s10] =	ssyncset.done $0x0  }
0x2d3: {  	s20 =	sadd.s32 $0x28, s15;
	s21 =	simm.s32 $0x5680;
	[sflag:s10] =	ssyncadd.s32 $0xFFFFFC00  }
0x2d4: {  	[hbm4b:s20+s13] =	stream.strided.scatter [tilespmem:s21], [sflag:$0x2], $0x400, s14, s13, $0x38;
	[tilespmem:$0x6E80] =	vst v63  }
0x2d5: {  	_ =	swait.ge [sflag:s10], $0x400  }
0x2d6: {  	[sflag:s10] =	ssyncset.done $0x0  }
0x2d7: {  	s22 =	sadd.s32 $0x2A, s15;
	s23 =	simm.s32 $0x5A80;
	[sflag:s10] =	ssyncadd.s32 $0xFFFFFC00  }
0x2d8: {  	[hbm4b:s22+s13] =	stream.strided.scatter [tilespmem:s23], [sflag:$0x2], $0x400, s14, s13, $0x38;
	[tilespmem:$0x6E80] =	vst v63  }
0x2d9: {  	_ =	swait.ge [sflag:s10], $0x400  }
0x2da: {  	[sflag:s10] =	ssyncset.done $0x0  }
0x2db: {  	s24 =	sadd.s32 $0x2C, s15;
	s25 =	simm.s32 $0x5E80;
	[sflag:s10] =	ssyncadd.s32 $0xFFFFFC00  }
0x2dc: {  	[hbm4b:s24+s13] =	stream.strided.scatter [tilespmem:s25], [sflag:$0x2], $0x400, s14, s13, $0x38;
	[tilespmem:$0x6E80] =	vst v63  }
0x2dd: {  	_ =	swait.ge [sflag:s10], $0x400  }
0x2de: {  	[sflag:s10] =	ssyncset.done $0x0  }
0x2df: {  	s26 =	sadd.s32 $0x2E, s15;
	s28 =	simm.s32 $0x6280;
	[sflag:s10] =	ssyncadd.s32 $0xFFFFFC00  }
0x2e0: {  	[hbm4b:s26+s13] =	stream.strided.scatter [tilespmem:s28], [sflag:$0x2], $0x400, s14, s13, $0x38;
	[tilespmem:$0x6E80] =	vst v63  }
0x2e1: {  	_ =	swait.ge [sflag:s10], $0x400  }
0x2e2: {  	[sflag:s10] =	ssyncset.done $0x0  }
0x2e3: {  	s31 =	simm.s32 $0x6680;
	s29 =	sadd.s32 $0x30, s15;
	[sflag:s10] =	ssyncadd.s32 $0xFFFFFC00  }
0x2e4: {  	[hbm4b:s29+s13] =	stream.strided.scatter [tilespmem:s31], [sflag:$0x2], $0x400, s14, s13, $0x38;
	[tilespmem:$0x6E80] =	vst v63  }
0x2e5: {  	_ =	swait.ge [sflag:s10], $0x400  }
0x2e6: {  	[sflag:s10] =	ssyncset.done $0x0  }
0x2e7: {  	s17 =	simm.s32 $0x6A80;
	s15 =	sadd.s32 $0x32, s15;
	[sflag:s10] =	ssyncadd.s32 $0xFFFFFC00  }
0x2e8: {  	[hbm4b:s15+s13] =	stream.strided.scatter [tilespmem:s17], [sflag:$0x2], $0x400, s14, s13, $0x38;
	[tilespmem:$0x6E80] =	vst v63  }
0x2e9: {  	_ =	swait.ge [sflag:s10], $0x400  }
0x2ea: {  	s30 =	rddreg [dreg:$0x1f]  }
0x2eb: {  	s31 =	rddreg [dreg:$0x1d];
	s0 =	sadd.s32 $0x1, s30  }
0x2ec: {  	p0 =	sne.s32 s0, s31  }
.Ltmp1:
0x2ed: {  	_ = 	snop;
	(pc) =	sbr.rel @p0 .LBB2_1-.Ltmp1, $3  }
0x2ee: {  	_ =	sdelay $0x1  }
0x2ef: {  	[sflag:s10] =	ssyncset.done $0x0  }
0x2f0: {  	[sflag:s10] =	ssyncadd.s32 $0xFFFFFC00  }
0x2f1: {  	_ =	sfence.sel $0x180000  }
0x2f2: {  	[bflag:$0x0] =	sbarrier.arrive $0xFFFF  }
0x2f3: {  	_ =	strace $0x90000047  }
0x2f4: {  	s0 =	stileid.u32;
	[bflag:$0x2] =	sbarrier.arrive $0xFFFF  }
0x2f5: {  	p0 =	sne.s32 s0, $0x0;
	s0 =	rddreg [dreg:$0x1]  }
0x2f6: {  	s0 =	sadd.s32 @!p0 $0x100000, s0  }
0x2f7: {  	[sflag:s0] =	ssyncadd.tile.s32 @!p0 $0x1;
	_ =	shalt  }
.Lfunc_end2:
_tile_overlayer_lowered:
.L_overlay_start_2:
0x2f8: {  	(tag) =	ssettag $0x2  }
0x2f9: {  	s0 =	rddreg [dreg:$0x0];
	s2 =	stileid.u32  }
0x2fa: {  	s1 =	rddreg [dreg:$0x1];
	p0 =	sne.s32 s2, $0x0  }
0x2fb: {  	s3 =	rddreg [dreg:$0x2];
	[bflag:$0x3] =	sbarrier.arrive $0xFFFF;
	s2 =	simm.s32 @!p0 $0x1C02  }
0x2fc: {  	[timem:s3], [sflag:s2] =	dma.local @!p0 [hbm:s0], s1  }
0x2fd: {  	s0 =	simm.s32 @!p0 $0x2  }
0x2fe: {  	_ =	swait.ge @!p0 [sflag:s0], s1  }
0x2ff: {  	s1 =	ssub.s32 @!p0 $0x0, s1;
	[sflag:s0] =	ssyncset.done @!p0 $0x0  }
0x300: {  	[sflag:s0] =	ssyncadd.s32 @!p0 s1  }
0x301: {  	[bflag:$0x3] =	sbarrier.arrive $0xFFFF  }
0x302: {  	_ =	shalt  }

</sc_bundles>
